<compile_context>
chip_gen: v7x
topology: tpu7x:2x2x1
jax: 0.10.2.dev20260603
libtpu: 0.0.44.dev20260713+nightly
codegen_flags: <defaults>
</compile_context>

<pallas_src>
import functools

import jax
import jax.numpy as jnp
from jax import lax
from jax.experimental import pallas as pl
from jax.experimental.pallas import tpu as pltpu
from jax.experimental.pallas import tpu_sc as plsc

B = 4096
N = 50
D = 64
V = 1000000
IDX_MINOR = 100


def _entity_kernel(nc, ns, nl):
    nw = nc * ns
    rows_per_w = B // nw
    cb = nl // 2
    n_chunks = rows_per_w // cb
    g_rows = cb * N
    n_sub = g_rows // IDX_MINOR
    nq = (N + nl - 1) // nl
    tail = N - (nq - 1) * nl
    mesh = plsc.VectorSubcoreMesh(core_axis_name="c", subcore_axis_name="s")

    @functools.partial(
        pl.kernel,
        out_type=(
            jax.ShapeDtypeStruct((B * N,), jnp.float32),
            jax.ShapeDtypeStruct((B * N,), jnp.float32),
        ),
        mesh=mesh,
        compiler_params=pltpu.CompilerParams(
            needs_layout_passes=False, use_tc_tiling_on_sc=False),
        scratch_types=[
            pltpu.VMEM((2, n_sub, IDX_MINOR), jnp.int32),
            pltpu.VMEM((2, g_rows, 2 * D), jnp.float32),
            pltpu.VMEM((2, cb, D), jnp.float32),
            pltpu.VMEM((g_rows,), jnp.float32),
            pltpu.VMEM((g_rows,), jnp.float32),
            pltpu.SemaphoreType.DMA,
            pltpu.SemaphoreType.DMA,
        ],
    )
    def entity_kernel(ids_hbm, ctx_hbm, table_hbm, scores_hbm, post_hbm,
                      idx_v, rows_v, ctx_v, fs_v, fp_v, sem_a, sem_b):
        wid = lax.axis_index("s") * nc + lax.axis_index("c")
        lane = lax.iota(jnp.int32, nl)
        neg_inf = jnp.float32(-jnp.inf)
        sems = (sem_a, sem_b)

        def fire(c, p):
            pltpu.sync_copy(ids_hbm.at[pl.ds(c * n_sub, n_sub)], idx_v.at[p])
            handles = [
                pltpu.async_copy(
                    table_hbm.at[idx_v.at[p, j]],
                    rows_v.at[p, pl.ds(j * IDX_MINOR, IDX_MINOR)],
                    sems[p],
                )
                for j in range(n_sub)
            ]
            pltpu.sync_copy(ctx_hbm.at[pl.ds(c * cb, cb)], ctx_v.at[p])
            return handles

        def drain(p):
            for j in range(n_sub):
                pltpu.make_async_copy(
                    table_hbm.at[idx_v.at[p, j]],
                    rows_v.at[p, pl.ds(j * IDX_MINOR, IDX_MINOR)],
                    sems[p],
                ).wait()

        def compute_chunk(c, p):
            fbase = c * g_rows

            def row_body(b, _):
                rbase = b * N
                obase = b * N
                cvec = [ctx_v[p, b, pl.ds(k * nl, nl)]
                        for k in range(D // nl)]

                svs = []
                for q in range(nq):
                    acc = jnp.zeros((nl,), jnp.float32)
                    nlim = tail if q == nq - 1 else nl
                    for j in range(nlim):
                        r = rbase + q * nl + j
                        prod = rows_v[p, r, pl.ds(0, nl)] * cvec[0]
                        for k in range(1, D // nl):
                            prod = (prod
                                    + rows_v[p, r, pl.ds(k * nl, nl)] * cvec[k])
                        acc = jnp.where(lane == j, jnp.sum(prod), acc)
                    svs.append(acc)

                mvec = jnp.where(lane < tail, svs[nq - 1], neg_inf)
                for q in range(nq - 1):
                    mvec = jnp.maximum(mvec, svs[q])
                m = jnp.max(mvec)
                evs = [jnp.exp(sv - m) for sv in svs]
                evs[nq - 1] = jnp.where(lane < tail, evs[nq - 1], 0.0)
                ssum = evs[0]
                for q in range(1, nq):
                    ssum = ssum + evs[q]
                svec = jnp.zeros((nl,), jnp.float32) + jnp.sum(ssum)
                rinv = jnp.ones((nl,), jnp.float32) / svec

                for q in range(nq - 1):
                    fs_v[pl.ds(obase + q * nl, nl)] = svs[q]
                    fp_v[pl.ds(obase + q * nl, nl)] = evs[q] * rinv
                tmask = lane < tail
                tidx = obase + (nq - 1) * nl + lane
                plsc.store_scatter(fs_v, [tidx], svs[nq - 1], mask=tmask)
                plsc.store_scatter(fp_v, [tidx], evs[nq - 1] * rinv,
                                   mask=tmask)
                return 0

            lax.fori_loop(0, cb, row_body, 0)

            pltpu.sync_copy(fs_v, scores_hbm.at[pl.ds(fbase, g_rows)])
            pltpu.sync_copy(fp_v, post_hbm.at[pl.ds(fbase, g_rows)])

        c0_first = wid * n_chunks
        fire(c0_first, 0)

        def pair_body(gg, _):
            c = c0_first + 2 * gg
            handles_b = fire(c + 1, 1)
            drain(0)
            compute_chunk(c, 0)

            @pl.when(gg < n_chunks // 2 - 1)
            def _():
                fire(c + 2, 0)

            for h in handles_b:
                h.wait()
            compute_chunk(c + 1, 1)
            return 0

        lax.fori_loop(0, n_chunks // 2, pair_body, 0)

    return entity_kernel


def kernel(context_encoded, entity_ids, knwn_entity_embeddings):
    info = plsc.get_sparse_core_info()
    nc, ns, nl = info.num_cores, info.num_subcores, info.num_lanes
    ids = entity_ids.astype(jnp.int32)
    ids2d = ids.reshape(B * N // IDX_MINOR, IDX_MINOR)
    table128 = jnp.pad(knwn_entity_embeddings, ((0, 0), (0, D)))
    k = _entity_kernel(nc, ns, nl)
    scores_flat, post_flat = k(ids2d, context_encoded, table128)
    return scores_flat.reshape(B, N), post_flat.reshape(B, N)

# --- scband reference (transcript-rebuilt; emitter-appended) ---
"""Pipeline reference for scband-entity-posterior-23940147707946 (READ-ONLY COPY).

The authoritative reference and input builder live on the scoring server;
editing this copy changes nothing except your own understanding.
"""

import jax, jax.numpy as jnp
import numpy as np

B = 4096
N = 50
V = 1000000
D = 64

def setup_inputs(seed: int = 0) -> dict:
    key = jax.random.key(seed)
    k1, k2, k3 = jax.random.split(key, 3)
    context_encoded = jax.random.normal(k1, (B, D), dtype=jnp.float32)
    entity_ids = jax.random.randint(k2, (B, N), 0, V, dtype=jnp.int64)
    # learned entity embedding table, init stddev 1/100 per original module
    knwn_entity_embeddings = jax.random.normal(k3, (V, D), dtype=jnp.float32) * (1.0 / 100.0)
    return {"context_encoded": context_encoded, "entity_ids": entity_ids,
            "knwn_entity_embeddings": knwn_entity_embeddings}

def reference(context_encoded, entity_ids, knwn_entity_embeddings):
    # embedding lookup: [B, N, D]
    sampled_entity_embeddings = jnp.take(knwn_entity_embeddings, entity_ids, axis=0)
    # slices (true / first-negative entity embeddings), kept for faithfulness
    trueentity_embeddings = sampled_entity_embeddings[:, 0, :].reshape(B, D)
    negentity_embeddings = sampled_entity_embeddings[:, 1, :].reshape(B, D)
    # dot-product scores: [B, N]
    context_encoded_expanded = jnp.expand_dims(context_encoded, axis=1)
    entity_scores = jnp.sum(sampled_entity_embeddings * context_encoded_expanded, axis=2)
    entity_posteriors = jax.nn.softmax(entity_scores, axis=-1)
    return entity_scores, entity_posteriors

if __name__ == "__main__":
    import jax
    _d = setup_inputs()
    print(jax.jit(kernel)(*tuple(_d.values())))

</pallas_src>

<mosaic_0001>
#map = affine_map<(d0, d1) -> (0, 0)>
#map1 = affine_map<(d0, d1) -> (0)>
module attributes {stable_mosaic.version = 14 : i64} {
  func.func @entity_kernel(%arg0: i32, %arg1: i32, %arg2: memref<2048x100xi32, #tpu.memory_space<hbm>>, %arg3: memref<4096x64xf32, #tpu.memory_space<hbm>>, %arg4: memref<1000000x128xf32, #tpu.memory_space<hbm>>, %arg5: memref<204800xf32, #tpu.memory_space<hbm>>, %arg6: memref<204800xf32, #tpu.memory_space<hbm>>, %arg7: memref<2x4x100xi32, #tpu.memory_space<vmem>>, %arg8: memref<2x400x128xf32, #tpu.memory_space<vmem>>, %arg9: memref<2x8x64xf32, #tpu.memory_space<vmem>>, %arg10: memref<400xf32, #tpu.memory_space<vmem>>, %arg11: memref<400xf32, #tpu.memory_space<vmem>>, %arg12: memref<!tpu.dma_semaphore, #tpu.memory_space<semaphore_mem>>, %arg13: memref<!tpu.dma_semaphore, #tpu.memory_space<semaphore_mem>>) attributes {dimension_semantics = [#tpu.dimension_semantics<core_parallel>, #tpu.dimension_semantics<subcore_parallel>], iteration_bounds = array<i64: 2, 16>, scalar_prefetch = 0 : i64, scratch_operands = 7 : i64, tpu.core_type = #tpu.core_type<sc_vector_subcore>, window_params = [{transform_indices = #map}, {transform_indices = #map}, {transform_indices = #map}, {transform_indices = #map1}, {transform_indices = #map1}]} {
    %mul3A = arith.constant 2 : i32
    %mul3A_0 = arith.muli %arg1, %mul3A : i32
    %add3A = arith.addi %mul3A_0, %arg0 : i32
    %iota3A = tpu.iota {dimensions = array<i32: 0>} : vector<16xi32>
    %mul3A_1 = arith.constant 16 : i32
    %mul3A_2 = arith.muli %add3A, %mul3A_1 : i32
    %mul3A_3 = arith.constant 4 : i32
    %mul3A_4 = arith.muli %mul3A_2, %mul3A_3 : i32
    %run_scoped3A = arith.constant 0 : i32
    "tpu.region"() ({
      %run_scoped3A_66 = tpu.sem_alloc : memref<!tpu.dma_semaphore, #tpu.memory_space<semaphore_mem>>
      %dma_start3A_67 = arith.constant 0 : i32
      %dma_start3A_68 = arith.constant 0 : i32
      %dma_start3A_69 = tpu.memref_slice %arg7[%run_scoped3A, %dma_start3A_67, %dma_start3A_68] : memref<2x4x100xi32, #tpu.memory_space<vmem>> -> memref<1x4x100xi32, #tpu.memory_space<vmem>>
      %dma_start3A_70 = tpu.memref_squeeze %dma_start3A_69 : memref<1x4x100xi32, #tpu.memory_space<vmem>> -> memref<4x100xi32, #tpu.memory_space<vmem>>
      %dma_start3A_71 = arith.constant 0 : i32
      %dma_start3A_72 = tpu.memref_slice %arg2[%mul3A_4, %dma_start3A_71] : memref<2048x100xi32, #tpu.memory_space<hbm>> -> memref<4x100xi32, #tpu.memory_space<hbm>>
      %dma_start3A_73 = arith.constant 0 : i32
      %dma_start3A_74 = arith.constant 0 : i32
      %dma_start3A_75 = tpu.memref_slice %arg7[%run_scoped3A, %dma_start3A_73, %dma_start3A_74] : memref<2x4x100xi32, #tpu.memory_space<vmem>> -> memref<1x4x100xi32, #tpu.memory_space<vmem>>
      %dma_start3A_76 = tpu.memref_squeeze %dma_start3A_75 : memref<1x4x100xi32, #tpu.memory_space<vmem>> -> memref<4x100xi32, #tpu.memory_space<vmem>>
      %dma_start3A_77 = arith.constant 0 : i32
      %dma_start3A_78 = tpu.memref_slice %arg2[%mul3A_4, %dma_start3A_77] : memref<2048x100xi32, #tpu.memory_space<hbm>> -> memref<4x100xi32, #tpu.memory_space<hbm>>
      tpu.enqueue_dma source(%dma_start3A_78 : memref<4x100xi32, #tpu.memory_space<hbm>>) target(%dma_start3A_76 : memref<4x100xi32, #tpu.memory_space<vmem>>) target_semaphore(%run_scoped3A_66 : memref<!tpu.dma_semaphore, #tpu.memory_space<semaphore_mem>>)
      %dma_wait3A = arith.constant 0 : i32
      %dma_wait3A_79 = arith.constant 0 : i32
      %dma_wait3A_80 = tpu.memref_slice %arg7[%run_scoped3A, %dma_wait3A, %dma_wait3A_79] : memref<2x4x100xi32, #tpu.memory_space<vmem>> -> memref<1x4x100xi32, #tpu.memory_space<vmem>>
      %dma_wait3A_81 = tpu.memref_squeeze %dma_wait3A_80 : memref<1x4x100xi32, #tpu.memory_space<vmem>> -> memref<4x100xi32, #tpu.memory_space<vmem>>
      %dma_wait3A_82 = arith.constant 0 : i32
      %dma_wait3A_83 = tpu.memref_slice %arg2[%mul3A_4, %dma_wait3A_82] : memref<2048x100xi32, #tpu.memory_space<hbm>> -> memref<4x100xi32, #tpu.memory_space<hbm>>
      %dma_wait3A_84 = arith.constant 0 : i32
      %dma_wait3A_85 = arith.constant 0 : i32
      %dma_wait3A_86 = tpu.memref_slice %arg7[%run_scoped3A, %dma_wait3A_84, %dma_wait3A_85] : memref<2x4x100xi32, #tpu.memory_space<vmem>> -> memref<1x4x100xi32, #tpu.memory_space<vmem>>
      %dma_wait3A_87 = tpu.memref_squeeze %dma_wait3A_86 : memref<1x4x100xi32, #tpu.memory_space<vmem>> -> memref<4x100xi32, #tpu.memory_space<vmem>>
      %dma_wait3A_88 = arith.constant 0 : i32
      %dma_wait3A_89 = tpu.memref_slice %arg2[%mul3A_4, %dma_wait3A_88] : memref<2048x100xi32, #tpu.memory_space<hbm>> -> memref<4x100xi32, #tpu.memory_space<hbm>>
      tpu.wait_dma2 semaphore(%run_scoped3A_66 : memref<!tpu.dma_semaphore, #tpu.memory_space<semaphore_mem>>) src(%dma_wait3A_89 : memref<4x100xi32, #tpu.memory_space<hbm>>) dst(%dma_wait3A_87 : memref<4x100xi32, #tpu.memory_space<vmem>>)
      tpu.yield
    }) : () -> ()
    %dma_start3A = arith.constant 0 : i32
    %dma_start3A_5 = arith.constant 0 : i32
    %dma_start3A_6 = arith.constant 0 : i32
    %dma_start3A_7 = arith.constant 0 : i32
    %dma_start3A_8 = arith.constant 0 : i32
    %dma_start3A_9 = tpu.memref_slice %arg8[%dma_start3A_6, %dma_start3A_7, %dma_start3A_8] : memref<2x400x128xf32, #tpu.memory_space<vmem>> -> memref<1x100x128xf32, #tpu.memory_space<vmem>>
    %dma_start3A_10 = tpu.memref_squeeze %dma_start3A_9 : memref<1x100x128xf32, #tpu.memory_space<vmem>> -> memref<100x128xf32, #tpu.memory_space<vmem>>
    %dma_start3A_11 = arith.constant 0 : i32
    %dma_start3A_12 = tpu.memref_slice %arg7[%dma_start3A, %dma_start3A_5, %dma_start3A_11] : memref<2x4x100xi32, #tpu.memory_space<vmem>> -> memref<1x1x100xi32, #tpu.memory_space<vmem>>
    %dma_start3A_13 = tpu.memref_squeeze %dma_start3A_12 : memref<1x1x100xi32, #tpu.memory_space<vmem>> -> memref<100xi32, #tpu.memory_space<vmem>>
    %dma_start3A_14 = arith.constant 0 : i32
    %dma_start3A_15 = arith.constant 0 : i32
    %dma_start3A_16 = tpu.memref_slice %arg4[%dma_start3A_14, %dma_start3A_15] : memref<1000000x128xf32, #tpu.memory_space<hbm>> -> memref<1000000x128xf32, #tpu.memory_space<hbm>>
    tpu.enqueue_indirect_dma source(%dma_start3A_16 : memref<1000000x128xf32, #tpu.memory_space<hbm>>) target(%dma_start3A_10 : memref<100x128xf32, #tpu.memory_space<vmem>>) offsets(%dma_start3A_13 : memref<100xi32, #tpu.memory_space<vmem>>) semaphore(%arg12 : memref<!tpu.dma_semaphore, #tpu.memory_space<semaphore_mem>>)
    %dma_start3A_17 = arith.constant 0 : i32
    %dma_start3A_18 = arith.constant 1 : i32
    %dma_start3A_19 = arith.constant 0 : i32
    %dma_start3A_20 = arith.constant 100 : i32
    %dma_start3A_21 = arith.constant 0 : i32
    %dma_start3A_22 = tpu.memref_slice %arg8[%dma_start3A_19, %dma_start3A_20, %dma_start3A_21] : memref<2x400x128xf32, #tpu.memory_space<vmem>> -> memref<1x100x128xf32, #tpu.memory_space<vmem>>
    %dma_start3A_23 = tpu.memref_squeeze %dma_start3A_22 : memref<1x100x128xf32, #tpu.memory_space<vmem>> -> memref<100x128xf32, #tpu.memory_space<vmem>>
    %dma_start3A_24 = arith.constant 0 : i32
    %dma_start3A_25 = tpu.memref_slice %arg7[%dma_start3A_17, %dma_start3A_18, %dma_start3A_24] : memref<2x4x100xi32, #tpu.memory_space<vmem>> -> memref<1x1x100xi32, #tpu.memory_space<vmem>>
    %dma_start3A_26 = tpu.memref_squeeze %dma_start3A_25 : memref<1x1x100xi32, #tpu.memory_space<vmem>> -> memref<100xi32, #tpu.memory_space<vmem>>
    %dma_start3A_27 = arith.constant 0 : i32
    %dma_start3A_28 = arith.constant 0 : i32
    %dma_start3A_29 = tpu.memref_slice %arg4[%dma_start3A_27, %dma_start3A_28] : memref<1000000x128xf32, #tpu.memory_space<hbm>> -> memref<1000000x128xf32, #tpu.memory_space<hbm>>
    tpu.enqueue_indirect_dma source(%dma_start3A_29 : memref<1000000x128xf32, #tpu.memory_space<hbm>>) target(%dma_start3A_23 : memref<100x128xf32, #tpu.memory_space<vmem>>) offsets(%dma_start3A_26 : memref<100xi32, #tpu.memory_space<vmem>>) semaphore(%arg12 : memref<!tpu.dma_semaphore, #tpu.memory_space<semaphore_mem>>)
    %dma_start3A_30 = arith.constant 0 : i32
    %dma_start3A_31 = arith.constant 2 : i32
    %dma_start3A_32 = arith.constant 0 : i32
    %dma_start3A_33 = arith.constant 200 : i32
    %dma_start3A_34 = arith.constant 0 : i32
    %dma_start3A_35 = tpu.memref_slice %arg8[%dma_start3A_32, %dma_start3A_33, %dma_start3A_34] : memref<2x400x128xf32, #tpu.memory_space<vmem>> -> memref<1x100x128xf32, #tpu.memory_space<vmem>>
    %dma_start3A_36 = tpu.memref_squeeze %dma_start3A_35 : memref<1x100x128xf32, #tpu.memory_space<vmem>> -> memref<100x128xf32, #tpu.memory_space<vmem>>
    %dma_start3A_37 = arith.constant 0 : i32
    %dma_start3A_38 = tpu.memref_slice %arg7[%dma_start3A_30, %dma_start3A_31, %dma_start3A_37] : memref<2x4x100xi32, #tpu.memory_space<vmem>> -> memref<1x1x100xi32, #tpu.memory_space<vmem>>
    %dma_start3A_39 = tpu.memref_squeeze %dma_start3A_38 : memref<1x1x100xi32, #tpu.memory_space<vmem>> -> memref<100xi32, #tpu.memory_space<vmem>>
    %dma_start3A_40 = arith.constant 0 : i32
    %dma_start3A_41 = arith.constant 0 : i32
    %dma_start3A_42 = tpu.memref_slice %arg4[%dma_start3A_40, %dma_start3A_41] : memref<1000000x128xf32, #tpu.memory_space<hbm>> -> memref<1000000x128xf32, #tpu.memory_space<hbm>>
    tpu.enqueue_indirect_dma source(%dma_start3A_42 : memref<1000000x128xf32, #tpu.memory_space<hbm>>) target(%dma_start3A_36 : memref<100x128xf32, #tpu.memory_space<vmem>>) offsets(%dma_start3A_39 : memref<100xi32, #tpu.memory_space<vmem>>) semaphore(%arg12 : memref<!tpu.dma_semaphore, #tpu.memory_space<semaphore_mem>>)
    %dma_start3A_43 = arith.constant 0 : i32
    %dma_start3A_44 = arith.constant 3 : i32
    %dma_start3A_45 = arith.constant 0 : i32
    %dma_start3A_46 = arith.constant 300 : i32
    %dma_start3A_47 = arith.constant 0 : i32
    %dma_start3A_48 = tpu.memref_slice %arg8[%dma_start3A_45, %dma_start3A_46, %dma_start3A_47] : memref<2x400x128xf32, #tpu.memory_space<vmem>> -> memref<1x100x128xf32, #tpu.memory_space<vmem>>
    %dma_start3A_49 = tpu.memref_squeeze %dma_start3A_48 : memref<1x100x128xf32, #tpu.memory_space<vmem>> -> memref<100x128xf32, #tpu.memory_space<vmem>>
    %dma_start3A_50 = arith.constant 0 : i32
    %dma_start3A_51 = tpu.memref_slice %arg7[%dma_start3A_43, %dma_start3A_44, %dma_start3A_50] : memref<2x4x100xi32, #tpu.memory_space<vmem>> -> memref<1x1x100xi32, #tpu.memory_space<vmem>>
    %dma_start3A_52 = tpu.memref_squeeze %dma_start3A_51 : memref<1x1x100xi32, #tpu.memory_space<vmem>> -> memref<100xi32, #tpu.memory_space<vmem>>
    %dma_start3A_53 = arith.constant 0 : i32
    %dma_start3A_54 = arith.constant 0 : i32
    %dma_start3A_55 = tpu.memref_slice %arg4[%dma_start3A_53, %dma_start3A_54] : memref<1000000x128xf32, #tpu.memory_space<hbm>> -> memref<1000000x128xf32, #tpu.memory_space<hbm>>
    tpu.enqueue_indirect_dma source(%dma_start3A_55 : memref<1000000x128xf32, #tpu.memory_space<hbm>>) target(%dma_start3A_49 : memref<100x128xf32, #tpu.memory_space<vmem>>) offsets(%dma_start3A_52 : memref<100xi32, #tpu.memory_space<vmem>>) semaphore(%arg12 : memref<!tpu.dma_semaphore, #tpu.memory_space<semaphore_mem>>)
    %mul3A_56 = arith.constant 8 : i32
    %mul3A_57 = arith.muli %mul3A_2, %mul3A_56 : i32
    %run_scoped3A_58 = arith.constant 0 : i32
    "tpu.region"() ({
      %run_scoped3A_66 = tpu.sem_alloc : memref<!tpu.dma_semaphore, #tpu.memory_space<semaphore_mem>>
      %dma_start3A_67 = arith.constant 0 : i32
      %dma_start3A_68 = arith.constant 0 : i32
      %dma_start3A_69 = tpu.memref_slice %arg9[%run_scoped3A_58, %dma_start3A_67, %dma_start3A_68] : memref<2x8x64xf32, #tpu.memory_space<vmem>> -> memref<1x8x64xf32, #tpu.memory_space<vmem>>
      %dma_start3A_70 = tpu.memref_squeeze %dma_start3A_69 : memref<1x8x64xf32, #tpu.memory_space<vmem>> -> memref<8x64xf32, #tpu.memory_space<vmem>>
      %dma_start3A_71 = arith.constant 0 : i32
      %dma_start3A_72 = tpu.memref_slice %arg3[%mul3A_57, %dma_start3A_71] : memref<4096x64xf32, #tpu.memory_space<hbm>> -> memref<8x64xf32, #tpu.memory_space<hbm>>
      %dma_start3A_73 = arith.constant 0 : i32
      %dma_start3A_74 = arith.constant 0 : i32
      %dma_start3A_75 = tpu.memref_slice %arg9[%run_scoped3A_58, %dma_start3A_73, %dma_start3A_74] : memref<2x8x64xf32, #tpu.memory_space<vmem>> -> memref<1x8x64xf32, #tpu.memory_space<vmem>>
      %dma_start3A_76 = tpu.memref_squeeze %dma_start3A_75 : memref<1x8x64xf32, #tpu.memory_space<vmem>> -> memref<8x64xf32, #tpu.memory_space<vmem>>
      %dma_start3A_77 = arith.constant 0 : i32
      %dma_start3A_78 = tpu.memref_slice %arg3[%mul3A_57, %dma_start3A_77] : memref<4096x64xf32, #tpu.memory_space<hbm>> -> memref<8x64xf32, #tpu.memory_space<hbm>>
      tpu.enqueue_dma source(%dma_start3A_78 : memref<8x64xf32, #tpu.memory_space<hbm>>) target(%dma_start3A_76 : memref<8x64xf32, #tpu.memory_space<vmem>>) target_semaphore(%run_scoped3A_66 : memref<!tpu.dma_semaphore, #tpu.memory_space<semaphore_mem>>)
      %dma_wait3A = arith.constant 0 : i32
      %dma_wait3A_79 = arith.constant 0 : i32
      %dma_wait3A_80 = tpu.memref_slice %arg9[%run_scoped3A_58, %dma_wait3A, %dma_wait3A_79] : memref<2x8x64xf32, #tpu.memory_space<vmem>> -> memref<1x8x64xf32, #tpu.memory_space<vmem>>
      %dma_wait3A_81 = tpu.memref_squeeze %dma_wait3A_80 : memref<1x8x64xf32, #tpu.memory_space<vmem>> -> memref<8x64xf32, #tpu.memory_space<vmem>>
      %dma_wait3A_82 = arith.constant 0 : i32
      %dma_wait3A_83 = tpu.memref_slice %arg3[%mul3A_57, %dma_wait3A_82] : memref<4096x64xf32, #tpu.memory_space<hbm>> -> memref<8x64xf32, #tpu.memory_space<hbm>>
      %dma_wait3A_84 = arith.constant 0 : i32
      %dma_wait3A_85 = arith.constant 0 : i32
      %dma_wait3A_86 = tpu.memref_slice %arg9[%run_scoped3A_58, %dma_wait3A_84, %dma_wait3A_85] : memref<2x8x64xf32, #tpu.memory_space<vmem>> -> memref<1x8x64xf32, #tpu.memory_space<vmem>>
      %dma_wait3A_87 = tpu.memref_squeeze %dma_wait3A_86 : memref<1x8x64xf32, #tpu.memory_space<vmem>> -> memref<8x64xf32, #tpu.memory_space<vmem>>
      %dma_wait3A_88 = arith.constant 0 : i32
      %dma_wait3A_89 = tpu.memref_slice %arg3[%mul3A_57, %dma_wait3A_88] : memref<4096x64xf32, #tpu.memory_space<hbm>> -> memref<8x64xf32, #tpu.memory_space<hbm>>
      tpu.wait_dma2 semaphore(%run_scoped3A_66 : memref<!tpu.dma_semaphore, #tpu.memory_space<semaphore_mem>>) src(%dma_wait3A_89 : memref<8x64xf32, #tpu.memory_space<hbm>>) dst(%dma_wait3A_87 : memref<8x64xf32, #tpu.memory_space<vmem>>)
      tpu.yield
    }) : () -> ()
    %scan3A = arith.constant 0xFF800000 : f32
    %scan3A_59 = arith.constant 0 : i32
    %scan3A_60 = arith.constant 0 : i32
    %scan3A_61 = arith.constant 8 : i32
    %scan3A_62 = arith.addi %scan3A_60, %scan3A_61 : i32
    %scan3A_63 = arith.constant 1 : i32
    %scan3A_64 = scf.for %scan3A_66 = %scan3A_60 to %scan3A_62 step %scan3A_63 iter_args(%scan3A_67 = %scan3A_59) -> (i32)  : i32 {
      %mul3A_68 = arith.constant 2 : i32
      %mul3A_69 = arith.muli %mul3A_68, %scan3A_66 : i32
      %add3A_70 = arith.addi %mul3A_2, %mul3A_69 : i32
      %add3A_71 = arith.constant 1 : i32
      %add3A_72 = arith.addi %add3A_70, %add3A_71 : i32
      %mul3A_73 = arith.constant 4 : i32
      %mul3A_74 = arith.muli %add3A_72, %mul3A_73 : i32
      %run_scoped3A_75 = arith.constant 1 : i32
      "tpu.region"() ({
        %run_scoped3A_257 = tpu.sem_alloc : memref<!tpu.dma_semaphore, #tpu.memory_space<semaphore_mem>>
        %dma_start3A_258 = arith.constant 0 : i32
        %dma_start3A_259 = arith.constant 0 : i32
        %dma_start3A_260 = tpu.memref_slice %arg7[%run_scoped3A_75, %dma_start3A_258, %dma_start3A_259] : memref<2x4x100xi32, #tpu.memory_space<vmem>> -> memref<1x4x100xi32, #tpu.memory_space<vmem>>
        %dma_start3A_261 = tpu.memref_squeeze %dma_start3A_260 : memref<1x4x100xi32, #tpu.memory_space<vmem>> -> memref<4x100xi32, #tpu.memory_space<vmem>>
        %dma_start3A_262 = arith.constant 0 : i32
        %dma_start3A_263 = tpu.memref_slice %arg2[%mul3A_74, %dma_start3A_262] : memref<2048x100xi32, #tpu.memory_space<hbm>> -> memref<4x100xi32, #tpu.memory_space<hbm>>
        %dma_start3A_264 = arith.constant 0 : i32
        %dma_start3A_265 = arith.constant 0 : i32
        %dma_start3A_266 = tpu.memref_slice %arg7[%run_scoped3A_75, %dma_start3A_264, %dma_start3A_265] : memref<2x4x100xi32, #tpu.memory_space<vmem>> -> memref<1x4x100xi32, #tpu.memory_space<vmem>>
        %dma_start3A_267 = tpu.memref_squeeze %dma_start3A_266 : memref<1x4x100xi32, #tpu.memory_space<vmem>> -> memref<4x100xi32, #tpu.memory_space<vmem>>
        %dma_start3A_268 = arith.constant 0 : i32
        %dma_start3A_269 = tpu.memref_slice %arg2[%mul3A_74, %dma_start3A_268] : memref<2048x100xi32, #tpu.memory_space<hbm>> -> memref<4x100xi32, #tpu.memory_space<hbm>>
        tpu.enqueue_dma source(%dma_start3A_269 : memref<4x100xi32, #tpu.memory_space<hbm>>) target(%dma_start3A_267 : memref<4x100xi32, #tpu.memory_space<vmem>>) target_semaphore(%run_scoped3A_257 : memref<!tpu.dma_semaphore, #tpu.memory_space<semaphore_mem>>)
        %dma_wait3A_270 = arith.constant 0 : i32
        %dma_wait3A_271 = arith.constant 0 : i32
        %dma_wait3A_272 = tpu.memref_slice %arg7[%run_scoped3A_75, %dma_wait3A_270, %dma_wait3A_271] : memref<2x4x100xi32, #tpu.memory_space<vmem>> -> memref<1x4x100xi32, #tpu.memory_space<vmem>>
        %dma_wait3A_273 = tpu.memref_squeeze %dma_wait3A_272 : memref<1x4x100xi32, #tpu.memory_space<vmem>> -> memref<4x100xi32, #tpu.memory_space<vmem>>
        %dma_wait3A_274 = arith.constant 0 : i32
        %dma_wait3A_275 = tpu.memref_slice %arg2[%mul3A_74, %dma_wait3A_274] : memref<2048x100xi32, #tpu.memory_space<hbm>> -> memref<4x100xi32, #tpu.memory_space<hbm>>
        %dma_wait3A_276 = arith.constant 0 : i32
        %dma_wait3A_277 = arith.constant 0 : i32
        %dma_wait3A_278 = tpu.memref_slice %arg7[%run_scoped3A_75, %dma_wait3A_276, %dma_wait3A_277] : memref<2x4x100xi32, #tpu.memory_space<vmem>> -> memref<1x4x100xi32, #tpu.memory_space<vmem>>
        %dma_wait3A_279 = tpu.memref_squeeze %dma_wait3A_278 : memref<1x4x100xi32, #tpu.memory_space<vmem>> -> memref<4x100xi32, #tpu.memory_space<vmem>>
        %dma_wait3A_280 = arith.constant 0 : i32
        %dma_wait3A_281 = tpu.memref_slice %arg2[%mul3A_74, %dma_wait3A_280] : memref<2048x100xi32, #tpu.memory_space<hbm>> -> memref<4x100xi32, #tpu.memory_space<hbm>>
        tpu.wait_dma2 semaphore(%run_scoped3A_257 : memref<!tpu.dma_semaphore, #tpu.memory_space<semaphore_mem>>) src(%dma_wait3A_281 : memref<4x100xi32, #tpu.memory_space<hbm>>) dst(%dma_wait3A_279 : memref<4x100xi32, #tpu.memory_space<vmem>>)
        tpu.yield
      }) : () -> ()
      %dma_start3A_76 = arith.constant 1 : i32
      %dma_start3A_77 = arith.constant 0 : i32
      %dma_start3A_78 = arith.constant 1 : i32
      %dma_start3A_79 = arith.constant 0 : i32
      %dma_start3A_80 = arith.constant 0 : i32
      %dma_start3A_81 = tpu.memref_slice %arg8[%dma_start3A_78, %dma_start3A_79, %dma_start3A_80] : memref<2x400x128xf32, #tpu.memory_space<vmem>> -> memref<1x100x128xf32, #tpu.memory_space<vmem>>
      %dma_start3A_82 = tpu.memref_squeeze %dma_start3A_81 : memref<1x100x128xf32, #tpu.memory_space<vmem>> -> memref<100x128xf32, #tpu.memory_space<vmem>>
      %dma_start3A_83 = arith.constant 0 : i32
      %dma_start3A_84 = tpu.memref_slice %arg7[%dma_start3A_76, %dma_start3A_77, %dma_start3A_83] : memref<2x4x100xi32, #tpu.memory_space<vmem>> -> memref<1x1x100xi32, #tpu.memory_space<vmem>>
      %dma_start3A_85 = tpu.memref_squeeze %dma_start3A_84 : memref<1x1x100xi32, #tpu.memory_space<vmem>> -> memref<100xi32, #tpu.memory_space<vmem>>
      %dma_start3A_86 = arith.constant 0 : i32
      %dma_start3A_87 = arith.constant 0 : i32
      %dma_start3A_88 = tpu.memref_slice %arg4[%dma_start3A_86, %dma_start3A_87] : memref<1000000x128xf32, #tpu.memory_space<hbm>> -> memref<1000000x128xf32, #tpu.memory_space<hbm>>
      tpu.enqueue_indirect_dma source(%dma_start3A_88 : memref<1000000x128xf32, #tpu.memory_space<hbm>>) target(%dma_start3A_82 : memref<100x128xf32, #tpu.memory_space<vmem>>) offsets(%dma_start3A_85 : memref<100xi32, #tpu.memory_space<vmem>>) semaphore(%arg13 : memref<!tpu.dma_semaphore, #tpu.memory_space<semaphore_mem>>)
      %dma_start3A_89 = arith.constant 1 : i32
      %dma_start3A_90 = arith.constant 1 : i32
      %dma_start3A_91 = arith.constant 1 : i32
      %dma_start3A_92 = arith.constant 100 : i32
      %dma_start3A_93 = arith.constant 0 : i32
      %dma_start3A_94 = tpu.memref_slice %arg8[%dma_start3A_91, %dma_start3A_92, %dma_start3A_93] : memref<2x400x128xf32, #tpu.memory_space<vmem>> -> memref<1x100x128xf32, #tpu.memory_space<vmem>>
      %dma_start3A_95 = tpu.memref_squeeze %dma_start3A_94 : memref<1x100x128xf32, #tpu.memory_space<vmem>> -> memref<100x128xf32, #tpu.memory_space<vmem>>
      %dma_start3A_96 = arith.constant 0 : i32
      %dma_start3A_97 = tpu.memref_slice %arg7[%dma_start3A_89, %dma_start3A_90, %dma_start3A_96] : memref<2x4x100xi32, #tpu.memory_space<vmem>> -> memref<1x1x100xi32, #tpu.memory_space<vmem>>
      %dma_start3A_98 = tpu.memref_squeeze %dma_start3A_97 : memref<1x1x100xi32, #tpu.memory_space<vmem>> -> memref<100xi32, #tpu.memory_space<vmem>>
      %dma_start3A_99 = arith.constant 0 : i32
      %dma_start3A_100 = arith.constant 0 : i32
      %dma_start3A_101 = tpu.memref_slice %arg4[%dma_start3A_99, %dma_start3A_100] : memref<1000000x128xf32, #tpu.memory_space<hbm>> -> memref<1000000x128xf32, #tpu.memory_space<hbm>>
      tpu.enqueue_indirect_dma source(%dma_start3A_101 : memref<1000000x128xf32, #tpu.memory_space<hbm>>) target(%dma_start3A_95 : memref<100x128xf32, #tpu.memory_space<vmem>>) offsets(%dma_start3A_98 : memref<100xi32, #tpu.memory_space<vmem>>) semaphore(%arg13 : memref<!tpu.dma_semaphore, #tpu.memory_space<semaphore_mem>>)
      %dma_start3A_102 = arith.constant 1 : i32
      %dma_start3A_103 = arith.constant 2 : i32
      %dma_start3A_104 = arith.constant 1 : i32
      %dma_start3A_105 = arith.constant 200 : i32
      %dma_start3A_106 = arith.constant 0 : i32
      %dma_start3A_107 = tpu.memref_slice %arg8[%dma_start3A_104, %dma_start3A_105, %dma_start3A_106] : memref<2x400x128xf32, #tpu.memory_space<vmem>> -> memref<1x100x128xf32, #tpu.memory_space<vmem>>
      %dma_start3A_108 = tpu.memref_squeeze %dma_start3A_107 : memref<1x100x128xf32, #tpu.memory_space<vmem>> -> memref<100x128xf32, #tpu.memory_space<vmem>>
      %dma_start3A_109 = arith.constant 0 : i32
      %dma_start3A_110 = tpu.memref_slice %arg7[%dma_start3A_102, %dma_start3A_103, %dma_start3A_109] : memref<2x4x100xi32, #tpu.memory_space<vmem>> -> memref<1x1x100xi32, #tpu.memory_space<vmem>>
      %dma_start3A_111 = tpu.memref_squeeze %dma_start3A_110 : memref<1x1x100xi32, #tpu.memory_space<vmem>> -> memref<100xi32, #tpu.memory_space<vmem>>
      %dma_start3A_112 = arith.constant 0 : i32
      %dma_start3A_113 = arith.constant 0 : i32
      %dma_start3A_114 = tpu.memref_slice %arg4[%dma_start3A_112, %dma_start3A_113] : memref<1000000x128xf32, #tpu.memory_space<hbm>> -> memref<1000000x128xf32, #tpu.memory_space<hbm>>
      tpu.enqueue_indirect_dma source(%dma_start3A_114 : memref<1000000x128xf32, #tpu.memory_space<hbm>>) target(%dma_start3A_108 : memref<100x128xf32, #tpu.memory_space<vmem>>) offsets(%dma_start3A_111 : memref<100xi32, #tpu.memory_space<vmem>>) semaphore(%arg13 : memref<!tpu.dma_semaphore, #tpu.memory_space<semaphore_mem>>)
      %dma_start3A_115 = arith.constant 1 : i32
      %dma_start3A_116 = arith.constant 3 : i32
      %dma_start3A_117 = arith.constant 1 : i32
      %dma_start3A_118 = arith.constant 300 : i32
      %dma_start3A_119 = arith.constant 0 : i32
      %dma_start3A_120 = tpu.memref_slice %arg8[%dma_start3A_117, %dma_start3A_118, %dma_start3A_119] : memref<2x400x128xf32, #tpu.memory_space<vmem>> -> memref<1x100x128xf32, #tpu.memory_space<vmem>>
      %dma_start3A_121 = tpu.memref_squeeze %dma_start3A_120 : memref<1x100x128xf32, #tpu.memory_space<vmem>> -> memref<100x128xf32, #tpu.memory_space<vmem>>
      %dma_start3A_122 = arith.constant 0 : i32
      %dma_start3A_123 = tpu.memref_slice %arg7[%dma_start3A_115, %dma_start3A_116, %dma_start3A_122] : memref<2x4x100xi32, #tpu.memory_space<vmem>> -> memref<1x1x100xi32, #tpu.memory_space<vmem>>
      %dma_start3A_124 = tpu.memref_squeeze %dma_start3A_123 : memref<1x1x100xi32, #tpu.memory_space<vmem>> -> memref<100xi32, #tpu.memory_space<vmem>>
      %dma_start3A_125 = arith.constant 0 : i32
      %dma_start3A_126 = arith.constant 0 : i32
      %dma_start3A_127 = tpu.memref_slice %arg4[%dma_start3A_125, %dma_start3A_126] : memref<1000000x128xf32, #tpu.memory_space<hbm>> -> memref<1000000x128xf32, #tpu.memory_space<hbm>>
      tpu.enqueue_indirect_dma source(%dma_start3A_127 : memref<1000000x128xf32, #tpu.memory_space<hbm>>) target(%dma_start3A_121 : memref<100x128xf32, #tpu.memory_space<vmem>>) offsets(%dma_start3A_124 : memref<100xi32, #tpu.memory_space<vmem>>) semaphore(%arg13 : memref<!tpu.dma_semaphore, #tpu.memory_space<semaphore_mem>>)
      %mul3A_128 = arith.constant 8 : i32
      %mul3A_129 = arith.muli %add3A_72, %mul3A_128 : i32
      %run_scoped3A_130 = arith.constant 1 : i32
      "tpu.region"() ({
        %run_scoped3A_257 = tpu.sem_alloc : memref<!tpu.dma_semaphore, #tpu.memory_space<semaphore_mem>>
        %dma_start3A_258 = arith.constant 0 : i32
        %dma_start3A_259 = arith.constant 0 : i32
        %dma_start3A_260 = tpu.memref_slice %arg9[%run_scoped3A_130, %dma_start3A_258, %dma_start3A_259] : memref<2x8x64xf32, #tpu.memory_space<vmem>> -> memref<1x8x64xf32, #tpu.memory_space<vmem>>
        %dma_start3A_261 = tpu.memref_squeeze %dma_start3A_260 : memref<1x8x64xf32, #tpu.memory_space<vmem>> -> memref<8x64xf32, #tpu.memory_space<vmem>>
        %dma_start3A_262 = arith.constant 0 : i32
        %dma_start3A_263 = tpu.memref_slice %arg3[%mul3A_129, %dma_start3A_262] : memref<4096x64xf32, #tpu.memory_space<hbm>> -> memref<8x64xf32, #tpu.memory_space<hbm>>
        %dma_start3A_264 = arith.constant 0 : i32
        %dma_start3A_265 = arith.constant 0 : i32
        %dma_start3A_266 = tpu.memref_slice %arg9[%run_scoped3A_130, %dma_start3A_264, %dma_start3A_265] : memref<2x8x64xf32, #tpu.memory_space<vmem>> -> memref<1x8x64xf32, #tpu.memory_space<vmem>>
        %dma_start3A_267 = tpu.memref_squeeze %dma_start3A_266 : memref<1x8x64xf32, #tpu.memory_space<vmem>> -> memref<8x64xf32, #tpu.memory_space<vmem>>
        %dma_start3A_268 = arith.constant 0 : i32
        %dma_start3A_269 = tpu.memref_slice %arg3[%mul3A_129, %dma_start3A_268] : memref<4096x64xf32, #tpu.memory_space<hbm>> -> memref<8x64xf32, #tpu.memory_space<hbm>>
        tpu.enqueue_dma source(%dma_start3A_269 : memref<8x64xf32, #tpu.memory_space<hbm>>) target(%dma_start3A_267 : memref<8x64xf32, #tpu.memory_space<vmem>>) target_semaphore(%run_scoped3A_257 : memref<!tpu.dma_semaphore, #tpu.memory_space<semaphore_mem>>)
        %dma_wait3A_270 = arith.constant 0 : i32
        %dma_wait3A_271 = arith.constant 0 : i32
        %dma_wait3A_272 = tpu.memref_slice %arg9[%run_scoped3A_130, %dma_wait3A_270, %dma_wait3A_271] : memref<2x8x64xf32, #tpu.memory_space<vmem>> -> memref<1x8x64xf32, #tpu.memory_space<vmem>>
        %dma_wait3A_273 = tpu.memref_squeeze %dma_wait3A_272 : memref<1x8x64xf32, #tpu.memory_space<vmem>> -> memref<8x64xf32, #tpu.memory_space<vmem>>
        %dma_wait3A_274 = arith.constant 0 : i32
        %dma_wait3A_275 = tpu.memref_slice %arg3[%mul3A_129, %dma_wait3A_274] : memref<4096x64xf32, #tpu.memory_space<hbm>> -> memref<8x64xf32, #tpu.memory_space<hbm>>
        %dma_wait3A_276 = arith.constant 0 : i32
        %dma_wait3A_277 = arith.constant 0 : i32
        %dma_wait3A_278 = tpu.memref_slice %arg9[%run_scoped3A_130, %dma_wait3A_276, %dma_wait3A_277] : memref<2x8x64xf32, #tpu.memory_space<vmem>> -> memref<1x8x64xf32, #tpu.memory_space<vmem>>
        %dma_wait3A_279 = tpu.memref_squeeze %dma_wait3A_278 : memref<1x8x64xf32, #tpu.memory_space<vmem>> -> memref<8x64xf32, #tpu.memory_space<vmem>>
        %dma_wait3A_280 = arith.constant 0 : i32
        %dma_wait3A_281 = tpu.memref_slice %arg3[%mul3A_129, %dma_wait3A_280] : memref<4096x64xf32, #tpu.memory_space<hbm>> -> memref<8x64xf32, #tpu.memory_space<hbm>>
        tpu.wait_dma2 semaphore(%run_scoped3A_257 : memref<!tpu.dma_semaphore, #tpu.memory_space<semaphore_mem>>) src(%dma_wait3A_281 : memref<8x64xf32, #tpu.memory_space<hbm>>) dst(%dma_wait3A_279 : memref<8x64xf32, #tpu.memory_space<vmem>>)
        tpu.yield
      }) : () -> ()
      %dma_wait3A = arith.constant 0 : i32
      %dma_wait3A_131 = arith.constant 0 : i32
      %dma_wait3A_132 = arith.constant 0 : i32
      %dma_wait3A_133 = arith.constant 0 : i32
      %dma_wait3A_134 = arith.constant 0 : i32
      %dma_wait3A_135 = tpu.memref_slice %arg8[%dma_wait3A_132, %dma_wait3A_133, %dma_wait3A_134] : memref<2x400x128xf32, #tpu.memory_space<vmem>> -> memref<1x100x128xf32, #tpu.memory_space<vmem>>
      %dma_wait3A_136 = tpu.memref_squeeze %dma_wait3A_135 : memref<1x100x128xf32, #tpu.memory_space<vmem>> -> memref<100x128xf32, #tpu.memory_space<vmem>>
      %dma_wait3A_137 = arith.constant 0 : i32
      %dma_wait3A_138 = tpu.memref_slice %arg7[%dma_wait3A, %dma_wait3A_131, %dma_wait3A_137] : memref<2x4x100xi32, #tpu.memory_space<vmem>> -> memref<1x1x100xi32, #tpu.memory_space<vmem>>
      %dma_wait3A_139 = tpu.memref_squeeze %dma_wait3A_138 : memref<1x1x100xi32, #tpu.memory_space<vmem>> -> memref<100xi32, #tpu.memory_space<vmem>>
      %dma_wait3A_140 = arith.constant 0 : i32
      %dma_wait3A_141 = arith.constant 0 : i32
      %dma_wait3A_142 = tpu.memref_slice %arg4[%dma_wait3A_140, %dma_wait3A_141] : memref<1000000x128xf32, #tpu.memory_space<hbm>> -> memref<1000000x128xf32, #tpu.memory_space<hbm>>
      tpu.wait_indirect_dma semaphore(%arg12 : memref<!tpu.dma_semaphore, #tpu.memory_space<semaphore_mem>>) src(%dma_wait3A_142 : memref<1000000x128xf32, #tpu.memory_space<hbm>>) dst(%dma_wait3A_136 : memref<100x128xf32, #tpu.memory_space<vmem>>)
      %dma_wait3A_143 = arith.constant 0 : i32
      %dma_wait3A_144 = arith.constant 1 : i32
      %dma_wait3A_145 = arith.constant 0 : i32
      %dma_wait3A_146 = arith.constant 100 : i32
      %dma_wait3A_147 = arith.constant 0 : i32
      %dma_wait3A_148 = tpu.memref_slice %arg8[%dma_wait3A_145, %dma_wait3A_146, %dma_wait3A_147] : memref<2x400x128xf32, #tpu.memory_space<vmem>> -> memref<1x100x128xf32, #tpu.memory_space<vmem>>
      %dma_wait3A_149 = tpu.memref_squeeze %dma_wait3A_148 : memref<1x100x128xf32, #tpu.memory_space<vmem>> -> memref<100x128xf32, #tpu.memory_space<vmem>>
      %dma_wait3A_150 = arith.constant 0 : i32
      %dma_wait3A_151 = tpu.memref_slice %arg7[%dma_wait3A_143, %dma_wait3A_144, %dma_wait3A_150] : memref<2x4x100xi32, #tpu.memory_space<vmem>> -> memref<1x1x100xi32, #tpu.memory_space<vmem>>
      %dma_wait3A_152 = tpu.memref_squeeze %dma_wait3A_151 : memref<1x1x100xi32, #tpu.memory_space<vmem>> -> memref<100xi32, #tpu.memory_space<vmem>>
      %dma_wait3A_153 = arith.constant 0 : i32
      %dma_wait3A_154 = arith.constant 0 : i32
      %dma_wait3A_155 = tpu.memref_slice %arg4[%dma_wait3A_153, %dma_wait3A_154] : memref<1000000x128xf32, #tpu.memory_space<hbm>> -> memref<1000000x128xf32, #tpu.memory_space<hbm>>
      tpu.wait_indirect_dma semaphore(%arg12 : memref<!tpu.dma_semaphore, #tpu.memory_space<semaphore_mem>>) src(%dma_wait3A_155 : memref<1000000x128xf32, #tpu.memory_space<hbm>>) dst(%dma_wait3A_149 : memref<100x128xf32, #tpu.memory_space<vmem>>)
      %dma_wait3A_156 = arith.constant 0 : i32
      %dma_wait3A_157 = arith.constant 2 : i32
      %dma_wait3A_158 = arith.constant 0 : i32
      %dma_wait3A_159 = arith.constant 200 : i32
      %dma_wait3A_160 = arith.constant 0 : i32
      %dma_wait3A_161 = tpu.memref_slice %arg8[%dma_wait3A_158, %dma_wait3A_159, %dma_wait3A_160] : memref<2x400x128xf32, #tpu.memory_space<vmem>> -> memref<1x100x128xf32, #tpu.memory_space<vmem>>
      %dma_wait3A_162 = tpu.memref_squeeze %dma_wait3A_161 : memref<1x100x128xf32, #tpu.memory_space<vmem>> -> memref<100x128xf32, #tpu.memory_space<vmem>>
      %dma_wait3A_163 = arith.constant 0 : i32
      %dma_wait3A_164 = tpu.memref_slice %arg7[%dma_wait3A_156, %dma_wait3A_157, %dma_wait3A_163] : memref<2x4x100xi32, #tpu.memory_space<vmem>> -> memref<1x1x100xi32, #tpu.memory_space<vmem>>
      %dma_wait3A_165 = tpu.memref_squeeze %dma_wait3A_164 : memref<1x1x100xi32, #tpu.memory_space<vmem>> -> memref<100xi32, #tpu.memory_space<vmem>>
      %dma_wait3A_166 = arith.constant 0 : i32
      %dma_wait3A_167 = arith.constant 0 : i32
      %dma_wait3A_168 = tpu.memref_slice %arg4[%dma_wait3A_166, %dma_wait3A_167] : memref<1000000x128xf32, #tpu.memory_space<hbm>> -> memref<1000000x128xf32, #tpu.memory_space<hbm>>
      tpu.wait_indirect_dma semaphore(%arg12 : memref<!tpu.dma_semaphore, #tpu.memory_space<semaphore_mem>>) src(%dma_wait3A_168 : memref<1000000x128xf32, #tpu.memory_space<hbm>>) dst(%dma_wait3A_162 : memref<100x128xf32, #tpu.memory_space<vmem>>)
      %dma_wait3A_169 = arith.constant 0 : i32
      %dma_wait3A_170 = arith.constant 3 : i32
      %dma_wait3A_171 = arith.constant 0 : i32
      %dma_wait3A_172 = arith.constant 300 : i32
      %dma_wait3A_173 = arith.constant 0 : i32
      %dma_wait3A_174 = tpu.memref_slice %arg8[%dma_wait3A_171, %dma_wait3A_172, %dma_wait3A_173] : memref<2x400x128xf32, #tpu.memory_space<vmem>> -> memref<1x100x128xf32, #tpu.memory_space<vmem>>
      %dma_wait3A_175 = tpu.memref_squeeze %dma_wait3A_174 : memref<1x100x128xf32, #tpu.memory_space<vmem>> -> memref<100x128xf32, #tpu.memory_space<vmem>>
      %dma_wait3A_176 = arith.constant 0 : i32
      %dma_wait3A_177 = tpu.memref_slice %arg7[%dma_wait3A_169, %dma_wait3A_170, %dma_wait3A_176] : memref<2x4x100xi32, #tpu.memory_space<vmem>> -> memref<1x1x100xi32, #tpu.memory_space<vmem>>
      %dma_wait3A_178 = tpu.memref_squeeze %dma_wait3A_177 : memref<1x1x100xi32, #tpu.memory_space<vmem>> -> memref<100xi32, #tpu.memory_space<vmem>>
      %dma_wait3A_179 = arith.constant 0 : i32
      %dma_wait3A_180 = arith.constant 0 : i32
      %dma_wait3A_181 = tpu.memref_slice %arg4[%dma_wait3A_179, %dma_wait3A_180] : memref<1000000x128xf32, #tpu.memory_space<hbm>> -> memref<1000000x128xf32, #tpu.memory_space<hbm>>
      tpu.wait_indirect_dma semaphore(%arg12 : memref<!tpu.dma_semaphore, #tpu.memory_space<semaphore_mem>>) src(%dma_wait3A_181 : memref<1000000x128xf32, #tpu.memory_space<hbm>>) dst(%dma_wait3A_175 : memref<100x128xf32, #tpu.memory_space<vmem>>)
      %mul3A_182 = arith.constant 400 : i32
      %mul3A_183 = arith.muli %add3A_70, %mul3A_182 : i32
      %scan3A_184 = arith.constant 0 : i32
      %scan3A_185 = arith.constant 0 : i32
      %scan3A_186 = arith.constant 8 : i32
      %scan3A_187 = arith.addi %scan3A_185, %scan3A_186 : i32
      %scan3A_188 = arith.constant 1 : i32
      %scan3A_189 = scf.for %scan3A_257 = %scan3A_185 to %scan3A_187 step %scan3A_188 iter_args(%scan3A_258 = %scan3A_184) -> (i32)  : i32 {
        %mul3A_259 = arith.constant 50 : i32
        %mul3A_260 = arith.muli %scan3A_257, %mul3A_259 : i32
        %mul3A_261 = arith.constant 50 : i32
        %mul3A_262 = arith.muli %scan3A_257, %mul3A_261 : i32
        %get3A = arith.constant 0 : i32
        %get3A_263 = arith.index_cast %get3A : i32 to index
        %get3A_264 = arith.index_cast %scan3A_257 : i32 to index
        %get3A_265 = arith.constant 0 : index
        %get3A_266 = tpu.vector_load %arg9[%get3A_263, %get3A_264, %get3A_265] {strides = array<i32>} : memref<2x8x64xf32, #tpu.memory_space<vmem>>, vector<16xf32>,
        %get3A_267 = arith.constant 0 : i32
        %get3A_268 = arith.index_cast %get3A_267 : i32 to index
        %get3A_269 = arith.index_cast %scan3A_257 : i32 to index
        %get3A_270 = arith.constant 16 : index
        %get3A_271 = tpu.vector_load %arg9[%get3A_268, %get3A_269, %get3A_270] {strides = array<i32>} : memref<2x8x64xf32, #tpu.memory_space<vmem>>, vector<16xf32>,
        %get3A_272 = arith.constant 0 : i32
        %get3A_273 = arith.index_cast %get3A_272 : i32 to index
        %get3A_274 = arith.index_cast %scan3A_257 : i32 to index
        %get3A_275 = arith.constant 32 : index
        %get3A_276 = tpu.vector_load %arg9[%get3A_273, %get3A_274, %get3A_275] {strides = array<i32>} : memref<2x8x64xf32, #tpu.memory_space<vmem>>, vector<16xf32>,
        %get3A_277 = arith.constant 0 : i32
        %get3A_278 = arith.index_cast %get3A_277 : i32 to index
        %get3A_279 = arith.index_cast %scan3A_257 : i32 to index
        %get3A_280 = arith.constant 48 : index
        %get3A_281 = tpu.vector_load %arg9[%get3A_278, %get3A_279, %get3A_280] {strides = array<i32>} : memref<2x8x64xf32, #tpu.memory_space<vmem>>, vector<16xf32>,
        %broadcast_in_dim3A = arith.constant 0.000000e+00 : f32
        %broadcast_in_dim3A_282 = vector.broadcast %broadcast_in_dim3A : f32 to vector<16xf32>
        %add3A_283 = arith.constant 0 : i32
        %add3A_284 = arith.addi %mul3A_260, %add3A_283 : i32
        %add3A_285 = arith.constant 0 : i32
        %add3A_286 = arith.addi %add3A_284, %add3A_285 : i32
        %get3A_287 = arith.constant 0 : i32
        %get3A_288 = arith.index_cast %get3A_287 : i32 to index
        %get3A_289 = arith.index_cast %add3A_286 : i32 to index
        %get3A_290 = arith.constant 0 : index
        %get3A_291 = tpu.vector_load %arg8[%get3A_288, %get3A_289, %get3A_290] {strides = array<i32>} : memref<2x400x128xf32, #tpu.memory_space<vmem>>, vector<16xf32>,
        %mul3A_292 = arith.mulf %get3A_291, %get3A_266 : vector<16xf32>
        %get3A_293 = arith.constant 0 : i32
        %get3A_294 = arith.index_cast %get3A_293 : i32 to index
        %get3A_295 = arith.index_cast %add3A_286 : i32 to index
        %get3A_296 = arith.constant 16 : index
        %get3A_297 = tpu.vector_load %arg8[%get3A_294, %get3A_295, %get3A_296] {strides = array<i32>} : memref<2x400x128xf32, #tpu.memory_space<vmem>>, vector<16xf32>,
        %mul3A_298 = arith.mulf %get3A_297, %get3A_271 : vector<16xf32>
        %add3A_299 = arith.addf %mul3A_292, %mul3A_298 : vector<16xf32>
        %get3A_300 = arith.constant 0 : i32
        %get3A_301 = arith.index_cast %get3A_300 : i32 to index
        %get3A_302 = arith.index_cast %add3A_286 : i32 to index
        %get3A_303 = arith.constant 32 : index
        %get3A_304 = tpu.vector_load %arg8[%get3A_301, %get3A_302, %get3A_303] {strides = array<i32>} : memref<2x400x128xf32, #tpu.memory_space<vmem>>, vector<16xf32>,
        %mul3A_305 = arith.mulf %get3A_304, %get3A_276 : vector<16xf32>
        %add3A_306 = arith.addf %add3A_299, %mul3A_305 : vector<16xf32>
        %get3A_307 = arith.constant 0 : i32
        %get3A_308 = arith.index_cast %get3A_307 : i32 to index
        %get3A_309 = arith.index_cast %add3A_286 : i32 to index
        %get3A_310 = arith.constant 48 : index
        %get3A_311 = tpu.vector_load %arg8[%get3A_308, %get3A_309, %get3A_310] {strides = array<i32>} : memref<2x400x128xf32, #tpu.memory_space<vmem>>, vector<16xf32>,
        %mul3A_312 = arith.mulf %get3A_311, %get3A_281 : vector<16xf32>
        %add3A_313 = arith.addf %add3A_306, %mul3A_312 : vector<16xf32>
        %eq3A = arith.constant 0 : i32
        %eq3A_314 = vector.broadcast %eq3A : i32 to vector<16xi32>
        %eq3A_315 = arith.cmpi eq, %iota3A, %eq3A_314 : vector<16xi32>
        %reduce_sum3A = arith.constant true
        %reduce_sum3A_316 = vector.broadcast %reduce_sum3A : i1 to vector<16xi1>
        %reduce_sum3A_317 = tpu.scan <sum>, %add3A_313 masked %reduce_sum3A_316 : vector<16xf32>, vector<16xi1> -> vector<16xf32>
        %reduce_sum3A_318 = vector.extract %reduce_sum3A_317[15] : f32 from vector<16xf32>
        %broadcast_in_dim3A_319 = vector.broadcast %reduce_sum3A_318 : f32 to vector<16xf32>
        %select_n3A = arith.select %eq3A_315, %broadcast_in_dim3A_319, %broadcast_in_dim3A_282 : vector<16xi1>, vector<16xf32>
        %add3A_320 = arith.constant 0 : i32
        %add3A_321 = arith.addi %mul3A_260, %add3A_320 : i32
        %add3A_322 = arith.constant 1 : i32
        %add3A_323 = arith.addi %add3A_321, %add3A_322 : i32
        %get3A_324 = arith.constant 0 : i32
        %get3A_325 = arith.index_cast %get3A_324 : i32 to index
        %get3A_326 = arith.index_cast %add3A_323 : i32 to index
        %get3A_327 = arith.constant 0 : index
        %get3A_328 = tpu.vector_load %arg8[%get3A_325, %get3A_326, %get3A_327] {strides = array<i32>} : memref<2x400x128xf32, #tpu.memory_space<vmem>>, vector<16xf32>,
        %mul3A_329 = arith.mulf %get3A_328, %get3A_266 : vector<16xf32>
        %get3A_330 = arith.constant 0 : i32
        %get3A_331 = arith.index_cast %get3A_330 : i32 to index
        %get3A_332 = arith.index_cast %add3A_323 : i32 to index
        %get3A_333 = arith.constant 16 : index
        %get3A_334 = tpu.vector_load %arg8[%get3A_331, %get3A_332, %get3A_333] {strides = array<i32>} : memref<2x400x128xf32, #tpu.memory_space<vmem>>, vector<16xf32>,
        %mul3A_335 = arith.mulf %get3A_334, %get3A_271 : vector<16xf32>
        %add3A_336 = arith.addf %mul3A_329, %mul3A_335 : vector<16xf32>
        %get3A_337 = arith.constant 0 : i32
        %get3A_338 = arith.index_cast %get3A_337 : i32 to index
        %get3A_339 = arith.index_cast %add3A_323 : i32 to index
        %get3A_340 = arith.constant 32 : index
        %get3A_341 = tpu.vector_load %arg8[%get3A_338, %get3A_339, %get3A_340] {strides = array<i32>} : memref<2x400x128xf32, #tpu.memory_space<vmem>>, vector<16xf32>,
        %mul3A_342 = arith.mulf %get3A_341, %get3A_276 : vector<16xf32>
        %add3A_343 = arith.addf %add3A_336, %mul3A_342 : vector<16xf32>
        %get3A_344 = arith.constant 0 : i32
        %get3A_345 = arith.index_cast %get3A_344 : i32 to index
        %get3A_346 = arith.index_cast %add3A_323 : i32 to index
        %get3A_347 = arith.constant 48 : index
        %get3A_348 = tpu.vector_load %arg8[%get3A_345, %get3A_346, %get3A_347] {strides = array<i32>} : memref<2x400x128xf32, #tpu.memory_space<vmem>>, vector<16xf32>,
        %mul3A_349 = arith.mulf %get3A_348, %get3A_281 : vector<16xf32>
        %add3A_350 = arith.addf %add3A_343, %mul3A_349 : vector<16xf32>
        %eq3A_351 = arith.constant 1 : i32
        %eq3A_352 = vector.broadcast %eq3A_351 : i32 to vector<16xi32>
        %eq3A_353 = arith.cmpi eq, %iota3A, %eq3A_352 : vector<16xi32>
        %reduce_sum3A_354 = arith.constant true
        %reduce_sum3A_355 = vector.broadcast %reduce_sum3A_354 : i1 to vector<16xi1>
        %reduce_sum3A_356 = tpu.scan <sum>, %add3A_350 masked %reduce_sum3A_355 : vector<16xf32>, vector<16xi1> -> vector<16xf32>
        %reduce_sum3A_357 = vector.extract %reduce_sum3A_356[15] : f32 from vector<16xf32>
        %broadcast_in_dim3A_358 = vector.broadcast %reduce_sum3A_357 : f32 to vector<16xf32>
        %select_n3A_359 = arith.select %eq3A_353, %broadcast_in_dim3A_358, %select_n3A : vector<16xi1>, vector<16xf32>
        %add3A_360 = arith.constant 0 : i32
        %add3A_361 = arith.addi %mul3A_260, %add3A_360 : i32
        %add3A_362 = arith.constant 2 : i32
        %add3A_363 = arith.addi %add3A_361, %add3A_362 : i32
        %get3A_364 = arith.constant 0 : i32
        %get3A_365 = arith.index_cast %get3A_364 : i32 to index
        %get3A_366 = arith.index_cast %add3A_363 : i32 to index
        %get3A_367 = arith.constant 0 : index
        %get3A_368 = tpu.vector_load %arg8[%get3A_365, %get3A_366, %get3A_367] {strides = array<i32>} : memref<2x400x128xf32, #tpu.memory_space<vmem>>, vector<16xf32>,
        %mul3A_369 = arith.mulf %get3A_368, %get3A_266 : vector<16xf32>
        %get3A_370 = arith.constant 0 : i32
        %get3A_371 = arith.index_cast %get3A_370 : i32 to index
        %get3A_372 = arith.index_cast %add3A_363 : i32 to index
        %get3A_373 = arith.constant 16 : index
        %get3A_374 = tpu.vector_load %arg8[%get3A_371, %get3A_372, %get3A_373] {strides = array<i32>} : memref<2x400x128xf32, #tpu.memory_space<vmem>>, vector<16xf32>,
        %mul3A_375 = arith.mulf %get3A_374, %get3A_271 : vector<16xf32>
        %add3A_376 = arith.addf %mul3A_369, %mul3A_375 : vector<16xf32>
        %get3A_377 = arith.constant 0 : i32
        %get3A_378 = arith.index_cast %get3A_377 : i32 to index
        %get3A_379 = arith.index_cast %add3A_363 : i32 to index
        %get3A_380 = arith.constant 32 : index
        %get3A_381 = tpu.vector_load %arg8[%get3A_378, %get3A_379, %get3A_380] {strides = array<i32>} : memref<2x400x128xf32, #tpu.memory_space<vmem>>, vector<16xf32>,
        %mul3A_382 = arith.mulf %get3A_381, %get3A_276 : vector<16xf32>
        %add3A_383 = arith.addf %add3A_376, %mul3A_382 : vector<16xf32>
        %get3A_384 = arith.constant 0 : i32
        %get3A_385 = arith.index_cast %get3A_384 : i32 to index
        %get3A_386 = arith.index_cast %add3A_363 : i32 to index
        %get3A_387 = arith.constant 48 : index
        %get3A_388 = tpu.vector_load %arg8[%get3A_385, %get3A_386, %get3A_387] {strides = array<i32>} : memref<2x400x128xf32, #tpu.memory_space<vmem>>, vector<16xf32>,
        %mul3A_389 = arith.mulf %get3A_388, %get3A_281 : vector<16xf32>
        %add3A_390 = arith.addf %add3A_383, %mul3A_389 : vector<16xf32>
        %eq3A_391 = arith.constant 2 : i32
        %eq3A_392 = vector.broadcast %eq3A_391 : i32 to vector<16xi32>
        %eq3A_393 = arith.cmpi eq, %iota3A, %eq3A_392 : vector<16xi32>
        %reduce_sum3A_394 = arith.constant true
        %reduce_sum3A_395 = vector.broadcast %reduce_sum3A_394 : i1 to vector<16xi1>
        %reduce_sum3A_396 = tpu.scan <sum>, %add3A_390 masked %reduce_sum3A_395 : vector<16xf32>, vector<16xi1> -> vector<16xf32>
        %reduce_sum3A_397 = vector.extract %reduce_sum3A_396[15] : f32 from vector<16xf32>
        %broadcast_in_dim3A_398 = vector.broadcast %reduce_sum3A_397 : f32 to vector<16xf32>
        %select_n3A_399 = arith.select %eq3A_393, %broadcast_in_dim3A_398, %select_n3A_359 : vector<16xi1>, vector<16xf32>
        %add3A_400 = arith.constant 0 : i32
        %add3A_401 = arith.addi %mul3A_260, %add3A_400 : i32
        %add3A_402 = arith.constant 3 : i32
        %add3A_403 = arith.addi %add3A_401, %add3A_402 : i32
        %get3A_404 = arith.constant 0 : i32
        %get3A_405 = arith.index_cast %get3A_404 : i32 to index
        %get3A_406 = arith.index_cast %add3A_403 : i32 to index
        %get3A_407 = arith.constant 0 : index
        %get3A_408 = tpu.vector_load %arg8[%get3A_405, %get3A_406, %get3A_407] {strides = array<i32>} : memref<2x400x128xf32, #tpu.memory_space<vmem>>, vector<16xf32>,
        %mul3A_409 = arith.mulf %get3A_408, %get3A_266 : vector<16xf32>
        %get3A_410 = arith.constant 0 : i32
        %get3A_411 = arith.index_cast %get3A_410 : i32 to index
        %get3A_412 = arith.index_cast %add3A_403 : i32 to index
        %get3A_413 = arith.constant 16 : index
        %get3A_414 = tpu.vector_load %arg8[%get3A_411, %get3A_412, %get3A_413] {strides = array<i32>} : memref<2x400x128xf32, #tpu.memory_space<vmem>>, vector<16xf32>,
        %mul3A_415 = arith.mulf %get3A_414, %get3A_271 : vector<16xf32>
        %add3A_416 = arith.addf %mul3A_409, %mul3A_415 : vector<16xf32>
        %get3A_417 = arith.constant 0 : i32
        %get3A_418 = arith.index_cast %get3A_417 : i32 to index
        %get3A_419 = arith.index_cast %add3A_403 : i32 to index
        %get3A_420 = arith.constant 32 : index
        %get3A_421 = tpu.vector_load %arg8[%get3A_418, %get3A_419, %get3A_420] {strides = array<i32>} : memref<2x400x128xf32, #tpu.memory_space<vmem>>, vector<16xf32>,
        %mul3A_422 = arith.mulf %get3A_421, %get3A_276 : vector<16xf32>
        %add3A_423 = arith.addf %add3A_416, %mul3A_422 : vector<16xf32>
        %get3A_424 = arith.constant 0 : i32
        %get3A_425 = arith.index_cast %get3A_424 : i32 to index
        %get3A_426 = arith.index_cast %add3A_403 : i32 to index
        %get3A_427 = arith.constant 48 : index
        %get3A_428 = tpu.vector_load %arg8[%get3A_425, %get3A_426, %get3A_427] {strides = array<i32>} : memref<2x400x128xf32, #tpu.memory_space<vmem>>, vector<16xf32>,
        %mul3A_429 = arith.mulf %get3A_428, %get3A_281 : vector<16xf32>
        %add3A_430 = arith.addf %add3A_423, %mul3A_429 : vector<16xf32>
        %eq3A_431 = arith.constant 3 : i32
        %eq3A_432 = vector.broadcast %eq3A_431 : i32 to vector<16xi32>
        %eq3A_433 = arith.cmpi eq, %iota3A, %eq3A_432 : vector<16xi32>
        %reduce_sum3A_434 = arith.constant true
        %reduce_sum3A_435 = vector.broadcast %reduce_sum3A_434 : i1 to vector<16xi1>
        %reduce_sum3A_436 = tpu.scan <sum>, %add3A_430 masked %reduce_sum3A_435 : vector<16xf32>, vector<16xi1> -> vector<16xf32>
        %reduce_sum3A_437 = vector.extract %reduce_sum3A_436[15] : f32 from vector<16xf32>
        %broadcast_in_dim3A_438 = vector.broadcast %reduce_sum3A_437 : f32 to vector<16xf32>
        %select_n3A_439 = arith.select %eq3A_433, %broadcast_in_dim3A_438, %select_n3A_399 : vector<16xi1>, vector<16xf32>
        %add3A_440 = arith.constant 0 : i32
        %add3A_441 = arith.addi %mul3A_260, %add3A_440 : i32
        %add3A_442 = arith.constant 4 : i32
        %add3A_443 = arith.addi %add3A_441, %add3A_442 : i32
        %get3A_444 = arith.constant 0 : i32
        %get3A_445 = arith.index_cast %get3A_444 : i32 to index
        %get3A_446 = arith.index_cast %add3A_443 : i32 to index
        %get3A_447 = arith.constant 0 : index
        %get3A_448 = tpu.vector_load %arg8[%get3A_445, %get3A_446, %get3A_447] {strides = array<i32>} : memref<2x400x128xf32, #tpu.memory_space<vmem>>, vector<16xf32>,
        %mul3A_449 = arith.mulf %get3A_448, %get3A_266 : vector<16xf32>
        %get3A_450 = arith.constant 0 : i32
        %get3A_451 = arith.index_cast %get3A_450 : i32 to index
        %get3A_452 = arith.index_cast %add3A_443 : i32 to index
        %get3A_453 = arith.constant 16 : index
        %get3A_454 = tpu.vector_load %arg8[%get3A_451, %get3A_452, %get3A_453] {strides = array<i32>} : memref<2x400x128xf32, #tpu.memory_space<vmem>>, vector<16xf32>,
        %mul3A_455 = arith.mulf %get3A_454, %get3A_271 : vector<16xf32>
        %add3A_456 = arith.addf %mul3A_449, %mul3A_455 : vector<16xf32>
        %get3A_457 = arith.constant 0 : i32
        %get3A_458 = arith.index_cast %get3A_457 : i32 to index
        %get3A_459 = arith.index_cast %add3A_443 : i32 to index
        %get3A_460 = arith.constant 32 : index
        %get3A_461 = tpu.vector_load %arg8[%get3A_458, %get3A_459, %get3A_460] {strides = array<i32>} : memref<2x400x128xf32, #tpu.memory_space<vmem>>, vector<16xf32>,
        %mul3A_462 = arith.mulf %get3A_461, %get3A_276 : vector<16xf32>
        %add3A_463 = arith.addf %add3A_456, %mul3A_462 : vector<16xf32>
        %get3A_464 = arith.constant 0 : i32
        %get3A_465 = arith.index_cast %get3A_464 : i32 to index
        %get3A_466 = arith.index_cast %add3A_443 : i32 to index
        %get3A_467 = arith.constant 48 : index
        %get3A_468 = tpu.vector_load %arg8[%get3A_465, %get3A_466, %get3A_467] {strides = array<i32>} : memref<2x400x128xf32, #tpu.memory_space<vmem>>, vector<16xf32>,
        %mul3A_469 = arith.mulf %get3A_468, %get3A_281 : vector<16xf32>
        %add3A_470 = arith.addf %add3A_463, %mul3A_469 : vector<16xf32>
        %eq3A_471 = arith.constant 4 : i32
        %eq3A_472 = vector.broadcast %eq3A_471 : i32 to vector<16xi32>
        %eq3A_473 = arith.cmpi eq, %iota3A, %eq3A_472 : vector<16xi32>
        %reduce_sum3A_474 = arith.constant true
        %reduce_sum3A_475 = vector.broadcast %reduce_sum3A_474 : i1 to vector<16xi1>
        %reduce_sum3A_476 = tpu.scan <sum>, %add3A_470 masked %reduce_sum3A_475 : vector<16xf32>, vector<16xi1> -> vector<16xf32>
        %reduce_sum3A_477 = vector.extract %reduce_sum3A_476[15] : f32 from vector<16xf32>
        %broadcast_in_dim3A_478 = vector.broadcast %reduce_sum3A_477 : f32 to vector<16xf32>
        %select_n3A_479 = arith.select %eq3A_473, %broadcast_in_dim3A_478, %select_n3A_439 : vector<16xi1>, vector<16xf32>
        %add3A_480 = arith.constant 0 : i32
        %add3A_481 = arith.addi %mul3A_260, %add3A_480 : i32
        %add3A_482 = arith.constant 5 : i32
        %add3A_483 = arith.addi %add3A_481, %add3A_482 : i32
        %get3A_484 = arith.constant 0 : i32
        %get3A_485 = arith.index_cast %get3A_484 : i32 to index
        %get3A_486 = arith.index_cast %add3A_483 : i32 to index
        %get3A_487 = arith.constant 0 : index
        %get3A_488 = tpu.vector_load %arg8[%get3A_485, %get3A_486, %get3A_487] {strides = array<i32>} : memref<2x400x128xf32, #tpu.memory_space<vmem>>, vector<16xf32>,
        %mul3A_489 = arith.mulf %get3A_488, %get3A_266 : vector<16xf32>
        %get3A_490 = arith.constant 0 : i32
        %get3A_491 = arith.index_cast %get3A_490 : i32 to index
        %get3A_492 = arith.index_cast %add3A_483 : i32 to index
        %get3A_493 = arith.constant 16 : index
        %get3A_494 = tpu.vector_load %arg8[%get3A_491, %get3A_492, %get3A_493] {strides = array<i32>} : memref<2x400x128xf32, #tpu.memory_space<vmem>>, vector<16xf32>,
        %mul3A_495 = arith.mulf %get3A_494, %get3A_271 : vector<16xf32>
        %add3A_496 = arith.addf %mul3A_489, %mul3A_495 : vector<16xf32>
        %get3A_497 = arith.constant 0 : i32
        %get3A_498 = arith.index_cast %get3A_497 : i32 to index
        %get3A_499 = arith.index_cast %add3A_483 : i32 to index
        %get3A_500 = arith.constant 32 : index
        %get3A_501 = tpu.vector_load %arg8[%get3A_498, %get3A_499, %get3A_500] {strides = array<i32>} : memref<2x400x128xf32, #tpu.memory_space<vmem>>, vector<16xf32>,
        %mul3A_502 = arith.mulf %get3A_501, %get3A_276 : vector<16xf32>
        %add3A_503 = arith.addf %add3A_496, %mul3A_502 : vector<16xf32>
        %get3A_504 = arith.constant 0 : i32
        %get3A_505 = arith.index_cast %get3A_504 : i32 to index
        %get3A_506 = arith.index_cast %add3A_483 : i32 to index
        %get3A_507 = arith.constant 48 : index
        %get3A_508 = tpu.vector_load %arg8[%get3A_505, %get3A_506, %get3A_507] {strides = array<i32>} : memref<2x400x128xf32, #tpu.memory_space<vmem>>, vector<16xf32>,
        %mul3A_509 = arith.mulf %get3A_508, %get3A_281 : vector<16xf32>
        %add3A_510 = arith.addf %add3A_503, %mul3A_509 : vector<16xf32>
        %eq3A_511 = arith.constant 5 : i32
        %eq3A_512 = vector.broadcast %eq3A_511 : i32 to vector<16xi32>
        %eq3A_513 = arith.cmpi eq, %iota3A, %eq3A_512 : vector<16xi32>
        %reduce_sum3A_514 = arith.constant true
        %reduce_sum3A_515 = vector.broadcast %reduce_sum3A_514 : i1 to vector<16xi1>
        %reduce_sum3A_516 = tpu.scan <sum>, %add3A_510 masked %reduce_sum3A_515 : vector<16xf32>, vector<16xi1> -> vector<16xf32>
        %reduce_sum3A_517 = vector.extract %reduce_sum3A_516[15] : f32 from vector<16xf32>
        %broadcast_in_dim3A_518 = vector.broadcast %reduce_sum3A_517 : f32 to vector<16xf32>
        %select_n3A_519 = arith.select %eq3A_513, %broadcast_in_dim3A_518, %select_n3A_479 : vector<16xi1>, vector<16xf32>
        %add3A_520 = arith.constant 0 : i32
        %add3A_521 = arith.addi %mul3A_260, %add3A_520 : i32
        %add3A_522 = arith.constant 6 : i32
        %add3A_523 = arith.addi %add3A_521, %add3A_522 : i32
        %get3A_524 = arith.constant 0 : i32
        %get3A_525 = arith.index_cast %get3A_524 : i32 to index
        %get3A_526 = arith.index_cast %add3A_523 : i32 to index
        %get3A_527 = arith.constant 0 : index
        %get3A_528 = tpu.vector_load %arg8[%get3A_525, %get3A_526, %get3A_527] {strides = array<i32>} : memref<2x400x128xf32, #tpu.memory_space<vmem>>, vector<16xf32>,
        %mul3A_529 = arith.mulf %get3A_528, %get3A_266 : vector<16xf32>
        %get3A_530 = arith.constant 0 : i32
        %get3A_531 = arith.index_cast %get3A_530 : i32 to index
        %get3A_532 = arith.index_cast %add3A_523 : i32 to index
        %get3A_533 = arith.constant 16 : index
        %get3A_534 = tpu.vector_load %arg8[%get3A_531, %get3A_532, %get3A_533] {strides = array<i32>} : memref<2x400x128xf32, #tpu.memory_space<vmem>>, vector<16xf32>,
        %mul3A_535 = arith.mulf %get3A_534, %get3A_271 : vector<16xf32>
        %add3A_536 = arith.addf %mul3A_529, %mul3A_535 : vector<16xf32>
        %get3A_537 = arith.constant 0 : i32
        %get3A_538 = arith.index_cast %get3A_537 : i32 to index
        %get3A_539 = arith.index_cast %add3A_523 : i32 to index
        %get3A_540 = arith.constant 32 : index
        %get3A_541 = tpu.vector_load %arg8[%get3A_538, %get3A_539, %get3A_540] {strides = array<i32>} : memref<2x400x128xf32, #tpu.memory_space<vmem>>, vector<16xf32>,
        %mul3A_542 = arith.mulf %get3A_541, %get3A_276 : vector<16xf32>
        %add3A_543 = arith.addf %add3A_536, %mul3A_542 : vector<16xf32>
        %get3A_544 = arith.constant 0 : i32
        %get3A_545 = arith.index_cast %get3A_544 : i32 to index
        %get3A_546 = arith.index_cast %add3A_523 : i32 to index
        %get3A_547 = arith.constant 48 : index
        %get3A_548 = tpu.vector_load %arg8[%get3A_545, %get3A_546, %get3A_547] {strides = array<i32>} : memref<2x400x128xf32, #tpu.memory_space<vmem>>, vector<16xf32>,
        %mul3A_549 = arith.mulf %get3A_548, %get3A_281 : vector<16xf32>
        %add3A_550 = arith.addf %add3A_543, %mul3A_549 : vector<16xf32>
        %eq3A_551 = arith.constant 6 : i32
        %eq3A_552 = vector.broadcast %eq3A_551 : i32 to vector<16xi32>
        %eq3A_553 = arith.cmpi eq, %iota3A, %eq3A_552 : vector<16xi32>
        %reduce_sum3A_554 = arith.constant true
        %reduce_sum3A_555 = vector.broadcast %reduce_sum3A_554 : i1 to vector<16xi1>
        %reduce_sum3A_556 = tpu.scan <sum>, %add3A_550 masked %reduce_sum3A_555 : vector<16xf32>, vector<16xi1> -> vector<16xf32>
        %reduce_sum3A_557 = vector.extract %reduce_sum3A_556[15] : f32 from vector<16xf32>
        %broadcast_in_dim3A_558 = vector.broadcast %reduce_sum3A_557 : f32 to vector<16xf32>
        %select_n3A_559 = arith.select %eq3A_553, %broadcast_in_dim3A_558, %select_n3A_519 : vector<16xi1>, vector<16xf32>
        %add3A_560 = arith.constant 0 : i32
        %add3A_561 = arith.addi %mul3A_260, %add3A_560 : i32
        %add3A_562 = arith.constant 7 : i32
        %add3A_563 = arith.addi %add3A_561, %add3A_562 : i32
        %get3A_564 = arith.constant 0 : i32
        %get3A_565 = arith.index_cast %get3A_564 : i32 to index
        %get3A_566 = arith.index_cast %add3A_563 : i32 to index
        %get3A_567 = arith.constant 0 : index
        %get3A_568 = tpu.vector_load %arg8[%get3A_565, %get3A_566, %get3A_567] {strides = array<i32>} : memref<2x400x128xf32, #tpu.memory_space<vmem>>, vector<16xf32>,
        %mul3A_569 = arith.mulf %get3A_568, %get3A_266 : vector<16xf32>
        %get3A_570 = arith.constant 0 : i32
        %get3A_571 = arith.index_cast %get3A_570 : i32 to index
        %get3A_572 = arith.index_cast %add3A_563 : i32 to index
        %get3A_573 = arith.constant 16 : index
        %get3A_574 = tpu.vector_load %arg8[%get3A_571, %get3A_572, %get3A_573] {strides = array<i32>} : memref<2x400x128xf32, #tpu.memory_space<vmem>>, vector<16xf32>,
        %mul3A_575 = arith.mulf %get3A_574, %get3A_271 : vector<16xf32>
        %add3A_576 = arith.addf %mul3A_569, %mul3A_575 : vector<16xf32>
        %get3A_577 = arith.constant 0 : i32
        %get3A_578 = arith.index_cast %get3A_577 : i32 to index
        %get3A_579 = arith.index_cast %add3A_563 : i32 to index
        %get3A_580 = arith.constant 32 : index
        %get3A_581 = tpu.vector_load %arg8[%get3A_578, %get3A_579, %get3A_580] {strides = array<i32>} : memref<2x400x128xf32, #tpu.memory_space<vmem>>, vector<16xf32>,
        %mul3A_582 = arith.mulf %get3A_581, %get3A_276 : vector<16xf32>
        %add3A_583 = arith.addf %add3A_576, %mul3A_582 : vector<16xf32>
        %get3A_584 = arith.constant 0 : i32
        %get3A_585 = arith.index_cast %get3A_584 : i32 to index
        %get3A_586 = arith.index_cast %add3A_563 : i32 to index
        %get3A_587 = arith.constant 48 : index
        %get3A_588 = tpu.vector_load %arg8[%get3A_585, %get3A_586, %get3A_587] {strides = array<i32>} : memref<2x400x128xf32, #tpu.memory_space<vmem>>, vector<16xf32>,
        %mul3A_589 = arith.mulf %get3A_588, %get3A_281 : vector<16xf32>
        %add3A_590 = arith.addf %add3A_583, %mul3A_589 : vector<16xf32>
        %eq3A_591 = arith.constant 7 : i32
        %eq3A_592 = vector.broadcast %eq3A_591 : i32 to vector<16xi32>
        %eq3A_593 = arith.cmpi eq, %iota3A, %eq3A_592 : vector<16xi32>
        %reduce_sum3A_594 = arith.constant true
        %reduce_sum3A_595 = vector.broadcast %reduce_sum3A_594 : i1 to vector<16xi1>
        %reduce_sum3A_596 = tpu.scan <sum>, %add3A_590 masked %reduce_sum3A_595 : vector<16xf32>, vector<16xi1> -> vector<16xf32>
        %reduce_sum3A_597 = vector.extract %reduce_sum3A_596[15] : f32 from vector<16xf32>
        %broadcast_in_dim3A_598 = vector.broadcast %reduce_sum3A_597 : f32 to vector<16xf32>
        %select_n3A_599 = arith.select %eq3A_593, %broadcast_in_dim3A_598, %select_n3A_559 : vector<16xi1>, vector<16xf32>
        %add3A_600 = arith.constant 0 : i32
        %add3A_601 = arith.addi %mul3A_260, %add3A_600 : i32
        %add3A_602 = arith.constant 8 : i32
        %add3A_603 = arith.addi %add3A_601, %add3A_602 : i32
        %get3A_604 = arith.constant 0 : i32
        %get3A_605 = arith.index_cast %get3A_604 : i32 to index
        %get3A_606 = arith.index_cast %add3A_603 : i32 to index
        %get3A_607 = arith.constant 0 : index
        %get3A_608 = tpu.vector_load %arg8[%get3A_605, %get3A_606, %get3A_607] {strides = array<i32>} : memref<2x400x128xf32, #tpu.memory_space<vmem>>, vector<16xf32>,
        %mul3A_609 = arith.mulf %get3A_608, %get3A_266 : vector<16xf32>
        %get3A_610 = arith.constant 0 : i32
        %get3A_611 = arith.index_cast %get3A_610 : i32 to index
        %get3A_612 = arith.index_cast %add3A_603 : i32 to index
        %get3A_613 = arith.constant 16 : index
        %get3A_614 = tpu.vector_load %arg8[%get3A_611, %get3A_612, %get3A_613] {strides = array<i32>} : memref<2x400x128xf32, #tpu.memory_space<vmem>>, vector<16xf32>,
        %mul3A_615 = arith.mulf %get3A_614, %get3A_271 : vector<16xf32>
        %add3A_616 = arith.addf %mul3A_609, %mul3A_615 : vector<16xf32>
        %get3A_617 = arith.constant 0 : i32
        %get3A_618 = arith.index_cast %get3A_617 : i32 to index
        %get3A_619 = arith.index_cast %add3A_603 : i32 to index
        %get3A_620 = arith.constant 32 : index
        %get3A_621 = tpu.vector_load %arg8[%get3A_618, %get3A_619, %get3A_620] {strides = array<i32>} : memref<2x400x128xf32, #tpu.memory_space<vmem>>, vector<16xf32>,
        %mul3A_622 = arith.mulf %get3A_621, %get3A_276 : vector<16xf32>
        %add3A_623 = arith.addf %add3A_616, %mul3A_622 : vector<16xf32>
        %get3A_624 = arith.constant 0 : i32
        %get3A_625 = arith.index_cast %get3A_624 : i32 to index
        %get3A_626 = arith.index_cast %add3A_603 : i32 to index
        %get3A_627 = arith.constant 48 : index
        %get3A_628 = tpu.vector_load %arg8[%get3A_625, %get3A_626, %get3A_627] {strides = array<i32>} : memref<2x400x128xf32, #tpu.memory_space<vmem>>, vector<16xf32>,
        %mul3A_629 = arith.mulf %get3A_628, %get3A_281 : vector<16xf32>
        %add3A_630 = arith.addf %add3A_623, %mul3A_629 : vector<16xf32>
        %eq3A_631 = arith.constant 8 : i32
        %eq3A_632 = vector.broadcast %eq3A_631 : i32 to vector<16xi32>
        %eq3A_633 = arith.cmpi eq, %iota3A, %eq3A_632 : vector<16xi32>
        %reduce_sum3A_634 = arith.constant true
        %reduce_sum3A_635 = vector.broadcast %reduce_sum3A_634 : i1 to vector<16xi1>
        %reduce_sum3A_636 = tpu.scan <sum>, %add3A_630 masked %reduce_sum3A_635 : vector<16xf32>, vector<16xi1> -> vector<16xf32>
        %reduce_sum3A_637 = vector.extract %reduce_sum3A_636[15] : f32 from vector<16xf32>
        %broadcast_in_dim3A_638 = vector.broadcast %reduce_sum3A_637 : f32 to vector<16xf32>
        %select_n3A_639 = arith.select %eq3A_633, %broadcast_in_dim3A_638, %select_n3A_599 : vector<16xi1>, vector<16xf32>
        %add3A_640 = arith.constant 0 : i32
        %add3A_641 = arith.addi %mul3A_260, %add3A_640 : i32
        %add3A_642 = arith.constant 9 : i32
        %add3A_643 = arith.addi %add3A_641, %add3A_642 : i32
        %get3A_644 = arith.constant 0 : i32
        %get3A_645 = arith.index_cast %get3A_644 : i32 to index
        %get3A_646 = arith.index_cast %add3A_643 : i32 to index
        %get3A_647 = arith.constant 0 : index
        %get3A_648 = tpu.vector_load %arg8[%get3A_645, %get3A_646, %get3A_647] {strides = array<i32>} : memref<2x400x128xf32, #tpu.memory_space<vmem>>, vector<16xf32>,
        %mul3A_649 = arith.mulf %get3A_648, %get3A_266 : vector<16xf32>
        %get3A_650 = arith.constant 0 : i32
        %get3A_651 = arith.index_cast %get3A_650 : i32 to index
        %get3A_652 = arith.index_cast %add3A_643 : i32 to index
        %get3A_653 = arith.constant 16 : index
        %get3A_654 = tpu.vector_load %arg8[%get3A_651, %get3A_652, %get3A_653] {strides = array<i32>} : memref<2x400x128xf32, #tpu.memory_space<vmem>>, vector<16xf32>,
        %mul3A_655 = arith.mulf %get3A_654, %get3A_271 : vector<16xf32>
        %add3A_656 = arith.addf %mul3A_649, %mul3A_655 : vector<16xf32>
        %get3A_657 = arith.constant 0 : i32
        %get3A_658 = arith.index_cast %get3A_657 : i32 to index
        %get3A_659 = arith.index_cast %add3A_643 : i32 to index
        %get3A_660 = arith.constant 32 : index
        %get3A_661 = tpu.vector_load %arg8[%get3A_658, %get3A_659, %get3A_660] {strides = array<i32>} : memref<2x400x128xf32, #tpu.memory_space<vmem>>, vector<16xf32>,
        %mul3A_662 = arith.mulf %get3A_661, %get3A_276 : vector<16xf32>
        %add3A_663 = arith.addf %add3A_656, %mul3A_662 : vector<16xf32>
        %get3A_664 = arith.constant 0 : i32
        %get3A_665 = arith.index_cast %get3A_664 : i32 to index
        %get3A_666 = arith.index_cast %add3A_643 : i32 to index
        %get3A_667 = arith.constant 48 : index
        %get3A_668 = tpu.vector_load %arg8[%get3A_665, %get3A_666, %get3A_667] {strides = array<i32>} : memref<2x400x128xf32, #tpu.memory_space<vmem>>, vector<16xf32>,
        %mul3A_669 = arith.mulf %get3A_668, %get3A_281 : vector<16xf32>
        %add3A_670 = arith.addf %add3A_663, %mul3A_669 : vector<16xf32>
        %eq3A_671 = arith.constant 9 : i32
        %eq3A_672 = vector.broadcast %eq3A_671 : i32 to vector<16xi32>
        %eq3A_673 = arith.cmpi eq, %iota3A, %eq3A_672 : vector<16xi32>
        %reduce_sum3A_674 = arith.constant true
        %reduce_sum3A_675 = vector.broadcast %reduce_sum3A_674 : i1 to vector<16xi1>
        %reduce_sum3A_676 = tpu.scan <sum>, %add3A_670 masked %reduce_sum3A_675 : vector<16xf32>, vector<16xi1> -> vector<16xf32>
        %reduce_sum3A_677 = vector.extract %reduce_sum3A_676[15] : f32 from vector<16xf32>
        %broadcast_in_dim3A_678 = vector.broadcast %reduce_sum3A_677 : f32 to vector<16xf32>
        %select_n3A_679 = arith.select %eq3A_673, %broadcast_in_dim3A_678, %select_n3A_639 : vector<16xi1>, vector<16xf32>
        %add3A_680 = arith.constant 0 : i32
        %add3A_681 = arith.addi %mul3A_260, %add3A_680 : i32
        %add3A_682 = arith.constant 10 : i32
        %add3A_683 = arith.addi %add3A_681, %add3A_682 : i32
        %get3A_684 = arith.constant 0 : i32
        %get3A_685 = arith.index_cast %get3A_684 : i32 to index
        %get3A_686 = arith.index_cast %add3A_683 : i32 to index
        %get3A_687 = arith.constant 0 : index
        %get3A_688 = tpu.vector_load %arg8[%get3A_685, %get3A_686, %get3A_687] {strides = array<i32>} : memref<2x400x128xf32, #tpu.memory_space<vmem>>, vector<16xf32>,
        %mul3A_689 = arith.mulf %get3A_688, %get3A_266 : vector<16xf32>
        %get3A_690 = arith.constant 0 : i32
        %get3A_691 = arith.index_cast %get3A_690 : i32 to index
        %get3A_692 = arith.index_cast %add3A_683 : i32 to index
        %get3A_693 = arith.constant 16 : index
        %get3A_694 = tpu.vector_load %arg8[%get3A_691, %get3A_692, %get3A_693] {strides = array<i32>} : memref<2x400x128xf32, #tpu.memory_space<vmem>>, vector<16xf32>,
        %mul3A_695 = arith.mulf %get3A_694, %get3A_271 : vector<16xf32>
        %add3A_696 = arith.addf %mul3A_689, %mul3A_695 : vector<16xf32>
        %get3A_697 = arith.constant 0 : i32
        %get3A_698 = arith.index_cast %get3A_697 : i32 to index
        %get3A_699 = arith.index_cast %add3A_683 : i32 to index
        %get3A_700 = arith.constant 32 : index
        %get3A_701 = tpu.vector_load %arg8[%get3A_698, %get3A_699, %get3A_700] {strides = array<i32>} : memref<2x400x128xf32, #tpu.memory_space<vmem>>, vector<16xf32>,
        %mul3A_702 = arith.mulf %get3A_701, %get3A_276 : vector<16xf32>
        %add3A_703 = arith.addf %add3A_696, %mul3A_702 : vector<16xf32>
        %get3A_704 = arith.constant 0 : i32
        %get3A_705 = arith.index_cast %get3A_704 : i32 to index
        %get3A_706 = arith.index_cast %add3A_683 : i32 to index
        %get3A_707 = arith.constant 48 : index
        %get3A_708 = tpu.vector_load %arg8[%get3A_705, %get3A_706, %get3A_707] {strides = array<i32>} : memref<2x400x128xf32, #tpu.memory_space<vmem>>, vector<16xf32>,
        %mul3A_709 = arith.mulf %get3A_708, %get3A_281 : vector<16xf32>
        %add3A_710 = arith.addf %add3A_703, %mul3A_709 : vector<16xf32>
        %eq3A_711 = arith.constant 10 : i32
        %eq3A_712 = vector.broadcast %eq3A_711 : i32 to vector<16xi32>
        %eq3A_713 = arith.cmpi eq, %iota3A, %eq3A_712 : vector<16xi32>
        %reduce_sum3A_714 = arith.constant true
        %reduce_sum3A_715 = vector.broadcast %reduce_sum3A_714 : i1 to vector<16xi1>
        %reduce_sum3A_716 = tpu.scan <sum>, %add3A_710 masked %reduce_sum3A_715 : vector<16xf32>, vector<16xi1> -> vector<16xf32>
        %reduce_sum3A_717 = vector.extract %reduce_sum3A_716[15] : f32 from vector<16xf32>
        %broadcast_in_dim3A_718 = vector.broadcast %reduce_sum3A_717 : f32 to vector<16xf32>
        %select_n3A_719 = arith.select %eq3A_713, %broadcast_in_dim3A_718, %select_n3A_679 : vector<16xi1>, vector<16xf32>
        %add3A_720 = arith.constant 0 : i32
        %add3A_721 = arith.addi %mul3A_260, %add3A_720 : i32
        %add3A_722 = arith.constant 11 : i32
        %add3A_723 = arith.addi %add3A_721, %add3A_722 : i32
        %get3A_724 = arith.constant 0 : i32
        %get3A_725 = arith.index_cast %get3A_724 : i32 to index
        %get3A_726 = arith.index_cast %add3A_723 : i32 to index
        %get3A_727 = arith.constant 0 : index
        %get3A_728 = tpu.vector_load %arg8[%get3A_725, %get3A_726, %get3A_727] {strides = array<i32>} : memref<2x400x128xf32, #tpu.memory_space<vmem>>, vector<16xf32>,
        %mul3A_729 = arith.mulf %get3A_728, %get3A_266 : vector<16xf32>
        %get3A_730 = arith.constant 0 : i32
        %get3A_731 = arith.index_cast %get3A_730 : i32 to index
        %get3A_732 = arith.index_cast %add3A_723 : i32 to index
        %get3A_733 = arith.constant 16 : index
        %get3A_734 = tpu.vector_load %arg8[%get3A_731, %get3A_732, %get3A_733] {strides = array<i32>} : memref<2x400x128xf32, #tpu.memory_space<vmem>>, vector<16xf32>,
        %mul3A_735 = arith.mulf %get3A_734, %get3A_271 : vector<16xf32>
        %add3A_736 = arith.addf %mul3A_729, %mul3A_735 : vector<16xf32>
        %get3A_737 = arith.constant 0 : i32
        %get3A_738 = arith.index_cast %get3A_737 : i32 to index
        %get3A_739 = arith.index_cast %add3A_723 : i32 to index
        %get3A_740 = arith.constant 32 : index
        %get3A_741 = tpu.vector_load %arg8[%get3A_738, %get3A_739, %get3A_740] {strides = array<i32>} : memref<2x400x128xf32, #tpu.memory_space<vmem>>, vector<16xf32>,
        %mul3A_742 = arith.mulf %get3A_741, %get3A_276 : vector<16xf32>
        %add3A_743 = arith.addf %add3A_736, %mul3A_742 : vector<16xf32>
        %get3A_744 = arith.constant 0 : i32
        %get3A_745 = arith.index_cast %get3A_744 : i32 to index
        %get3A_746 = arith.index_cast %add3A_723 : i32 to index
        %get3A_747 = arith.constant 48 : index
        %get3A_748 = tpu.vector_load %arg8[%get3A_745, %get3A_746, %get3A_747] {strides = array<i32>} : memref<2x400x128xf32, #tpu.memory_space<vmem>>, vector<16xf32>,
        %mul3A_749 = arith.mulf %get3A_748, %get3A_281 : vector<16xf32>
        %add3A_750 = arith.addf %add3A_743, %mul3A_749 : vector<16xf32>
        %eq3A_751 = arith.constant 11 : i32
        %eq3A_752 = vector.broadcast %eq3A_751 : i32 to vector<16xi32>
        %eq3A_753 = arith.cmpi eq, %iota3A, %eq3A_752 : vector<16xi32>
        %reduce_sum3A_754 = arith.constant true
        %reduce_sum3A_755 = vector.broadcast %reduce_sum3A_754 : i1 to vector<16xi1>
        %reduce_sum3A_756 = tpu.scan <sum>, %add3A_750 masked %reduce_sum3A_755 : vector<16xf32>, vector<16xi1> -> vector<16xf32>
        %reduce_sum3A_757 = vector.extract %reduce_sum3A_756[15] : f32 from vector<16xf32>
        %broadcast_in_dim3A_758 = vector.broadcast %reduce_sum3A_757 : f32 to vector<16xf32>
        %select_n3A_759 = arith.select %eq3A_753, %broadcast_in_dim3A_758, %select_n3A_719 : vector<16xi1>, vector<16xf32>
        %add3A_760 = arith.constant 0 : i32
        %add3A_761 = arith.addi %mul3A_260, %add3A_760 : i32
        %add3A_762 = arith.constant 12 : i32
        %add3A_763 = arith.addi %add3A_761, %add3A_762 : i32
        %get3A_764 = arith.constant 0 : i32
        %get3A_765 = arith.index_cast %get3A_764 : i32 to index
        %get3A_766 = arith.index_cast %add3A_763 : i32 to index
        %get3A_767 = arith.constant 0 : index
        %get3A_768 = tpu.vector_load %arg8[%get3A_765, %get3A_766, %get3A_767] {strides = array<i32>} : memref<2x400x128xf32, #tpu.memory_space<vmem>>, vector<16xf32>,
        %mul3A_769 = arith.mulf %get3A_768, %get3A_266 : vector<16xf32>
        %get3A_770 = arith.constant 0 : i32
        %get3A_771 = arith.index_cast %get3A_770 : i32 to index
        %get3A_772 = arith.index_cast %add3A_763 : i32 to index
        %get3A_773 = arith.constant 16 : index
        %get3A_774 = tpu.vector_load %arg8[%get3A_771, %get3A_772, %get3A_773] {strides = array<i32>} : memref<2x400x128xf32, #tpu.memory_space<vmem>>, vector<16xf32>,
        %mul3A_775 = arith.mulf %get3A_774, %get3A_271 : vector<16xf32>
        %add3A_776 = arith.addf %mul3A_769, %mul3A_775 : vector<16xf32>
        %get3A_777 = arith.constant 0 : i32
        %get3A_778 = arith.index_cast %get3A_777 : i32 to index
        %get3A_779 = arith.index_cast %add3A_763 : i32 to index
        %get3A_780 = arith.constant 32 : index
        %get3A_781 = tpu.vector_load %arg8[%get3A_778, %get3A_779, %get3A_780] {strides = array<i32>} : memref<2x400x128xf32, #tpu.memory_space<vmem>>, vector<16xf32>,
        %mul3A_782 = arith.mulf %get3A_781, %get3A_276 : vector<16xf32>
        %add3A_783 = arith.addf %add3A_776, %mul3A_782 : vector<16xf32>
        %get3A_784 = arith.constant 0 : i32
        %get3A_785 = arith.index_cast %get3A_784 : i32 to index
        %get3A_786 = arith.index_cast %add3A_763 : i32 to index
        %get3A_787 = arith.constant 48 : index
        %get3A_788 = tpu.vector_load %arg8[%get3A_785, %get3A_786, %get3A_787] {strides = array<i32>} : memref<2x400x128xf32, #tpu.memory_space<vmem>>, vector<16xf32>,
        %mul3A_789 = arith.mulf %get3A_788, %get3A_281 : vector<16xf32>
        %add3A_790 = arith.addf %add3A_783, %mul3A_789 : vector<16xf32>
        %eq3A_791 = arith.constant 12 : i32
        %eq3A_792 = vector.broadcast %eq3A_791 : i32 to vector<16xi32>
        %eq3A_793 = arith.cmpi eq, %iota3A, %eq3A_792 : vector<16xi32>
        %reduce_sum3A_794 = arith.constant true
        %reduce_sum3A_795 = vector.broadcast %reduce_sum3A_794 : i1 to vector<16xi1>
        %reduce_sum3A_796 = tpu.scan <sum>, %add3A_790 masked %reduce_sum3A_795 : vector<16xf32>, vector<16xi1> -> vector<16xf32>
        %reduce_sum3A_797 = vector.extract %reduce_sum3A_796[15] : f32 from vector<16xf32>
        %broadcast_in_dim3A_798 = vector.broadcast %reduce_sum3A_797 : f32 to vector<16xf32>
        %select_n3A_799 = arith.select %eq3A_793, %broadcast_in_dim3A_798, %select_n3A_759 : vector<16xi1>, vector<16xf32>
        %add3A_800 = arith.constant 0 : i32
        %add3A_801 = arith.addi %mul3A_260, %add3A_800 : i32
        %add3A_802 = arith.constant 13 : i32
        %add3A_803 = arith.addi %add3A_801, %add3A_802 : i32
        %get3A_804 = arith.constant 0 : i32
        %get3A_805 = arith.index_cast %get3A_804 : i32 to index
        %get3A_806 = arith.index_cast %add3A_803 : i32 to index
        %get3A_807 = arith.constant 0 : index
        %get3A_808 = tpu.vector_load %arg8[%get3A_805, %get3A_806, %get3A_807] {strides = array<i32>} : memref<2x400x128xf32, #tpu.memory_space<vmem>>, vector<16xf32>,
        %mul3A_809 = arith.mulf %get3A_808, %get3A_266 : vector<16xf32>
        %get3A_810 = arith.constant 0 : i32
        %get3A_811 = arith.index_cast %get3A_810 : i32 to index
        %get3A_812 = arith.index_cast %add3A_803 : i32 to index
        %get3A_813 = arith.constant 16 : index
        %get3A_814 = tpu.vector_load %arg8[%get3A_811, %get3A_812, %get3A_813] {strides = array<i32>} : memref<2x400x128xf32, #tpu.memory_space<vmem>>, vector<16xf32>,
        %mul3A_815 = arith.mulf %get3A_814, %get3A_271 : vector<16xf32>
        %add3A_816 = arith.addf %mul3A_809, %mul3A_815 : vector<16xf32>
        %get3A_817 = arith.constant 0 : i32
        %get3A_818 = arith.index_cast %get3A_817 : i32 to index
        %get3A_819 = arith.index_cast %add3A_803 : i32 to index
        %get3A_820 = arith.constant 32 : index
        %get3A_821 = tpu.vector_load %arg8[%get3A_818, %get3A_819, %get3A_820] {strides = array<i32>} : memref<2x400x128xf32, #tpu.memory_space<vmem>>, vector<16xf32>,
        %mul3A_822 = arith.mulf %get3A_821, %get3A_276 : vector<16xf32>
        %add3A_823 = arith.addf %add3A_816, %mul3A_822 : vector<16xf32>
        %get3A_824 = arith.constant 0 : i32
        %get3A_825 = arith.index_cast %get3A_824 : i32 to index
        %get3A_826 = arith.index_cast %add3A_803 : i32 to index
        %get3A_827 = arith.constant 48 : index
        %get3A_828 = tpu.vector_load %arg8[%get3A_825, %get3A_826, %get3A_827] {strides = array<i32>} : memref<2x400x128xf32, #tpu.memory_space<vmem>>, vector<16xf32>,
        %mul3A_829 = arith.mulf %get3A_828, %get3A_281 : vector<16xf32>
        %add3A_830 = arith.addf %add3A_823, %mul3A_829 : vector<16xf32>
        %eq3A_831 = arith.constant 13 : i32
        %eq3A_832 = vector.broadcast %eq3A_831 : i32 to vector<16xi32>
        %eq3A_833 = arith.cmpi eq, %iota3A, %eq3A_832 : vector<16xi32>
        %reduce_sum3A_834 = arith.constant true
        %reduce_sum3A_835 = vector.broadcast %reduce_sum3A_834 : i1 to vector<16xi1>
        %reduce_sum3A_836 = tpu.scan <sum>, %add3A_830 masked %reduce_sum3A_835 : vector<16xf32>, vector<16xi1> -> vector<16xf32>
        %reduce_sum3A_837 = vector.extract %reduce_sum3A_836[15] : f32 from vector<16xf32>
        %broadcast_in_dim3A_838 = vector.broadcast %reduce_sum3A_837 : f32 to vector<16xf32>
        %select_n3A_839 = arith.select %eq3A_833, %broadcast_in_dim3A_838, %select_n3A_799 : vector<16xi1>, vector<16xf32>
        %add3A_840 = arith.constant 0 : i32
        %add3A_841 = arith.addi %mul3A_260, %add3A_840 : i32
        %add3A_842 = arith.constant 14 : i32
        %add3A_843 = arith.addi %add3A_841, %add3A_842 : i32
        %get3A_844 = arith.constant 0 : i32
        %get3A_845 = arith.index_cast %get3A_844 : i32 to index
        %get3A_846 = arith.index_cast %add3A_843 : i32 to index
        %get3A_847 = arith.constant 0 : index
        %get3A_848 = tpu.vector_load %arg8[%get3A_845, %get3A_846, %get3A_847] {strides = array<i32>} : memref<2x400x128xf32, #tpu.memory_space<vmem>>, vector<16xf32>,
        %mul3A_849 = arith.mulf %get3A_848, %get3A_266 : vector<16xf32>
        %get3A_850 = arith.constant 0 : i32
        %get3A_851 = arith.index_cast %get3A_850 : i32 to index
        %get3A_852 = arith.index_cast %add3A_843 : i32 to index
        %get3A_853 = arith.constant 16 : index
        %get3A_854 = tpu.vector_load %arg8[%get3A_851, %get3A_852, %get3A_853] {strides = array<i32>} : memref<2x400x128xf32, #tpu.memory_space<vmem>>, vector<16xf32>,
        %mul3A_855 = arith.mulf %get3A_854, %get3A_271 : vector<16xf32>
        %add3A_856 = arith.addf %mul3A_849, %mul3A_855 : vector<16xf32>
        %get3A_857 = arith.constant 0 : i32
        %get3A_858 = arith.index_cast %get3A_857 : i32 to index
        %get3A_859 = arith.index_cast %add3A_843 : i32 to index
        %get3A_860 = arith.constant 32 : index
        %get3A_861 = tpu.vector_load %arg8[%get3A_858, %get3A_859, %get3A_860] {strides = array<i32>} : memref<2x400x128xf32, #tpu.memory_space<vmem>>, vector<16xf32>,
        %mul3A_862 = arith.mulf %get3A_861, %get3A_276 : vector<16xf32>
        %add3A_863 = arith.addf %add3A_856, %mul3A_862 : vector<16xf32>
        %get3A_864 = arith.constant 0 : i32
        %get3A_865 = arith.index_cast %get3A_864 : i32 to index
        %get3A_866 = arith.index_cast %add3A_843 : i32 to index
        %get3A_867 = arith.constant 48 : index
        %get3A_868 = tpu.vector_load %arg8[%get3A_865, %get3A_866, %get3A_867] {strides = array<i32>} : memref<2x400x128xf32, #tpu.memory_space<vmem>>, vector<16xf32>,
        %mul3A_869 = arith.mulf %get3A_868, %get3A_281 : vector<16xf32>
        %add3A_870 = arith.addf %add3A_863, %mul3A_869 : vector<16xf32>
        %eq3A_871 = arith.constant 14 : i32
        %eq3A_872 = vector.broadcast %eq3A_871 : i32 to vector<16xi32>
        %eq3A_873 = arith.cmpi eq, %iota3A, %eq3A_872 : vector<16xi32>
        %reduce_sum3A_874 = arith.constant true
        %reduce_sum3A_875 = vector.broadcast %reduce_sum3A_874 : i1 to vector<16xi1>
        %reduce_sum3A_876 = tpu.scan <sum>, %add3A_870 masked %reduce_sum3A_875 : vector<16xf32>, vector<16xi1> -> vector<16xf32>
        %reduce_sum3A_877 = vector.extract %reduce_sum3A_876[15] : f32 from vector<16xf32>
        %broadcast_in_dim3A_878 = vector.broadcast %reduce_sum3A_877 : f32 to vector<16xf32>
        %select_n3A_879 = arith.select %eq3A_873, %broadcast_in_dim3A_878, %select_n3A_839 : vector<16xi1>, vector<16xf32>
        %add3A_880 = arith.constant 0 : i32
        %add3A_881 = arith.addi %mul3A_260, %add3A_880 : i32
        %add3A_882 = arith.constant 15 : i32
        %add3A_883 = arith.addi %add3A_881, %add3A_882 : i32
        %get3A_884 = arith.constant 0 : i32
        %get3A_885 = arith.index_cast %get3A_884 : i32 to index
        %get3A_886 = arith.index_cast %add3A_883 : i32 to index
        %get3A_887 = arith.constant 0 : index
        %get3A_888 = tpu.vector_load %arg8[%get3A_885, %get3A_886, %get3A_887] {strides = array<i32>} : memref<2x400x128xf32, #tpu.memory_space<vmem>>, vector<16xf32>,
        %mul3A_889 = arith.mulf %get3A_888, %get3A_266 : vector<16xf32>
        %get3A_890 = arith.constant 0 : i32
        %get3A_891 = arith.index_cast %get3A_890 : i32 to index
        %get3A_892 = arith.index_cast %add3A_883 : i32 to index
        %get3A_893 = arith.constant 16 : index
        %get3A_894 = tpu.vector_load %arg8[%get3A_891, %get3A_892, %get3A_893] {strides = array<i32>} : memref<2x400x128xf32, #tpu.memory_space<vmem>>, vector<16xf32>,
        %mul3A_895 = arith.mulf %get3A_894, %get3A_271 : vector<16xf32>
        %add3A_896 = arith.addf %mul3A_889, %mul3A_895 : vector<16xf32>
        %get3A_897 = arith.constant 0 : i32
        %get3A_898 = arith.index_cast %get3A_897 : i32 to index
        %get3A_899 = arith.index_cast %add3A_883 : i32 to index
        %get3A_900 = arith.constant 32 : index
        %get3A_901 = tpu.vector_load %arg8[%get3A_898, %get3A_899, %get3A_900] {strides = array<i32>} : memref<2x400x128xf32, #tpu.memory_space<vmem>>, vector<16xf32>,
        %mul3A_902 = arith.mulf %get3A_901, %get3A_276 : vector<16xf32>
        %add3A_903 = arith.addf %add3A_896, %mul3A_902 : vector<16xf32>
        %get3A_904 = arith.constant 0 : i32
        %get3A_905 = arith.index_cast %get3A_904 : i32 to index
        %get3A_906 = arith.index_cast %add3A_883 : i32 to index
        %get3A_907 = arith.constant 48 : index
        %get3A_908 = tpu.vector_load %arg8[%get3A_905, %get3A_906, %get3A_907] {strides = array<i32>} : memref<2x400x128xf32, #tpu.memory_space<vmem>>, vector<16xf32>,
        %mul3A_909 = arith.mulf %get3A_908, %get3A_281 : vector<16xf32>
        %add3A_910 = arith.addf %add3A_903, %mul3A_909 : vector<16xf32>
        %eq3A_911 = arith.constant 15 : i32
        %eq3A_912 = vector.broadcast %eq3A_911 : i32 to vector<16xi32>
        %eq3A_913 = arith.cmpi eq, %iota3A, %eq3A_912 : vector<16xi32>
        %reduce_sum3A_914 = arith.constant true
        %reduce_sum3A_915 = vector.broadcast %reduce_sum3A_914 : i1 to vector<16xi1>
        %reduce_sum3A_916 = tpu.scan <sum>, %add3A_910 masked %reduce_sum3A_915 : vector<16xf32>, vector<16xi1> -> vector<16xf32>
        %reduce_sum3A_917 = vector.extract %reduce_sum3A_916[15] : f32 from vector<16xf32>
        %broadcast_in_dim3A_918 = vector.broadcast %reduce_sum3A_917 : f32 to vector<16xf32>
        %select_n3A_919 = arith.select %eq3A_913, %broadcast_in_dim3A_918, %select_n3A_879 : vector<16xi1>, vector<16xf32>
        %broadcast_in_dim3A_920 = arith.constant 0.000000e+00 : f32
        %broadcast_in_dim3A_921 = vector.broadcast %broadcast_in_dim3A_920 : f32 to vector<16xf32>
        %add3A_922 = arith.constant 16 : i32
        %add3A_923 = arith.addi %mul3A_260, %add3A_922 : i32
        %add3A_924 = arith.constant 0 : i32
        %add3A_925 = arith.addi %add3A_923, %add3A_924 : i32
        %get3A_926 = arith.constant 0 : i32
        %get3A_927 = arith.index_cast %get3A_926 : i32 to index
        %get3A_928 = arith.index_cast %add3A_925 : i32 to index
        %get3A_929 = arith.constant 0 : index
        %get3A_930 = tpu.vector_load %arg8[%get3A_927, %get3A_928, %get3A_929] {strides = array<i32>} : memref<2x400x128xf32, #tpu.memory_space<vmem>>, vector<16xf32>,
        %mul3A_931 = arith.mulf %get3A_930, %get3A_266 : vector<16xf32>
        %get3A_932 = arith.constant 0 : i32
        %get3A_933 = arith.index_cast %get3A_932 : i32 to index
        %get3A_934 = arith.index_cast %add3A_925 : i32 to index
        %get3A_935 = arith.constant 16 : index
        %get3A_936 = tpu.vector_load %arg8[%get3A_933, %get3A_934, %get3A_935] {strides = array<i32>} : memref<2x400x128xf32, #tpu.memory_space<vmem>>, vector<16xf32>,
        %mul3A_937 = arith.mulf %get3A_936, %get3A_271 : vector<16xf32>
        %add3A_938 = arith.addf %mul3A_931, %mul3A_937 : vector<16xf32>
        %get3A_939 = arith.constant 0 : i32
        %get3A_940 = arith.index_cast %get3A_939 : i32 to index
        %get3A_941 = arith.index_cast %add3A_925 : i32 to index
        %get3A_942 = arith.constant 32 : index
        %get3A_943 = tpu.vector_load %arg8[%get3A_940, %get3A_941, %get3A_942] {strides = array<i32>} : memref<2x400x128xf32, #tpu.memory_space<vmem>>, vector<16xf32>,
        %mul3A_944 = arith.mulf %get3A_943, %get3A_276 : vector<16xf32>
        %add3A_945 = arith.addf %add3A_938, %mul3A_944 : vector<16xf32>
        %get3A_946 = arith.constant 0 : i32
        %get3A_947 = arith.index_cast %get3A_946 : i32 to index
        %get3A_948 = arith.index_cast %add3A_925 : i32 to index
        %get3A_949 = arith.constant 48 : index
        %get3A_950 = tpu.vector_load %arg8[%get3A_947, %get3A_948, %get3A_949] {strides = array<i32>} : memref<2x400x128xf32, #tpu.memory_space<vmem>>, vector<16xf32>,
        %mul3A_951 = arith.mulf %get3A_950, %get3A_281 : vector<16xf32>
        %add3A_952 = arith.addf %add3A_945, %mul3A_951 : vector<16xf32>
        %eq3A_953 = arith.constant 0 : i32
        %eq3A_954 = vector.broadcast %eq3A_953 : i32 to vector<16xi32>
        %eq3A_955 = arith.cmpi eq, %iota3A, %eq3A_954 : vector<16xi32>
        %reduce_sum3A_956 = arith.constant true
        %reduce_sum3A_957 = vector.broadcast %reduce_sum3A_956 : i1 to vector<16xi1>
        %reduce_sum3A_958 = tpu.scan <sum>, %add3A_952 masked %reduce_sum3A_957 : vector<16xf32>, vector<16xi1> -> vector<16xf32>
        %reduce_sum3A_959 = vector.extract %reduce_sum3A_958[15] : f32 from vector<16xf32>
        %broadcast_in_dim3A_960 = vector.broadcast %reduce_sum3A_959 : f32 to vector<16xf32>
        %select_n3A_961 = arith.select %eq3A_955, %broadcast_in_dim3A_960, %broadcast_in_dim3A_921 : vector<16xi1>, vector<16xf32>
        %add3A_962 = arith.constant 16 : i32
        %add3A_963 = arith.addi %mul3A_260, %add3A_962 : i32
        %add3A_964 = arith.constant 1 : i32
        %add3A_965 = arith.addi %add3A_963, %add3A_964 : i32
        %get3A_966 = arith.constant 0 : i32
        %get3A_967 = arith.index_cast %get3A_966 : i32 to index
        %get3A_968 = arith.index_cast %add3A_965 : i32 to index
        %get3A_969 = arith.constant 0 : index
        %get3A_970 = tpu.vector_load %arg8[%get3A_967, %get3A_968, %get3A_969] {strides = array<i32>} : memref<2x400x128xf32, #tpu.memory_space<vmem>>, vector<16xf32>,
        %mul3A_971 = arith.mulf %get3A_970, %get3A_266 : vector<16xf32>
        %get3A_972 = arith.constant 0 : i32
        %get3A_973 = arith.index_cast %get3A_972 : i32 to index
        %get3A_974 = arith.index_cast %add3A_965 : i32 to index
        %get3A_975 = arith.constant 16 : index
        %get3A_976 = tpu.vector_load %arg8[%get3A_973, %get3A_974, %get3A_975] {strides = array<i32>} : memref<2x400x128xf32, #tpu.memory_space<vmem>>, vector<16xf32>,
        %mul3A_977 = arith.mulf %get3A_976, %get3A_271 : vector<16xf32>
        %add3A_978 = arith.addf %mul3A_971, %mul3A_977 : vector<16xf32>
        %get3A_979 = arith.constant 0 : i32
        %get3A_980 = arith.index_cast %get3A_979 : i32 to index
        %get3A_981 = arith.index_cast %add3A_965 : i32 to index
        %get3A_982 = arith.constant 32 : index
        %get3A_983 = tpu.vector_load %arg8[%get3A_980, %get3A_981, %get3A_982] {strides = array<i32>} : memref<2x400x128xf32, #tpu.memory_space<vmem>>, vector<16xf32>,
        %mul3A_984 = arith.mulf %get3A_983, %get3A_276 : vector<16xf32>
        %add3A_985 = arith.addf %add3A_978, %mul3A_984 : vector<16xf32>
        %get3A_986 = arith.constant 0 : i32
        %get3A_987 = arith.index_cast %get3A_986 : i32 to index
        %get3A_988 = arith.index_cast %add3A_965 : i32 to index
        %get3A_989 = arith.constant 48 : index
        %get3A_990 = tpu.vector_load %arg8[%get3A_987, %get3A_988, %get3A_989] {strides = array<i32>} : memref<2x400x128xf32, #tpu.memory_space<vmem>>, vector<16xf32>,
        %mul3A_991 = arith.mulf %get3A_990, %get3A_281 : vector<16xf32>
        %add3A_992 = arith.addf %add3A_985, %mul3A_991 : vector<16xf32>
        %eq3A_993 = arith.constant 1 : i32
        %eq3A_994 = vector.broadcast %eq3A_993 : i32 to vector<16xi32>
        %eq3A_995 = arith.cmpi eq, %iota3A, %eq3A_994 : vector<16xi32>
        %reduce_sum3A_996 = arith.constant true
        %reduce_sum3A_997 = vector.broadcast %reduce_sum3A_996 : i1 to vector<16xi1>
        %reduce_sum3A_998 = tpu.scan <sum>, %add3A_992 masked %reduce_sum3A_997 : vector<16xf32>, vector<16xi1> -> vector<16xf32>
        %reduce_sum3A_999 = vector.extract %reduce_sum3A_998[15] : f32 from vector<16xf32>
        %broadcast_in_dim3A_1000 = vector.broadcast %reduce_sum3A_999 : f32 to vector<16xf32>
        %select_n3A_1001 = arith.select %eq3A_995, %broadcast_in_dim3A_1000, %select_n3A_961 : vector<16xi1>, vector<16xf32>
        %add3A_1002 = arith.constant 16 : i32
        %add3A_1003 = arith.addi %mul3A_260, %add3A_1002 : i32
        %add3A_1004 = arith.constant 2 : i32
        %add3A_1005 = arith.addi %add3A_1003, %add3A_1004 : i32
        %get3A_1006 = arith.constant 0 : i32
        %get3A_1007 = arith.index_cast %get3A_1006 : i32 to index
        %get3A_1008 = arith.index_cast %add3A_1005 : i32 to index
        %get3A_1009 = arith.constant 0 : index
        %get3A_1010 = tpu.vector_load %arg8[%get3A_1007, %get3A_1008, %get3A_1009] {strides = array<i32>} : memref<2x400x128xf32, #tpu.memory_space<vmem>>, vector<16xf32>,
        %mul3A_1011 = arith.mulf %get3A_1010, %get3A_266 : vector<16xf32>
        %get3A_1012 = arith.constant 0 : i32
        %get3A_1013 = arith.index_cast %get3A_1012 : i32 to index
        %get3A_1014 = arith.index_cast %add3A_1005 : i32 to index
        %get3A_1015 = arith.constant 16 : index
        %get3A_1016 = tpu.vector_load %arg8[%get3A_1013, %get3A_1014, %get3A_1015] {strides = array<i32>} : memref<2x400x128xf32, #tpu.memory_space<vmem>>, vector<16xf32>,
        %mul3A_1017 = arith.mulf %get3A_1016, %get3A_271 : vector<16xf32>
        %add3A_1018 = arith.addf %mul3A_1011, %mul3A_1017 : vector<16xf32>
        %get3A_1019 = arith.constant 0 : i32
        %get3A_1020 = arith.index_cast %get3A_1019 : i32 to index
        %get3A_1021 = arith.index_cast %add3A_1005 : i32 to index
        %get3A_1022 = arith.constant 32 : index
        %get3A_1023 = tpu.vector_load %arg8[%get3A_1020, %get3A_1021, %get3A_1022] {strides = array<i32>} : memref<2x400x128xf32, #tpu.memory_space<vmem>>, vector<16xf32>,
        %mul3A_1024 = arith.mulf %get3A_1023, %get3A_276 : vector<16xf32>
        %add3A_1025 = arith.addf %add3A_1018, %mul3A_1024 : vector<16xf32>
        %get3A_1026 = arith.constant 0 : i32
        %get3A_1027 = arith.index_cast %get3A_1026 : i32 to index
        %get3A_1028 = arith.index_cast %add3A_1005 : i32 to index
        %get3A_1029 = arith.constant 48 : index
        %get3A_1030 = tpu.vector_load %arg8[%get3A_1027, %get3A_1028, %get3A_1029] {strides = array<i32>} : memref<2x400x128xf32, #tpu.memory_space<vmem>>, vector<16xf32>,
        %mul3A_1031 = arith.mulf %get3A_1030, %get3A_281 : vector<16xf32>
        %add3A_1032 = arith.addf %add3A_1025, %mul3A_1031 : vector<16xf32>
        %eq3A_1033 = arith.constant 2 : i32
        %eq3A_1034 = vector.broadcast %eq3A_1033 : i32 to vector<16xi32>
        %eq3A_1035 = arith.cmpi eq, %iota3A, %eq3A_1034 : vector<16xi32>
        %reduce_sum3A_1036 = arith.constant true
        %reduce_sum3A_1037 = vector.broadcast %reduce_sum3A_1036 : i1 to vector<16xi1>
        %reduce_sum3A_1038 = tpu.scan <sum>, %add3A_1032 masked %reduce_sum3A_1037 : vector<16xf32>, vector<16xi1> -> vector<16xf32>
        %reduce_sum3A_1039 = vector.extract %reduce_sum3A_1038[15] : f32 from vector<16xf32>
        %broadcast_in_dim3A_1040 = vector.broadcast %reduce_sum3A_1039 : f32 to vector<16xf32>
        %select_n3A_1041 = arith.select %eq3A_1035, %broadcast_in_dim3A_1040, %select_n3A_1001 : vector<16xi1>, vector<16xf32>
        %add3A_1042 = arith.constant 16 : i32
        %add3A_1043 = arith.addi %mul3A_260, %add3A_1042 : i32
        %add3A_1044 = arith.constant 3 : i32
        %add3A_1045 = arith.addi %add3A_1043, %add3A_1044 : i32
        %get3A_1046 = arith.constant 0 : i32
        %get3A_1047 = arith.index_cast %get3A_1046 : i32 to index
        %get3A_1048 = arith.index_cast %add3A_1045 : i32 to index
        %get3A_1049 = arith.constant 0 : index
        %get3A_1050 = tpu.vector_load %arg8[%get3A_1047, %get3A_1048, %get3A_1049] {strides = array<i32>} : memref<2x400x128xf32, #tpu.memory_space<vmem>>, vector<16xf32>,
        %mul3A_1051 = arith.mulf %get3A_1050, %get3A_266 : vector<16xf32>
        %get3A_1052 = arith.constant 0 : i32
        %get3A_1053 = arith.index_cast %get3A_1052 : i32 to index
        %get3A_1054 = arith.index_cast %add3A_1045 : i32 to index
        %get3A_1055 = arith.constant 16 : index
        %get3A_1056 = tpu.vector_load %arg8[%get3A_1053, %get3A_1054, %get3A_1055] {strides = array<i32>} : memref<2x400x128xf32, #tpu.memory_space<vmem>>, vector<16xf32>,
        %mul3A_1057 = arith.mulf %get3A_1056, %get3A_271 : vector<16xf32>
        %add3A_1058 = arith.addf %mul3A_1051, %mul3A_1057 : vector<16xf32>
        %get3A_1059 = arith.constant 0 : i32
        %get3A_1060 = arith.index_cast %get3A_1059 : i32 to index
        %get3A_1061 = arith.index_cast %add3A_1045 : i32 to index
        %get3A_1062 = arith.constant 32 : index
        %get3A_1063 = tpu.vector_load %arg8[%get3A_1060, %get3A_1061, %get3A_1062] {strides = array<i32>} : memref<2x400x128xf32, #tpu.memory_space<vmem>>, vector<16xf32>,
        %mul3A_1064 = arith.mulf %get3A_1063, %get3A_276 : vector<16xf32>
        %add3A_1065 = arith.addf %add3A_1058, %mul3A_1064 : vector<16xf32>
        %get3A_1066 = arith.constant 0 : i32
        %get3A_1067 = arith.index_cast %get3A_1066 : i32 to index
        %get3A_1068 = arith.index_cast %add3A_1045 : i32 to index
        %get3A_1069 = arith.constant 48 : index
        %get3A_1070 = tpu.vector_load %arg8[%get3A_1067, %get3A_1068, %get3A_1069] {strides = array<i32>} : memref<2x400x128xf32, #tpu.memory_space<vmem>>, vector<16xf32>,
        %mul3A_1071 = arith.mulf %get3A_1070, %get3A_281 : vector<16xf32>
        %add3A_1072 = arith.addf %add3A_1065, %mul3A_1071 : vector<16xf32>
        %eq3A_1073 = arith.constant 3 : i32
        %eq3A_1074 = vector.broadcast %eq3A_1073 : i32 to vector<16xi32>
        %eq3A_1075 = arith.cmpi eq, %iota3A, %eq3A_1074 : vector<16xi32>
        %reduce_sum3A_1076 = arith.constant true
        %reduce_sum3A_1077 = vector.broadcast %reduce_sum3A_1076 : i1 to vector<16xi1>
        %reduce_sum3A_1078 = tpu.scan <sum>, %add3A_1072 masked %reduce_sum3A_1077 : vector<16xf32>, vector<16xi1> -> vector<16xf32>
        %reduce_sum3A_1079 = vector.extract %reduce_sum3A_1078[15] : f32 from vector<16xf32>
        %broadcast_in_dim3A_1080 = vector.broadcast %reduce_sum3A_1079 : f32 to vector<16xf32>
        %select_n3A_1081 = arith.select %eq3A_1075, %broadcast_in_dim3A_1080, %select_n3A_1041 : vector<16xi1>, vector<16xf32>
        %add3A_1082 = arith.constant 16 : i32
        %add3A_1083 = arith.addi %mul3A_260, %add3A_1082 : i32
        %add3A_1084 = arith.constant 4 : i32
        %add3A_1085 = arith.addi %add3A_1083, %add3A_1084 : i32
        %get3A_1086 = arith.constant 0 : i32
        %get3A_1087 = arith.index_cast %get3A_1086 : i32 to index
        %get3A_1088 = arith.index_cast %add3A_1085 : i32 to index
        %get3A_1089 = arith.constant 0 : index
        %get3A_1090 = tpu.vector_load %arg8[%get3A_1087, %get3A_1088, %get3A_1089] {strides = array<i32>} : memref<2x400x128xf32, #tpu.memory_space<vmem>>, vector<16xf32>,
        %mul3A_1091 = arith.mulf %get3A_1090, %get3A_266 : vector<16xf32>
        %get3A_1092 = arith.constant 0 : i32
        %get3A_1093 = arith.index_cast %get3A_1092 : i32 to index
        %get3A_1094 = arith.index_cast %add3A_1085 : i32 to index
        %get3A_1095 = arith.constant 16 : index
        %get3A_1096 = tpu.vector_load %arg8[%get3A_1093, %get3A_1094, %get3A_1095] {strides = array<i32>} : memref<2x400x128xf32, #tpu.memory_space<vmem>>, vector<16xf32>,
        %mul3A_1097 = arith.mulf %get3A_1096, %get3A_271 : vector<16xf32>
        %add3A_1098 = arith.addf %mul3A_1091, %mul3A_1097 : vector<16xf32>
        %get3A_1099 = arith.constant 0 : i32
        %get3A_1100 = arith.index_cast %get3A_1099 : i32 to index
        %get3A_1101 = arith.index_cast %add3A_1085 : i32 to index
        %get3A_1102 = arith.constant 32 : index
        %get3A_1103 = tpu.vector_load %arg8[%get3A_1100, %get3A_1101, %get3A_1102] {strides = array<i32>} : memref<2x400x128xf32, #tpu.memory_space<vmem>>, vector<16xf32>,
        %mul3A_1104 = arith.mulf %get3A_1103, %get3A_276 : vector<16xf32>
        %add3A_1105 = arith.addf %add3A_1098, %mul3A_1104 : vector<16xf32>
        %get3A_1106 = arith.constant 0 : i32
        %get3A_1107 = arith.index_cast %get3A_1106 : i32 to index
        %get3A_1108 = arith.index_cast %add3A_1085 : i32 to index
        %get3A_1109 = arith.constant 48 : index
        %get3A_1110 = tpu.vector_load %arg8[%get3A_1107, %get3A_1108, %get3A_1109] {strides = array<i32>} : memref<2x400x128xf32, #tpu.memory_space<vmem>>, vector<16xf32>,
        %mul3A_1111 = arith.mulf %get3A_1110, %get3A_281 : vector<16xf32>
        %add3A_1112 = arith.addf %add3A_1105, %mul3A_1111 : vector<16xf32>
        %eq3A_1113 = arith.constant 4 : i32
        %eq3A_1114 = vector.broadcast %eq3A_1113 : i32 to vector<16xi32>
        %eq3A_1115 = arith.cmpi eq, %iota3A, %eq3A_1114 : vector<16xi32>
        %reduce_sum3A_1116 = arith.constant true
        %reduce_sum3A_1117 = vector.broadcast %reduce_sum3A_1116 : i1 to vector<16xi1>
        %reduce_sum3A_1118 = tpu.scan <sum>, %add3A_1112 masked %reduce_sum3A_1117 : vector<16xf32>, vector<16xi1> -> vector<16xf32>
        %reduce_sum3A_1119 = vector.extract %reduce_sum3A_1118[15] : f32 from vector<16xf32>
        %broadcast_in_dim3A_1120 = vector.broadcast %reduce_sum3A_1119 : f32 to vector<16xf32>
        %select_n3A_1121 = arith.select %eq3A_1115, %broadcast_in_dim3A_1120, %select_n3A_1081 : vector<16xi1>, vector<16xf32>
        %add3A_1122 = arith.constant 16 : i32
        %add3A_1123 = arith.addi %mul3A_260, %add3A_1122 : i32
        %add3A_1124 = arith.constant 5 : i32
        %add3A_1125 = arith.addi %add3A_1123, %add3A_1124 : i32
        %get3A_1126 = arith.constant 0 : i32
        %get3A_1127 = arith.index_cast %get3A_1126 : i32 to index
        %get3A_1128 = arith.index_cast %add3A_1125 : i32 to index
        %get3A_1129 = arith.constant 0 : index
        %get3A_1130 = tpu.vector_load %arg8[%get3A_1127, %get3A_1128, %get3A_1129] {strides = array<i32>} : memref<2x400x128xf32, #tpu.memory_space<vmem>>, vector<16xf32>,
        %mul3A_1131 = arith.mulf %get3A_1130, %get3A_266 : vector<16xf32>
        %get3A_1132 = arith.constant 0 : i32
        %get3A_1133 = arith.index_cast %get3A_1132 : i32 to index
        %get3A_1134 = arith.index_cast %add3A_1125 : i32 to index
        %get3A_1135 = arith.constant 16 : index
        %get3A_1136 = tpu.vector_load %arg8[%get3A_1133, %get3A_1134, %get3A_1135] {strides = array<i32>} : memref<2x400x128xf32, #tpu.memory_space<vmem>>, vector<16xf32>,
        %mul3A_1137 = arith.mulf %get3A_1136, %get3A_271 : vector<16xf32>
        %add3A_1138 = arith.addf %mul3A_1131, %mul3A_1137 : vector<16xf32>
        %get3A_1139 = arith.constant 0 : i32
        %get3A_1140 = arith.index_cast %get3A_1139 : i32 to index
        %get3A_1141 = arith.index_cast %add3A_1125 : i32 to index
        %get3A_1142 = arith.constant 32 : index
        %get3A_1143 = tpu.vector_load %arg8[%get3A_1140, %get3A_1141, %get3A_1142] {strides = array<i32>} : memref<2x400x128xf32, #tpu.memory_space<vmem>>, vector<16xf32>,
        %mul3A_1144 = arith.mulf %get3A_1143, %get3A_276 : vector<16xf32>
        %add3A_1145 = arith.addf %add3A_1138, %mul3A_1144 : vector<16xf32>
        %get3A_1146 = arith.constant 0 : i32
        %get3A_1147 = arith.index_cast %get3A_1146 : i32 to index
        %get3A_1148 = arith.index_cast %add3A_1125 : i32 to index
        %get3A_1149 = arith.constant 48 : index
        %get3A_1150 = tpu.vector_load %arg8[%get3A_1147, %get3A_1148, %get3A_1149] {strides = array<i32>} : memref<2x400x128xf32, #tpu.memory_space<vmem>>, vector<16xf32>,
        %mul3A_1151 = arith.mulf %get3A_1150, %get3A_281 : vector<16xf32>
        %add3A_1152 = arith.addf %add3A_1145, %mul3A_1151 : vector<16xf32>
        %eq3A_1153 = arith.constant 5 : i32
        %eq3A_1154 = vector.broadcast %eq3A_1153 : i32 to vector<16xi32>
        %eq3A_1155 = arith.cmpi eq, %iota3A, %eq3A_1154 : vector<16xi32>
        %reduce_sum3A_1156 = arith.constant true
        %reduce_sum3A_1157 = vector.broadcast %reduce_sum3A_1156 : i1 to vector<16xi1>
        %reduce_sum3A_1158 = tpu.scan <sum>, %add3A_1152 masked %reduce_sum3A_1157 : vector<16xf32>, vector<16xi1> -> vector<16xf32>
        %reduce_sum3A_1159 = vector.extract %reduce_sum3A_1158[15] : f32 from vector<16xf32>
        %broadcast_in_dim3A_1160 = vector.broadcast %reduce_sum3A_1159 : f32 to vector<16xf32>
        %select_n3A_1161 = arith.select %eq3A_1155, %broadcast_in_dim3A_1160, %select_n3A_1121 : vector<16xi1>, vector<16xf32>
        %add3A_1162 = arith.constant 16 : i32
        %add3A_1163 = arith.addi %mul3A_260, %add3A_1162 : i32
        %add3A_1164 = arith.constant 6 : i32
        %add3A_1165 = arith.addi %add3A_1163, %add3A_1164 : i32
        %get3A_1166 = arith.constant 0 : i32
        %get3A_1167 = arith.index_cast %get3A_1166 : i32 to index
        %get3A_1168 = arith.index_cast %add3A_1165 : i32 to index
        %get3A_1169 = arith.constant 0 : index
        %get3A_1170 = tpu.vector_load %arg8[%get3A_1167, %get3A_1168, %get3A_1169] {strides = array<i32>} : memref<2x400x128xf32, #tpu.memory_space<vmem>>, vector<16xf32>,
        %mul3A_1171 = arith.mulf %get3A_1170, %get3A_266 : vector<16xf32>
        %get3A_1172 = arith.constant 0 : i32
        %get3A_1173 = arith.index_cast %get3A_1172 : i32 to index
        %get3A_1174 = arith.index_cast %add3A_1165 : i32 to index
        %get3A_1175 = arith.constant 16 : index
        %get3A_1176 = tpu.vector_load %arg8[%get3A_1173, %get3A_1174, %get3A_1175] {strides = array<i32>} : memref<2x400x128xf32, #tpu.memory_space<vmem>>, vector<16xf32>,
        %mul3A_1177 = arith.mulf %get3A_1176, %get3A_271 : vector<16xf32>
        %add3A_1178 = arith.addf %mul3A_1171, %mul3A_1177 : vector<16xf32>
        %get3A_1179 = arith.constant 0 : i32
        %get3A_1180 = arith.index_cast %get3A_1179 : i32 to index
        %get3A_1181 = arith.index_cast %add3A_1165 : i32 to index
        %get3A_1182 = arith.constant 32 : index
        %get3A_1183 = tpu.vector_load %arg8[%get3A_1180, %get3A_1181, %get3A_1182] {strides = array<i32>} : memref<2x400x128xf32, #tpu.memory_space<vmem>>, vector<16xf32>,
        %mul3A_1184 = arith.mulf %get3A_1183, %get3A_276 : vector<16xf32>
        %add3A_1185 = arith.addf %add3A_1178, %mul3A_1184 : vector<16xf32>
        %get3A_1186 = arith.constant 0 : i32
        %get3A_1187 = arith.index_cast %get3A_1186 : i32 to index
        %get3A_1188 = arith.index_cast %add3A_1165 : i32 to index
        %get3A_1189 = arith.constant 48 : index
        %get3A_1190 = tpu.vector_load %arg8[%get3A_1187, %get3A_1188, %get3A_1189] {strides = array<i32>} : memref<2x400x128xf32, #tpu.memory_space<vmem>>, vector<16xf32>,
        %mul3A_1191 = arith.mulf %get3A_1190, %get3A_281 : vector<16xf32>
        %add3A_1192 = arith.addf %add3A_1185, %mul3A_1191 : vector<16xf32>
        %eq3A_1193 = arith.constant 6 : i32
        %eq3A_1194 = vector.broadcast %eq3A_1193 : i32 to vector<16xi32>
        %eq3A_1195 = arith.cmpi eq, %iota3A, %eq3A_1194 : vector<16xi32>
        %reduce_sum3A_1196 = arith.constant true
        %reduce_sum3A_1197 = vector.broadcast %reduce_sum3A_1196 : i1 to vector<16xi1>
        %reduce_sum3A_1198 = tpu.scan <sum>, %add3A_1192 masked %reduce_sum3A_1197 : vector<16xf32>, vector<16xi1> -> vector<16xf32>
        %reduce_sum3A_1199 = vector.extract %reduce_sum3A_1198[15] : f32 from vector<16xf32>
        %broadcast_in_dim3A_1200 = vector.broadcast %reduce_sum3A_1199 : f32 to vector<16xf32>
        %select_n3A_1201 = arith.select %eq3A_1195, %broadcast_in_dim3A_1200, %select_n3A_1161 : vector<16xi1>, vector<16xf32>
        %add3A_1202 = arith.constant 16 : i32
        %add3A_1203 = arith.addi %mul3A_260, %add3A_1202 : i32
        %add3A_1204 = arith.constant 7 : i32
        %add3A_1205 = arith.addi %add3A_1203, %add3A_1204 : i32
        %get3A_1206 = arith.constant 0 : i32
        %get3A_1207 = arith.index_cast %get3A_1206 : i32 to index
        %get3A_1208 = arith.index_cast %add3A_1205 : i32 to index
        %get3A_1209 = arith.constant 0 : index
        %get3A_1210 = tpu.vector_load %arg8[%get3A_1207, %get3A_1208, %get3A_1209] {strides = array<i32>} : memref<2x400x128xf32, #tpu.memory_space<vmem>>, vector<16xf32>,
        %mul3A_1211 = arith.mulf %get3A_1210, %get3A_266 : vector<16xf32>
        %get3A_1212 = arith.constant 0 : i32
        %get3A_1213 = arith.index_cast %get3A_1212 : i32 to index
        %get3A_1214 = arith.index_cast %add3A_1205 : i32 to index
        %get3A_1215 = arith.constant 16 : index
        %get3A_1216 = tpu.vector_load %arg8[%get3A_1213, %get3A_1214, %get3A_1215] {strides = array<i32>} : memref<2x400x128xf32, #tpu.memory_space<vmem>>, vector<16xf32>,
        %mul3A_1217 = arith.mulf %get3A_1216, %get3A_271 : vector<16xf32>
        %add3A_1218 = arith.addf %mul3A_1211, %mul3A_1217 : vector<16xf32>
        %get3A_1219 = arith.constant 0 : i32
        %get3A_1220 = arith.index_cast %get3A_1219 : i32 to index
        %get3A_1221 = arith.index_cast %add3A_1205 : i32 to index
        %get3A_1222 = arith.constant 32 : index
        %get3A_1223 = tpu.vector_load %arg8[%get3A_1220, %get3A_1221, %get3A_1222] {strides = array<i32>} : memref<2x400x128xf32, #tpu.memory_space<vmem>>, vector<16xf32>,
        %mul3A_1224 = arith.mulf %get3A_1223, %get3A_276 : vector<16xf32>
        %add3A_1225 = arith.addf %add3A_1218, %mul3A_1224 : vector<16xf32>
        %get3A_1226 = arith.constant 0 : i32
        %get3A_1227 = arith.index_cast %get3A_1226 : i32 to index
        %get3A_1228 = arith.index_cast %add3A_1205 : i32 to index
        %get3A_1229 = arith.constant 48 : index
        %get3A_1230 = tpu.vector_load %arg8[%get3A_1227, %get3A_1228, %get3A_1229] {strides = array<i32>} : memref<2x400x128xf32, #tpu.memory_space<vmem>>, vector<16xf32>,
        %mul3A_1231 = arith.mulf %get3A_1230, %get3A_281 : vector<16xf32>
        %add3A_1232 = arith.addf %add3A_1225, %mul3A_1231 : vector<16xf32>
        %eq3A_1233 = arith.constant 7 : i32
        %eq3A_1234 = vector.broadcast %eq3A_1233 : i32 to vector<16xi32>
        %eq3A_1235 = arith.cmpi eq, %iota3A, %eq3A_1234 : vector<16xi32>
        %reduce_sum3A_1236 = arith.constant true
        %reduce_sum3A_1237 = vector.broadcast %reduce_sum3A_1236 : i1 to vector<16xi1>
        %reduce_sum3A_1238 = tpu.scan <sum>, %add3A_1232 masked %reduce_sum3A_1237 : vector<16xf32>, vector<16xi1> -> vector<16xf32>
        %reduce_sum3A_1239 = vector.extract %reduce_sum3A_1238[15] : f32 from vector<16xf32>
        %broadcast_in_dim3A_1240 = vector.broadcast %reduce_sum3A_1239 : f32 to vector<16xf32>
        %select_n3A_1241 = arith.select %eq3A_1235, %broadcast_in_dim3A_1240, %select_n3A_1201 : vector<16xi1>, vector<16xf32>
        %add3A_1242 = arith.constant 16 : i32
        %add3A_1243 = arith.addi %mul3A_260, %add3A_1242 : i32
        %add3A_1244 = arith.constant 8 : i32
        %add3A_1245 = arith.addi %add3A_1243, %add3A_1244 : i32
        %get3A_1246 = arith.constant 0 : i32
        %get3A_1247 = arith.index_cast %get3A_1246 : i32 to index
        %get3A_1248 = arith.index_cast %add3A_1245 : i32 to index
        %get3A_1249 = arith.constant 0 : index
        %get3A_1250 = tpu.vector_load %arg8[%get3A_1247, %get3A_1248, %get3A_1249] {strides = array<i32>} : memref<2x400x128xf32, #tpu.memory_space<vmem>>, vector<16xf32>,
        %mul3A_1251 = arith.mulf %get3A_1250, %get3A_266 : vector<16xf32>
        %get3A_1252 = arith.constant 0 : i32
        %get3A_1253 = arith.index_cast %get3A_1252 : i32 to index
        %get3A_1254 = arith.index_cast %add3A_1245 : i32 to index
        %get3A_1255 = arith.constant 16 : index
        %get3A_1256 = tpu.vector_load %arg8[%get3A_1253, %get3A_1254, %get3A_1255] {strides = array<i32>} : memref<2x400x128xf32, #tpu.memory_space<vmem>>, vector<16xf32>,
        %mul3A_1257 = arith.mulf %get3A_1256, %get3A_271 : vector<16xf32>
        %add3A_1258 = arith.addf %mul3A_1251, %mul3A_1257 : vector<16xf32>
        %get3A_1259 = arith.constant 0 : i32
        %get3A_1260 = arith.index_cast %get3A_1259 : i32 to index
        %get3A_1261 = arith.index_cast %add3A_1245 : i32 to index
        %get3A_1262 = arith.constant 32 : index
        %get3A_1263 = tpu.vector_load %arg8[%get3A_1260, %get3A_1261, %get3A_1262] {strides = array<i32>} : memref<2x400x128xf32, #tpu.memory_space<vmem>>, vector<16xf32>,
        %mul3A_1264 = arith.mulf %get3A_1263, %get3A_276 : vector<16xf32>
        %add3A_1265 = arith.addf %add3A_1258, %mul3A_1264 : vector<16xf32>
        %get3A_1266 = arith.constant 0 : i32
        %get3A_1267 = arith.index_cast %get3A_1266 : i32 to index
        %get3A_1268 = arith.index_cast %add3A_1245 : i32 to index
        %get3A_1269 = arith.constant 48 : index
        %get3A_1270 = tpu.vector_load %arg8[%get3A_1267, %get3A_1268, %get3A_1269] {strides = array<i32>} : memref<2x400x128xf32, #tpu.memory_space<vmem>>, vector<16xf32>,
        %mul3A_1271 = arith.mulf %get3A_1270, %get3A_281 : vector<16xf32>
        %add3A_1272 = arith.addf %add3A_1265, %mul3A_1271 : vector<16xf32>
        %eq3A_1273 = arith.constant 8 : i32
        %eq3A_1274 = vector.broadcast %eq3A_1273 : i32 to vector<16xi32>
        %eq3A_1275 = arith.cmpi eq, %iota3A, %eq3A_1274 : vector<16xi32>
        %reduce_sum3A_1276 = arith.constant true
        %reduce_sum3A_1277 = vector.broadcast %reduce_sum3A_1276 : i1 to vector<16xi1>
        %reduce_sum3A_1278 = tpu.scan <sum>, %add3A_1272 masked %reduce_sum3A_1277 : vector<16xf32>, vector<16xi1> -> vector<16xf32>
        %reduce_sum3A_1279 = vector.extract %reduce_sum3A_1278[15] : f32 from vector<16xf32>
        %broadcast_in_dim3A_1280 = vector.broadcast %reduce_sum3A_1279 : f32 to vector<16xf32>
        %select_n3A_1281 = arith.select %eq3A_1275, %broadcast_in_dim3A_1280, %select_n3A_1241 : vector<16xi1>, vector<16xf32>
        %add3A_1282 = arith.constant 16 : i32
        %add3A_1283 = arith.addi %mul3A_260, %add3A_1282 : i32
        %add3A_1284 = arith.constant 9 : i32
        %add3A_1285 = arith.addi %add3A_1283, %add3A_1284 : i32
        %get3A_1286 = arith.constant 0 : i32
        %get3A_1287 = arith.index_cast %get3A_1286 : i32 to index
        %get3A_1288 = arith.index_cast %add3A_1285 : i32 to index
        %get3A_1289 = arith.constant 0 : index
        %get3A_1290 = tpu.vector_load %arg8[%get3A_1287, %get3A_1288, %get3A_1289] {strides = array<i32>} : memref<2x400x128xf32, #tpu.memory_space<vmem>>, vector<16xf32>,
        %mul3A_1291 = arith.mulf %get3A_1290, %get3A_266 : vector<16xf32>
        %get3A_1292 = arith.constant 0 : i32
        %get3A_1293 = arith.index_cast %get3A_1292 : i32 to index
        %get3A_1294 = arith.index_cast %add3A_1285 : i32 to index
        %get3A_1295 = arith.constant 16 : index
        %get3A_1296 = tpu.vector_load %arg8[%get3A_1293, %get3A_1294, %get3A_1295] {strides = array<i32>} : memref<2x400x128xf32, #tpu.memory_space<vmem>>, vector<16xf32>,
        %mul3A_1297 = arith.mulf %get3A_1296, %get3A_271 : vector<16xf32>
        %add3A_1298 = arith.addf %mul3A_1291, %mul3A_1297 : vector<16xf32>
        %get3A_1299 = arith.constant 0 : i32
        %get3A_1300 = arith.index_cast %get3A_1299 : i32 to index
        %get3A_1301 = arith.index_cast %add3A_1285 : i32 to index
        %get3A_1302 = arith.constant 32 : index
        %get3A_1303 = tpu.vector_load %arg8[%get3A_1300, %get3A_1301, %get3A_1302] {strides = array<i32>} : memref<2x400x128xf32, #tpu.memory_space<vmem>>, vector<16xf32>,
        %mul3A_1304 = arith.mulf %get3A_1303, %get3A_276 : vector<16xf32>
        %add3A_1305 = arith.addf %add3A_1298, %mul3A_1304 : vector<16xf32>
        %get3A_1306 = arith.constant 0 : i32
        %get3A_1307 = arith.index_cast %get3A_1306 : i32 to index
        %get3A_1308 = arith.index_cast %add3A_1285 : i32 to index
        %get3A_1309 = arith.constant 48 : index
        %get3A_1310 = tpu.vector_load %arg8[%get3A_1307, %get3A_1308, %get3A_1309] {strides = array<i32>} : memref<2x400x128xf32, #tpu.memory_space<vmem>>, vector<16xf32>,
        %mul3A_1311 = arith.mulf %get3A_1310, %get3A_281 : vector<16xf32>
        %add3A_1312 = arith.addf %add3A_1305, %mul3A_1311 : vector<16xf32>
        %eq3A_1313 = arith.constant 9 : i32
        %eq3A_1314 = vector.broadcast %eq3A_1313 : i32 to vector<16xi32>
        %eq3A_1315 = arith.cmpi eq, %iota3A, %eq3A_1314 : vector<16xi32>
        %reduce_sum3A_1316 = arith.constant true
        %reduce_sum3A_1317 = vector.broadcast %reduce_sum3A_1316 : i1 to vector<16xi1>
        %reduce_sum3A_1318 = tpu.scan <sum>, %add3A_1312 masked %reduce_sum3A_1317 : vector<16xf32>, vector<16xi1> -> vector<16xf32>
        %reduce_sum3A_1319 = vector.extract %reduce_sum3A_1318[15] : f32 from vector<16xf32>
        %broadcast_in_dim3A_1320 = vector.broadcast %reduce_sum3A_1319 : f32 to vector<16xf32>
        %select_n3A_1321 = arith.select %eq3A_1315, %broadcast_in_dim3A_1320, %select_n3A_1281 : vector<16xi1>, vector<16xf32>
        %add3A_1322 = arith.constant 16 : i32
        %add3A_1323 = arith.addi %mul3A_260, %add3A_1322 : i32
        %add3A_1324 = arith.constant 10 : i32
        %add3A_1325 = arith.addi %add3A_1323, %add3A_1324 : i32
        %get3A_1326 = arith.constant 0 : i32
        %get3A_1327 = arith.index_cast %get3A_1326 : i32 to index
        %get3A_1328 = arith.index_cast %add3A_1325 : i32 to index
        %get3A_1329 = arith.constant 0 : index
        %get3A_1330 = tpu.vector_load %arg8[%get3A_1327, %get3A_1328, %get3A_1329] {strides = array<i32>} : memref<2x400x128xf32, #tpu.memory_space<vmem>>, vector<16xf32>,
        %mul3A_1331 = arith.mulf %get3A_1330, %get3A_266 : vector<16xf32>
        %get3A_1332 = arith.constant 0 : i32
        %get3A_1333 = arith.index_cast %get3A_1332 : i32 to index
        %get3A_1334 = arith.index_cast %add3A_1325 : i32 to index
        %get3A_1335 = arith.constant 16 : index
        %get3A_1336 = tpu.vector_load %arg8[%get3A_1333, %get3A_1334, %get3A_1335] {strides = array<i32>} : memref<2x400x128xf32, #tpu.memory_space<vmem>>, vector<16xf32>,
        %mul3A_1337 = arith.mulf %get3A_1336, %get3A_271 : vector<16xf32>
        %add3A_1338 = arith.addf %mul3A_1331, %mul3A_1337 : vector<16xf32>
        %get3A_1339 = arith.constant 0 : i32
        %get3A_1340 = arith.index_cast %get3A_1339 : i32 to index
        %get3A_1341 = arith.index_cast %add3A_1325 : i32 to index
        %get3A_1342 = arith.constant 32 : index
        %get3A_1343 = tpu.vector_load %arg8[%get3A_1340, %get3A_1341, %get3A_1342] {strides = array<i32>} : memref<2x400x128xf32, #tpu.memory_space<vmem>>, vector<16xf32>,
        %mul3A_1344 = arith.mulf %get3A_1343, %get3A_276 : vector<16xf32>
        %add3A_1345 = arith.addf %add3A_1338, %mul3A_1344 : vector<16xf32>
        %get3A_1346 = arith.constant 0 : i32
        %get3A_1347 = arith.index_cast %get3A_1346 : i32 to index
        %get3A_1348 = arith.index_cast %add3A_1325 : i32 to index
        %get3A_1349 = arith.constant 48 : index
        %get3A_1350 = tpu.vector_load %arg8[%get3A_1347, %get3A_1348, %get3A_1349] {strides = array<i32>} : memref<2x400x128xf32, #tpu.memory_space<vmem>>, vector<16xf32>,
        %mul3A_1351 = arith.mulf %get3A_1350, %get3A_281 : vector<16xf32>
        %add3A_1352 = arith.addf %add3A_1345, %mul3A_1351 : vector<16xf32>
        %eq3A_1353 = arith.constant 10 : i32
        %eq3A_1354 = vector.broadcast %eq3A_1353 : i32 to vector<16xi32>
        %eq3A_1355 = arith.cmpi eq, %iota3A, %eq3A_1354 : vector<16xi32>
        %reduce_sum3A_1356 = arith.constant true
        %reduce_sum3A_1357 = vector.broadcast %reduce_sum3A_1356 : i1 to vector<16xi1>
        %reduce_sum3A_1358 = tpu.scan <sum>, %add3A_1352 masked %reduce_sum3A_1357 : vector<16xf32>, vector<16xi1> -> vector<16xf32>
        %reduce_sum3A_1359 = vector.extract %reduce_sum3A_1358[15] : f32 from vector<16xf32>
        %broadcast_in_dim3A_1360 = vector.broadcast %reduce_sum3A_1359 : f32 to vector<16xf32>
        %select_n3A_1361 = arith.select %eq3A_1355, %broadcast_in_dim3A_1360, %select_n3A_1321 : vector<16xi1>, vector<16xf32>
        %add3A_1362 = arith.constant 16 : i32
        %add3A_1363 = arith.addi %mul3A_260, %add3A_1362 : i32
        %add3A_1364 = arith.constant 11 : i32
        %add3A_1365 = arith.addi %add3A_1363, %add3A_1364 : i32
        %get3A_1366 = arith.constant 0 : i32
        %get3A_1367 = arith.index_cast %get3A_1366 : i32 to index
        %get3A_1368 = arith.index_cast %add3A_1365 : i32 to index
        %get3A_1369 = arith.constant 0 : index
        %get3A_1370 = tpu.vector_load %arg8[%get3A_1367, %get3A_1368, %get3A_1369] {strides = array<i32>} : memref<2x400x128xf32, #tpu.memory_space<vmem>>, vector<16xf32>,
        %mul3A_1371 = arith.mulf %get3A_1370, %get3A_266 : vector<16xf32>
        %get3A_1372 = arith.constant 0 : i32
        %get3A_1373 = arith.index_cast %get3A_1372 : i32 to index
        %get3A_1374 = arith.index_cast %add3A_1365 : i32 to index
        %get3A_1375 = arith.constant 16 : index
        %get3A_1376 = tpu.vector_load %arg8[%get3A_1373, %get3A_1374, %get3A_1375] {strides = array<i32>} : memref<2x400x128xf32, #tpu.memory_space<vmem>>, vector<16xf32>,
        %mul3A_1377 = arith.mulf %get3A_1376, %get3A_271 : vector<16xf32>
        %add3A_1378 = arith.addf %mul3A_1371, %mul3A_1377 : vector<16xf32>
        %get3A_1379 = arith.constant 0 : i32
        %get3A_1380 = arith.index_cast %get3A_1379 : i32 to index
        %get3A_1381 = arith.index_cast %add3A_1365 : i32 to index
        %get3A_1382 = arith.constant 32 : index
        %get3A_1383 = tpu.vector_load %arg8[%get3A_1380, %get3A_1381, %get3A_1382] {strides = array<i32>} : memref<2x400x128xf32, #tpu.memory_space<vmem>>, vector<16xf32>,
        %mul3A_1384 = arith.mulf %get3A_1383, %get3A_276 : vector<16xf32>
        %add3A_1385 = arith.addf %add3A_1378, %mul3A_1384 : vector<16xf32>
        %get3A_1386 = arith.constant 0 : i32
        %get3A_1387 = arith.index_cast %get3A_1386 : i32 to index
        %get3A_1388 = arith.index_cast %add3A_1365 : i32 to index
        %get3A_1389 = arith.constant 48 : index
        %get3A_1390 = tpu.vector_load %arg8[%get3A_1387, %get3A_1388, %get3A_1389] {strides = array<i32>} : memref<2x400x128xf32, #tpu.memory_space<vmem>>, vector<16xf32>,
        %mul3A_1391 = arith.mulf %get3A_1390, %get3A_281 : vector<16xf32>
        %add3A_1392 = arith.addf %add3A_1385, %mul3A_1391 : vector<16xf32>
        %eq3A_1393 = arith.constant 11 : i32
        %eq3A_1394 = vector.broadcast %eq3A_1393 : i32 to vector<16xi32>
        %eq3A_1395 = arith.cmpi eq, %iota3A, %eq3A_1394 : vector<16xi32>
        %reduce_sum3A_1396 = arith.constant true
        %reduce_sum3A_1397 = vector.broadcast %reduce_sum3A_1396 : i1 to vector<16xi1>
        %reduce_sum3A_1398 = tpu.scan <sum>, %add3A_1392 masked %reduce_sum3A_1397 : vector<16xf32>, vector<16xi1> -> vector<16xf32>
        %reduce_sum3A_1399 = vector.extract %reduce_sum3A_1398[15] : f32 from vector<16xf32>
        %broadcast_in_dim3A_1400 = vector.broadcast %reduce_sum3A_1399 : f32 to vector<16xf32>
        %select_n3A_1401 = arith.select %eq3A_1395, %broadcast_in_dim3A_1400, %select_n3A_1361 : vector<16xi1>, vector<16xf32>
        %add3A_1402 = arith.constant 16 : i32
        %add3A_1403 = arith.addi %mul3A_260, %add3A_1402 : i32
        %add3A_1404 = arith.constant 12 : i32
        %add3A_1405 = arith.addi %add3A_1403, %add3A_1404 : i32
        %get3A_1406 = arith.constant 0 : i32
        %get3A_1407 = arith.index_cast %get3A_1406 : i32 to index
        %get3A_1408 = arith.index_cast %add3A_1405 : i32 to index
        %get3A_1409 = arith.constant 0 : index
        %get3A_1410 = tpu.vector_load %arg8[%get3A_1407, %get3A_1408, %get3A_1409] {strides = array<i32>} : memref<2x400x128xf32, #tpu.memory_space<vmem>>, vector<16xf32>,
        %mul3A_1411 = arith.mulf %get3A_1410, %get3A_266 : vector<16xf32>
        %get3A_1412 = arith.constant 0 : i32
        %get3A_1413 = arith.index_cast %get3A_1412 : i32 to index
        %get3A_1414 = arith.index_cast %add3A_1405 : i32 to index
        %get3A_1415 = arith.constant 16 : index
        %get3A_1416 = tpu.vector_load %arg8[%get3A_1413, %get3A_1414, %get3A_1415] {strides = array<i32>} : memref<2x400x128xf32, #tpu.memory_space<vmem>>, vector<16xf32>,
        %mul3A_1417 = arith.mulf %get3A_1416, %get3A_271 : vector<16xf32>
        %add3A_1418 = arith.addf %mul3A_1411, %mul3A_1417 : vector<16xf32>
        %get3A_1419 = arith.constant 0 : i32
        %get3A_1420 = arith.index_cast %get3A_1419 : i32 to index
        %get3A_1421 = arith.index_cast %add3A_1405 : i32 to index
        %get3A_1422 = arith.constant 32 : index
        %get3A_1423 = tpu.vector_load %arg8[%get3A_1420, %get3A_1421, %get3A_1422] {strides = array<i32>} : memref<2x400x128xf32, #tpu.memory_space<vmem>>, vector<16xf32>,
        %mul3A_1424 = arith.mulf %get3A_1423, %get3A_276 : vector<16xf32>
        %add3A_1425 = arith.addf %add3A_1418, %mul3A_1424 : vector<16xf32>
        %get3A_1426 = arith.constant 0 : i32
        %get3A_1427 = arith.index_cast %get3A_1426 : i32 to index
        %get3A_1428 = arith.index_cast %add3A_1405 : i32 to index
        %get3A_1429 = arith.constant 48 : index
        %get3A_1430 = tpu.vector_load %arg8[%get3A_1427, %get3A_1428, %get3A_1429] {strides = array<i32>} : memref<2x400x128xf32, #tpu.memory_space<vmem>>, vector<16xf32>,
        %mul3A_1431 = arith.mulf %get3A_1430, %get3A_281 : vector<16xf32>
        %add3A_1432 = arith.addf %add3A_1425, %mul3A_1431 : vector<16xf32>
        %eq3A_1433 = arith.constant 12 : i32
        %eq3A_1434 = vector.broadcast %eq3A_1433 : i32 to vector<16xi32>
        %eq3A_1435 = arith.cmpi eq, %iota3A, %eq3A_1434 : vector<16xi32>
        %reduce_sum3A_1436 = arith.constant true
        %reduce_sum3A_1437 = vector.broadcast %reduce_sum3A_1436 : i1 to vector<16xi1>
        %reduce_sum3A_1438 = tpu.scan <sum>, %add3A_1432 masked %reduce_sum3A_1437 : vector<16xf32>, vector<16xi1> -> vector<16xf32>
        %reduce_sum3A_1439 = vector.extract %reduce_sum3A_1438[15] : f32 from vector<16xf32>
        %broadcast_in_dim3A_1440 = vector.broadcast %reduce_sum3A_1439 : f32 to vector<16xf32>
        %select_n3A_1441 = arith.select %eq3A_1435, %broadcast_in_dim3A_1440, %select_n3A_1401 : vector<16xi1>, vector<16xf32>
        %add3A_1442 = arith.constant 16 : i32
        %add3A_1443 = arith.addi %mul3A_260, %add3A_1442 : i32
        %add3A_1444 = arith.constant 13 : i32
        %add3A_1445 = arith.addi %add3A_1443, %add3A_1444 : i32
        %get3A_1446 = arith.constant 0 : i32
        %get3A_1447 = arith.index_cast %get3A_1446 : i32 to index
        %get3A_1448 = arith.index_cast %add3A_1445 : i32 to index
        %get3A_1449 = arith.constant 0 : index
        %get3A_1450 = tpu.vector_load %arg8[%get3A_1447, %get3A_1448, %get3A_1449] {strides = array<i32>} : memref<2x400x128xf32, #tpu.memory_space<vmem>>, vector<16xf32>,
        %mul3A_1451 = arith.mulf %get3A_1450, %get3A_266 : vector<16xf32>
        %get3A_1452 = arith.constant 0 : i32
        %get3A_1453 = arith.index_cast %get3A_1452 : i32 to index
        %get3A_1454 = arith.index_cast %add3A_1445 : i32 to index
        %get3A_1455 = arith.constant 16 : index
        %get3A_1456 = tpu.vector_load %arg8[%get3A_1453, %get3A_1454, %get3A_1455] {strides = array<i32>} : memref<2x400x128xf32, #tpu.memory_space<vmem>>, vector<16xf32>,
        %mul3A_1457 = arith.mulf %get3A_1456, %get3A_271 : vector<16xf32>
        %add3A_1458 = arith.addf %mul3A_1451, %mul3A_1457 : vector<16xf32>
        %get3A_1459 = arith.constant 0 : i32
        %get3A_1460 = arith.index_cast %get3A_1459 : i32 to index
        %get3A_1461 = arith.index_cast %add3A_1445 : i32 to index
        %get3A_1462 = arith.constant 32 : index
        %get3A_1463 = tpu.vector_load %arg8[%get3A_1460, %get3A_1461, %get3A_1462] {strides = array<i32>} : memref<2x400x128xf32, #tpu.memory_space<vmem>>, vector<16xf32>,
        %mul3A_1464 = arith.mulf %get3A_1463, %get3A_276 : vector<16xf32>
        %add3A_1465 = arith.addf %add3A_1458, %mul3A_1464 : vector<16xf32>
        %get3A_1466 = arith.constant 0 : i32
        %get3A_1467 = arith.index_cast %get3A_1466 : i32 to index
        %get3A_1468 = arith.index_cast %add3A_1445 : i32 to index
        %get3A_1469 = arith.constant 48 : index
        %get3A_1470 = tpu.vector_load %arg8[%get3A_1467, %get3A_1468, %get3A_1469] {strides = array<i32>} : memref<2x400x128xf32, #tpu.memory_space<vmem>>, vector<16xf32>,
        %mul3A_1471 = arith.mulf %get3A_1470, %get3A_281 : vector<16xf32>
        %add3A_1472 = arith.addf %add3A_1465, %mul3A_1471 : vector<16xf32>
        %eq3A_1473 = arith.constant 13 : i32
        %eq3A_1474 = vector.broadcast %eq3A_1473 : i32 to vector<16xi32>
        %eq3A_1475 = arith.cmpi eq, %iota3A, %eq3A_1474 : vector<16xi32>
        %reduce_sum3A_1476 = arith.constant true
        %reduce_sum3A_1477 = vector.broadcast %reduce_sum3A_1476 : i1 to vector<16xi1>
        %reduce_sum3A_1478 = tpu.scan <sum>, %add3A_1472 masked %reduce_sum3A_1477 : vector<16xf32>, vector<16xi1> -> vector<16xf32>
        %reduce_sum3A_1479 = vector.extract %reduce_sum3A_1478[15] : f32 from vector<16xf32>
        %broadcast_in_dim3A_1480 = vector.broadcast %reduce_sum3A_1479 : f32 to vector<16xf32>
        %select_n3A_1481 = arith.select %eq3A_1475, %broadcast_in_dim3A_1480, %select_n3A_1441 : vector<16xi1>, vector<16xf32>
        %add3A_1482 = arith.constant 16 : i32
        %add3A_1483 = arith.addi %mul3A_260, %add3A_1482 : i32
        %add3A_1484 = arith.constant 14 : i32
        %add3A_1485 = arith.addi %add3A_1483, %add3A_1484 : i32
        %get3A_1486 = arith.constant 0 : i32
        %get3A_1487 = arith.index_cast %get3A_1486 : i32 to index
        %get3A_1488 = arith.index_cast %add3A_1485 : i32 to index
        %get3A_1489 = arith.constant 0 : index
        %get3A_1490 = tpu.vector_load %arg8[%get3A_1487, %get3A_1488, %get3A_1489] {strides = array<i32>} : memref<2x400x128xf32, #tpu.memory_space<vmem>>, vector<16xf32>,
        %mul3A_1491 = arith.mulf %get3A_1490, %get3A_266 : vector<16xf32>
        %get3A_1492 = arith.constant 0 : i32
        %get3A_1493 = arith.index_cast %get3A_1492 : i32 to index
        %get3A_1494 = arith.index_cast %add3A_1485 : i32 to index
        %get3A_1495 = arith.constant 16 : index
        %get3A_1496 = tpu.vector_load %arg8[%get3A_1493, %get3A_1494, %get3A_1495] {strides = array<i32>} : memref<2x400x128xf32, #tpu.memory_space<vmem>>, vector<16xf32>,
        %mul3A_1497 = arith.mulf %get3A_1496, %get3A_271 : vector<16xf32>
        %add3A_1498 = arith.addf %mul3A_1491, %mul3A_1497 : vector<16xf32>
        %get3A_1499 = arith.constant 0 : i32
        %get3A_1500 = arith.index_cast %get3A_1499 : i32 to index
        %get3A_1501 = arith.index_cast %add3A_1485 : i32 to index
        %get3A_1502 = arith.constant 32 : index
        %get3A_1503 = tpu.vector_load %arg8[%get3A_1500, %get3A_1501, %get3A_1502] {strides = array<i32>} : memref<2x400x128xf32, #tpu.memory_space<vmem>>, vector<16xf32>,
        %mul3A_1504 = arith.mulf %get3A_1503, %get3A_276 : vector<16xf32>
        %add3A_1505 = arith.addf %add3A_1498, %mul3A_1504 : vector<16xf32>
        %get3A_1506 = arith.constant 0 : i32
        %get3A_1507 = arith.index_cast %get3A_1506 : i32 to index
        %get3A_1508 = arith.index_cast %add3A_1485 : i32 to index
        %get3A_1509 = arith.constant 48 : index
        %get3A_1510 = tpu.vector_load %arg8[%get3A_1507, %get3A_1508, %get3A_1509] {strides = array<i32>} : memref<2x400x128xf32, #tpu.memory_space<vmem>>, vector<16xf32>,
        %mul3A_1511 = arith.mulf %get3A_1510, %get3A_281 : vector<16xf32>
        %add3A_1512 = arith.addf %add3A_1505, %mul3A_1511 : vector<16xf32>
        %eq3A_1513 = arith.constant 14 : i32
        %eq3A_1514 = vector.broadcast %eq3A_1513 : i32 to vector<16xi32>
        %eq3A_1515 = arith.cmpi eq, %iota3A, %eq3A_1514 : vector<16xi32>
        %reduce_sum3A_1516 = arith.constant true
        %reduce_sum3A_1517 = vector.broadcast %reduce_sum3A_1516 : i1 to vector<16xi1>
        %reduce_sum3A_1518 = tpu.scan <sum>, %add3A_1512 masked %reduce_sum3A_1517 : vector<16xf32>, vector<16xi1> -> vector<16xf32>
        %reduce_sum3A_1519 = vector.extract %reduce_sum3A_1518[15] : f32 from vector<16xf32>
        %broadcast_in_dim3A_1520 = vector.broadcast %reduce_sum3A_1519 : f32 to vector<16xf32>
        %select_n3A_1521 = arith.select %eq3A_1515, %broadcast_in_dim3A_1520, %select_n3A_1481 : vector<16xi1>, vector<16xf32>
        %add3A_1522 = arith.constant 16 : i32
        %add3A_1523 = arith.addi %mul3A_260, %add3A_1522 : i32
        %add3A_1524 = arith.constant 15 : i32
        %add3A_1525 = arith.addi %add3A_1523, %add3A_1524 : i32
        %get3A_1526 = arith.constant 0 : i32
        %get3A_1527 = arith.index_cast %get3A_1526 : i32 to index
        %get3A_1528 = arith.index_cast %add3A_1525 : i32 to index
        %get3A_1529 = arith.constant 0 : index
        %get3A_1530 = tpu.vector_load %arg8[%get3A_1527, %get3A_1528, %get3A_1529] {strides = array<i32>} : memref<2x400x128xf32, #tpu.memory_space<vmem>>, vector<16xf32>,
        %mul3A_1531 = arith.mulf %get3A_1530, %get3A_266 : vector<16xf32>
        %get3A_1532 = arith.constant 0 : i32
        %get3A_1533 = arith.index_cast %get3A_1532 : i32 to index
        %get3A_1534 = arith.index_cast %add3A_1525 : i32 to index
        %get3A_1535 = arith.constant 16 : index
        %get3A_1536 = tpu.vector_load %arg8[%get3A_1533, %get3A_1534, %get3A_1535] {strides = array<i32>} : memref<2x400x128xf32, #tpu.memory_space<vmem>>, vector<16xf32>,
        %mul3A_1537 = arith.mulf %get3A_1536, %get3A_271 : vector<16xf32>
        %add3A_1538 = arith.addf %mul3A_1531, %mul3A_1537 : vector<16xf32>
        %get3A_1539 = arith.constant 0 : i32
        %get3A_1540 = arith.index_cast %get3A_1539 : i32 to index
        %get3A_1541 = arith.index_cast %add3A_1525 : i32 to index
        %get3A_1542 = arith.constant 32 : index
        %get3A_1543 = tpu.vector_load %arg8[%get3A_1540, %get3A_1541, %get3A_1542] {strides = array<i32>} : memref<2x400x128xf32, #tpu.memory_space<vmem>>, vector<16xf32>,
        %mul3A_1544 = arith.mulf %get3A_1543, %get3A_276 : vector<16xf32>
        %add3A_1545 = arith.addf %add3A_1538, %mul3A_1544 : vector<16xf32>
        %get3A_1546 = arith.constant 0 : i32
        %get3A_1547 = arith.index_cast %get3A_1546 : i32 to index
        %get3A_1548 = arith.index_cast %add3A_1525 : i32 to index
        %get3A_1549 = arith.constant 48 : index
        %get3A_1550 = tpu.vector_load %arg8[%get3A_1547, %get3A_1548, %get3A_1549] {strides = array<i32>} : memref<2x400x128xf32, #tpu.memory_space<vmem>>, vector<16xf32>,
        %mul3A_1551 = arith.mulf %get3A_1550, %get3A_281 : vector<16xf32>
        %add3A_1552 = arith.addf %add3A_1545, %mul3A_1551 : vector<16xf32>
        %eq3A_1553 = arith.constant 15 : i32
        %eq3A_1554 = vector.broadcast %eq3A_1553 : i32 to vector<16xi32>
        %eq3A_1555 = arith.cmpi eq, %iota3A, %eq3A_1554 : vector<16xi32>
        %reduce_sum3A_1556 = arith.constant true
        %reduce_sum3A_1557 = vector.broadcast %reduce_sum3A_1556 : i1 to vector<16xi1>
        %reduce_sum3A_1558 = tpu.scan <sum>, %add3A_1552 masked %reduce_sum3A_1557 : vector<16xf32>, vector<16xi1> -> vector<16xf32>
        %reduce_sum3A_1559 = vector.extract %reduce_sum3A_1558[15] : f32 from vector<16xf32>
        %broadcast_in_dim3A_1560 = vector.broadcast %reduce_sum3A_1559 : f32 to vector<16xf32>
        %select_n3A_1561 = arith.select %eq3A_1555, %broadcast_in_dim3A_1560, %select_n3A_1521 : vector<16xi1>, vector<16xf32>
        %broadcast_in_dim3A_1562 = arith.constant 0.000000e+00 : f32
        %broadcast_in_dim3A_1563 = vector.broadcast %broadcast_in_dim3A_1562 : f32 to vector<16xf32>
        %add3A_1564 = arith.constant 32 : i32
        %add3A_1565 = arith.addi %mul3A_260, %add3A_1564 : i32
        %add3A_1566 = arith.constant 0 : i32
        %add3A_1567 = arith.addi %add3A_1565, %add3A_1566 : i32
        %get3A_1568 = arith.constant 0 : i32
        %get3A_1569 = arith.index_cast %get3A_1568 : i32 to index
        %get3A_1570 = arith.index_cast %add3A_1567 : i32 to index
        %get3A_1571 = arith.constant 0 : index
        %get3A_1572 = tpu.vector_load %arg8[%get3A_1569, %get3A_1570, %get3A_1571] {strides = array<i32>} : memref<2x400x128xf32, #tpu.memory_space<vmem>>, vector<16xf32>,
        %mul3A_1573 = arith.mulf %get3A_1572, %get3A_266 : vector<16xf32>
        %get3A_1574 = arith.constant 0 : i32
        %get3A_1575 = arith.index_cast %get3A_1574 : i32 to index
        %get3A_1576 = arith.index_cast %add3A_1567 : i32 to index
        %get3A_1577 = arith.constant 16 : index
        %get3A_1578 = tpu.vector_load %arg8[%get3A_1575, %get3A_1576, %get3A_1577] {strides = array<i32>} : memref<2x400x128xf32, #tpu.memory_space<vmem>>, vector<16xf32>,
        %mul3A_1579 = arith.mulf %get3A_1578, %get3A_271 : vector<16xf32>
        %add3A_1580 = arith.addf %mul3A_1573, %mul3A_1579 : vector<16xf32>
        %get3A_1581 = arith.constant 0 : i32
        %get3A_1582 = arith.index_cast %get3A_1581 : i32 to index
        %get3A_1583 = arith.index_cast %add3A_1567 : i32 to index
        %get3A_1584 = arith.constant 32 : index
        %get3A_1585 = tpu.vector_load %arg8[%get3A_1582, %get3A_1583, %get3A_1584] {strides = array<i32>} : memref<2x400x128xf32, #tpu.memory_space<vmem>>, vector<16xf32>,
        %mul3A_1586 = arith.mulf %get3A_1585, %get3A_276 : vector<16xf32>
        %add3A_1587 = arith.addf %add3A_1580, %mul3A_1586 : vector<16xf32>
        %get3A_1588 = arith.constant 0 : i32
        %get3A_1589 = arith.index_cast %get3A_1588 : i32 to index
        %get3A_1590 = arith.index_cast %add3A_1567 : i32 to index
        %get3A_1591 = arith.constant 48 : index
        %get3A_1592 = tpu.vector_load %arg8[%get3A_1589, %get3A_1590, %get3A_1591] {strides = array<i32>} : memref<2x400x128xf32, #tpu.memory_space<vmem>>, vector<16xf32>,
        %mul3A_1593 = arith.mulf %get3A_1592, %get3A_281 : vector<16xf32>
        %add3A_1594 = arith.addf %add3A_1587, %mul3A_1593 : vector<16xf32>
        %eq3A_1595 = arith.constant 0 : i32
        %eq3A_1596 = vector.broadcast %eq3A_1595 : i32 to vector<16xi32>
        %eq3A_1597 = arith.cmpi eq, %iota3A, %eq3A_1596 : vector<16xi32>
        %reduce_sum3A_1598 = arith.constant true
        %reduce_sum3A_1599 = vector.broadcast %reduce_sum3A_1598 : i1 to vector<16xi1>
        %reduce_sum3A_1600 = tpu.scan <sum>, %add3A_1594 masked %reduce_sum3A_1599 : vector<16xf32>, vector<16xi1> -> vector<16xf32>
        %reduce_sum3A_1601 = vector.extract %reduce_sum3A_1600[15] : f32 from vector<16xf32>
        %broadcast_in_dim3A_1602 = vector.broadcast %reduce_sum3A_1601 : f32 to vector<16xf32>
        %select_n3A_1603 = arith.select %eq3A_1597, %broadcast_in_dim3A_1602, %broadcast_in_dim3A_1563 : vector<16xi1>, vector<16xf32>
        %add3A_1604 = arith.constant 32 : i32
        %add3A_1605 = arith.addi %mul3A_260, %add3A_1604 : i32
        %add3A_1606 = arith.constant 1 : i32
        %add3A_1607 = arith.addi %add3A_1605, %add3A_1606 : i32
        %get3A_1608 = arith.constant 0 : i32
        %get3A_1609 = arith.index_cast %get3A_1608 : i32 to index
        %get3A_1610 = arith.index_cast %add3A_1607 : i32 to index
        %get3A_1611 = arith.constant 0 : index
        %get3A_1612 = tpu.vector_load %arg8[%get3A_1609, %get3A_1610, %get3A_1611] {strides = array<i32>} : memref<2x400x128xf32, #tpu.memory_space<vmem>>, vector<16xf32>,
        %mul3A_1613 = arith.mulf %get3A_1612, %get3A_266 : vector<16xf32>
        %get3A_1614 = arith.constant 0 : i32
        %get3A_1615 = arith.index_cast %get3A_1614 : i32 to index
        %get3A_1616 = arith.index_cast %add3A_1607 : i32 to index
        %get3A_1617 = arith.constant 16 : index
        %get3A_1618 = tpu.vector_load %arg8[%get3A_1615, %get3A_1616, %get3A_1617] {strides = array<i32>} : memref<2x400x128xf32, #tpu.memory_space<vmem>>, vector<16xf32>,
        %mul3A_1619 = arith.mulf %get3A_1618, %get3A_271 : vector<16xf32>
        %add3A_1620 = arith.addf %mul3A_1613, %mul3A_1619 : vector<16xf32>
        %get3A_1621 = arith.constant 0 : i32
        %get3A_1622 = arith.index_cast %get3A_1621 : i32 to index
        %get3A_1623 = arith.index_cast %add3A_1607 : i32 to index
        %get3A_1624 = arith.constant 32 : index
        %get3A_1625 = tpu.vector_load %arg8[%get3A_1622, %get3A_1623, %get3A_1624] {strides = array<i32>} : memref<2x400x128xf32, #tpu.memory_space<vmem>>, vector<16xf32>,
        %mul3A_1626 = arith.mulf %get3A_1625, %get3A_276 : vector<16xf32>
        %add3A_1627 = arith.addf %add3A_1620, %mul3A_1626 : vector<16xf32>
        %get3A_1628 = arith.constant 0 : i32
        %get3A_1629 = arith.index_cast %get3A_1628 : i32 to index
        %get3A_1630 = arith.index_cast %add3A_1607 : i32 to index
        %get3A_1631 = arith.constant 48 : index
        %get3A_1632 = tpu.vector_load %arg8[%get3A_1629, %get3A_1630, %get3A_1631] {strides = array<i32>} : memref<2x400x128xf32, #tpu.memory_space<vmem>>, vector<16xf32>,
        %mul3A_1633 = arith.mulf %get3A_1632, %get3A_281 : vector<16xf32>
        %add3A_1634 = arith.addf %add3A_1627, %mul3A_1633 : vector<16xf32>
        %eq3A_1635 = arith.constant 1 : i32
        %eq3A_1636 = vector.broadcast %eq3A_1635 : i32 to vector<16xi32>
        %eq3A_1637 = arith.cmpi eq, %iota3A, %eq3A_1636 : vector<16xi32>
        %reduce_sum3A_1638 = arith.constant true
        %reduce_sum3A_1639 = vector.broadcast %reduce_sum3A_1638 : i1 to vector<16xi1>
        %reduce_sum3A_1640 = tpu.scan <sum>, %add3A_1634 masked %reduce_sum3A_1639 : vector<16xf32>, vector<16xi1> -> vector<16xf32>
        %reduce_sum3A_1641 = vector.extract %reduce_sum3A_1640[15] : f32 from vector<16xf32>
        %broadcast_in_dim3A_1642 = vector.broadcast %reduce_sum3A_1641 : f32 to vector<16xf32>
        %select_n3A_1643 = arith.select %eq3A_1637, %broadcast_in_dim3A_1642, %select_n3A_1603 : vector<16xi1>, vector<16xf32>
        %add3A_1644 = arith.constant 32 : i32
        %add3A_1645 = arith.addi %mul3A_260, %add3A_1644 : i32
        %add3A_1646 = arith.constant 2 : i32
        %add3A_1647 = arith.addi %add3A_1645, %add3A_1646 : i32
        %get3A_1648 = arith.constant 0 : i32
        %get3A_1649 = arith.index_cast %get3A_1648 : i32 to index
        %get3A_1650 = arith.index_cast %add3A_1647 : i32 to index
        %get3A_1651 = arith.constant 0 : index
        %get3A_1652 = tpu.vector_load %arg8[%get3A_1649, %get3A_1650, %get3A_1651] {strides = array<i32>} : memref<2x400x128xf32, #tpu.memory_space<vmem>>, vector<16xf32>,
        %mul3A_1653 = arith.mulf %get3A_1652, %get3A_266 : vector<16xf32>
        %get3A_1654 = arith.constant 0 : i32
        %get3A_1655 = arith.index_cast %get3A_1654 : i32 to index
        %get3A_1656 = arith.index_cast %add3A_1647 : i32 to index
        %get3A_1657 = arith.constant 16 : index
        %get3A_1658 = tpu.vector_load %arg8[%get3A_1655, %get3A_1656, %get3A_1657] {strides = array<i32>} : memref<2x400x128xf32, #tpu.memory_space<vmem>>, vector<16xf32>,
        %mul3A_1659 = arith.mulf %get3A_1658, %get3A_271 : vector<16xf32>
        %add3A_1660 = arith.addf %mul3A_1653, %mul3A_1659 : vector<16xf32>
        %get3A_1661 = arith.constant 0 : i32
        %get3A_1662 = arith.index_cast %get3A_1661 : i32 to index
        %get3A_1663 = arith.index_cast %add3A_1647 : i32 to index
        %get3A_1664 = arith.constant 32 : index
        %get3A_1665 = tpu.vector_load %arg8[%get3A_1662, %get3A_1663, %get3A_1664] {strides = array<i32>} : memref<2x400x128xf32, #tpu.memory_space<vmem>>, vector<16xf32>,
        %mul3A_1666 = arith.mulf %get3A_1665, %get3A_276 : vector<16xf32>
        %add3A_1667 = arith.addf %add3A_1660, %mul3A_1666 : vector<16xf32>
        %get3A_1668 = arith.constant 0 : i32
        %get3A_1669 = arith.index_cast %get3A_1668 : i32 to index
        %get3A_1670 = arith.index_cast %add3A_1647 : i32 to index
        %get3A_1671 = arith.constant 48 : index
        %get3A_1672 = tpu.vector_load %arg8[%get3A_1669, %get3A_1670, %get3A_1671] {strides = array<i32>} : memref<2x400x128xf32, #tpu.memory_space<vmem>>, vector<16xf32>,
        %mul3A_1673 = arith.mulf %get3A_1672, %get3A_281 : vector<16xf32>
        %add3A_1674 = arith.addf %add3A_1667, %mul3A_1673 : vector<16xf32>
        %eq3A_1675 = arith.constant 2 : i32
        %eq3A_1676 = vector.broadcast %eq3A_1675 : i32 to vector<16xi32>
        %eq3A_1677 = arith.cmpi eq, %iota3A, %eq3A_1676 : vector<16xi32>
        %reduce_sum3A_1678 = arith.constant true
        %reduce_sum3A_1679 = vector.broadcast %reduce_sum3A_1678 : i1 to vector<16xi1>
        %reduce_sum3A_1680 = tpu.scan <sum>, %add3A_1674 masked %reduce_sum3A_1679 : vector<16xf32>, vector<16xi1> -> vector<16xf32>
        %reduce_sum3A_1681 = vector.extract %reduce_sum3A_1680[15] : f32 from vector<16xf32>
        %broadcast_in_dim3A_1682 = vector.broadcast %reduce_sum3A_1681 : f32 to vector<16xf32>
        %select_n3A_1683 = arith.select %eq3A_1677, %broadcast_in_dim3A_1682, %select_n3A_1643 : vector<16xi1>, vector<16xf32>
        %add3A_1684 = arith.constant 32 : i32
        %add3A_1685 = arith.addi %mul3A_260, %add3A_1684 : i32
        %add3A_1686 = arith.constant 3 : i32
        %add3A_1687 = arith.addi %add3A_1685, %add3A_1686 : i32
        %get3A_1688 = arith.constant 0 : i32
        %get3A_1689 = arith.index_cast %get3A_1688 : i32 to index
        %get3A_1690 = arith.index_cast %add3A_1687 : i32 to index
        %get3A_1691 = arith.constant 0 : index
        %get3A_1692 = tpu.vector_load %arg8[%get3A_1689, %get3A_1690, %get3A_1691] {strides = array<i32>} : memref<2x400x128xf32, #tpu.memory_space<vmem>>, vector<16xf32>,
        %mul3A_1693 = arith.mulf %get3A_1692, %get3A_266 : vector<16xf32>
        %get3A_1694 = arith.constant 0 : i32
        %get3A_1695 = arith.index_cast %get3A_1694 : i32 to index
        %get3A_1696 = arith.index_cast %add3A_1687 : i32 to index
        %get3A_1697 = arith.constant 16 : index
        %get3A_1698 = tpu.vector_load %arg8[%get3A_1695, %get3A_1696, %get3A_1697] {strides = array<i32>} : memref<2x400x128xf32, #tpu.memory_space<vmem>>, vector<16xf32>,
        %mul3A_1699 = arith.mulf %get3A_1698, %get3A_271 : vector<16xf32>
        %add3A_1700 = arith.addf %mul3A_1693, %mul3A_1699 : vector<16xf32>
        %get3A_1701 = arith.constant 0 : i32
        %get3A_1702 = arith.index_cast %get3A_1701 : i32 to index
        %get3A_1703 = arith.index_cast %add3A_1687 : i32 to index
        %get3A_1704 = arith.constant 32 : index
        %get3A_1705 = tpu.vector_load %arg8[%get3A_1702, %get3A_1703, %get3A_1704] {strides = array<i32>} : memref<2x400x128xf32, #tpu.memory_space<vmem>>, vector<16xf32>,
        %mul3A_1706 = arith.mulf %get3A_1705, %get3A_276 : vector<16xf32>
        %add3A_1707 = arith.addf %add3A_1700, %mul3A_1706 : vector<16xf32>
        %get3A_1708 = arith.constant 0 : i32
        %get3A_1709 = arith.index_cast %get3A_1708 : i32 to index
        %get3A_1710 = arith.index_cast %add3A_1687 : i32 to index
        %get3A_1711 = arith.constant 48 : index
        %get3A_1712 = tpu.vector_load %arg8[%get3A_1709, %get3A_1710, %get3A_1711] {strides = array<i32>} : memref<2x400x128xf32, #tpu.memory_space<vmem>>, vector<16xf32>,
        %mul3A_1713 = arith.mulf %get3A_1712, %get3A_281 : vector<16xf32>
        %add3A_1714 = arith.addf %add3A_1707, %mul3A_1713 : vector<16xf32>
        %eq3A_1715 = arith.constant 3 : i32
        %eq3A_1716 = vector.broadcast %eq3A_1715 : i32 to vector<16xi32>
        %eq3A_1717 = arith.cmpi eq, %iota3A, %eq3A_1716 : vector<16xi32>
        %reduce_sum3A_1718 = arith.constant true
        %reduce_sum3A_1719 = vector.broadcast %reduce_sum3A_1718 : i1 to vector<16xi1>
        %reduce_sum3A_1720 = tpu.scan <sum>, %add3A_1714 masked %reduce_sum3A_1719 : vector<16xf32>, vector<16xi1> -> vector<16xf32>
        %reduce_sum3A_1721 = vector.extract %reduce_sum3A_1720[15] : f32 from vector<16xf32>
        %broadcast_in_dim3A_1722 = vector.broadcast %reduce_sum3A_1721 : f32 to vector<16xf32>
        %select_n3A_1723 = arith.select %eq3A_1717, %broadcast_in_dim3A_1722, %select_n3A_1683 : vector<16xi1>, vector<16xf32>
        %add3A_1724 = arith.constant 32 : i32
        %add3A_1725 = arith.addi %mul3A_260, %add3A_1724 : i32
        %add3A_1726 = arith.constant 4 : i32
        %add3A_1727 = arith.addi %add3A_1725, %add3A_1726 : i32
        %get3A_1728 = arith.constant 0 : i32
        %get3A_1729 = arith.index_cast %get3A_1728 : i32 to index
        %get3A_1730 = arith.index_cast %add3A_1727 : i32 to index
        %get3A_1731 = arith.constant 0 : index
        %get3A_1732 = tpu.vector_load %arg8[%get3A_1729, %get3A_1730, %get3A_1731] {strides = array<i32>} : memref<2x400x128xf32, #tpu.memory_space<vmem>>, vector<16xf32>,
        %mul3A_1733 = arith.mulf %get3A_1732, %get3A_266 : vector<16xf32>
        %get3A_1734 = arith.constant 0 : i32
        %get3A_1735 = arith.index_cast %get3A_1734 : i32 to index
        %get3A_1736 = arith.index_cast %add3A_1727 : i32 to index
        %get3A_1737 = arith.constant 16 : index
        %get3A_1738 = tpu.vector_load %arg8[%get3A_1735, %get3A_1736, %get3A_1737] {strides = array<i32>} : memref<2x400x128xf32, #tpu.memory_space<vmem>>, vector<16xf32>,
        %mul3A_1739 = arith.mulf %get3A_1738, %get3A_271 : vector<16xf32>
        %add3A_1740 = arith.addf %mul3A_1733, %mul3A_1739 : vector<16xf32>
        %get3A_1741 = arith.constant 0 : i32
        %get3A_1742 = arith.index_cast %get3A_1741 : i32 to index
        %get3A_1743 = arith.index_cast %add3A_1727 : i32 to index
        %get3A_1744 = arith.constant 32 : index
        %get3A_1745 = tpu.vector_load %arg8[%get3A_1742, %get3A_1743, %get3A_1744] {strides = array<i32>} : memref<2x400x128xf32, #tpu.memory_space<vmem>>, vector<16xf32>,
        %mul3A_1746 = arith.mulf %get3A_1745, %get3A_276 : vector<16xf32>
        %add3A_1747 = arith.addf %add3A_1740, %mul3A_1746 : vector<16xf32>
        %get3A_1748 = arith.constant 0 : i32
        %get3A_1749 = arith.index_cast %get3A_1748 : i32 to index
        %get3A_1750 = arith.index_cast %add3A_1727 : i32 to index
        %get3A_1751 = arith.constant 48 : index
        %get3A_1752 = tpu.vector_load %arg8[%get3A_1749, %get3A_1750, %get3A_1751] {strides = array<i32>} : memref<2x400x128xf32, #tpu.memory_space<vmem>>, vector<16xf32>,
        %mul3A_1753 = arith.mulf %get3A_1752, %get3A_281 : vector<16xf32>
        %add3A_1754 = arith.addf %add3A_1747, %mul3A_1753 : vector<16xf32>
        %eq3A_1755 = arith.constant 4 : i32
        %eq3A_1756 = vector.broadcast %eq3A_1755 : i32 to vector<16xi32>
        %eq3A_1757 = arith.cmpi eq, %iota3A, %eq3A_1756 : vector<16xi32>
        %reduce_sum3A_1758 = arith.constant true
        %reduce_sum3A_1759 = vector.broadcast %reduce_sum3A_1758 : i1 to vector<16xi1>
        %reduce_sum3A_1760 = tpu.scan <sum>, %add3A_1754 masked %reduce_sum3A_1759 : vector<16xf32>, vector<16xi1> -> vector<16xf32>
        %reduce_sum3A_1761 = vector.extract %reduce_sum3A_1760[15] : f32 from vector<16xf32>
        %broadcast_in_dim3A_1762 = vector.broadcast %reduce_sum3A_1761 : f32 to vector<16xf32>
        %select_n3A_1763 = arith.select %eq3A_1757, %broadcast_in_dim3A_1762, %select_n3A_1723 : vector<16xi1>, vector<16xf32>
        %add3A_1764 = arith.constant 32 : i32
        %add3A_1765 = arith.addi %mul3A_260, %add3A_1764 : i32
        %add3A_1766 = arith.constant 5 : i32
        %add3A_1767 = arith.addi %add3A_1765, %add3A_1766 : i32
        %get3A_1768 = arith.constant 0 : i32
        %get3A_1769 = arith.index_cast %get3A_1768 : i32 to index
        %get3A_1770 = arith.index_cast %add3A_1767 : i32 to index
        %get3A_1771 = arith.constant 0 : index
        %get3A_1772 = tpu.vector_load %arg8[%get3A_1769, %get3A_1770, %get3A_1771] {strides = array<i32>} : memref<2x400x128xf32, #tpu.memory_space<vmem>>, vector<16xf32>,
        %mul3A_1773 = arith.mulf %get3A_1772, %get3A_266 : vector<16xf32>
        %get3A_1774 = arith.constant 0 : i32
        %get3A_1775 = arith.index_cast %get3A_1774 : i32 to index
        %get3A_1776 = arith.index_cast %add3A_1767 : i32 to index
        %get3A_1777 = arith.constant 16 : index
        %get3A_1778 = tpu.vector_load %arg8[%get3A_1775, %get3A_1776, %get3A_1777] {strides = array<i32>} : memref<2x400x128xf32, #tpu.memory_space<vmem>>, vector<16xf32>,
        %mul3A_1779 = arith.mulf %get3A_1778, %get3A_271 : vector<16xf32>
        %add3A_1780 = arith.addf %mul3A_1773, %mul3A_1779 : vector<16xf32>
        %get3A_1781 = arith.constant 0 : i32
        %get3A_1782 = arith.index_cast %get3A_1781 : i32 to index
        %get3A_1783 = arith.index_cast %add3A_1767 : i32 to index
        %get3A_1784 = arith.constant 32 : index
        %get3A_1785 = tpu.vector_load %arg8[%get3A_1782, %get3A_1783, %get3A_1784] {strides = array<i32>} : memref<2x400x128xf32, #tpu.memory_space<vmem>>, vector<16xf32>,
        %mul3A_1786 = arith.mulf %get3A_1785, %get3A_276 : vector<16xf32>
        %add3A_1787 = arith.addf %add3A_1780, %mul3A_1786 : vector<16xf32>
        %get3A_1788 = arith.constant 0 : i32
        %get3A_1789 = arith.index_cast %get3A_1788 : i32 to index
        %get3A_1790 = arith.index_cast %add3A_1767 : i32 to index
        %get3A_1791 = arith.constant 48 : index
        %get3A_1792 = tpu.vector_load %arg8[%get3A_1789, %get3A_1790, %get3A_1791] {strides = array<i32>} : memref<2x400x128xf32, #tpu.memory_space<vmem>>, vector<16xf32>,
        %mul3A_1793 = arith.mulf %get3A_1792, %get3A_281 : vector<16xf32>
        %add3A_1794 = arith.addf %add3A_1787, %mul3A_1793 : vector<16xf32>
        %eq3A_1795 = arith.constant 5 : i32
        %eq3A_1796 = vector.broadcast %eq3A_1795 : i32 to vector<16xi32>
        %eq3A_1797 = arith.cmpi eq, %iota3A, %eq3A_1796 : vector<16xi32>
        %reduce_sum3A_1798 = arith.constant true
        %reduce_sum3A_1799 = vector.broadcast %reduce_sum3A_1798 : i1 to vector<16xi1>
        %reduce_sum3A_1800 = tpu.scan <sum>, %add3A_1794 masked %reduce_sum3A_1799 : vector<16xf32>, vector<16xi1> -> vector<16xf32>
        %reduce_sum3A_1801 = vector.extract %reduce_sum3A_1800[15] : f32 from vector<16xf32>
        %broadcast_in_dim3A_1802 = vector.broadcast %reduce_sum3A_1801 : f32 to vector<16xf32>
        %select_n3A_1803 = arith.select %eq3A_1797, %broadcast_in_dim3A_1802, %select_n3A_1763 : vector<16xi1>, vector<16xf32>
        %add3A_1804 = arith.constant 32 : i32
        %add3A_1805 = arith.addi %mul3A_260, %add3A_1804 : i32
        %add3A_1806 = arith.constant 6 : i32
        %add3A_1807 = arith.addi %add3A_1805, %add3A_1806 : i32
        %get3A_1808 = arith.constant 0 : i32
        %get3A_1809 = arith.index_cast %get3A_1808 : i32 to index
        %get3A_1810 = arith.index_cast %add3A_1807 : i32 to index
        %get3A_1811 = arith.constant 0 : index
        %get3A_1812 = tpu.vector_load %arg8[%get3A_1809, %get3A_1810, %get3A_1811] {strides = array<i32>} : memref<2x400x128xf32, #tpu.memory_space<vmem>>, vector<16xf32>,
        %mul3A_1813 = arith.mulf %get3A_1812, %get3A_266 : vector<16xf32>
        %get3A_1814 = arith.constant 0 : i32
        %get3A_1815 = arith.index_cast %get3A_1814 : i32 to index
        %get3A_1816 = arith.index_cast %add3A_1807 : i32 to index
        %get3A_1817 = arith.constant 16 : index
        %get3A_1818 = tpu.vector_load %arg8[%get3A_1815, %get3A_1816, %get3A_1817] {strides = array<i32>} : memref<2x400x128xf32, #tpu.memory_space<vmem>>, vector<16xf32>,
        %mul3A_1819 = arith.mulf %get3A_1818, %get3A_271 : vector<16xf32>
        %add3A_1820 = arith.addf %mul3A_1813, %mul3A_1819 : vector<16xf32>
        %get3A_1821 = arith.constant 0 : i32
        %get3A_1822 = arith.index_cast %get3A_1821 : i32 to index
        %get3A_1823 = arith.index_cast %add3A_1807 : i32 to index
        %get3A_1824 = arith.constant 32 : index
        %get3A_1825 = tpu.vector_load %arg8[%get3A_1822, %get3A_1823, %get3A_1824] {strides = array<i32>} : memref<2x400x128xf32, #tpu.memory_space<vmem>>, vector<16xf32>,
        %mul3A_1826 = arith.mulf %get3A_1825, %get3A_276 : vector<16xf32>
        %add3A_1827 = arith.addf %add3A_1820, %mul3A_1826 : vector<16xf32>
        %get3A_1828 = arith.constant 0 : i32
        %get3A_1829 = arith.index_cast %get3A_1828 : i32 to index
        %get3A_1830 = arith.index_cast %add3A_1807 : i32 to index
        %get3A_1831 = arith.constant 48 : index
        %get3A_1832 = tpu.vector_load %arg8[%get3A_1829, %get3A_1830, %get3A_1831] {strides = array<i32>} : memref<2x400x128xf32, #tpu.memory_space<vmem>>, vector<16xf32>,
        %mul3A_1833 = arith.mulf %get3A_1832, %get3A_281 : vector<16xf32>
        %add3A_1834 = arith.addf %add3A_1827, %mul3A_1833 : vector<16xf32>
        %eq3A_1835 = arith.constant 6 : i32
        %eq3A_1836 = vector.broadcast %eq3A_1835 : i32 to vector<16xi32>
        %eq3A_1837 = arith.cmpi eq, %iota3A, %eq3A_1836 : vector<16xi32>
        %reduce_sum3A_1838 = arith.constant true
        %reduce_sum3A_1839 = vector.broadcast %reduce_sum3A_1838 : i1 to vector<16xi1>
        %reduce_sum3A_1840 = tpu.scan <sum>, %add3A_1834 masked %reduce_sum3A_1839 : vector<16xf32>, vector<16xi1> -> vector<16xf32>
        %reduce_sum3A_1841 = vector.extract %reduce_sum3A_1840[15] : f32 from vector<16xf32>
        %broadcast_in_dim3A_1842 = vector.broadcast %reduce_sum3A_1841 : f32 to vector<16xf32>
        %select_n3A_1843 = arith.select %eq3A_1837, %broadcast_in_dim3A_1842, %select_n3A_1803 : vector<16xi1>, vector<16xf32>
        %add3A_1844 = arith.constant 32 : i32
        %add3A_1845 = arith.addi %mul3A_260, %add3A_1844 : i32
        %add3A_1846 = arith.constant 7 : i32
        %add3A_1847 = arith.addi %add3A_1845, %add3A_1846 : i32
        %get3A_1848 = arith.constant 0 : i32
        %get3A_1849 = arith.index_cast %get3A_1848 : i32 to index
        %get3A_1850 = arith.index_cast %add3A_1847 : i32 to index
        %get3A_1851 = arith.constant 0 : index
        %get3A_1852 = tpu.vector_load %arg8[%get3A_1849, %get3A_1850, %get3A_1851] {strides = array<i32>} : memref<2x400x128xf32, #tpu.memory_space<vmem>>, vector<16xf32>,
        %mul3A_1853 = arith.mulf %get3A_1852, %get3A_266 : vector<16xf32>
        %get3A_1854 = arith.constant 0 : i32
        %get3A_1855 = arith.index_cast %get3A_1854 : i32 to index
        %get3A_1856 = arith.index_cast %add3A_1847 : i32 to index
        %get3A_1857 = arith.constant 16 : index
        %get3A_1858 = tpu.vector_load %arg8[%get3A_1855, %get3A_1856, %get3A_1857] {strides = array<i32>} : memref<2x400x128xf32, #tpu.memory_space<vmem>>, vector<16xf32>,
        %mul3A_1859 = arith.mulf %get3A_1858, %get3A_271 : vector<16xf32>
        %add3A_1860 = arith.addf %mul3A_1853, %mul3A_1859 : vector<16xf32>
        %get3A_1861 = arith.constant 0 : i32
        %get3A_1862 = arith.index_cast %get3A_1861 : i32 to index
        %get3A_1863 = arith.index_cast %add3A_1847 : i32 to index
        %get3A_1864 = arith.constant 32 : index
        %get3A_1865 = tpu.vector_load %arg8[%get3A_1862, %get3A_1863, %get3A_1864] {strides = array<i32>} : memref<2x400x128xf32, #tpu.memory_space<vmem>>, vector<16xf32>,
        %mul3A_1866 = arith.mulf %get3A_1865, %get3A_276 : vector<16xf32>
        %add3A_1867 = arith.addf %add3A_1860, %mul3A_1866 : vector<16xf32>
        %get3A_1868 = arith.constant 0 : i32
        %get3A_1869 = arith.index_cast %get3A_1868 : i32 to index
        %get3A_1870 = arith.index_cast %add3A_1847 : i32 to index
        %get3A_1871 = arith.constant 48 : index
        %get3A_1872 = tpu.vector_load %arg8[%get3A_1869, %get3A_1870, %get3A_1871] {strides = array<i32>} : memref<2x400x128xf32, #tpu.memory_space<vmem>>, vector<16xf32>,
        %mul3A_1873 = arith.mulf %get3A_1872, %get3A_281 : vector<16xf32>
        %add3A_1874 = arith.addf %add3A_1867, %mul3A_1873 : vector<16xf32>
        %eq3A_1875 = arith.constant 7 : i32
        %eq3A_1876 = vector.broadcast %eq3A_1875 : i32 to vector<16xi32>
        %eq3A_1877 = arith.cmpi eq, %iota3A, %eq3A_1876 : vector<16xi32>
        %reduce_sum3A_1878 = arith.constant true
        %reduce_sum3A_1879 = vector.broadcast %reduce_sum3A_1878 : i1 to vector<16xi1>
        %reduce_sum3A_1880 = tpu.scan <sum>, %add3A_1874 masked %reduce_sum3A_1879 : vector<16xf32>, vector<16xi1> -> vector<16xf32>
        %reduce_sum3A_1881 = vector.extract %reduce_sum3A_1880[15] : f32 from vector<16xf32>
        %broadcast_in_dim3A_1882 = vector.broadcast %reduce_sum3A_1881 : f32 to vector<16xf32>
        %select_n3A_1883 = arith.select %eq3A_1877, %broadcast_in_dim3A_1882, %select_n3A_1843 : vector<16xi1>, vector<16xf32>
        %add3A_1884 = arith.constant 32 : i32
        %add3A_1885 = arith.addi %mul3A_260, %add3A_1884 : i32
        %add3A_1886 = arith.constant 8 : i32
        %add3A_1887 = arith.addi %add3A_1885, %add3A_1886 : i32
        %get3A_1888 = arith.constant 0 : i32
        %get3A_1889 = arith.index_cast %get3A_1888 : i32 to index
        %get3A_1890 = arith.index_cast %add3A_1887 : i32 to index
        %get3A_1891 = arith.constant 0 : index
        %get3A_1892 = tpu.vector_load %arg8[%get3A_1889, %get3A_1890, %get3A_1891] {strides = array<i32>} : memref<2x400x128xf32, #tpu.memory_space<vmem>>, vector<16xf32>,
        %mul3A_1893 = arith.mulf %get3A_1892, %get3A_266 : vector<16xf32>
        %get3A_1894 = arith.constant 0 : i32
        %get3A_1895 = arith.index_cast %get3A_1894 : i32 to index
        %get3A_1896 = arith.index_cast %add3A_1887 : i32 to index
        %get3A_1897 = arith.constant 16 : index
        %get3A_1898 = tpu.vector_load %arg8[%get3A_1895, %get3A_1896, %get3A_1897] {strides = array<i32>} : memref<2x400x128xf32, #tpu.memory_space<vmem>>, vector<16xf32>,
        %mul3A_1899 = arith.mulf %get3A_1898, %get3A_271 : vector<16xf32>
        %add3A_1900 = arith.addf %mul3A_1893, %mul3A_1899 : vector<16xf32>
        %get3A_1901 = arith.constant 0 : i32
        %get3A_1902 = arith.index_cast %get3A_1901 : i32 to index
        %get3A_1903 = arith.index_cast %add3A_1887 : i32 to index
        %get3A_1904 = arith.constant 32 : index
        %get3A_1905 = tpu.vector_load %arg8[%get3A_1902, %get3A_1903, %get3A_1904] {strides = array<i32>} : memref<2x400x128xf32, #tpu.memory_space<vmem>>, vector<16xf32>,
        %mul3A_1906 = arith.mulf %get3A_1905, %get3A_276 : vector<16xf32>
        %add3A_1907 = arith.addf %add3A_1900, %mul3A_1906 : vector<16xf32>
        %get3A_1908 = arith.constant 0 : i32
        %get3A_1909 = arith.index_cast %get3A_1908 : i32 to index
        %get3A_1910 = arith.index_cast %add3A_1887 : i32 to index
        %get3A_1911 = arith.constant 48 : index
        %get3A_1912 = tpu.vector_load %arg8[%get3A_1909, %get3A_1910, %get3A_1911] {strides = array<i32>} : memref<2x400x128xf32, #tpu.memory_space<vmem>>, vector<16xf32>,
        %mul3A_1913 = arith.mulf %get3A_1912, %get3A_281 : vector<16xf32>
        %add3A_1914 = arith.addf %add3A_1907, %mul3A_1913 : vector<16xf32>
        %eq3A_1915 = arith.constant 8 : i32
        %eq3A_1916 = vector.broadcast %eq3A_1915 : i32 to vector<16xi32>
        %eq3A_1917 = arith.cmpi eq, %iota3A, %eq3A_1916 : vector<16xi32>
        %reduce_sum3A_1918 = arith.constant true
        %reduce_sum3A_1919 = vector.broadcast %reduce_sum3A_1918 : i1 to vector<16xi1>
        %reduce_sum3A_1920 = tpu.scan <sum>, %add3A_1914 masked %reduce_sum3A_1919 : vector<16xf32>, vector<16xi1> -> vector<16xf32>
        %reduce_sum3A_1921 = vector.extract %reduce_sum3A_1920[15] : f32 from vector<16xf32>
        %broadcast_in_dim3A_1922 = vector.broadcast %reduce_sum3A_1921 : f32 to vector<16xf32>
        %select_n3A_1923 = arith.select %eq3A_1917, %broadcast_in_dim3A_1922, %select_n3A_1883 : vector<16xi1>, vector<16xf32>
        %add3A_1924 = arith.constant 32 : i32
        %add3A_1925 = arith.addi %mul3A_260, %add3A_1924 : i32
        %add3A_1926 = arith.constant 9 : i32
        %add3A_1927 = arith.addi %add3A_1925, %add3A_1926 : i32
        %get3A_1928 = arith.constant 0 : i32
        %get3A_1929 = arith.index_cast %get3A_1928 : i32 to index
        %get3A_1930 = arith.index_cast %add3A_1927 : i32 to index
        %get3A_1931 = arith.constant 0 : index
        %get3A_1932 = tpu.vector_load %arg8[%get3A_1929, %get3A_1930, %get3A_1931] {strides = array<i32>} : memref<2x400x128xf32, #tpu.memory_space<vmem>>, vector<16xf32>,
        %mul3A_1933 = arith.mulf %get3A_1932, %get3A_266 : vector<16xf32>
        %get3A_1934 = arith.constant 0 : i32
        %get3A_1935 = arith.index_cast %get3A_1934 : i32 to index
        %get3A_1936 = arith.index_cast %add3A_1927 : i32 to index
        %get3A_1937 = arith.constant 16 : index
        %get3A_1938 = tpu.vector_load %arg8[%get3A_1935, %get3A_1936, %get3A_1937] {strides = array<i32>} : memref<2x400x128xf32, #tpu.memory_space<vmem>>, vector<16xf32>,
        %mul3A_1939 = arith.mulf %get3A_1938, %get3A_271 : vector<16xf32>
        %add3A_1940 = arith.addf %mul3A_1933, %mul3A_1939 : vector<16xf32>
        %get3A_1941 = arith.constant 0 : i32
        %get3A_1942 = arith.index_cast %get3A_1941 : i32 to index
        %get3A_1943 = arith.index_cast %add3A_1927 : i32 to index
        %get3A_1944 = arith.constant 32 : index
        %get3A_1945 = tpu.vector_load %arg8[%get3A_1942, %get3A_1943, %get3A_1944] {strides = array<i32>} : memref<2x400x128xf32, #tpu.memory_space<vmem>>, vector<16xf32>,
        %mul3A_1946 = arith.mulf %get3A_1945, %get3A_276 : vector<16xf32>
        %add3A_1947 = arith.addf %add3A_1940, %mul3A_1946 : vector<16xf32>
        %get3A_1948 = arith.constant 0 : i32
        %get3A_1949 = arith.index_cast %get3A_1948 : i32 to index
        %get3A_1950 = arith.index_cast %add3A_1927 : i32 to index
        %get3A_1951 = arith.constant 48 : index
        %get3A_1952 = tpu.vector_load %arg8[%get3A_1949, %get3A_1950, %get3A_1951] {strides = array<i32>} : memref<2x400x128xf32, #tpu.memory_space<vmem>>, vector<16xf32>,
        %mul3A_1953 = arith.mulf %get3A_1952, %get3A_281 : vector<16xf32>
        %add3A_1954 = arith.addf %add3A_1947, %mul3A_1953 : vector<16xf32>
        %eq3A_1955 = arith.constant 9 : i32
        %eq3A_1956 = vector.broadcast %eq3A_1955 : i32 to vector<16xi32>
        %eq3A_1957 = arith.cmpi eq, %iota3A, %eq3A_1956 : vector<16xi32>
        %reduce_sum3A_1958 = arith.constant true
        %reduce_sum3A_1959 = vector.broadcast %reduce_sum3A_1958 : i1 to vector<16xi1>
        %reduce_sum3A_1960 = tpu.scan <sum>, %add3A_1954 masked %reduce_sum3A_1959 : vector<16xf32>, vector<16xi1> -> vector<16xf32>
        %reduce_sum3A_1961 = vector.extract %reduce_sum3A_1960[15] : f32 from vector<16xf32>
        %broadcast_in_dim3A_1962 = vector.broadcast %reduce_sum3A_1961 : f32 to vector<16xf32>
        %select_n3A_1963 = arith.select %eq3A_1957, %broadcast_in_dim3A_1962, %select_n3A_1923 : vector<16xi1>, vector<16xf32>
        %add3A_1964 = arith.constant 32 : i32
        %add3A_1965 = arith.addi %mul3A_260, %add3A_1964 : i32
        %add3A_1966 = arith.constant 10 : i32
        %add3A_1967 = arith.addi %add3A_1965, %add3A_1966 : i32
        %get3A_1968 = arith.constant 0 : i32
        %get3A_1969 = arith.index_cast %get3A_1968 : i32 to index
        %get3A_1970 = arith.index_cast %add3A_1967 : i32 to index
        %get3A_1971 = arith.constant 0 : index
        %get3A_1972 = tpu.vector_load %arg8[%get3A_1969, %get3A_1970, %get3A_1971] {strides = array<i32>} : memref<2x400x128xf32, #tpu.memory_space<vmem>>, vector<16xf32>,
        %mul3A_1973 = arith.mulf %get3A_1972, %get3A_266 : vector<16xf32>
        %get3A_1974 = arith.constant 0 : i32
        %get3A_1975 = arith.index_cast %get3A_1974 : i32 to index
        %get3A_1976 = arith.index_cast %add3A_1967 : i32 to index
        %get3A_1977 = arith.constant 16 : index
        %get3A_1978 = tpu.vector_load %arg8[%get3A_1975, %get3A_1976, %get3A_1977] {strides = array<i32>} : memref<2x400x128xf32, #tpu.memory_space<vmem>>, vector<16xf32>,
        %mul3A_1979 = arith.mulf %get3A_1978, %get3A_271 : vector<16xf32>
        %add3A_1980 = arith.addf %mul3A_1973, %mul3A_1979 : vector<16xf32>
        %get3A_1981 = arith.constant 0 : i32
        %get3A_1982 = arith.index_cast %get3A_1981 : i32 to index
        %get3A_1983 = arith.index_cast %add3A_1967 : i32 to index
        %get3A_1984 = arith.constant 32 : index
        %get3A_1985 = tpu.vector_load %arg8[%get3A_1982, %get3A_1983, %get3A_1984] {strides = array<i32>} : memref<2x400x128xf32, #tpu.memory_space<vmem>>, vector<16xf32>,
        %mul3A_1986 = arith.mulf %get3A_1985, %get3A_276 : vector<16xf32>
        %add3A_1987 = arith.addf %add3A_1980, %mul3A_1986 : vector<16xf32>
        %get3A_1988 = arith.constant 0 : i32
        %get3A_1989 = arith.index_cast %get3A_1988 : i32 to index
        %get3A_1990 = arith.index_cast %add3A_1967 : i32 to index
        %get3A_1991 = arith.constant 48 : index
        %get3A_1992 = tpu.vector_load %arg8[%get3A_1989, %get3A_1990, %get3A_1991] {strides = array<i32>} : memref<2x400x128xf32, #tpu.memory_space<vmem>>, vector<16xf32>,
        %mul3A_1993 = arith.mulf %get3A_1992, %get3A_281 : vector<16xf32>
        %add3A_1994 = arith.addf %add3A_1987, %mul3A_1993 : vector<16xf32>
        %eq3A_1995 = arith.constant 10 : i32
        %eq3A_1996 = vector.broadcast %eq3A_1995 : i32 to vector<16xi32>
        %eq3A_1997 = arith.cmpi eq, %iota3A, %eq3A_1996 : vector<16xi32>
        %reduce_sum3A_1998 = arith.constant true
        %reduce_sum3A_1999 = vector.broadcast %reduce_sum3A_1998 : i1 to vector<16xi1>
        %reduce_sum3A_2000 = tpu.scan <sum>, %add3A_1994 masked %reduce_sum3A_1999 : vector<16xf32>, vector<16xi1> -> vector<16xf32>
        %reduce_sum3A_2001 = vector.extract %reduce_sum3A_2000[15] : f32 from vector<16xf32>
        %broadcast_in_dim3A_2002 = vector.broadcast %reduce_sum3A_2001 : f32 to vector<16xf32>
        %select_n3A_2003 = arith.select %eq3A_1997, %broadcast_in_dim3A_2002, %select_n3A_1963 : vector<16xi1>, vector<16xf32>
        %add3A_2004 = arith.constant 32 : i32
        %add3A_2005 = arith.addi %mul3A_260, %add3A_2004 : i32
        %add3A_2006 = arith.constant 11 : i32
        %add3A_2007 = arith.addi %add3A_2005, %add3A_2006 : i32
        %get3A_2008 = arith.constant 0 : i32
        %get3A_2009 = arith.index_cast %get3A_2008 : i32 to index
        %get3A_2010 = arith.index_cast %add3A_2007 : i32 to index
        %get3A_2011 = arith.constant 0 : index
        %get3A_2012 = tpu.vector_load %arg8[%get3A_2009, %get3A_2010, %get3A_2011] {strides = array<i32>} : memref<2x400x128xf32, #tpu.memory_space<vmem>>, vector<16xf32>,
        %mul3A_2013 = arith.mulf %get3A_2012, %get3A_266 : vector<16xf32>
        %get3A_2014 = arith.constant 0 : i32
        %get3A_2015 = arith.index_cast %get3A_2014 : i32 to index
        %get3A_2016 = arith.index_cast %add3A_2007 : i32 to index
        %get3A_2017 = arith.constant 16 : index
        %get3A_2018 = tpu.vector_load %arg8[%get3A_2015, %get3A_2016, %get3A_2017] {strides = array<i32>} : memref<2x400x128xf32, #tpu.memory_space<vmem>>, vector<16xf32>,
        %mul3A_2019 = arith.mulf %get3A_2018, %get3A_271 : vector<16xf32>
        %add3A_2020 = arith.addf %mul3A_2013, %mul3A_2019 : vector<16xf32>
        %get3A_2021 = arith.constant 0 : i32
        %get3A_2022 = arith.index_cast %get3A_2021 : i32 to index
        %get3A_2023 = arith.index_cast %add3A_2007 : i32 to index
        %get3A_2024 = arith.constant 32 : index
        %get3A_2025 = tpu.vector_load %arg8[%get3A_2022, %get3A_2023, %get3A_2024] {strides = array<i32>} : memref<2x400x128xf32, #tpu.memory_space<vmem>>, vector<16xf32>,
        %mul3A_2026 = arith.mulf %get3A_2025, %get3A_276 : vector<16xf32>
        %add3A_2027 = arith.addf %add3A_2020, %mul3A_2026 : vector<16xf32>
        %get3A_2028 = arith.constant 0 : i32
        %get3A_2029 = arith.index_cast %get3A_2028 : i32 to index
        %get3A_2030 = arith.index_cast %add3A_2007 : i32 to index
        %get3A_2031 = arith.constant 48 : index
        %get3A_2032 = tpu.vector_load %arg8[%get3A_2029, %get3A_2030, %get3A_2031] {strides = array<i32>} : memref<2x400x128xf32, #tpu.memory_space<vmem>>, vector<16xf32>,
        %mul3A_2033 = arith.mulf %get3A_2032, %get3A_281 : vector<16xf32>
        %add3A_2034 = arith.addf %add3A_2027, %mul3A_2033 : vector<16xf32>
        %eq3A_2035 = arith.constant 11 : i32
        %eq3A_2036 = vector.broadcast %eq3A_2035 : i32 to vector<16xi32>
        %eq3A_2037 = arith.cmpi eq, %iota3A, %eq3A_2036 : vector<16xi32>
        %reduce_sum3A_2038 = arith.constant true
        %reduce_sum3A_2039 = vector.broadcast %reduce_sum3A_2038 : i1 to vector<16xi1>
        %reduce_sum3A_2040 = tpu.scan <sum>, %add3A_2034 masked %reduce_sum3A_2039 : vector<16xf32>, vector<16xi1> -> vector<16xf32>
        %reduce_sum3A_2041 = vector.extract %reduce_sum3A_2040[15] : f32 from vector<16xf32>
        %broadcast_in_dim3A_2042 = vector.broadcast %reduce_sum3A_2041 : f32 to vector<16xf32>
        %select_n3A_2043 = arith.select %eq3A_2037, %broadcast_in_dim3A_2042, %select_n3A_2003 : vector<16xi1>, vector<16xf32>
        %add3A_2044 = arith.constant 32 : i32
        %add3A_2045 = arith.addi %mul3A_260, %add3A_2044 : i32
        %add3A_2046 = arith.constant 12 : i32
        %add3A_2047 = arith.addi %add3A_2045, %add3A_2046 : i32
        %get3A_2048 = arith.constant 0 : i32
        %get3A_2049 = arith.index_cast %get3A_2048 : i32 to index
        %get3A_2050 = arith.index_cast %add3A_2047 : i32 to index
        %get3A_2051 = arith.constant 0 : index
        %get3A_2052 = tpu.vector_load %arg8[%get3A_2049, %get3A_2050, %get3A_2051] {strides = array<i32>} : memref<2x400x128xf32, #tpu.memory_space<vmem>>, vector<16xf32>,
        %mul3A_2053 = arith.mulf %get3A_2052, %get3A_266 : vector<16xf32>
        %get3A_2054 = arith.constant 0 : i32
        %get3A_2055 = arith.index_cast %get3A_2054 : i32 to index
        %get3A_2056 = arith.index_cast %add3A_2047 : i32 to index
        %get3A_2057 = arith.constant 16 : index
        %get3A_2058 = tpu.vector_load %arg8[%get3A_2055, %get3A_2056, %get3A_2057] {strides = array<i32>} : memref<2x400x128xf32, #tpu.memory_space<vmem>>, vector<16xf32>,
        %mul3A_2059 = arith.mulf %get3A_2058, %get3A_271 : vector<16xf32>
        %add3A_2060 = arith.addf %mul3A_2053, %mul3A_2059 : vector<16xf32>
        %get3A_2061 = arith.constant 0 : i32
        %get3A_2062 = arith.index_cast %get3A_2061 : i32 to index
        %get3A_2063 = arith.index_cast %add3A_2047 : i32 to index
        %get3A_2064 = arith.constant 32 : index
        %get3A_2065 = tpu.vector_load %arg8[%get3A_2062, %get3A_2063, %get3A_2064] {strides = array<i32>} : memref<2x400x128xf32, #tpu.memory_space<vmem>>, vector<16xf32>,
        %mul3A_2066 = arith.mulf %get3A_2065, %get3A_276 : vector<16xf32>
        %add3A_2067 = arith.addf %add3A_2060, %mul3A_2066 : vector<16xf32>
        %get3A_2068 = arith.constant 0 : i32
        %get3A_2069 = arith.index_cast %get3A_2068 : i32 to index
        %get3A_2070 = arith.index_cast %add3A_2047 : i32 to index
        %get3A_2071 = arith.constant 48 : index
        %get3A_2072 = tpu.vector_load %arg8[%get3A_2069, %get3A_2070, %get3A_2071] {strides = array<i32>} : memref<2x400x128xf32, #tpu.memory_space<vmem>>, vector<16xf32>,
        %mul3A_2073 = arith.mulf %get3A_2072, %get3A_281 : vector<16xf32>
        %add3A_2074 = arith.addf %add3A_2067, %mul3A_2073 : vector<16xf32>
        %eq3A_2075 = arith.constant 12 : i32
        %eq3A_2076 = vector.broadcast %eq3A_2075 : i32 to vector<16xi32>
        %eq3A_2077 = arith.cmpi eq, %iota3A, %eq3A_2076 : vector<16xi32>
        %reduce_sum3A_2078 = arith.constant true
        %reduce_sum3A_2079 = vector.broadcast %reduce_sum3A_2078 : i1 to vector<16xi1>
        %reduce_sum3A_2080 = tpu.scan <sum>, %add3A_2074 masked %reduce_sum3A_2079 : vector<16xf32>, vector<16xi1> -> vector<16xf32>
        %reduce_sum3A_2081 = vector.extract %reduce_sum3A_2080[15] : f32 from vector<16xf32>
        %broadcast_in_dim3A_2082 = vector.broadcast %reduce_sum3A_2081 : f32 to vector<16xf32>
        %select_n3A_2083 = arith.select %eq3A_2077, %broadcast_in_dim3A_2082, %select_n3A_2043 : vector<16xi1>, vector<16xf32>
        %add3A_2084 = arith.constant 32 : i32
        %add3A_2085 = arith.addi %mul3A_260, %add3A_2084 : i32
        %add3A_2086 = arith.constant 13 : i32
        %add3A_2087 = arith.addi %add3A_2085, %add3A_2086 : i32
        %get3A_2088 = arith.constant 0 : i32
        %get3A_2089 = arith.index_cast %get3A_2088 : i32 to index
        %get3A_2090 = arith.index_cast %add3A_2087 : i32 to index
        %get3A_2091 = arith.constant 0 : index
        %get3A_2092 = tpu.vector_load %arg8[%get3A_2089, %get3A_2090, %get3A_2091] {strides = array<i32>} : memref<2x400x128xf32, #tpu.memory_space<vmem>>, vector<16xf32>,
        %mul3A_2093 = arith.mulf %get3A_2092, %get3A_266 : vector<16xf32>
        %get3A_2094 = arith.constant 0 : i32
        %get3A_2095 = arith.index_cast %get3A_2094 : i32 to index
        %get3A_2096 = arith.index_cast %add3A_2087 : i32 to index
        %get3A_2097 = arith.constant 16 : index
        %get3A_2098 = tpu.vector_load %arg8[%get3A_2095, %get3A_2096, %get3A_2097] {strides = array<i32>} : memref<2x400x128xf32, #tpu.memory_space<vmem>>, vector<16xf32>,
        %mul3A_2099 = arith.mulf %get3A_2098, %get3A_271 : vector<16xf32>
        %add3A_2100 = arith.addf %mul3A_2093, %mul3A_2099 : vector<16xf32>
        %get3A_2101 = arith.constant 0 : i32
        %get3A_2102 = arith.index_cast %get3A_2101 : i32 to index
        %get3A_2103 = arith.index_cast %add3A_2087 : i32 to index
        %get3A_2104 = arith.constant 32 : index
        %get3A_2105 = tpu.vector_load %arg8[%get3A_2102, %get3A_2103, %get3A_2104] {strides = array<i32>} : memref<2x400x128xf32, #tpu.memory_space<vmem>>, vector<16xf32>,
        %mul3A_2106 = arith.mulf %get3A_2105, %get3A_276 : vector<16xf32>
        %add3A_2107 = arith.addf %add3A_2100, %mul3A_2106 : vector<16xf32>
        %get3A_2108 = arith.constant 0 : i32
        %get3A_2109 = arith.index_cast %get3A_2108 : i32 to index
        %get3A_2110 = arith.index_cast %add3A_2087 : i32 to index
        %get3A_2111 = arith.constant 48 : index
        %get3A_2112 = tpu.vector_load %arg8[%get3A_2109, %get3A_2110, %get3A_2111] {strides = array<i32>} : memref<2x400x128xf32, #tpu.memory_space<vmem>>, vector<16xf32>,
        %mul3A_2113 = arith.mulf %get3A_2112, %get3A_281 : vector<16xf32>
        %add3A_2114 = arith.addf %add3A_2107, %mul3A_2113 : vector<16xf32>
        %eq3A_2115 = arith.constant 13 : i32
        %eq3A_2116 = vector.broadcast %eq3A_2115 : i32 to vector<16xi32>
        %eq3A_2117 = arith.cmpi eq, %iota3A, %eq3A_2116 : vector<16xi32>
        %reduce_sum3A_2118 = arith.constant true
        %reduce_sum3A_2119 = vector.broadcast %reduce_sum3A_2118 : i1 to vector<16xi1>
        %reduce_sum3A_2120 = tpu.scan <sum>, %add3A_2114 masked %reduce_sum3A_2119 : vector<16xf32>, vector<16xi1> -> vector<16xf32>
        %reduce_sum3A_2121 = vector.extract %reduce_sum3A_2120[15] : f32 from vector<16xf32>
        %broadcast_in_dim3A_2122 = vector.broadcast %reduce_sum3A_2121 : f32 to vector<16xf32>
        %select_n3A_2123 = arith.select %eq3A_2117, %broadcast_in_dim3A_2122, %select_n3A_2083 : vector<16xi1>, vector<16xf32>
        %add3A_2124 = arith.constant 32 : i32
        %add3A_2125 = arith.addi %mul3A_260, %add3A_2124 : i32
        %add3A_2126 = arith.constant 14 : i32
        %add3A_2127 = arith.addi %add3A_2125, %add3A_2126 : i32
        %get3A_2128 = arith.constant 0 : i32
        %get3A_2129 = arith.index_cast %get3A_2128 : i32 to index
        %get3A_2130 = arith.index_cast %add3A_2127 : i32 to index
        %get3A_2131 = arith.constant 0 : index
        %get3A_2132 = tpu.vector_load %arg8[%get3A_2129, %get3A_2130, %get3A_2131] {strides = array<i32>} : memref<2x400x128xf32, #tpu.memory_space<vmem>>, vector<16xf32>,
        %mul3A_2133 = arith.mulf %get3A_2132, %get3A_266 : vector<16xf32>
        %get3A_2134 = arith.constant 0 : i32
        %get3A_2135 = arith.index_cast %get3A_2134 : i32 to index
        %get3A_2136 = arith.index_cast %add3A_2127 : i32 to index
        %get3A_2137 = arith.constant 16 : index
        %get3A_2138 = tpu.vector_load %arg8[%get3A_2135, %get3A_2136, %get3A_2137] {strides = array<i32>} : memref<2x400x128xf32, #tpu.memory_space<vmem>>, vector<16xf32>,
        %mul3A_2139 = arith.mulf %get3A_2138, %get3A_271 : vector<16xf32>
        %add3A_2140 = arith.addf %mul3A_2133, %mul3A_2139 : vector<16xf32>
        %get3A_2141 = arith.constant 0 : i32
        %get3A_2142 = arith.index_cast %get3A_2141 : i32 to index
        %get3A_2143 = arith.index_cast %add3A_2127 : i32 to index
        %get3A_2144 = arith.constant 32 : index
        %get3A_2145 = tpu.vector_load %arg8[%get3A_2142, %get3A_2143, %get3A_2144] {strides = array<i32>} : memref<2x400x128xf32, #tpu.memory_space<vmem>>, vector<16xf32>,
        %mul3A_2146 = arith.mulf %get3A_2145, %get3A_276 : vector<16xf32>
        %add3A_2147 = arith.addf %add3A_2140, %mul3A_2146 : vector<16xf32>
        %get3A_2148 = arith.constant 0 : i32
        %get3A_2149 = arith.index_cast %get3A_2148 : i32 to index
        %get3A_2150 = arith.index_cast %add3A_2127 : i32 to index
        %get3A_2151 = arith.constant 48 : index
        %get3A_2152 = tpu.vector_load %arg8[%get3A_2149, %get3A_2150, %get3A_2151] {strides = array<i32>} : memref<2x400x128xf32, #tpu.memory_space<vmem>>, vector<16xf32>,
        %mul3A_2153 = arith.mulf %get3A_2152, %get3A_281 : vector<16xf32>
        %add3A_2154 = arith.addf %add3A_2147, %mul3A_2153 : vector<16xf32>
        %eq3A_2155 = arith.constant 14 : i32
        %eq3A_2156 = vector.broadcast %eq3A_2155 : i32 to vector<16xi32>
        %eq3A_2157 = arith.cmpi eq, %iota3A, %eq3A_2156 : vector<16xi32>
        %reduce_sum3A_2158 = arith.constant true
        %reduce_sum3A_2159 = vector.broadcast %reduce_sum3A_2158 : i1 to vector<16xi1>
        %reduce_sum3A_2160 = tpu.scan <sum>, %add3A_2154 masked %reduce_sum3A_2159 : vector<16xf32>, vector<16xi1> -> vector<16xf32>
        %reduce_sum3A_2161 = vector.extract %reduce_sum3A_2160[15] : f32 from vector<16xf32>
        %broadcast_in_dim3A_2162 = vector.broadcast %reduce_sum3A_2161 : f32 to vector<16xf32>
        %select_n3A_2163 = arith.select %eq3A_2157, %broadcast_in_dim3A_2162, %select_n3A_2123 : vector<16xi1>, vector<16xf32>
        %add3A_2164 = arith.constant 32 : i32
        %add3A_2165 = arith.addi %mul3A_260, %add3A_2164 : i32
        %add3A_2166 = arith.constant 15 : i32
        %add3A_2167 = arith.addi %add3A_2165, %add3A_2166 : i32
        %get3A_2168 = arith.constant 0 : i32
        %get3A_2169 = arith.index_cast %get3A_2168 : i32 to index
        %get3A_2170 = arith.index_cast %add3A_2167 : i32 to index
        %get3A_2171 = arith.constant 0 : index
        %get3A_2172 = tpu.vector_load %arg8[%get3A_2169, %get3A_2170, %get3A_2171] {strides = array<i32>} : memref<2x400x128xf32, #tpu.memory_space<vmem>>, vector<16xf32>,
        %mul3A_2173 = arith.mulf %get3A_2172, %get3A_266 : vector<16xf32>
        %get3A_2174 = arith.constant 0 : i32
        %get3A_2175 = arith.index_cast %get3A_2174 : i32 to index
        %get3A_2176 = arith.index_cast %add3A_2167 : i32 to index
        %get3A_2177 = arith.constant 16 : index
        %get3A_2178 = tpu.vector_load %arg8[%get3A_2175, %get3A_2176, %get3A_2177] {strides = array<i32>} : memref<2x400x128xf32, #tpu.memory_space<vmem>>, vector<16xf32>,
        %mul3A_2179 = arith.mulf %get3A_2178, %get3A_271 : vector<16xf32>
        %add3A_2180 = arith.addf %mul3A_2173, %mul3A_2179 : vector<16xf32>
        %get3A_2181 = arith.constant 0 : i32
        %get3A_2182 = arith.index_cast %get3A_2181 : i32 to index
        %get3A_2183 = arith.index_cast %add3A_2167 : i32 to index
        %get3A_2184 = arith.constant 32 : index
        %get3A_2185 = tpu.vector_load %arg8[%get3A_2182, %get3A_2183, %get3A_2184] {strides = array<i32>} : memref<2x400x128xf32, #tpu.memory_space<vmem>>, vector<16xf32>,
        %mul3A_2186 = arith.mulf %get3A_2185, %get3A_276 : vector<16xf32>
        %add3A_2187 = arith.addf %add3A_2180, %mul3A_2186 : vector<16xf32>
        %get3A_2188 = arith.constant 0 : i32
        %get3A_2189 = arith.index_cast %get3A_2188 : i32 to index
        %get3A_2190 = arith.index_cast %add3A_2167 : i32 to index
        %get3A_2191 = arith.constant 48 : index
        %get3A_2192 = tpu.vector_load %arg8[%get3A_2189, %get3A_2190, %get3A_2191] {strides = array<i32>} : memref<2x400x128xf32, #tpu.memory_space<vmem>>, vector<16xf32>,
        %mul3A_2193 = arith.mulf %get3A_2192, %get3A_281 : vector<16xf32>
        %add3A_2194 = arith.addf %add3A_2187, %mul3A_2193 : vector<16xf32>
        %eq3A_2195 = arith.constant 15 : i32
        %eq3A_2196 = vector.broadcast %eq3A_2195 : i32 to vector<16xi32>
        %eq3A_2197 = arith.cmpi eq, %iota3A, %eq3A_2196 : vector<16xi32>
        %reduce_sum3A_2198 = arith.constant true
        %reduce_sum3A_2199 = vector.broadcast %reduce_sum3A_2198 : i1 to vector<16xi1>
        %reduce_sum3A_2200 = tpu.scan <sum>, %add3A_2194 masked %reduce_sum3A_2199 : vector<16xf32>, vector<16xi1> -> vector<16xf32>
        %reduce_sum3A_2201 = vector.extract %reduce_sum3A_2200[15] : f32 from vector<16xf32>
        %broadcast_in_dim3A_2202 = vector.broadcast %reduce_sum3A_2201 : f32 to vector<16xf32>
        %select_n3A_2203 = arith.select %eq3A_2197, %broadcast_in_dim3A_2202, %select_n3A_2163 : vector<16xi1>, vector<16xf32>
        %broadcast_in_dim3A_2204 = arith.constant 0.000000e+00 : f32
        %broadcast_in_dim3A_2205 = vector.broadcast %broadcast_in_dim3A_2204 : f32 to vector<16xf32>
        %add3A_2206 = arith.constant 48 : i32
        %add3A_2207 = arith.addi %mul3A_260, %add3A_2206 : i32
        %add3A_2208 = arith.constant 0 : i32
        %add3A_2209 = arith.addi %add3A_2207, %add3A_2208 : i32
        %get3A_2210 = arith.constant 0 : i32
        %get3A_2211 = arith.index_cast %get3A_2210 : i32 to index
        %get3A_2212 = arith.index_cast %add3A_2209 : i32 to index
        %get3A_2213 = arith.constant 0 : index
        %get3A_2214 = tpu.vector_load %arg8[%get3A_2211, %get3A_2212, %get3A_2213] {strides = array<i32>} : memref<2x400x128xf32, #tpu.memory_space<vmem>>, vector<16xf32>,
        %mul3A_2215 = arith.mulf %get3A_2214, %get3A_266 : vector<16xf32>
        %get3A_2216 = arith.constant 0 : i32
        %get3A_2217 = arith.index_cast %get3A_2216 : i32 to index
        %get3A_2218 = arith.index_cast %add3A_2209 : i32 to index
        %get3A_2219 = arith.constant 16 : index
        %get3A_2220 = tpu.vector_load %arg8[%get3A_2217, %get3A_2218, %get3A_2219] {strides = array<i32>} : memref<2x400x128xf32, #tpu.memory_space<vmem>>, vector<16xf32>,
        %mul3A_2221 = arith.mulf %get3A_2220, %get3A_271 : vector<16xf32>
        %add3A_2222 = arith.addf %mul3A_2215, %mul3A_2221 : vector<16xf32>
        %get3A_2223 = arith.constant 0 : i32
        %get3A_2224 = arith.index_cast %get3A_2223 : i32 to index
        %get3A_2225 = arith.index_cast %add3A_2209 : i32 to index
        %get3A_2226 = arith.constant 32 : index
        %get3A_2227 = tpu.vector_load %arg8[%get3A_2224, %get3A_2225, %get3A_2226] {strides = array<i32>} : memref<2x400x128xf32, #tpu.memory_space<vmem>>, vector<16xf32>,
        %mul3A_2228 = arith.mulf %get3A_2227, %get3A_276 : vector<16xf32>
        %add3A_2229 = arith.addf %add3A_2222, %mul3A_2228 : vector<16xf32>
        %get3A_2230 = arith.constant 0 : i32
        %get3A_2231 = arith.index_cast %get3A_2230 : i32 to index
        %get3A_2232 = arith.index_cast %add3A_2209 : i32 to index
        %get3A_2233 = arith.constant 48 : index
        %get3A_2234 = tpu.vector_load %arg8[%get3A_2231, %get3A_2232, %get3A_2233] {strides = array<i32>} : memref<2x400x128xf32, #tpu.memory_space<vmem>>, vector<16xf32>,
        %mul3A_2235 = arith.mulf %get3A_2234, %get3A_281 : vector<16xf32>
        %add3A_2236 = arith.addf %add3A_2229, %mul3A_2235 : vector<16xf32>
        %eq3A_2237 = arith.constant 0 : i32
        %eq3A_2238 = vector.broadcast %eq3A_2237 : i32 to vector<16xi32>
        %eq3A_2239 = arith.cmpi eq, %iota3A, %eq3A_2238 : vector<16xi32>
        %reduce_sum3A_2240 = arith.constant true
        %reduce_sum3A_2241 = vector.broadcast %reduce_sum3A_2240 : i1 to vector<16xi1>
        %reduce_sum3A_2242 = tpu.scan <sum>, %add3A_2236 masked %reduce_sum3A_2241 : vector<16xf32>, vector<16xi1> -> vector<16xf32>
        %reduce_sum3A_2243 = vector.extract %reduce_sum3A_2242[15] : f32 from vector<16xf32>
        %broadcast_in_dim3A_2244 = vector.broadcast %reduce_sum3A_2243 : f32 to vector<16xf32>
        %select_n3A_2245 = arith.select %eq3A_2239, %broadcast_in_dim3A_2244, %broadcast_in_dim3A_2205 : vector<16xi1>, vector<16xf32>
        %add3A_2246 = arith.constant 48 : i32
        %add3A_2247 = arith.addi %mul3A_260, %add3A_2246 : i32
        %add3A_2248 = arith.constant 1 : i32
        %add3A_2249 = arith.addi %add3A_2247, %add3A_2248 : i32
        %get3A_2250 = arith.constant 0 : i32
        %get3A_2251 = arith.index_cast %get3A_2250 : i32 to index
        %get3A_2252 = arith.index_cast %add3A_2249 : i32 to index
        %get3A_2253 = arith.constant 0 : index
        %get3A_2254 = tpu.vector_load %arg8[%get3A_2251, %get3A_2252, %get3A_2253] {strides = array<i32>} : memref<2x400x128xf32, #tpu.memory_space<vmem>>, vector<16xf32>,
        %mul3A_2255 = arith.mulf %get3A_2254, %get3A_266 : vector<16xf32>
        %get3A_2256 = arith.constant 0 : i32
        %get3A_2257 = arith.index_cast %get3A_2256 : i32 to index
        %get3A_2258 = arith.index_cast %add3A_2249 : i32 to index
        %get3A_2259 = arith.constant 16 : index
        %get3A_2260 = tpu.vector_load %arg8[%get3A_2257, %get3A_2258, %get3A_2259] {strides = array<i32>} : memref<2x400x128xf32, #tpu.memory_space<vmem>>, vector<16xf32>,
        %mul3A_2261 = arith.mulf %get3A_2260, %get3A_271 : vector<16xf32>
        %add3A_2262 = arith.addf %mul3A_2255, %mul3A_2261 : vector<16xf32>
        %get3A_2263 = arith.constant 0 : i32
        %get3A_2264 = arith.index_cast %get3A_2263 : i32 to index
        %get3A_2265 = arith.index_cast %add3A_2249 : i32 to index
        %get3A_2266 = arith.constant 32 : index
        %get3A_2267 = tpu.vector_load %arg8[%get3A_2264, %get3A_2265, %get3A_2266] {strides = array<i32>} : memref<2x400x128xf32, #tpu.memory_space<vmem>>, vector<16xf32>,
        %mul3A_2268 = arith.mulf %get3A_2267, %get3A_276 : vector<16xf32>
        %add3A_2269 = arith.addf %add3A_2262, %mul3A_2268 : vector<16xf32>
        %get3A_2270 = arith.constant 0 : i32
        %get3A_2271 = arith.index_cast %get3A_2270 : i32 to index
        %get3A_2272 = arith.index_cast %add3A_2249 : i32 to index
        %get3A_2273 = arith.constant 48 : index
        %get3A_2274 = tpu.vector_load %arg8[%get3A_2271, %get3A_2272, %get3A_2273] {strides = array<i32>} : memref<2x400x128xf32, #tpu.memory_space<vmem>>, vector<16xf32>,
        %mul3A_2275 = arith.mulf %get3A_2274, %get3A_281 : vector<16xf32>
        %add3A_2276 = arith.addf %add3A_2269, %mul3A_2275 : vector<16xf32>
        %eq3A_2277 = arith.constant 1 : i32
        %eq3A_2278 = vector.broadcast %eq3A_2277 : i32 to vector<16xi32>
        %eq3A_2279 = arith.cmpi eq, %iota3A, %eq3A_2278 : vector<16xi32>
        %reduce_sum3A_2280 = arith.constant true
        %reduce_sum3A_2281 = vector.broadcast %reduce_sum3A_2280 : i1 to vector<16xi1>
        %reduce_sum3A_2282 = tpu.scan <sum>, %add3A_2276 masked %reduce_sum3A_2281 : vector<16xf32>, vector<16xi1> -> vector<16xf32>
        %reduce_sum3A_2283 = vector.extract %reduce_sum3A_2282[15] : f32 from vector<16xf32>
        %broadcast_in_dim3A_2284 = vector.broadcast %reduce_sum3A_2283 : f32 to vector<16xf32>
        %select_n3A_2285 = arith.select %eq3A_2279, %broadcast_in_dim3A_2284, %select_n3A_2245 : vector<16xi1>, vector<16xf32>
        %lt3A_2286 = arith.constant 2 : i32
        %lt3A_2287 = vector.broadcast %lt3A_2286 : i32 to vector<16xi32>
        %lt3A_2288 = arith.cmpi slt, %iota3A, %lt3A_2287 : vector<16xi32>
        %broadcast_in_dim3A_2289 = vector.broadcast %scan3A : f32 to vector<16xf32>
        %select_n3A_2290 = arith.select %lt3A_2288, %select_n3A_2285, %broadcast_in_dim3A_2289 : vector<16xi1>, vector<16xf32>
        %max3A = arith.maximumf %select_n3A_2290, %select_n3A_919 : vector<16xf32>
        %max3A_2291 = arith.maximumf %max3A, %select_n3A_1561 : vector<16xf32>
        %max3A_2292 = arith.maximumf %max3A_2291, %select_n3A_2203 : vector<16xf32>
        %reduce_max3A = arith.constant true
        %reduce_max3A_2293 = vector.broadcast %reduce_max3A : i1 to vector<16xi1>
        %reduce_max3A_2294 = tpu.scan <max>, %max3A_2292 masked %reduce_max3A_2293 : vector<16xf32>, vector<16xi1> -> vector<16xf32>
        %reduce_max3A_2295 = vector.extract %reduce_max3A_2294[15] : f32 from vector<16xf32>
        %sub3A = vector.broadcast %reduce_max3A_2295 : f32 to vector<16xf32>
        %sub3A_2296 = arith.subf %select_n3A_919, %sub3A : vector<16xf32>
        %exp3A = math.exp %sub3A_2296 : vector<16xf32>
        %sub3A_2297 = vector.broadcast %reduce_max3A_2295 : f32 to vector<16xf32>
        %sub3A_2298 = arith.subf %select_n3A_1561, %sub3A_2297 : vector<16xf32>
        %exp3A_2299 = math.exp %sub3A_2298 : vector<16xf32>
        %sub3A_2300 = vector.broadcast %reduce_max3A_2295 : f32 to vector<16xf32>
        %sub3A_2301 = arith.subf %select_n3A_2203, %sub3A_2300 : vector<16xf32>
        %exp3A_2302 = math.exp %sub3A_2301 : vector<16xf32>
        %sub3A_2303 = vector.broadcast %reduce_max3A_2295 : f32 to vector<16xf32>
        %sub3A_2304 = arith.subf %select_n3A_2285, %sub3A_2303 : vector<16xf32>
        %exp3A_2305 = math.exp %sub3A_2304 : vector<16xf32>
        %lt3A_2306 = arith.constant 2 : i32
        %lt3A_2307 = vector.broadcast %lt3A_2306 : i32 to vector<16xi32>
        %lt3A_2308 = arith.cmpi slt, %iota3A, %lt3A_2307 : vector<16xi32>
        %jit3A = arith.constant 0.000000e+00 : f32
        %broadcast_in_dim3A_2309 = vector.broadcast %jit3A : f32 to vector<16xf32>
        %select_n3A_2310 = arith.select %lt3A_2308, %exp3A_2305, %broadcast_in_dim3A_2309 : vector<16xi1>, vector<16xf32>
        %add3A_2311 = arith.addf %exp3A, %exp3A_2299 : vector<16xf32>
        %add3A_2312 = arith.addf %add3A_2311, %exp3A_2302 : vector<16xf32>
        %add3A_2313 = arith.addf %add3A_2312, %select_n3A_2310 : vector<16xf32>
        %broadcast_in_dim3A_2314 = arith.constant 0.000000e+00 : f32
        %broadcast_in_dim3A_2315 = vector.broadcast %broadcast_in_dim3A_2314 : f32 to vector<16xf32>
        %reduce_sum3A_2316 = arith.constant true
        %reduce_sum3A_2317 = vector.broadcast %reduce_sum3A_2316 : i1 to vector<16xi1>
        %reduce_sum3A_2318 = tpu.scan <sum>, %add3A_2313 masked %reduce_sum3A_2317 : vector<16xf32>, vector<16xi1> -> vector<16xf32>
        %reduce_sum3A_2319 = vector.extract %reduce_sum3A_2318[15] : f32 from vector<16xf32>
        %add3A_2320 = vector.broadcast %reduce_sum3A_2319 : f32 to vector<16xf32>
        %add3A_2321 = arith.addf %broadcast_in_dim3A_2315, %add3A_2320 : vector<16xf32>
        %broadcast_in_dim3A_2322 = arith.constant 1.000000e+00 : f32
        %broadcast_in_dim3A_2323 = vector.broadcast %broadcast_in_dim3A_2322 : f32 to vector<16xf32>
        %div3A = arith.divf %broadcast_in_dim3A_2323, %add3A_2321 : vector<16xf32>
        %add3A_2324 = arith.constant 0 : i32
        %add3A_2325 = arith.addi %mul3A_262, %add3A_2324 : i32
        %swap3A = arith.index_cast %add3A_2325 : i32 to index
        %swap3A_2326 = tpu.vector_load %arg10[%swap3A] {strides = array<i32>} : memref<400xf32, #tpu.memory_space<vmem>>, vector<16xf32>,
        tpu.vector_store %arg10[%swap3A], %select_n3A_919 {strides = array<i32>} : memref<400xf32, #tpu.memory_space<vmem>>, vector<16xf32>,
        %mul3A_2327 = arith.mulf %exp3A, %div3A : vector<16xf32>
        %add3A_2328 = arith.constant 0 : i32
        %add3A_2329 = arith.addi %mul3A_262, %add3A_2328 : i32
        %swap3A_2330 = arith.index_cast %add3A_2329 : i32 to index
        %swap3A_2331 = tpu.vector_load %arg11[%swap3A_2330] {strides = array<i32>} : memref<400xf32, #tpu.memory_space<vmem>>, vector<16xf32>,
        tpu.vector_store %arg11[%swap3A_2330], %mul3A_2327 {strides = array<i32>} : memref<400xf32, #tpu.memory_space<vmem>>, vector<16xf32>,
        %add3A_2332 = arith.constant 16 : i32
        %add3A_2333 = arith.addi %mul3A_262, %add3A_2332 : i32
        %swap3A_2334 = arith.index_cast %add3A_2333 : i32 to index
        %swap3A_2335 = tpu.vector_load %arg10[%swap3A_2334] {strides = array<i32>} : memref<400xf32, #tpu.memory_space<vmem>>, vector<16xf32>,
        tpu.vector_store %arg10[%swap3A_2334], %select_n3A_1561 {strides = array<i32>} : memref<400xf32, #tpu.memory_space<vmem>>, vector<16xf32>,
        %mul3A_2336 = arith.mulf %exp3A_2299, %div3A : vector<16xf32>
        %add3A_2337 = arith.constant 16 : i32
        %add3A_2338 = arith.addi %mul3A_262, %add3A_2337 : i32
        %swap3A_2339 = arith.index_cast %add3A_2338 : i32 to index
        %swap3A_2340 = tpu.vector_load %arg11[%swap3A_2339] {strides = array<i32>} : memref<400xf32, #tpu.memory_space<vmem>>, vector<16xf32>,
        tpu.vector_store %arg11[%swap3A_2339], %mul3A_2336 {strides = array<i32>} : memref<400xf32, #tpu.memory_space<vmem>>, vector<16xf32>,
        %add3A_2341 = arith.constant 32 : i32
        %add3A_2342 = arith.addi %mul3A_262, %add3A_2341 : i32
        %swap3A_2343 = arith.index_cast %add3A_2342 : i32 to index
        %swap3A_2344 = tpu.vector_load %arg10[%swap3A_2343] {strides = array<i32>} : memref<400xf32, #tpu.memory_space<vmem>>, vector<16xf32>,
        tpu.vector_store %arg10[%swap3A_2343], %select_n3A_2203 {strides = array<i32>} : memref<400xf32, #tpu.memory_space<vmem>>, vector<16xf32>,
        %mul3A_2345 = arith.mulf %exp3A_2302, %div3A : vector<16xf32>
        %add3A_2346 = arith.constant 32 : i32
        %add3A_2347 = arith.addi %mul3A_262, %add3A_2346 : i32
        %swap3A_2348 = arith.index_cast %add3A_2347 : i32 to index
        %swap3A_2349 = tpu.vector_load %arg11[%swap3A_2348] {strides = array<i32>} : memref<400xf32, #tpu.memory_space<vmem>>, vector<16xf32>,
        tpu.vector_store %arg11[%swap3A_2348], %mul3A_2345 {strides = array<i32>} : memref<400xf32, #tpu.memory_space<vmem>>, vector<16xf32>,
        %lt3A_2350 = arith.constant 2 : i32
        %lt3A_2351 = vector.broadcast %lt3A_2350 : i32 to vector<16xi32>
        %lt3A_2352 = arith.cmpi slt, %iota3A, %lt3A_2351 : vector<16xi32>
        %add3A_2353 = arith.constant 48 : i32
        %add3A_2354 = arith.addi %mul3A_262, %add3A_2353 : i32
        %add3A_2355 = vector.broadcast %add3A_2354 : i32 to vector<16xi32>
        %add3A_2356 = arith.addi %add3A_2355, %iota3A : vector<16xi32>
        tpu.vector_store_idx %arg10[%add3A_2356], %select_n3A_2285 masked %lt3A_2352 : memref<400xf32, #tpu.memory_space<vmem>>[vector<16xi32>], vector<16xf32>, vector<16xi1>
        %mul3A_2357 = arith.mulf %select_n3A_2310, %div3A : vector<16xf32>
        tpu.vector_store_idx %arg11[%add3A_2356], %mul3A_2357 masked %lt3A_2352 : memref<400xf32, #tpu.memory_space<vmem>>[vector<16xi32>], vector<16xf32>, vector<16xi1>
        %scan3A_2358 = arith.constant 0 : i32
        scf.yield %scan3A_2358 : i32
      }
      %scan3A_190 = arith.constant 8 : i32
      "tpu.region"() ({
        %run_scoped3A_257 = tpu.sem_alloc : memref<!tpu.dma_semaphore, #tpu.memory_space<semaphore_mem>>
        %dma_start3A_258 = tpu.memref_slice %arg5[%mul3A_183] : memref<204800xf32, #tpu.memory_space<hbm>> -> memref<400xf32, #tpu.memory_space<hbm>>
        %dma_start3A_259 = tpu.memref_slice %arg5[%mul3A_183] : memref<204800xf32, #tpu.memory_space<hbm>> -> memref<400xf32, #tpu.memory_space<hbm>>
        tpu.enqueue_dma source(%arg10 : memref<400xf32, #tpu.memory_space<vmem>>) target(%dma_start3A_259 : memref<400xf32, #tpu.memory_space<hbm>>) target_semaphore(%run_scoped3A_257 : memref<!tpu.dma_semaphore, #tpu.memory_space<semaphore_mem>>)
        %dma_wait3A_260 = tpu.memref_slice %arg5[%mul3A_183] : memref<204800xf32, #tpu.memory_space<hbm>> -> memref<400xf32, #tpu.memory_space<hbm>>
        %dma_wait3A_261 = tpu.memref_slice %arg5[%mul3A_183] : memref<204800xf32, #tpu.memory_space<hbm>> -> memref<400xf32, #tpu.memory_space<hbm>>
        tpu.wait_dma2 semaphore(%run_scoped3A_257 : memref<!tpu.dma_semaphore, #tpu.memory_space<semaphore_mem>>) src(%arg10 : memref<400xf32, #tpu.memory_space<vmem>>) dst(%dma_wait3A_261 : memref<400xf32, #tpu.memory_space<hbm>>)
        tpu.yield
      }) : () -> ()
      "tpu.region"() ({
        %run_scoped3A_257 = tpu.sem_alloc : memref<!tpu.dma_semaphore, #tpu.memory_space<semaphore_mem>>
        %dma_start3A_258 = tpu.memref_slice %arg6[%mul3A_183] : memref<204800xf32, #tpu.memory_space<hbm>> -> memref<400xf32, #tpu.memory_space<hbm>>
        %dma_start3A_259 = tpu.memref_slice %arg6[%mul3A_183] : memref<204800xf32, #tpu.memory_space<hbm>> -> memref<400xf32, #tpu.memory_space<hbm>>
        tpu.enqueue_dma source(%arg11 : memref<400xf32, #tpu.memory_space<vmem>>) target(%dma_start3A_259 : memref<400xf32, #tpu.memory_space<hbm>>) target_semaphore(%run_scoped3A_257 : memref<!tpu.dma_semaphore, #tpu.memory_space<semaphore_mem>>)
        %dma_wait3A_260 = tpu.memref_slice %arg6[%mul3A_183] : memref<204800xf32, #tpu.memory_space<hbm>> -> memref<400xf32, #tpu.memory_space<hbm>>
        %dma_wait3A_261 = tpu.memref_slice %arg6[%mul3A_183] : memref<204800xf32, #tpu.memory_space<hbm>> -> memref<400xf32, #tpu.memory_space<hbm>>
        tpu.wait_dma2 semaphore(%run_scoped3A_257 : memref<!tpu.dma_semaphore, #tpu.memory_space<semaphore_mem>>) src(%arg11 : memref<400xf32, #tpu.memory_space<vmem>>) dst(%dma_wait3A_261 : memref<400xf32, #tpu.memory_space<hbm>>)
        tpu.yield
      }) : () -> ()
      %lt3A = arith.constant 7 : i32
      %lt3A_191 = arith.cmpi slt, %scan3A_66, %lt3A : i32
      %convert_element_type3A = arith.extui %lt3A_191 : i1 to i32
      %cond3A = arith.constant 0 : i32
      %cond3A_192 = arith.cmpi ne, %convert_element_type3A, %cond3A : i32
      scf.if %cond3A_192 {
        %add3A_257 = arith.constant 2 : i32
        %add3A_258 = arith.addi %add3A_70, %add3A_257 : i32
        %mul3A_259 = arith.constant 4 : i32
        %mul3A_260 = arith.muli %add3A_258, %mul3A_259 : i32
        %run_scoped3A_261 = arith.constant 0 : i32
        "tpu.region"() ({
          %run_scoped3A_317 = tpu.sem_alloc : memref<!tpu.dma_semaphore, #tpu.memory_space<semaphore_mem>>
          %dma_start3A_318 = arith.constant 0 : i32
          %dma_start3A_319 = arith.constant 0 : i32
          %dma_start3A_320 = tpu.memref_slice %arg7[%run_scoped3A_261, %dma_start3A_318, %dma_start3A_319] : memref<2x4x100xi32, #tpu.memory_space<vmem>> -> memref<1x4x100xi32, #tpu.memory_space<vmem>>
          %dma_start3A_321 = tpu.memref_squeeze %dma_start3A_320 : memref<1x4x100xi32, #tpu.memory_space<vmem>> -> memref<4x100xi32, #tpu.memory_space<vmem>>
          %dma_start3A_322 = arith.constant 0 : i32
          %dma_start3A_323 = tpu.memref_slice %arg2[%mul3A_260, %dma_start3A_322] : memref<2048x100xi32, #tpu.memory_space<hbm>> -> memref<4x100xi32, #tpu.memory_space<hbm>>
          %dma_start3A_324 = arith.constant 0 : i32
          %dma_start3A_325 = arith.constant 0 : i32
          %dma_start3A_326 = tpu.memref_slice %arg7[%run_scoped3A_261, %dma_start3A_324, %dma_start3A_325] : memref<2x4x100xi32, #tpu.memory_space<vmem>> -> memref<1x4x100xi32, #tpu.memory_space<vmem>>
          %dma_start3A_327 = tpu.memref_squeeze %dma_start3A_326 : memref<1x4x100xi32, #tpu.memory_space<vmem>> -> memref<4x100xi32, #tpu.memory_space<vmem>>
          %dma_start3A_328 = arith.constant 0 : i32
          %dma_start3A_329 = tpu.memref_slice %arg2[%mul3A_260, %dma_start3A_328] : memref<2048x100xi32, #tpu.memory_space<hbm>> -> memref<4x100xi32, #tpu.memory_space<hbm>>
          tpu.enqueue_dma source(%dma_start3A_329 : memref<4x100xi32, #tpu.memory_space<hbm>>) target(%dma_start3A_327 : memref<4x100xi32, #tpu.memory_space<vmem>>) target_semaphore(%run_scoped3A_317 : memref<!tpu.dma_semaphore, #tpu.memory_space<semaphore_mem>>)
          %dma_wait3A_330 = arith.constant 0 : i32
          %dma_wait3A_331 = arith.constant 0 : i32
          %dma_wait3A_332 = tpu.memref_slice %arg7[%run_scoped3A_261, %dma_wait3A_330, %dma_wait3A_331] : memref<2x4x100xi32, #tpu.memory_space<vmem>> -> memref<1x4x100xi32, #tpu.memory_space<vmem>>
          %dma_wait3A_333 = tpu.memref_squeeze %dma_wait3A_332 : memref<1x4x100xi32, #tpu.memory_space<vmem>> -> memref<4x100xi32, #tpu.memory_space<vmem>>
          %dma_wait3A_334 = arith.constant 0 : i32
          %dma_wait3A_335 = tpu.memref_slice %arg2[%mul3A_260, %dma_wait3A_334] : memref<2048x100xi32, #tpu.memory_space<hbm>> -> memref<4x100xi32, #tpu.memory_space<hbm>>
          %dma_wait3A_336 = arith.constant 0 : i32
          %dma_wait3A_337 = arith.constant 0 : i32
          %dma_wait3A_338 = tpu.memref_slice %arg7[%run_scoped3A_261, %dma_wait3A_336, %dma_wait3A_337] : memref<2x4x100xi32, #tpu.memory_space<vmem>> -> memref<1x4x100xi32, #tpu.memory_space<vmem>>
          %dma_wait3A_339 = tpu.memref_squeeze %dma_wait3A_338 : memref<1x4x100xi32, #tpu.memory_space<vmem>> -> memref<4x100xi32, #tpu.memory_space<vmem>>
          %dma_wait3A_340 = arith.constant 0 : i32
          %dma_wait3A_341 = tpu.memref_slice %arg2[%mul3A_260, %dma_wait3A_340] : memref<2048x100xi32, #tpu.memory_space<hbm>> -> memref<4x100xi32, #tpu.memory_space<hbm>>
          tpu.wait_dma2 semaphore(%run_scoped3A_317 : memref<!tpu.dma_semaphore, #tpu.memory_space<semaphore_mem>>) src(%dma_wait3A_341 : memref<4x100xi32, #tpu.memory_space<hbm>>) dst(%dma_wait3A_339 : memref<4x100xi32, #tpu.memory_space<vmem>>)
          tpu.yield
        }) : () -> ()
        %dma_start3A_262 = arith.constant 0 : i32
        %dma_start3A_263 = arith.constant 0 : i32
        %dma_start3A_264 = arith.constant 0 : i32
        %dma_start3A_265 = arith.constant 0 : i32
        %dma_start3A_266 = arith.constant 0 : i32
        %dma_start3A_267 = tpu.memref_slice %arg8[%dma_start3A_264, %dma_start3A_265, %dma_start3A_266] : memref<2x400x128xf32, #tpu.memory_space<vmem>> -> memref<1x100x128xf32, #tpu.memory_space<vmem>>
        %dma_start3A_268 = tpu.memref_squeeze %dma_start3A_267 : memref<1x100x128xf32, #tpu.memory_space<vmem>> -> memref<100x128xf32, #tpu.memory_space<vmem>>
        %dma_start3A_269 = arith.constant 0 : i32
        %dma_start3A_270 = tpu.memref_slice %arg7[%dma_start3A_262, %dma_start3A_263, %dma_start3A_269] : memref<2x4x100xi32, #tpu.memory_space<vmem>> -> memref<1x1x100xi32, #tpu.memory_space<vmem>>
        %dma_start3A_271 = tpu.memref_squeeze %dma_start3A_270 : memref<1x1x100xi32, #tpu.memory_space<vmem>> -> memref<100xi32, #tpu.memory_space<vmem>>
        %dma_start3A_272 = arith.constant 0 : i32
        %dma_start3A_273 = arith.constant 0 : i32
        %dma_start3A_274 = tpu.memref_slice %arg4[%dma_start3A_272, %dma_start3A_273] : memref<1000000x128xf32, #tpu.memory_space<hbm>> -> memref<1000000x128xf32, #tpu.memory_space<hbm>>
        tpu.enqueue_indirect_dma source(%dma_start3A_274 : memref<1000000x128xf32, #tpu.memory_space<hbm>>) target(%dma_start3A_268 : memref<100x128xf32, #tpu.memory_space<vmem>>) offsets(%dma_start3A_271 : memref<100xi32, #tpu.memory_space<vmem>>) semaphore(%arg12 : memref<!tpu.dma_semaphore, #tpu.memory_space<semaphore_mem>>)
        %dma_start3A_275 = arith.constant 0 : i32
        %dma_start3A_276 = arith.constant 1 : i32
        %dma_start3A_277 = arith.constant 0 : i32
        %dma_start3A_278 = arith.constant 100 : i32
        %dma_start3A_279 = arith.constant 0 : i32
        %dma_start3A_280 = tpu.memref_slice %arg8[%dma_start3A_277, %dma_start3A_278, %dma_start3A_279] : memref<2x400x128xf32, #tpu.memory_space<vmem>> -> memref<1x100x128xf32, #tpu.memory_space<vmem>>
        %dma_start3A_281 = tpu.memref_squeeze %dma_start3A_280 : memref<1x100x128xf32, #tpu.memory_space<vmem>> -> memref<100x128xf32, #tpu.memory_space<vmem>>
        %dma_start3A_282 = arith.constant 0 : i32
        %dma_start3A_283 = tpu.memref_slice %arg7[%dma_start3A_275, %dma_start3A_276, %dma_start3A_282] : memref<2x4x100xi32, #tpu.memory_space<vmem>> -> memref<1x1x100xi32, #tpu.memory_space<vmem>>
        %dma_start3A_284 = tpu.memref_squeeze %dma_start3A_283 : memref<1x1x100xi32, #tpu.memory_space<vmem>> -> memref<100xi32, #tpu.memory_space<vmem>>
        %dma_start3A_285 = arith.constant 0 : i32
        %dma_start3A_286 = arith.constant 0 : i32
        %dma_start3A_287 = tpu.memref_slice %arg4[%dma_start3A_285, %dma_start3A_286] : memref<1000000x128xf32, #tpu.memory_space<hbm>> -> memref<1000000x128xf32, #tpu.memory_space<hbm>>
        tpu.enqueue_indirect_dma source(%dma_start3A_287 : memref<1000000x128xf32, #tpu.memory_space<hbm>>) target(%dma_start3A_281 : memref<100x128xf32, #tpu.memory_space<vmem>>) offsets(%dma_start3A_284 : memref<100xi32, #tpu.memory_space<vmem>>) semaphore(%arg12 : memref<!tpu.dma_semaphore, #tpu.memory_space<semaphore_mem>>)
        %dma_start3A_288 = arith.constant 0 : i32
        %dma_start3A_289 = arith.constant 2 : i32
        %dma_start3A_290 = arith.constant 0 : i32
        %dma_start3A_291 = arith.constant 200 : i32
        %dma_start3A_292 = arith.constant 0 : i32
        %dma_start3A_293 = tpu.memref_slice %arg8[%dma_start3A_290, %dma_start3A_291, %dma_start3A_292] : memref<2x400x128xf32, #tpu.memory_space<vmem>> -> memref<1x100x128xf32, #tpu.memory_space<vmem>>
        %dma_start3A_294 = tpu.memref_squeeze %dma_start3A_293 : memref<1x100x128xf32, #tpu.memory_space<vmem>> -> memref<100x128xf32, #tpu.memory_space<vmem>>
        %dma_start3A_295 = arith.constant 0 : i32
        %dma_start3A_296 = tpu.memref_slice %arg7[%dma_start3A_288, %dma_start3A_289, %dma_start3A_295] : memref<2x4x100xi32, #tpu.memory_space<vmem>> -> memref<1x1x100xi32, #tpu.memory_space<vmem>>
        %dma_start3A_297 = tpu.memref_squeeze %dma_start3A_296 : memref<1x1x100xi32, #tpu.memory_space<vmem>> -> memref<100xi32, #tpu.memory_space<vmem>>
        %dma_start3A_298 = arith.constant 0 : i32
        %dma_start3A_299 = arith.constant 0 : i32
        %dma_start3A_300 = tpu.memref_slice %arg4[%dma_start3A_298, %dma_start3A_299] : memref<1000000x128xf32, #tpu.memory_space<hbm>> -> memref<1000000x128xf32, #tpu.memory_space<hbm>>
        tpu.enqueue_indirect_dma source(%dma_start3A_300 : memref<1000000x128xf32, #tpu.memory_space<hbm>>) target(%dma_start3A_294 : memref<100x128xf32, #tpu.memory_space<vmem>>) offsets(%dma_start3A_297 : memref<100xi32, #tpu.memory_space<vmem>>) semaphore(%arg12 : memref<!tpu.dma_semaphore, #tpu.memory_space<semaphore_mem>>)
        %dma_start3A_301 = arith.constant 0 : i32
        %dma_start3A_302 = arith.constant 3 : i32
        %dma_start3A_303 = arith.constant 0 : i32
        %dma_start3A_304 = arith.constant 300 : i32
        %dma_start3A_305 = arith.constant 0 : i32
        %dma_start3A_306 = tpu.memref_slice %arg8[%dma_start3A_303, %dma_start3A_304, %dma_start3A_305] : memref<2x400x128xf32, #tpu.memory_space<vmem>> -> memref<1x100x128xf32, #tpu.memory_space<vmem>>
        %dma_start3A_307 = tpu.memref_squeeze %dma_start3A_306 : memref<1x100x128xf32, #tpu.memory_space<vmem>> -> memref<100x128xf32, #tpu.memory_space<vmem>>
        %dma_start3A_308 = arith.constant 0 : i32
        %dma_start3A_309 = tpu.memref_slice %arg7[%dma_start3A_301, %dma_start3A_302, %dma_start3A_308] : memref<2x4x100xi32, #tpu.memory_space<vmem>> -> memref<1x1x100xi32, #tpu.memory_space<vmem>>
        %dma_start3A_310 = tpu.memref_squeeze %dma_start3A_309 : memref<1x1x100xi32, #tpu.memory_space<vmem>> -> memref<100xi32, #tpu.memory_space<vmem>>
        %dma_start3A_311 = arith.constant 0 : i32
        %dma_start3A_312 = arith.constant 0 : i32
        %dma_start3A_313 = tpu.memref_slice %arg4[%dma_start3A_311, %dma_start3A_312] : memref<1000000x128xf32, #tpu.memory_space<hbm>> -> memref<1000000x128xf32, #tpu.memory_space<hbm>>
        tpu.enqueue_indirect_dma source(%dma_start3A_313 : memref<1000000x128xf32, #tpu.memory_space<hbm>>) target(%dma_start3A_307 : memref<100x128xf32, #tpu.memory_space<vmem>>) offsets(%dma_start3A_310 : memref<100xi32, #tpu.memory_space<vmem>>) semaphore(%arg12 : memref<!tpu.dma_semaphore, #tpu.memory_space<semaphore_mem>>)
        %mul3A_314 = arith.constant 8 : i32
        %mul3A_315 = arith.muli %add3A_258, %mul3A_314 : i32
        %run_scoped3A_316 = arith.constant 0 : i32
        "tpu.region"() ({
          %run_scoped3A_317 = tpu.sem_alloc : memref<!tpu.dma_semaphore, #tpu.memory_space<semaphore_mem>>
          %dma_start3A_318 = arith.constant 0 : i32
          %dma_start3A_319 = arith.constant 0 : i32
          %dma_start3A_320 = tpu.memref_slice %arg9[%run_scoped3A_316, %dma_start3A_318, %dma_start3A_319] : memref<2x8x64xf32, #tpu.memory_space<vmem>> -> memref<1x8x64xf32, #tpu.memory_space<vmem>>
          %dma_start3A_321 = tpu.memref_squeeze %dma_start3A_320 : memref<1x8x64xf32, #tpu.memory_space<vmem>> -> memref<8x64xf32, #tpu.memory_space<vmem>>
          %dma_start3A_322 = arith.constant 0 : i32
          %dma_start3A_323 = tpu.memref_slice %arg3[%mul3A_315, %dma_start3A_322] : memref<4096x64xf32, #tpu.memory_space<hbm>> -> memref<8x64xf32, #tpu.memory_space<hbm>>
          %dma_start3A_324 = arith.constant 0 : i32
          %dma_start3A_325 = arith.constant 0 : i32
          %dma_start3A_326 = tpu.memref_slice %arg9[%run_scoped3A_316, %dma_start3A_324, %dma_start3A_325] : memref<2x8x64xf32, #tpu.memory_space<vmem>> -> memref<1x8x64xf32, #tpu.memory_space<vmem>>
          %dma_start3A_327 = tpu.memref_squeeze %dma_start3A_326 : memref<1x8x64xf32, #tpu.memory_space<vmem>> -> memref<8x64xf32, #tpu.memory_space<vmem>>
          %dma_start3A_328 = arith.constant 0 : i32
          %dma_start3A_329 = tpu.memref_slice %arg3[%mul3A_315, %dma_start3A_328] : memref<4096x64xf32, #tpu.memory_space<hbm>> -> memref<8x64xf32, #tpu.memory_space<hbm>>
          tpu.enqueue_dma source(%dma_start3A_329 : memref<8x64xf32, #tpu.memory_space<hbm>>) target(%dma_start3A_327 : memref<8x64xf32, #tpu.memory_space<vmem>>) target_semaphore(%run_scoped3A_317 : memref<!tpu.dma_semaphore, #tpu.memory_space<semaphore_mem>>)
          %dma_wait3A_330 = arith.constant 0 : i32
          %dma_wait3A_331 = arith.constant 0 : i32
          %dma_wait3A_332 = tpu.memref_slice %arg9[%run_scoped3A_316, %dma_wait3A_330, %dma_wait3A_331] : memref<2x8x64xf32, #tpu.memory_space<vmem>> -> memref<1x8x64xf32, #tpu.memory_space<vmem>>
          %dma_wait3A_333 = tpu.memref_squeeze %dma_wait3A_332 : memref<1x8x64xf32, #tpu.memory_space<vmem>> -> memref<8x64xf32, #tpu.memory_space<vmem>>
          %dma_wait3A_334 = arith.constant 0 : i32
          %dma_wait3A_335 = tpu.memref_slice %arg3[%mul3A_315, %dma_wait3A_334] : memref<4096x64xf32, #tpu.memory_space<hbm>> -> memref<8x64xf32, #tpu.memory_space<hbm>>
          %dma_wait3A_336 = arith.constant 0 : i32
          %dma_wait3A_337 = arith.constant 0 : i32
          %dma_wait3A_338 = tpu.memref_slice %arg9[%run_scoped3A_316, %dma_wait3A_336, %dma_wait3A_337] : memref<2x8x64xf32, #tpu.memory_space<vmem>> -> memref<1x8x64xf32, #tpu.memory_space<vmem>>
          %dma_wait3A_339 = tpu.memref_squeeze %dma_wait3A_338 : memref<1x8x64xf32, #tpu.memory_space<vmem>> -> memref<8x64xf32, #tpu.memory_space<vmem>>
          %dma_wait3A_340 = arith.constant 0 : i32
          %dma_wait3A_341 = tpu.memref_slice %arg3[%mul3A_315, %dma_wait3A_340] : memref<4096x64xf32, #tpu.memory_space<hbm>> -> memref<8x64xf32, #tpu.memory_space<hbm>>
          tpu.wait_dma2 semaphore(%run_scoped3A_317 : memref<!tpu.dma_semaphore, #tpu.memory_space<semaphore_mem>>) src(%dma_wait3A_341 : memref<8x64xf32, #tpu.memory_space<hbm>>) dst(%dma_wait3A_339 : memref<8x64xf32, #tpu.memory_space<vmem>>)
          tpu.yield
        }) : () -> ()
      } else {
      }
      %dma_wait3A_193 = arith.constant 1 : i32
      %dma_wait3A_194 = arith.constant 0 : i32
      %dma_wait3A_195 = arith.constant 1 : i32
      %dma_wait3A_196 = arith.constant 0 : i32
      %dma_wait3A_197 = arith.constant 0 : i32
      %dma_wait3A_198 = tpu.memref_slice %arg8[%dma_wait3A_195, %dma_wait3A_196, %dma_wait3A_197] : memref<2x400x128xf32, #tpu.memory_space<vmem>> -> memref<1x100x128xf32, #tpu.memory_space<vmem>>
      %dma_wait3A_199 = tpu.memref_squeeze %dma_wait3A_198 : memref<1x100x128xf32, #tpu.memory_space<vmem>> -> memref<100x128xf32, #tpu.memory_space<vmem>>
      %dma_wait3A_200 = arith.constant 0 : i32
      %dma_wait3A_201 = tpu.memref_slice %arg7[%dma_wait3A_193, %dma_wait3A_194, %dma_wait3A_200] : memref<2x4x100xi32, #tpu.memory_space<vmem>> -> memref<1x1x100xi32, #tpu.memory_space<vmem>>
      %dma_wait3A_202 = tpu.memref_squeeze %dma_wait3A_201 : memref<1x1x100xi32, #tpu.memory_space<vmem>> -> memref<100xi32, #tpu.memory_space<vmem>>
      %dma_wait3A_203 = arith.constant 0 : i32
      %dma_wait3A_204 = arith.constant 0 : i32
      %dma_wait3A_205 = tpu.memref_slice %arg4[%dma_wait3A_203, %dma_wait3A_204] : memref<1000000x128xf32, #tpu.memory_space<hbm>> -> memref<1000000x128xf32, #tpu.memory_space<hbm>>
      tpu.wait_indirect_dma semaphore(%arg13 : memref<!tpu.dma_semaphore, #tpu.memory_space<semaphore_mem>>) src(%dma_wait3A_205 : memref<1000000x128xf32, #tpu.memory_space<hbm>>) dst(%dma_wait3A_199 : memref<100x128xf32, #tpu.memory_space<vmem>>)
      %dma_wait3A_206 = arith.constant 1 : i32
      %dma_wait3A_207 = arith.constant 1 : i32
      %dma_wait3A_208 = arith.constant 1 : i32
      %dma_wait3A_209 = arith.constant 100 : i32
      %dma_wait3A_210 = arith.constant 0 : i32
      %dma_wait3A_211 = tpu.memref_slice %arg8[%dma_wait3A_208, %dma_wait3A_209, %dma_wait3A_210] : memref<2x400x128xf32, #tpu.memory_space<vmem>> -> memref<1x100x128xf32, #tpu.memory_space<vmem>>
      %dma_wait3A_212 = tpu.memref_squeeze %dma_wait3A_211 : memref<1x100x128xf32, #tpu.memory_space<vmem>> -> memref<100x128xf32, #tpu.memory_space<vmem>>
      %dma_wait3A_213 = arith.constant 0 : i32
      %dma_wait3A_214 = tpu.memref_slice %arg7[%dma_wait3A_206, %dma_wait3A_207, %dma_wait3A_213] : memref<2x4x100xi32, #tpu.memory_space<vmem>> -> memref<1x1x100xi32, #tpu.memory_space<vmem>>
      %dma_wait3A_215 = tpu.memref_squeeze %dma_wait3A_214 : memref<1x1x100xi32, #tpu.memory_space<vmem>> -> memref<100xi32, #tpu.memory_space<vmem>>
      %dma_wait3A_216 = arith.constant 0 : i32
      %dma_wait3A_217 = arith.constant 0 : i32
      %dma_wait3A_218 = tpu.memref_slice %arg4[%dma_wait3A_216, %dma_wait3A_217] : memref<1000000x128xf32, #tpu.memory_space<hbm>> -> memref<1000000x128xf32, #tpu.memory_space<hbm>>
      tpu.wait_indirect_dma semaphore(%arg13 : memref<!tpu.dma_semaphore, #tpu.memory_space<semaphore_mem>>) src(%dma_wait3A_218 : memref<1000000x128xf32, #tpu.memory_space<hbm>>) dst(%dma_wait3A_212 : memref<100x128xf32, #tpu.memory_space<vmem>>)
      %dma_wait3A_219 = arith.constant 1 : i32
      %dma_wait3A_220 = arith.constant 2 : i32
      %dma_wait3A_221 = arith.constant 1 : i32
      %dma_wait3A_222 = arith.constant 200 : i32
      %dma_wait3A_223 = arith.constant 0 : i32
      %dma_wait3A_224 = tpu.memref_slice %arg8[%dma_wait3A_221, %dma_wait3A_222, %dma_wait3A_223] : memref<2x400x128xf32, #tpu.memory_space<vmem>> -> memref<1x100x128xf32, #tpu.memory_space<vmem>>
      %dma_wait3A_225 = tpu.memref_squeeze %dma_wait3A_224 : memref<1x100x128xf32, #tpu.memory_space<vmem>> -> memref<100x128xf32, #tpu.memory_space<vmem>>
      %dma_wait3A_226 = arith.constant 0 : i32
      %dma_wait3A_227 = tpu.memref_slice %arg7[%dma_wait3A_219, %dma_wait3A_220, %dma_wait3A_226] : memref<2x4x100xi32, #tpu.memory_space<vmem>> -> memref<1x1x100xi32, #tpu.memory_space<vmem>>
      %dma_wait3A_228 = tpu.memref_squeeze %dma_wait3A_227 : memref<1x1x100xi32, #tpu.memory_space<vmem>> -> memref<100xi32, #tpu.memory_space<vmem>>
      %dma_wait3A_229 = arith.constant 0 : i32
      %dma_wait3A_230 = arith.constant 0 : i32
      %dma_wait3A_231 = tpu.memref_slice %arg4[%dma_wait3A_229, %dma_wait3A_230] : memref<1000000x128xf32, #tpu.memory_space<hbm>> -> memref<1000000x128xf32, #tpu.memory_space<hbm>>
      tpu.wait_indirect_dma semaphore(%arg13 : memref<!tpu.dma_semaphore, #tpu.memory_space<semaphore_mem>>) src(%dma_wait3A_231 : memref<1000000x128xf32, #tpu.memory_space<hbm>>) dst(%dma_wait3A_225 : memref<100x128xf32, #tpu.memory_space<vmem>>)
      %dma_wait3A_232 = arith.constant 1 : i32
      %dma_wait3A_233 = arith.constant 3 : i32
      %dma_wait3A_234 = arith.constant 1 : i32
      %dma_wait3A_235 = arith.constant 300 : i32
      %dma_wait3A_236 = arith.constant 0 : i32
      %dma_wait3A_237 = tpu.memref_slice %arg8[%dma_wait3A_234, %dma_wait3A_235, %dma_wait3A_236] : memref<2x400x128xf32, #tpu.memory_space<vmem>> -> memref<1x100x128xf32, #tpu.memory_space<vmem>>
      %dma_wait3A_238 = tpu.memref_squeeze %dma_wait3A_237 : memref<1x100x128xf32, #tpu.memory_space<vmem>> -> memref<100x128xf32, #tpu.memory_space<vmem>>
      %dma_wait3A_239 = arith.constant 0 : i32
      %dma_wait3A_240 = tpu.memref_slice %arg7[%dma_wait3A_232, %dma_wait3A_233, %dma_wait3A_239] : memref<2x4x100xi32, #tpu.memory_space<vmem>> -> memref<1x1x100xi32, #tpu.memory_space<vmem>>
      %dma_wait3A_241 = tpu.memref_squeeze %dma_wait3A_240 : memref<1x1x100xi32, #tpu.memory_space<vmem>> -> memref<100xi32, #tpu.memory_space<vmem>>
      %dma_wait3A_242 = arith.constant 0 : i32
      %dma_wait3A_243 = arith.constant 0 : i32
      %dma_wait3A_244 = tpu.memref_slice %arg4[%dma_wait3A_242, %dma_wait3A_243] : memref<1000000x128xf32, #tpu.memory_space<hbm>> -> memref<1000000x128xf32, #tpu.memory_space<hbm>>
      tpu.wait_indirect_dma semaphore(%arg13 : memref<!tpu.dma_semaphore, #tpu.memory_space<semaphore_mem>>) src(%dma_wait3A_244 : memref<1000000x128xf32, #tpu.memory_space<hbm>>) dst(%dma_wait3A_238 : memref<100x128xf32, #tpu.memory_space<vmem>>)
      %add3A_245 = arith.constant 1 : i32
      %add3A_246 = arith.addi %add3A_70, %add3A_245 : i32
      %mul3A_247 = arith.constant 400 : i32
      %mul3A_248 = arith.muli %add3A_246, %mul3A_247 : i32
      %scan3A_249 = arith.constant 0 : i32
      %scan3A_250 = arith.constant 0 : i32
      %scan3A_251 = arith.constant 8 : i32
      %scan3A_252 = arith.addi %scan3A_250, %scan3A_251 : i32
      %scan3A_253 = arith.constant 1 : i32
      %scan3A_254 = scf.for %scan3A_257 = %scan3A_250 to %scan3A_252 step %scan3A_253 iter_args(%scan3A_258 = %scan3A_249) -> (i32)  : i32 {
        %mul3A_259 = arith.constant 50 : i32
        %mul3A_260 = arith.muli %scan3A_257, %mul3A_259 : i32
        %mul3A_261 = arith.constant 50 : i32
        %mul3A_262 = arith.muli %scan3A_257, %mul3A_261 : i32
        %get3A = arith.constant 1 : i32
        %get3A_263 = arith.index_cast %get3A : i32 to index
        %get3A_264 = arith.index_cast %scan3A_257 : i32 to index
        %get3A_265 = arith.constant 0 : index
        %get3A_266 = tpu.vector_load %arg9[%get3A_263, %get3A_264, %get3A_265] {strides = array<i32>} : memref<2x8x64xf32, #tpu.memory_space<vmem>>, vector<16xf32>,
        %get3A_267 = arith.constant 1 : i32
        %get3A_268 = arith.index_cast %get3A_267 : i32 to index
        %get3A_269 = arith.index_cast %scan3A_257 : i32 to index
        %get3A_270 = arith.constant 16 : index
        %get3A_271 = tpu.vector_load %arg9[%get3A_268, %get3A_269, %get3A_270] {strides = array<i32>} : memref<2x8x64xf32, #tpu.memory_space<vmem>>, vector<16xf32>,
        %get3A_272 = arith.constant 1 : i32
        %get3A_273 = arith.index_cast %get3A_272 : i32 to index
        %get3A_274 = arith.index_cast %scan3A_257 : i32 to index
        %get3A_275 = arith.constant 32 : index
        %get3A_276 = tpu.vector_load %arg9[%get3A_273, %get3A_274, %get3A_275] {strides = array<i32>} : memref<2x8x64xf32, #tpu.memory_space<vmem>>, vector<16xf32>,
        %get3A_277 = arith.constant 1 : i32
        %get3A_278 = arith.index_cast %get3A_277 : i32 to index
        %get3A_279 = arith.index_cast %scan3A_257 : i32 to index
        %get3A_280 = arith.constant 48 : index
        %get3A_281 = tpu.vector_load %arg9[%get3A_278, %get3A_279, %get3A_280] {strides = array<i32>} : memref<2x8x64xf32, #tpu.memory_space<vmem>>, vector<16xf32>,
        %broadcast_in_dim3A = arith.constant 0.000000e+00 : f32
        %broadcast_in_dim3A_282 = vector.broadcast %broadcast_in_dim3A : f32 to vector<16xf32>
        %add3A_283 = arith.constant 0 : i32
        %add3A_284 = arith.addi %mul3A_260, %add3A_283 : i32
        %add3A_285 = arith.constant 0 : i32
        %add3A_286 = arith.addi %add3A_284, %add3A_285 : i32
        %get3A_287 = arith.constant 1 : i32
        %get3A_288 = arith.index_cast %get3A_287 : i32 to index
        %get3A_289 = arith.index_cast %add3A_286 : i32 to index
        %get3A_290 = arith.constant 0 : index
        %get3A_291 = tpu.vector_load %arg8[%get3A_288, %get3A_289, %get3A_290] {strides = array<i32>} : memref<2x400x128xf32, #tpu.memory_space<vmem>>, vector<16xf32>,
        %mul3A_292 = arith.mulf %get3A_291, %get3A_266 : vector<16xf32>
        %get3A_293 = arith.constant 1 : i32
        %get3A_294 = arith.index_cast %get3A_293 : i32 to index
        %get3A_295 = arith.index_cast %add3A_286 : i32 to index
        %get3A_296 = arith.constant 16 : index
        %get3A_297 = tpu.vector_load %arg8[%get3A_294, %get3A_295, %get3A_296] {strides = array<i32>} : memref<2x400x128xf32, #tpu.memory_space<vmem>>, vector<16xf32>,
        %mul3A_298 = arith.mulf %get3A_297, %get3A_271 : vector<16xf32>
        %add3A_299 = arith.addf %mul3A_292, %mul3A_298 : vector<16xf32>
        %get3A_300 = arith.constant 1 : i32
        %get3A_301 = arith.index_cast %get3A_300 : i32 to index
        %get3A_302 = arith.index_cast %add3A_286 : i32 to index
        %get3A_303 = arith.constant 32 : index
        %get3A_304 = tpu.vector_load %arg8[%get3A_301, %get3A_302, %get3A_303] {strides = array<i32>} : memref<2x400x128xf32, #tpu.memory_space<vmem>>, vector<16xf32>,
        %mul3A_305 = arith.mulf %get3A_304, %get3A_276 : vector<16xf32>
        %add3A_306 = arith.addf %add3A_299, %mul3A_305 : vector<16xf32>
        %get3A_307 = arith.constant 1 : i32
        %get3A_308 = arith.index_cast %get3A_307 : i32 to index
        %get3A_309 = arith.index_cast %add3A_286 : i32 to index
        %get3A_310 = arith.constant 48 : index
        %get3A_311 = tpu.vector_load %arg8[%get3A_308, %get3A_309, %get3A_310] {strides = array<i32>} : memref<2x400x128xf32, #tpu.memory_space<vmem>>, vector<16xf32>,
        %mul3A_312 = arith.mulf %get3A_311, %get3A_281 : vector<16xf32>
        %add3A_313 = arith.addf %add3A_306, %mul3A_312 : vector<16xf32>
        %eq3A = arith.constant 0 : i32
        %eq3A_314 = vector.broadcast %eq3A : i32 to vector<16xi32>
        %eq3A_315 = arith.cmpi eq, %iota3A, %eq3A_314 : vector<16xi32>
        %reduce_sum3A = arith.constant true
        %reduce_sum3A_316 = vector.broadcast %reduce_sum3A : i1 to vector<16xi1>
        %reduce_sum3A_317 = tpu.scan <sum>, %add3A_313 masked %reduce_sum3A_316 : vector<16xf32>, vector<16xi1> -> vector<16xf32>
        %reduce_sum3A_318 = vector.extract %reduce_sum3A_317[15] : f32 from vector<16xf32>
        %broadcast_in_dim3A_319 = vector.broadcast %reduce_sum3A_318 : f32 to vector<16xf32>
        %select_n3A = arith.select %eq3A_315, %broadcast_in_dim3A_319, %broadcast_in_dim3A_282 : vector<16xi1>, vector<16xf32>
        %add3A_320 = arith.constant 0 : i32
        %add3A_321 = arith.addi %mul3A_260, %add3A_320 : i32
        %add3A_322 = arith.constant 1 : i32
        %add3A_323 = arith.addi %add3A_321, %add3A_322 : i32
        %get3A_324 = arith.constant 1 : i32
        %get3A_325 = arith.index_cast %get3A_324 : i32 to index
        %get3A_326 = arith.index_cast %add3A_323 : i32 to index
        %get3A_327 = arith.constant 0 : index
        %get3A_328 = tpu.vector_load %arg8[%get3A_325, %get3A_326, %get3A_327] {strides = array<i32>} : memref<2x400x128xf32, #tpu.memory_space<vmem>>, vector<16xf32>,
        %mul3A_329 = arith.mulf %get3A_328, %get3A_266 : vector<16xf32>
        %get3A_330 = arith.constant 1 : i32
        %get3A_331 = arith.index_cast %get3A_330 : i32 to index
        %get3A_332 = arith.index_cast %add3A_323 : i32 to index
        %get3A_333 = arith.constant 16 : index
        %get3A_334 = tpu.vector_load %arg8[%get3A_331, %get3A_332, %get3A_333] {strides = array<i32>} : memref<2x400x128xf32, #tpu.memory_space<vmem>>, vector<16xf32>,
        %mul3A_335 = arith.mulf %get3A_334, %get3A_271 : vector<16xf32>
        %add3A_336 = arith.addf %mul3A_329, %mul3A_335 : vector<16xf32>
        %get3A_337 = arith.constant 1 : i32
        %get3A_338 = arith.index_cast %get3A_337 : i32 to index
        %get3A_339 = arith.index_cast %add3A_323 : i32 to index
        %get3A_340 = arith.constant 32 : index
        %get3A_341 = tpu.vector_load %arg8[%get3A_338, %get3A_339, %get3A_340] {strides = array<i32>} : memref<2x400x128xf32, #tpu.memory_space<vmem>>, vector<16xf32>,
        %mul3A_342 = arith.mulf %get3A_341, %get3A_276 : vector<16xf32>
        %add3A_343 = arith.addf %add3A_336, %mul3A_342 : vector<16xf32>
        %get3A_344 = arith.constant 1 : i32
        %get3A_345 = arith.index_cast %get3A_344 : i32 to index
        %get3A_346 = arith.index_cast %add3A_323 : i32 to index
        %get3A_347 = arith.constant 48 : index
        %get3A_348 = tpu.vector_load %arg8[%get3A_345, %get3A_346, %get3A_347] {strides = array<i32>} : memref<2x400x128xf32, #tpu.memory_space<vmem>>, vector<16xf32>,
        %mul3A_349 = arith.mulf %get3A_348, %get3A_281 : vector<16xf32>
        %add3A_350 = arith.addf %add3A_343, %mul3A_349 : vector<16xf32>
        %eq3A_351 = arith.constant 1 : i32
        %eq3A_352 = vector.broadcast %eq3A_351 : i32 to vector<16xi32>
        %eq3A_353 = arith.cmpi eq, %iota3A, %eq3A_352 : vector<16xi32>
        %reduce_sum3A_354 = arith.constant true
        %reduce_sum3A_355 = vector.broadcast %reduce_sum3A_354 : i1 to vector<16xi1>
        %reduce_sum3A_356 = tpu.scan <sum>, %add3A_350 masked %reduce_sum3A_355 : vector<16xf32>, vector<16xi1> -> vector<16xf32>
        %reduce_sum3A_357 = vector.extract %reduce_sum3A_356[15] : f32 from vector<16xf32>
        %broadcast_in_dim3A_358 = vector.broadcast %reduce_sum3A_357 : f32 to vector<16xf32>
        %select_n3A_359 = arith.select %eq3A_353, %broadcast_in_dim3A_358, %select_n3A : vector<16xi1>, vector<16xf32>
        %add3A_360 = arith.constant 0 : i32
        %add3A_361 = arith.addi %mul3A_260, %add3A_360 : i32
        %add3A_362 = arith.constant 2 : i32
        %add3A_363 = arith.addi %add3A_361, %add3A_362 : i32
        %get3A_364 = arith.constant 1 : i32
        %get3A_365 = arith.index_cast %get3A_364 : i32 to index
        %get3A_366 = arith.index_cast %add3A_363 : i32 to index
        %get3A_367 = arith.constant 0 : index
        %get3A_368 = tpu.vector_load %arg8[%get3A_365, %get3A_366, %get3A_367] {strides = array<i32>} : memref<2x400x128xf32, #tpu.memory_space<vmem>>, vector<16xf32>,
        %mul3A_369 = arith.mulf %get3A_368, %get3A_266 : vector<16xf32>
        %get3A_370 = arith.constant 1 : i32
        %get3A_371 = arith.index_cast %get3A_370 : i32 to index
        %get3A_372 = arith.index_cast %add3A_363 : i32 to index
        %get3A_373 = arith.constant 16 : index
        %get3A_374 = tpu.vector_load %arg8[%get3A_371, %get3A_372, %get3A_373] {strides = array<i32>} : memref<2x400x128xf32, #tpu.memory_space<vmem>>, vector<16xf32>,
        %mul3A_375 = arith.mulf %get3A_374, %get3A_271 : vector<16xf32>
        %add3A_376 = arith.addf %mul3A_369, %mul3A_375 : vector<16xf32>
        %get3A_377 = arith.constant 1 : i32
        %get3A_378 = arith.index_cast %get3A_377 : i32 to index
        %get3A_379 = arith.index_cast %add3A_363 : i32 to index
        %get3A_380 = arith.constant 32 : index
        %get3A_381 = tpu.vector_load %arg8[%get3A_378, %get3A_379, %get3A_380] {strides = array<i32>} : memref<2x400x128xf32, #tpu.memory_space<vmem>>, vector<16xf32>,
        %mul3A_382 = arith.mulf %get3A_381, %get3A_276 : vector<16xf32>
        %add3A_383 = arith.addf %add3A_376, %mul3A_382 : vector<16xf32>
        %get3A_384 = arith.constant 1 : i32
        %get3A_385 = arith.index_cast %get3A_384 : i32 to index
        %get3A_386 = arith.index_cast %add3A_363 : i32 to index
        %get3A_387 = arith.constant 48 : index
        %get3A_388 = tpu.vector_load %arg8[%get3A_385, %get3A_386, %get3A_387] {strides = array<i32>} : memref<2x400x128xf32, #tpu.memory_space<vmem>>, vector<16xf32>,
        %mul3A_389 = arith.mulf %get3A_388, %get3A_281 : vector<16xf32>
        %add3A_390 = arith.addf %add3A_383, %mul3A_389 : vector<16xf32>
        %eq3A_391 = arith.constant 2 : i32
        %eq3A_392 = vector.broadcast %eq3A_391 : i32 to vector<16xi32>
        %eq3A_393 = arith.cmpi eq, %iota3A, %eq3A_392 : vector<16xi32>
        %reduce_sum3A_394 = arith.constant true
        %reduce_sum3A_395 = vector.broadcast %reduce_sum3A_394 : i1 to vector<16xi1>
        %reduce_sum3A_396 = tpu.scan <sum>, %add3A_390 masked %reduce_sum3A_395 : vector<16xf32>, vector<16xi1> -> vector<16xf32>
        %reduce_sum3A_397 = vector.extract %reduce_sum3A_396[15] : f32 from vector<16xf32>
        %broadcast_in_dim3A_398 = vector.broadcast %reduce_sum3A_397 : f32 to vector<16xf32>
        %select_n3A_399 = arith.select %eq3A_393, %broadcast_in_dim3A_398, %select_n3A_359 : vector<16xi1>, vector<16xf32>
        %add3A_400 = arith.constant 0 : i32
        %add3A_401 = arith.addi %mul3A_260, %add3A_400 : i32
        %add3A_402 = arith.constant 3 : i32
        %add3A_403 = arith.addi %add3A_401, %add3A_402 : i32
        %get3A_404 = arith.constant 1 : i32
        %get3A_405 = arith.index_cast %get3A_404 : i32 to index
        %get3A_406 = arith.index_cast %add3A_403 : i32 to index
        %get3A_407 = arith.constant 0 : index
        %get3A_408 = tpu.vector_load %arg8[%get3A_405, %get3A_406, %get3A_407] {strides = array<i32>} : memref<2x400x128xf32, #tpu.memory_space<vmem>>, vector<16xf32>,
        %mul3A_409 = arith.mulf %get3A_408, %get3A_266 : vector<16xf32>
        %get3A_410 = arith.constant 1 : i32
        %get3A_411 = arith.index_cast %get3A_410 : i32 to index
        %get3A_412 = arith.index_cast %add3A_403 : i32 to index
        %get3A_413 = arith.constant 16 : index
        %get3A_414 = tpu.vector_load %arg8[%get3A_411, %get3A_412, %get3A_413] {strides = array<i32>} : memref<2x400x128xf32, #tpu.memory_space<vmem>>, vector<16xf32>,
        %mul3A_415 = arith.mulf %get3A_414, %get3A_271 : vector<16xf32>
        %add3A_416 = arith.addf %mul3A_409, %mul3A_415 : vector<16xf32>
        %get3A_417 = arith.constant 1 : i32
        %get3A_418 = arith.index_cast %get3A_417 : i32 to index
        %get3A_419 = arith.index_cast %add3A_403 : i32 to index
        %get3A_420 = arith.constant 32 : index
        %get3A_421 = tpu.vector_load %arg8[%get3A_418, %get3A_419, %get3A_420] {strides = array<i32>} : memref<2x400x128xf32, #tpu.memory_space<vmem>>, vector<16xf32>,
        %mul3A_422 = arith.mulf %get3A_421, %get3A_276 : vector<16xf32>
        %add3A_423 = arith.addf %add3A_416, %mul3A_422 : vector<16xf32>
        %get3A_424 = arith.constant 1 : i32
        %get3A_425 = arith.index_cast %get3A_424 : i32 to index
        %get3A_426 = arith.index_cast %add3A_403 : i32 to index
        %get3A_427 = arith.constant 48 : index
        %get3A_428 = tpu.vector_load %arg8[%get3A_425, %get3A_426, %get3A_427] {strides = array<i32>} : memref<2x400x128xf32, #tpu.memory_space<vmem>>, vector<16xf32>,
        %mul3A_429 = arith.mulf %get3A_428, %get3A_281 : vector<16xf32>
        %add3A_430 = arith.addf %add3A_423, %mul3A_429 : vector<16xf32>
        %eq3A_431 = arith.constant 3 : i32
        %eq3A_432 = vector.broadcast %eq3A_431 : i32 to vector<16xi32>
        %eq3A_433 = arith.cmpi eq, %iota3A, %eq3A_432 : vector<16xi32>
        %reduce_sum3A_434 = arith.constant true
        %reduce_sum3A_435 = vector.broadcast %reduce_sum3A_434 : i1 to vector<16xi1>
        %reduce_sum3A_436 = tpu.scan <sum>, %add3A_430 masked %reduce_sum3A_435 : vector<16xf32>, vector<16xi1> -> vector<16xf32>
        %reduce_sum3A_437 = vector.extract %reduce_sum3A_436[15] : f32 from vector<16xf32>
        %broadcast_in_dim3A_438 = vector.broadcast %reduce_sum3A_437 : f32 to vector<16xf32>
        %select_n3A_439 = arith.select %eq3A_433, %broadcast_in_dim3A_438, %select_n3A_399 : vector<16xi1>, vector<16xf32>
        %add3A_440 = arith.constant 0 : i32
        %add3A_441 = arith.addi %mul3A_260, %add3A_440 : i32
        %add3A_442 = arith.constant 4 : i32
        %add3A_443 = arith.addi %add3A_441, %add3A_442 : i32
        %get3A_444 = arith.constant 1 : i32
        %get3A_445 = arith.index_cast %get3A_444 : i32 to index
        %get3A_446 = arith.index_cast %add3A_443 : i32 to index
        %get3A_447 = arith.constant 0 : index
        %get3A_448 = tpu.vector_load %arg8[%get3A_445, %get3A_446, %get3A_447] {strides = array<i32>} : memref<2x400x128xf32, #tpu.memory_space<vmem>>, vector<16xf32>,
        %mul3A_449 = arith.mulf %get3A_448, %get3A_266 : vector<16xf32>
        %get3A_450 = arith.constant 1 : i32
        %get3A_451 = arith.index_cast %get3A_450 : i32 to index
        %get3A_452 = arith.index_cast %add3A_443 : i32 to index
        %get3A_453 = arith.constant 16 : index
        %get3A_454 = tpu.vector_load %arg8[%get3A_451, %get3A_452, %get3A_453] {strides = array<i32>} : memref<2x400x128xf32, #tpu.memory_space<vmem>>, vector<16xf32>,
        %mul3A_455 = arith.mulf %get3A_454, %get3A_271 : vector<16xf32>
        %add3A_456 = arith.addf %mul3A_449, %mul3A_455 : vector<16xf32>
        %get3A_457 = arith.constant 1 : i32
        %get3A_458 = arith.index_cast %get3A_457 : i32 to index
        %get3A_459 = arith.index_cast %add3A_443 : i32 to index
        %get3A_460 = arith.constant 32 : index
        %get3A_461 = tpu.vector_load %arg8[%get3A_458, %get3A_459, %get3A_460] {strides = array<i32>} : memref<2x400x128xf32, #tpu.memory_space<vmem>>, vector<16xf32>,
        %mul3A_462 = arith.mulf %get3A_461, %get3A_276 : vector<16xf32>
        %add3A_463 = arith.addf %add3A_456, %mul3A_462 : vector<16xf32>
        %get3A_464 = arith.constant 1 : i32
        %get3A_465 = arith.index_cast %get3A_464 : i32 to index
        %get3A_466 = arith.index_cast %add3A_443 : i32 to index
        %get3A_467 = arith.constant 48 : index
        %get3A_468 = tpu.vector_load %arg8[%get3A_465, %get3A_466, %get3A_467] {strides = array<i32>} : memref<2x400x128xf32, #tpu.memory_space<vmem>>, vector<16xf32>,
        %mul3A_469 = arith.mulf %get3A_468, %get3A_281 : vector<16xf32>
        %add3A_470 = arith.addf %add3A_463, %mul3A_469 : vector<16xf32>
        %eq3A_471 = arith.constant 4 : i32
        %eq3A_472 = vector.broadcast %eq3A_471 : i32 to vector<16xi32>
        %eq3A_473 = arith.cmpi eq, %iota3A, %eq3A_472 : vector<16xi32>
        %reduce_sum3A_474 = arith.constant true
        %reduce_sum3A_475 = vector.broadcast %reduce_sum3A_474 : i1 to vector<16xi1>
        %reduce_sum3A_476 = tpu.scan <sum>, %add3A_470 masked %reduce_sum3A_475 : vector<16xf32>, vector<16xi1> -> vector<16xf32>
        %reduce_sum3A_477 = vector.extract %reduce_sum3A_476[15] : f32 from vector<16xf32>
        %broadcast_in_dim3A_478 = vector.broadcast %reduce_sum3A_477 : f32 to vector<16xf32>
        %select_n3A_479 = arith.select %eq3A_473, %broadcast_in_dim3A_478, %select_n3A_439 : vector<16xi1>, vector<16xf32>
        %add3A_480 = arith.constant 0 : i32
        %add3A_481 = arith.addi %mul3A_260, %add3A_480 : i32
        %add3A_482 = arith.constant 5 : i32
        %add3A_483 = arith.addi %add3A_481, %add3A_482 : i32
        %get3A_484 = arith.constant 1 : i32
        %get3A_485 = arith.index_cast %get3A_484 : i32 to index
        %get3A_486 = arith.index_cast %add3A_483 : i32 to index
        %get3A_487 = arith.constant 0 : index
        %get3A_488 = tpu.vector_load %arg8[%get3A_485, %get3A_486, %get3A_487] {strides = array<i32>} : memref<2x400x128xf32, #tpu.memory_space<vmem>>, vector<16xf32>,
        %mul3A_489 = arith.mulf %get3A_488, %get3A_266 : vector<16xf32>
        %get3A_490 = arith.constant 1 : i32
        %get3A_491 = arith.index_cast %get3A_490 : i32 to index
        %get3A_492 = arith.index_cast %add3A_483 : i32 to index
        %get3A_493 = arith.constant 16 : index
        %get3A_494 = tpu.vector_load %arg8[%get3A_491, %get3A_492, %get3A_493] {strides = array<i32>} : memref<2x400x128xf32, #tpu.memory_space<vmem>>, vector<16xf32>,
        %mul3A_495 = arith.mulf %get3A_494, %get3A_271 : vector<16xf32>
        %add3A_496 = arith.addf %mul3A_489, %mul3A_495 : vector<16xf32>
        %get3A_497 = arith.constant 1 : i32
        %get3A_498 = arith.index_cast %get3A_497 : i32 to index
        %get3A_499 = arith.index_cast %add3A_483 : i32 to index
        %get3A_500 = arith.constant 32 : index
        %get3A_501 = tpu.vector_load %arg8[%get3A_498, %get3A_499, %get3A_500] {strides = array<i32>} : memref<2x400x128xf32, #tpu.memory_space<vmem>>, vector<16xf32>,
        %mul3A_502 = arith.mulf %get3A_501, %get3A_276 : vector<16xf32>
        %add3A_503 = arith.addf %add3A_496, %mul3A_502 : vector<16xf32>
        %get3A_504 = arith.constant 1 : i32
        %get3A_505 = arith.index_cast %get3A_504 : i32 to index
        %get3A_506 = arith.index_cast %add3A_483 : i32 to index
        %get3A_507 = arith.constant 48 : index
        %get3A_508 = tpu.vector_load %arg8[%get3A_505, %get3A_506, %get3A_507] {strides = array<i32>} : memref<2x400x128xf32, #tpu.memory_space<vmem>>, vector<16xf32>,
        %mul3A_509 = arith.mulf %get3A_508, %get3A_281 : vector<16xf32>
        %add3A_510 = arith.addf %add3A_503, %mul3A_509 : vector<16xf32>
        %eq3A_511 = arith.constant 5 : i32
        %eq3A_512 = vector.broadcast %eq3A_511 : i32 to vector<16xi32>
        %eq3A_513 = arith.cmpi eq, %iota3A, %eq3A_512 : vector<16xi32>
        %reduce_sum3A_514 = arith.constant true
        %reduce_sum3A_515 = vector.broadcast %reduce_sum3A_514 : i1 to vector<16xi1>
        %reduce_sum3A_516 = tpu.scan <sum>, %add3A_510 masked %reduce_sum3A_515 : vector<16xf32>, vector<16xi1> -> vector<16xf32>
        %reduce_sum3A_517 = vector.extract %reduce_sum3A_516[15] : f32 from vector<16xf32>
        %broadcast_in_dim3A_518 = vector.broadcast %reduce_sum3A_517 : f32 to vector<16xf32>
        %select_n3A_519 = arith.select %eq3A_513, %broadcast_in_dim3A_518, %select_n3A_479 : vector<16xi1>, vector<16xf32>
        %add3A_520 = arith.constant 0 : i32
        %add3A_521 = arith.addi %mul3A_260, %add3A_520 : i32
        %add3A_522 = arith.constant 6 : i32
        %add3A_523 = arith.addi %add3A_521, %add3A_522 : i32
        %get3A_524 = arith.constant 1 : i32
        %get3A_525 = arith.index_cast %get3A_524 : i32 to index
        %get3A_526 = arith.index_cast %add3A_523 : i32 to index
        %get3A_527 = arith.constant 0 : index
        %get3A_528 = tpu.vector_load %arg8[%get3A_525, %get3A_526, %get3A_527] {strides = array<i32>} : memref<2x400x128xf32, #tpu.memory_space<vmem>>, vector<16xf32>,
        %mul3A_529 = arith.mulf %get3A_528, %get3A_266 : vector<16xf32>
        %get3A_530 = arith.constant 1 : i32
        %get3A_531 = arith.index_cast %get3A_530 : i32 to index
        %get3A_532 = arith.index_cast %add3A_523 : i32 to index
        %get3A_533 = arith.constant 16 : index
        %get3A_534 = tpu.vector_load %arg8[%get3A_531, %get3A_532, %get3A_533] {strides = array<i32>} : memref<2x400x128xf32, #tpu.memory_space<vmem>>, vector<16xf32>,
        %mul3A_535 = arith.mulf %get3A_534, %get3A_271 : vector<16xf32>
        %add3A_536 = arith.addf %mul3A_529, %mul3A_535 : vector<16xf32>
        %get3A_537 = arith.constant 1 : i32
        %get3A_538 = arith.index_cast %get3A_537 : i32 to index
        %get3A_539 = arith.index_cast %add3A_523 : i32 to index
        %get3A_540 = arith.constant 32 : index
        %get3A_541 = tpu.vector_load %arg8[%get3A_538, %get3A_539, %get3A_540] {strides = array<i32>} : memref<2x400x128xf32, #tpu.memory_space<vmem>>, vector<16xf32>,
        %mul3A_542 = arith.mulf %get3A_541, %get3A_276 : vector<16xf32>
        %add3A_543 = arith.addf %add3A_536, %mul3A_542 : vector<16xf32>
        %get3A_544 = arith.constant 1 : i32
        %get3A_545 = arith.index_cast %get3A_544 : i32 to index
        %get3A_546 = arith.index_cast %add3A_523 : i32 to index
        %get3A_547 = arith.constant 48 : index
        %get3A_548 = tpu.vector_load %arg8[%get3A_545, %get3A_546, %get3A_547] {strides = array<i32>} : memref<2x400x128xf32, #tpu.memory_space<vmem>>, vector<16xf32>,
        %mul3A_549 = arith.mulf %get3A_548, %get3A_281 : vector<16xf32>
        %add3A_550 = arith.addf %add3A_543, %mul3A_549 : vector<16xf32>
        %eq3A_551 = arith.constant 6 : i32
        %eq3A_552 = vector.broadcast %eq3A_551 : i32 to vector<16xi32>
        %eq3A_553 = arith.cmpi eq, %iota3A, %eq3A_552 : vector<16xi32>
        %reduce_sum3A_554 = arith.constant true
        %reduce_sum3A_555 = vector.broadcast %reduce_sum3A_554 : i1 to vector<16xi1>
        %reduce_sum3A_556 = tpu.scan <sum>, %add3A_550 masked %reduce_sum3A_555 : vector<16xf32>, vector<16xi1> -> vector<16xf32>
        %reduce_sum3A_557 = vector.extract %reduce_sum3A_556[15] : f32 from vector<16xf32>
        %broadcast_in_dim3A_558 = vector.broadcast %reduce_sum3A_557 : f32 to vector<16xf32>
        %select_n3A_559 = arith.select %eq3A_553, %broadcast_in_dim3A_558, %select_n3A_519 : vector<16xi1>, vector<16xf32>
        %add3A_560 = arith.constant 0 : i32
        %add3A_561 = arith.addi %mul3A_260, %add3A_560 : i32
        %add3A_562 = arith.constant 7 : i32
        %add3A_563 = arith.addi %add3A_561, %add3A_562 : i32
        %get3A_564 = arith.constant 1 : i32
        %get3A_565 = arith.index_cast %get3A_564 : i32 to index
        %get3A_566 = arith.index_cast %add3A_563 : i32 to index
        %get3A_567 = arith.constant 0 : index
        %get3A_568 = tpu.vector_load %arg8[%get3A_565, %get3A_566, %get3A_567] {strides = array<i32>} : memref<2x400x128xf32, #tpu.memory_space<vmem>>, vector<16xf32>,
        %mul3A_569 = arith.mulf %get3A_568, %get3A_266 : vector<16xf32>
        %get3A_570 = arith.constant 1 : i32
        %get3A_571 = arith.index_cast %get3A_570 : i32 to index
        %get3A_572 = arith.index_cast %add3A_563 : i32 to index
        %get3A_573 = arith.constant 16 : index
        %get3A_574 = tpu.vector_load %arg8[%get3A_571, %get3A_572, %get3A_573] {strides = array<i32>} : memref<2x400x128xf32, #tpu.memory_space<vmem>>, vector<16xf32>,
        %mul3A_575 = arith.mulf %get3A_574, %get3A_271 : vector<16xf32>
        %add3A_576 = arith.addf %mul3A_569, %mul3A_575 : vector<16xf32>
        %get3A_577 = arith.constant 1 : i32
        %get3A_578 = arith.index_cast %get3A_577 : i32 to index
        %get3A_579 = arith.index_cast %add3A_563 : i32 to index
        %get3A_580 = arith.constant 32 : index
        %get3A_581 = tpu.vector_load %arg8[%get3A_578, %get3A_579, %get3A_580] {strides = array<i32>} : memref<2x400x128xf32, #tpu.memory_space<vmem>>, vector<16xf32>,
        %mul3A_582 = arith.mulf %get3A_581, %get3A_276 : vector<16xf32>
        %add3A_583 = arith.addf %add3A_576, %mul3A_582 : vector<16xf32>
        %get3A_584 = arith.constant 1 : i32
        %get3A_585 = arith.index_cast %get3A_584 : i32 to index
        %get3A_586 = arith.index_cast %add3A_563 : i32 to index
        %get3A_587 = arith.constant 48 : index
        %get3A_588 = tpu.vector_load %arg8[%get3A_585, %get3A_586, %get3A_587] {strides = array<i32>} : memref<2x400x128xf32, #tpu.memory_space<vmem>>, vector<16xf32>,
        %mul3A_589 = arith.mulf %get3A_588, %get3A_281 : vector<16xf32>
        %add3A_590 = arith.addf %add3A_583, %mul3A_589 : vector<16xf32>
        %eq3A_591 = arith.constant 7 : i32
        %eq3A_592 = vector.broadcast %eq3A_591 : i32 to vector<16xi32>
        %eq3A_593 = arith.cmpi eq, %iota3A, %eq3A_592 : vector<16xi32>
        %reduce_sum3A_594 = arith.constant true
        %reduce_sum3A_595 = vector.broadcast %reduce_sum3A_594 : i1 to vector<16xi1>
        %reduce_sum3A_596 = tpu.scan <sum>, %add3A_590 masked %reduce_sum3A_595 : vector<16xf32>, vector<16xi1> -> vector<16xf32>
        %reduce_sum3A_597 = vector.extract %reduce_sum3A_596[15] : f32 from vector<16xf32>
        %broadcast_in_dim3A_598 = vector.broadcast %reduce_sum3A_597 : f32 to vector<16xf32>
        %select_n3A_599 = arith.select %eq3A_593, %broadcast_in_dim3A_598, %select_n3A_559 : vector<16xi1>, vector<16xf32>
        %add3A_600 = arith.constant 0 : i32
        %add3A_601 = arith.addi %mul3A_260, %add3A_600 : i32
        %add3A_602 = arith.constant 8 : i32
        %add3A_603 = arith.addi %add3A_601, %add3A_602 : i32
        %get3A_604 = arith.constant 1 : i32
        %get3A_605 = arith.index_cast %get3A_604 : i32 to index
        %get3A_606 = arith.index_cast %add3A_603 : i32 to index
        %get3A_607 = arith.constant 0 : index
        %get3A_608 = tpu.vector_load %arg8[%get3A_605, %get3A_606, %get3A_607] {strides = array<i32>} : memref<2x400x128xf32, #tpu.memory_space<vmem>>, vector<16xf32>,
        %mul3A_609 = arith.mulf %get3A_608, %get3A_266 : vector<16xf32>
        %get3A_610 = arith.constant 1 : i32
        %get3A_611 = arith.index_cast %get3A_610 : i32 to index
        %get3A_612 = arith.index_cast %add3A_603 : i32 to index
        %get3A_613 = arith.constant 16 : index
        %get3A_614 = tpu.vector_load %arg8[%get3A_611, %get3A_612, %get3A_613] {strides = array<i32>} : memref<2x400x128xf32, #tpu.memory_space<vmem>>, vector<16xf32>,
        %mul3A_615 = arith.mulf %get3A_614, %get3A_271 : vector<16xf32>
        %add3A_616 = arith.addf %mul3A_609, %mul3A_615 : vector<16xf32>
        %get3A_617 = arith.constant 1 : i32
        %get3A_618 = arith.index_cast %get3A_617 : i32 to index
        %get3A_619 = arith.index_cast %add3A_603 : i32 to index
        %get3A_620 = arith.constant 32 : index
        %get3A_621 = tpu.vector_load %arg8[%get3A_618, %get3A_619, %get3A_620] {strides = array<i32>} : memref<2x400x128xf32, #tpu.memory_space<vmem>>, vector<16xf32>,
        %mul3A_622 = arith.mulf %get3A_621, %get3A_276 : vector<16xf32>
        %add3A_623 = arith.addf %add3A_616, %mul3A_622 : vector<16xf32>
        %get3A_624 = arith.constant 1 : i32
        %get3A_625 = arith.index_cast %get3A_624 : i32 to index
        %get3A_626 = arith.index_cast %add3A_603 : i32 to index
        %get3A_627 = arith.constant 48 : index
        %get3A_628 = tpu.vector_load %arg8[%get3A_625, %get3A_626, %get3A_627] {strides = array<i32>} : memref<2x400x128xf32, #tpu.memory_space<vmem>>, vector<16xf32>,
        %mul3A_629 = arith.mulf %get3A_628, %get3A_281 : vector<16xf32>
        %add3A_630 = arith.addf %add3A_623, %mul3A_629 : vector<16xf32>
        %eq3A_631 = arith.constant 8 : i32
        %eq3A_632 = vector.broadcast %eq3A_631 : i32 to vector<16xi32>
        %eq3A_633 = arith.cmpi eq, %iota3A, %eq3A_632 : vector<16xi32>
        %reduce_sum3A_634 = arith.constant true
        %reduce_sum3A_635 = vector.broadcast %reduce_sum3A_634 : i1 to vector<16xi1>
        %reduce_sum3A_636 = tpu.scan <sum>, %add3A_630 masked %reduce_sum3A_635 : vector<16xf32>, vector<16xi1> -> vector<16xf32>
        %reduce_sum3A_637 = vector.extract %reduce_sum3A_636[15] : f32 from vector<16xf32>
        %broadcast_in_dim3A_638 = vector.broadcast %reduce_sum3A_637 : f32 to vector<16xf32>
        %select_n3A_639 = arith.select %eq3A_633, %broadcast_in_dim3A_638, %select_n3A_599 : vector<16xi1>, vector<16xf32>
        %add3A_640 = arith.constant 0 : i32
        %add3A_641 = arith.addi %mul3A_260, %add3A_640 : i32
        %add3A_642 = arith.constant 9 : i32
        %add3A_643 = arith.addi %add3A_641, %add3A_642 : i32
        %get3A_644 = arith.constant 1 : i32
        %get3A_645 = arith.index_cast %get3A_644 : i32 to index
        %get3A_646 = arith.index_cast %add3A_643 : i32 to index
        %get3A_647 = arith.constant 0 : index
        %get3A_648 = tpu.vector_load %arg8[%get3A_645, %get3A_646, %get3A_647] {strides = array<i32>} : memref<2x400x128xf32, #tpu.memory_space<vmem>>, vector<16xf32>,
        %mul3A_649 = arith.mulf %get3A_648, %get3A_266 : vector<16xf32>
        %get3A_650 = arith.constant 1 : i32
        %get3A_651 = arith.index_cast %get3A_650 : i32 to index
        %get3A_652 = arith.index_cast %add3A_643 : i32 to index
        %get3A_653 = arith.constant 16 : index
        %get3A_654 = tpu.vector_load %arg8[%get3A_651, %get3A_652, %get3A_653] {strides = array<i32>} : memref<2x400x128xf32, #tpu.memory_space<vmem>>, vector<16xf32>,
        %mul3A_655 = arith.mulf %get3A_654, %get3A_271 : vector<16xf32>
        %add3A_656 = arith.addf %mul3A_649, %mul3A_655 : vector<16xf32>
        %get3A_657 = arith.constant 1 : i32
        %get3A_658 = arith.index_cast %get3A_657 : i32 to index
        %get3A_659 = arith.index_cast %add3A_643 : i32 to index
        %get3A_660 = arith.constant 32 : index
        %get3A_661 = tpu.vector_load %arg8[%get3A_658, %get3A_659, %get3A_660] {strides = array<i32>} : memref<2x400x128xf32, #tpu.memory_space<vmem>>, vector<16xf32>,
        %mul3A_662 = arith.mulf %get3A_661, %get3A_276 : vector<16xf32>
        %add3A_663 = arith.addf %add3A_656, %mul3A_662 : vector<16xf32>
        %get3A_664 = arith.constant 1 : i32
        %get3A_665 = arith.index_cast %get3A_664 : i32 to index
        %get3A_666 = arith.index_cast %add3A_643 : i32 to index
        %get3A_667 = arith.constant 48 : index
        %get3A_668 = tpu.vector_load %arg8[%get3A_665, %get3A_666, %get3A_667] {strides = array<i32>} : memref<2x400x128xf32, #tpu.memory_space<vmem>>, vector<16xf32>,
        %mul3A_669 = arith.mulf %get3A_668, %get3A_281 : vector<16xf32>
        %add3A_670 = arith.addf %add3A_663, %mul3A_669 : vector<16xf32>
        %eq3A_671 = arith.constant 9 : i32
        %eq3A_672 = vector.broadcast %eq3A_671 : i32 to vector<16xi32>
        %eq3A_673 = arith.cmpi eq, %iota3A, %eq3A_672 : vector<16xi32>
        %reduce_sum3A_674 = arith.constant true
        %reduce_sum3A_675 = vector.broadcast %reduce_sum3A_674 : i1 to vector<16xi1>
        %reduce_sum3A_676 = tpu.scan <sum>, %add3A_670 masked %reduce_sum3A_675 : vector<16xf32>, vector<16xi1> -> vector<16xf32>
        %reduce_sum3A_677 = vector.extract %reduce_sum3A_676[15] : f32 from vector<16xf32>
        %broadcast_in_dim3A_678 = vector.broadcast %reduce_sum3A_677 : f32 to vector<16xf32>
        %select_n3A_679 = arith.select %eq3A_673, %broadcast_in_dim3A_678, %select_n3A_639 : vector<16xi1>, vector<16xf32>
        %add3A_680 = arith.constant 0 : i32
        %add3A_681 = arith.addi %mul3A_260, %add3A_680 : i32
        %add3A_682 = arith.constant 10 : i32
        %add3A_683 = arith.addi %add3A_681, %add3A_682 : i32
        %get3A_684 = arith.constant 1 : i32
        %get3A_685 = arith.index_cast %get3A_684 : i32 to index
        %get3A_686 = arith.index_cast %add3A_683 : i32 to index
        %get3A_687 = arith.constant 0 : index
        %get3A_688 = tpu.vector_load %arg8[%get3A_685, %get3A_686, %get3A_687] {strides = array<i32>} : memref<2x400x128xf32, #tpu.memory_space<vmem>>, vector<16xf32>,
        %mul3A_689 = arith.mulf %get3A_688, %get3A_266 : vector<16xf32>
        %get3A_690 = arith.constant 1 : i32
        %get3A_691 = arith.index_cast %get3A_690 : i32 to index
        %get3A_692 = arith.index_cast %add3A_683 : i32 to index
        %get3A_693 = arith.constant 16 : index
        %get3A_694 = tpu.vector_load %arg8[%get3A_691, %get3A_692, %get3A_693] {strides = array<i32>} : memref<2x400x128xf32, #tpu.memory_space<vmem>>, vector<16xf32>,
        %mul3A_695 = arith.mulf %get3A_694, %get3A_271 : vector<16xf32>
        %add3A_696 = arith.addf %mul3A_689, %mul3A_695 : vector<16xf32>
        %get3A_697 = arith.constant 1 : i32
        %get3A_698 = arith.index_cast %get3A_697 : i32 to index
        %get3A_699 = arith.index_cast %add3A_683 : i32 to index
        %get3A_700 = arith.constant 32 : index
        %get3A_701 = tpu.vector_load %arg8[%get3A_698, %get3A_699, %get3A_700] {strides = array<i32>} : memref<2x400x128xf32, #tpu.memory_space<vmem>>, vector<16xf32>,
        %mul3A_702 = arith.mulf %get3A_701, %get3A_276 : vector<16xf32>
        %add3A_703 = arith.addf %add3A_696, %mul3A_702 : vector<16xf32>
        %get3A_704 = arith.constant 1 : i32
        %get3A_705 = arith.index_cast %get3A_704 : i32 to index
        %get3A_706 = arith.index_cast %add3A_683 : i32 to index
        %get3A_707 = arith.constant 48 : index
        %get3A_708 = tpu.vector_load %arg8[%get3A_705, %get3A_706, %get3A_707] {strides = array<i32>} : memref<2x400x128xf32, #tpu.memory_space<vmem>>, vector<16xf32>,
        %mul3A_709 = arith.mulf %get3A_708, %get3A_281 : vector<16xf32>
        %add3A_710 = arith.addf %add3A_703, %mul3A_709 : vector<16xf32>
        %eq3A_711 = arith.constant 10 : i32
        %eq3A_712 = vector.broadcast %eq3A_711 : i32 to vector<16xi32>
        %eq3A_713 = arith.cmpi eq, %iota3A, %eq3A_712 : vector<16xi32>
        %reduce_sum3A_714 = arith.constant true
        %reduce_sum3A_715 = vector.broadcast %reduce_sum3A_714 : i1 to vector<16xi1>
        %reduce_sum3A_716 = tpu.scan <sum>, %add3A_710 masked %reduce_sum3A_715 : vector<16xf32>, vector<16xi1> -> vector<16xf32>
        %reduce_sum3A_717 = vector.extract %reduce_sum3A_716[15] : f32 from vector<16xf32>
        %broadcast_in_dim3A_718 = vector.broadcast %reduce_sum3A_717 : f32 to vector<16xf32>
        %select_n3A_719 = arith.select %eq3A_713, %broadcast_in_dim3A_718, %select_n3A_679 : vector<16xi1>, vector<16xf32>
        %add3A_720 = arith.constant 0 : i32
        %add3A_721 = arith.addi %mul3A_260, %add3A_720 : i32
        %add3A_722 = arith.constant 11 : i32
        %add3A_723 = arith.addi %add3A_721, %add3A_722 : i32
        %get3A_724 = arith.constant 1 : i32
        %get3A_725 = arith.index_cast %get3A_724 : i32 to index
        %get3A_726 = arith.index_cast %add3A_723 : i32 to index
        %get3A_727 = arith.constant 0 : index
        %get3A_728 = tpu.vector_load %arg8[%get3A_725, %get3A_726, %get3A_727] {strides = array<i32>} : memref<2x400x128xf32, #tpu.memory_space<vmem>>, vector<16xf32>,
        %mul3A_729 = arith.mulf %get3A_728, %get3A_266 : vector<16xf32>
        %get3A_730 = arith.constant 1 : i32
        %get3A_731 = arith.index_cast %get3A_730 : i32 to index
        %get3A_732 = arith.index_cast %add3A_723 : i32 to index
        %get3A_733 = arith.constant 16 : index
        %get3A_734 = tpu.vector_load %arg8[%get3A_731, %get3A_732, %get3A_733] {strides = array<i32>} : memref<2x400x128xf32, #tpu.memory_space<vmem>>, vector<16xf32>,
        %mul3A_735 = arith.mulf %get3A_734, %get3A_271 : vector<16xf32>
        %add3A_736 = arith.addf %mul3A_729, %mul3A_735 : vector<16xf32>
        %get3A_737 = arith.constant 1 : i32
        %get3A_738 = arith.index_cast %get3A_737 : i32 to index
        %get3A_739 = arith.index_cast %add3A_723 : i32 to index
        %get3A_740 = arith.constant 32 : index
        %get3A_741 = tpu.vector_load %arg8[%get3A_738, %get3A_739, %get3A_740] {strides = array<i32>} : memref<2x400x128xf32, #tpu.memory_space<vmem>>, vector<16xf32>,
        %mul3A_742 = arith.mulf %get3A_741, %get3A_276 : vector<16xf32>
        %add3A_743 = arith.addf %add3A_736, %mul3A_742 : vector<16xf32>
        %get3A_744 = arith.constant 1 : i32
        %get3A_745 = arith.index_cast %get3A_744 : i32 to index
        %get3A_746 = arith.index_cast %add3A_723 : i32 to index
        %get3A_747 = arith.constant 48 : index
        %get3A_748 = tpu.vector_load %arg8[%get3A_745, %get3A_746, %get3A_747] {strides = array<i32>} : memref<2x400x128xf32, #tpu.memory_space<vmem>>, vector<16xf32>,
        %mul3A_749 = arith.mulf %get3A_748, %get3A_281 : vector<16xf32>
        %add3A_750 = arith.addf %add3A_743, %mul3A_749 : vector<16xf32>
        %eq3A_751 = arith.constant 11 : i32
        %eq3A_752 = vector.broadcast %eq3A_751 : i32 to vector<16xi32>
        %eq3A_753 = arith.cmpi eq, %iota3A, %eq3A_752 : vector<16xi32>
        %reduce_sum3A_754 = arith.constant true
        %reduce_sum3A_755 = vector.broadcast %reduce_sum3A_754 : i1 to vector<16xi1>
        %reduce_sum3A_756 = tpu.scan <sum>, %add3A_750 masked %reduce_sum3A_755 : vector<16xf32>, vector<16xi1> -> vector<16xf32>
        %reduce_sum3A_757 = vector.extract %reduce_sum3A_756[15] : f32 from vector<16xf32>
        %broadcast_in_dim3A_758 = vector.broadcast %reduce_sum3A_757 : f32 to vector<16xf32>
        %select_n3A_759 = arith.select %eq3A_753, %broadcast_in_dim3A_758, %select_n3A_719 : vector<16xi1>, vector<16xf32>
        %add3A_760 = arith.constant 0 : i32
        %add3A_761 = arith.addi %mul3A_260, %add3A_760 : i32
        %add3A_762 = arith.constant 12 : i32
        %add3A_763 = arith.addi %add3A_761, %add3A_762 : i32
        %get3A_764 = arith.constant 1 : i32
        %get3A_765 = arith.index_cast %get3A_764 : i32 to index
        %get3A_766 = arith.index_cast %add3A_763 : i32 to index
        %get3A_767 = arith.constant 0 : index
        %get3A_768 = tpu.vector_load %arg8[%get3A_765, %get3A_766, %get3A_767] {strides = array<i32>} : memref<2x400x128xf32, #tpu.memory_space<vmem>>, vector<16xf32>,
        %mul3A_769 = arith.mulf %get3A_768, %get3A_266 : vector<16xf32>
        %get3A_770 = arith.constant 1 : i32
        %get3A_771 = arith.index_cast %get3A_770 : i32 to index
        %get3A_772 = arith.index_cast %add3A_763 : i32 to index
        %get3A_773 = arith.constant 16 : index
        %get3A_774 = tpu.vector_load %arg8[%get3A_771, %get3A_772, %get3A_773] {strides = array<i32>} : memref<2x400x128xf32, #tpu.memory_space<vmem>>, vector<16xf32>,
        %mul3A_775 = arith.mulf %get3A_774, %get3A_271 : vector<16xf32>
        %add3A_776 = arith.addf %mul3A_769, %mul3A_775 : vector<16xf32>
        %get3A_777 = arith.constant 1 : i32
        %get3A_778 = arith.index_cast %get3A_777 : i32 to index
        %get3A_779 = arith.index_cast %add3A_763 : i32 to index
        %get3A_780 = arith.constant 32 : index
        %get3A_781 = tpu.vector_load %arg8[%get3A_778, %get3A_779, %get3A_780] {strides = array<i32>} : memref<2x400x128xf32, #tpu.memory_space<vmem>>, vector<16xf32>,
        %mul3A_782 = arith.mulf %get3A_781, %get3A_276 : vector<16xf32>
        %add3A_783 = arith.addf %add3A_776, %mul3A_782 : vector<16xf32>
        %get3A_784 = arith.constant 1 : i32
        %get3A_785 = arith.index_cast %get3A_784 : i32 to index
        %get3A_786 = arith.index_cast %add3A_763 : i32 to index
        %get3A_787 = arith.constant 48 : index
        %get3A_788 = tpu.vector_load %arg8[%get3A_785, %get3A_786, %get3A_787] {strides = array<i32>} : memref<2x400x128xf32, #tpu.memory_space<vmem>>, vector<16xf32>,
        %mul3A_789 = arith.mulf %get3A_788, %get3A_281 : vector<16xf32>
        %add3A_790 = arith.addf %add3A_783, %mul3A_789 : vector<16xf32>
        %eq3A_791 = arith.constant 12 : i32
        %eq3A_792 = vector.broadcast %eq3A_791 : i32 to vector<16xi32>
        %eq3A_793 = arith.cmpi eq, %iota3A, %eq3A_792 : vector<16xi32>
        %reduce_sum3A_794 = arith.constant true
        %reduce_sum3A_795 = vector.broadcast %reduce_sum3A_794 : i1 to vector<16xi1>
        %reduce_sum3A_796 = tpu.scan <sum>, %add3A_790 masked %reduce_sum3A_795 : vector<16xf32>, vector<16xi1> -> vector<16xf32>
        %reduce_sum3A_797 = vector.extract %reduce_sum3A_796[15] : f32 from vector<16xf32>
        %broadcast_in_dim3A_798 = vector.broadcast %reduce_sum3A_797 : f32 to vector<16xf32>
        %select_n3A_799 = arith.select %eq3A_793, %broadcast_in_dim3A_798, %select_n3A_759 : vector<16xi1>, vector<16xf32>
        %add3A_800 = arith.constant 0 : i32
        %add3A_801 = arith.addi %mul3A_260, %add3A_800 : i32
        %add3A_802 = arith.constant 13 : i32
        %add3A_803 = arith.addi %add3A_801, %add3A_802 : i32
        %get3A_804 = arith.constant 1 : i32
        %get3A_805 = arith.index_cast %get3A_804 : i32 to index
        %get3A_806 = arith.index_cast %add3A_803 : i32 to index
        %get3A_807 = arith.constant 0 : index
        %get3A_808 = tpu.vector_load %arg8[%get3A_805, %get3A_806, %get3A_807] {strides = array<i32>} : memref<2x400x128xf32, #tpu.memory_space<vmem>>, vector<16xf32>,
        %mul3A_809 = arith.mulf %get3A_808, %get3A_266 : vector<16xf32>
        %get3A_810 = arith.constant 1 : i32
        %get3A_811 = arith.index_cast %get3A_810 : i32 to index
        %get3A_812 = arith.index_cast %add3A_803 : i32 to index
        %get3A_813 = arith.constant 16 : index
        %get3A_814 = tpu.vector_load %arg8[%get3A_811, %get3A_812, %get3A_813] {strides = array<i32>} : memref<2x400x128xf32, #tpu.memory_space<vmem>>, vector<16xf32>,
        %mul3A_815 = arith.mulf %get3A_814, %get3A_271 : vector<16xf32>
        %add3A_816 = arith.addf %mul3A_809, %mul3A_815 : vector<16xf32>
        %get3A_817 = arith.constant 1 : i32
        %get3A_818 = arith.index_cast %get3A_817 : i32 to index
        %get3A_819 = arith.index_cast %add3A_803 : i32 to index
        %get3A_820 = arith.constant 32 : index
        %get3A_821 = tpu.vector_load %arg8[%get3A_818, %get3A_819, %get3A_820] {strides = array<i32>} : memref<2x400x128xf32, #tpu.memory_space<vmem>>, vector<16xf32>,
        %mul3A_822 = arith.mulf %get3A_821, %get3A_276 : vector<16xf32>
        %add3A_823 = arith.addf %add3A_816, %mul3A_822 : vector<16xf32>
        %get3A_824 = arith.constant 1 : i32
        %get3A_825 = arith.index_cast %get3A_824 : i32 to index
        %get3A_826 = arith.index_cast %add3A_803 : i32 to index
        %get3A_827 = arith.constant 48 : index
        %get3A_828 = tpu.vector_load %arg8[%get3A_825, %get3A_826, %get3A_827] {strides = array<i32>} : memref<2x400x128xf32, #tpu.memory_space<vmem>>, vector<16xf32>,
        %mul3A_829 = arith.mulf %get3A_828, %get3A_281 : vector<16xf32>
        %add3A_830 = arith.addf %add3A_823, %mul3A_829 : vector<16xf32>
        %eq3A_831 = arith.constant 13 : i32
        %eq3A_832 = vector.broadcast %eq3A_831 : i32 to vector<16xi32>
        %eq3A_833 = arith.cmpi eq, %iota3A, %eq3A_832 : vector<16xi32>
        %reduce_sum3A_834 = arith.constant true
        %reduce_sum3A_835 = vector.broadcast %reduce_sum3A_834 : i1 to vector<16xi1>
        %reduce_sum3A_836 = tpu.scan <sum>, %add3A_830 masked %reduce_sum3A_835 : vector<16xf32>, vector<16xi1> -> vector<16xf32>
        %reduce_sum3A_837 = vector.extract %reduce_sum3A_836[15] : f32 from vector<16xf32>
        %broadcast_in_dim3A_838 = vector.broadcast %reduce_sum3A_837 : f32 to vector<16xf32>
        %select_n3A_839 = arith.select %eq3A_833, %broadcast_in_dim3A_838, %select_n3A_799 : vector<16xi1>, vector<16xf32>
        %add3A_840 = arith.constant 0 : i32
        %add3A_841 = arith.addi %mul3A_260, %add3A_840 : i32
        %add3A_842 = arith.constant 14 : i32
        %add3A_843 = arith.addi %add3A_841, %add3A_842 : i32
        %get3A_844 = arith.constant 1 : i32
        %get3A_845 = arith.index_cast %get3A_844 : i32 to index
        %get3A_846 = arith.index_cast %add3A_843 : i32 to index
        %get3A_847 = arith.constant 0 : index
        %get3A_848 = tpu.vector_load %arg8[%get3A_845, %get3A_846, %get3A_847] {strides = array<i32>} : memref<2x400x128xf32, #tpu.memory_space<vmem>>, vector<16xf32>,
        %mul3A_849 = arith.mulf %get3A_848, %get3A_266 : vector<16xf32>
        %get3A_850 = arith.constant 1 : i32
        %get3A_851 = arith.index_cast %get3A_850 : i32 to index
        %get3A_852 = arith.index_cast %add3A_843 : i32 to index
        %get3A_853 = arith.constant 16 : index
        %get3A_854 = tpu.vector_load %arg8[%get3A_851, %get3A_852, %get3A_853] {strides = array<i32>} : memref<2x400x128xf32, #tpu.memory_space<vmem>>, vector<16xf32>,
        %mul3A_855 = arith.mulf %get3A_854, %get3A_271 : vector<16xf32>
        %add3A_856 = arith.addf %mul3A_849, %mul3A_855 : vector<16xf32>
        %get3A_857 = arith.constant 1 : i32
        %get3A_858 = arith.index_cast %get3A_857 : i32 to index
        %get3A_859 = arith.index_cast %add3A_843 : i32 to index
        %get3A_860 = arith.constant 32 : index
        %get3A_861 = tpu.vector_load %arg8[%get3A_858, %get3A_859, %get3A_860] {strides = array<i32>} : memref<2x400x128xf32, #tpu.memory_space<vmem>>, vector<16xf32>,
        %mul3A_862 = arith.mulf %get3A_861, %get3A_276 : vector<16xf32>
        %add3A_863 = arith.addf %add3A_856, %mul3A_862 : vector<16xf32>
        %get3A_864 = arith.constant 1 : i32
        %get3A_865 = arith.index_cast %get3A_864 : i32 to index
        %get3A_866 = arith.index_cast %add3A_843 : i32 to index
        %get3A_867 = arith.constant 48 : index
        %get3A_868 = tpu.vector_load %arg8[%get3A_865, %get3A_866, %get3A_867] {strides = array<i32>} : memref<2x400x128xf32, #tpu.memory_space<vmem>>, vector<16xf32>,
        %mul3A_869 = arith.mulf %get3A_868, %get3A_281 : vector<16xf32>
        %add3A_870 = arith.addf %add3A_863, %mul3A_869 : vector<16xf32>
        %eq3A_871 = arith.constant 14 : i32
        %eq3A_872 = vector.broadcast %eq3A_871 : i32 to vector<16xi32>
        %eq3A_873 = arith.cmpi eq, %iota3A, %eq3A_872 : vector<16xi32>
        %reduce_sum3A_874 = arith.constant true
        %reduce_sum3A_875 = vector.broadcast %reduce_sum3A_874 : i1 to vector<16xi1>
        %reduce_sum3A_876 = tpu.scan <sum>, %add3A_870 masked %reduce_sum3A_875 : vector<16xf32>, vector<16xi1> -> vector<16xf32>
        %reduce_sum3A_877 = vector.extract %reduce_sum3A_876[15] : f32 from vector<16xf32>
        %broadcast_in_dim3A_878 = vector.broadcast %reduce_sum3A_877 : f32 to vector<16xf32>
        %select_n3A_879 = arith.select %eq3A_873, %broadcast_in_dim3A_878, %select_n3A_839 : vector<16xi1>, vector<16xf32>
        %add3A_880 = arith.constant 0 : i32
        %add3A_881 = arith.addi %mul3A_260, %add3A_880 : i32
        %add3A_882 = arith.constant 15 : i32
        %add3A_883 = arith.addi %add3A_881, %add3A_882 : i32
        %get3A_884 = arith.constant 1 : i32
        %get3A_885 = arith.index_cast %get3A_884 : i32 to index
        %get3A_886 = arith.index_cast %add3A_883 : i32 to index
        %get3A_887 = arith.constant 0 : index
        %get3A_888 = tpu.vector_load %arg8[%get3A_885, %get3A_886, %get3A_887] {strides = array<i32>} : memref<2x400x128xf32, #tpu.memory_space<vmem>>, vector<16xf32>,
        %mul3A_889 = arith.mulf %get3A_888, %get3A_266 : vector<16xf32>
        %get3A_890 = arith.constant 1 : i32
        %get3A_891 = arith.index_cast %get3A_890 : i32 to index
        %get3A_892 = arith.index_cast %add3A_883 : i32 to index
        %get3A_893 = arith.constant 16 : index
        %get3A_894 = tpu.vector_load %arg8[%get3A_891, %get3A_892, %get3A_893] {strides = array<i32>} : memref<2x400x128xf32, #tpu.memory_space<vmem>>, vector<16xf32>,
        %mul3A_895 = arith.mulf %get3A_894, %get3A_271 : vector<16xf32>
        %add3A_896 = arith.addf %mul3A_889, %mul3A_895 : vector<16xf32>
        %get3A_897 = arith.constant 1 : i32
        %get3A_898 = arith.index_cast %get3A_897 : i32 to index
        %get3A_899 = arith.index_cast %add3A_883 : i32 to index
        %get3A_900 = arith.constant 32 : index
        %get3A_901 = tpu.vector_load %arg8[%get3A_898, %get3A_899, %get3A_900] {strides = array<i32>} : memref<2x400x128xf32, #tpu.memory_space<vmem>>, vector<16xf32>,
        %mul3A_902 = arith.mulf %get3A_901, %get3A_276 : vector<16xf32>
        %add3A_903 = arith.addf %add3A_896, %mul3A_902 : vector<16xf32>
        %get3A_904 = arith.constant 1 : i32
        %get3A_905 = arith.index_cast %get3A_904 : i32 to index
        %get3A_906 = arith.index_cast %add3A_883 : i32 to index
        %get3A_907 = arith.constant 48 : index
        %get3A_908 = tpu.vector_load %arg8[%get3A_905, %get3A_906, %get3A_907] {strides = array<i32>} : memref<2x400x128xf32, #tpu.memory_space<vmem>>, vector<16xf32>,
        %mul3A_909 = arith.mulf %get3A_908, %get3A_281 : vector<16xf32>
        %add3A_910 = arith.addf %add3A_903, %mul3A_909 : vector<16xf32>
        %eq3A_911 = arith.constant 15 : i32
        %eq3A_912 = vector.broadcast %eq3A_911 : i32 to vector<16xi32>
        %eq3A_913 = arith.cmpi eq, %iota3A, %eq3A_912 : vector<16xi32>
        %reduce_sum3A_914 = arith.constant true
        %reduce_sum3A_915 = vector.broadcast %reduce_sum3A_914 : i1 to vector<16xi1>
        %reduce_sum3A_916 = tpu.scan <sum>, %add3A_910 masked %reduce_sum3A_915 : vector<16xf32>, vector<16xi1> -> vector<16xf32>
        %reduce_sum3A_917 = vector.extract %reduce_sum3A_916[15] : f32 from vector<16xf32>
        %broadcast_in_dim3A_918 = vector.broadcast %reduce_sum3A_917 : f32 to vector<16xf32>
        %select_n3A_919 = arith.select %eq3A_913, %broadcast_in_dim3A_918, %select_n3A_879 : vector<16xi1>, vector<16xf32>
        %broadcast_in_dim3A_920 = arith.constant 0.000000e+00 : f32
        %broadcast_in_dim3A_921 = vector.broadcast %broadcast_in_dim3A_920 : f32 to vector<16xf32>
        %add3A_922 = arith.constant 16 : i32
        %add3A_923 = arith.addi %mul3A_260, %add3A_922 : i32
        %add3A_924 = arith.constant 0 : i32
        %add3A_925 = arith.addi %add3A_923, %add3A_924 : i32
        %get3A_926 = arith.constant 1 : i32
        %get3A_927 = arith.index_cast %get3A_926 : i32 to index
        %get3A_928 = arith.index_cast %add3A_925 : i32 to index
        %get3A_929 = arith.constant 0 : index
        %get3A_930 = tpu.vector_load %arg8[%get3A_927, %get3A_928, %get3A_929] {strides = array<i32>} : memref<2x400x128xf32, #tpu.memory_space<vmem>>, vector<16xf32>,
        %mul3A_931 = arith.mulf %get3A_930, %get3A_266 : vector<16xf32>
        %get3A_932 = arith.constant 1 : i32
        %get3A_933 = arith.index_cast %get3A_932 : i32 to index
        %get3A_934 = arith.index_cast %add3A_925 : i32 to index
        %get3A_935 = arith.constant 16 : index
        %get3A_936 = tpu.vector_load %arg8[%get3A_933, %get3A_934, %get3A_935] {strides = array<i32>} : memref<2x400x128xf32, #tpu.memory_space<vmem>>, vector<16xf32>,
        %mul3A_937 = arith.mulf %get3A_936, %get3A_271 : vector<16xf32>
        %add3A_938 = arith.addf %mul3A_931, %mul3A_937 : vector<16xf32>
        %get3A_939 = arith.constant 1 : i32
        %get3A_940 = arith.index_cast %get3A_939 : i32 to index
        %get3A_941 = arith.index_cast %add3A_925 : i32 to index
        %get3A_942 = arith.constant 32 : index
        %get3A_943 = tpu.vector_load %arg8[%get3A_940, %get3A_941, %get3A_942] {strides = array<i32>} : memref<2x400x128xf32, #tpu.memory_space<vmem>>, vector<16xf32>,
        %mul3A_944 = arith.mulf %get3A_943, %get3A_276 : vector<16xf32>
        %add3A_945 = arith.addf %add3A_938, %mul3A_944 : vector<16xf32>
        %get3A_946 = arith.constant 1 : i32
        %get3A_947 = arith.index_cast %get3A_946 : i32 to index
        %get3A_948 = arith.index_cast %add3A_925 : i32 to index
        %get3A_949 = arith.constant 48 : index
        %get3A_950 = tpu.vector_load %arg8[%get3A_947, %get3A_948, %get3A_949] {strides = array<i32>} : memref<2x400x128xf32, #tpu.memory_space<vmem>>, vector<16xf32>,
        %mul3A_951 = arith.mulf %get3A_950, %get3A_281 : vector<16xf32>
        %add3A_952 = arith.addf %add3A_945, %mul3A_951 : vector<16xf32>
        %eq3A_953 = arith.constant 0 : i32
        %eq3A_954 = vector.broadcast %eq3A_953 : i32 to vector<16xi32>
        %eq3A_955 = arith.cmpi eq, %iota3A, %eq3A_954 : vector<16xi32>
        %reduce_sum3A_956 = arith.constant true
        %reduce_sum3A_957 = vector.broadcast %reduce_sum3A_956 : i1 to vector<16xi1>
        %reduce_sum3A_958 = tpu.scan <sum>, %add3A_952 masked %reduce_sum3A_957 : vector<16xf32>, vector<16xi1> -> vector<16xf32>
        %reduce_sum3A_959 = vector.extract %reduce_sum3A_958[15] : f32 from vector<16xf32>
        %broadcast_in_dim3A_960 = vector.broadcast %reduce_sum3A_959 : f32 to vector<16xf32>
        %select_n3A_961 = arith.select %eq3A_955, %broadcast_in_dim3A_960, %broadcast_in_dim3A_921 : vector<16xi1>, vector<16xf32>
        %add3A_962 = arith.constant 16 : i32
        %add3A_963 = arith.addi %mul3A_260, %add3A_962 : i32
        %add3A_964 = arith.constant 1 : i32
        %add3A_965 = arith.addi %add3A_963, %add3A_964 : i32
        %get3A_966 = arith.constant 1 : i32
        %get3A_967 = arith.index_cast %get3A_966 : i32 to index
        %get3A_968 = arith.index_cast %add3A_965 : i32 to index
        %get3A_969 = arith.constant 0 : index
        %get3A_970 = tpu.vector_load %arg8[%get3A_967, %get3A_968, %get3A_969] {strides = array<i32>} : memref<2x400x128xf32, #tpu.memory_space<vmem>>, vector<16xf32>,
        %mul3A_971 = arith.mulf %get3A_970, %get3A_266 : vector<16xf32>
        %get3A_972 = arith.constant 1 : i32
        %get3A_973 = arith.index_cast %get3A_972 : i32 to index
        %get3A_974 = arith.index_cast %add3A_965 : i32 to index
        %get3A_975 = arith.constant 16 : index
        %get3A_976 = tpu.vector_load %arg8[%get3A_973, %get3A_974, %get3A_975] {strides = array<i32>} : memref<2x400x128xf32, #tpu.memory_space<vmem>>, vector<16xf32>,
        %mul3A_977 = arith.mulf %get3A_976, %get3A_271 : vector<16xf32>
        %add3A_978 = arith.addf %mul3A_971, %mul3A_977 : vector<16xf32>
        %get3A_979 = arith.constant 1 : i32
        %get3A_980 = arith.index_cast %get3A_979 : i32 to index
        %get3A_981 = arith.index_cast %add3A_965 : i32 to index
        %get3A_982 = arith.constant 32 : index
        %get3A_983 = tpu.vector_load %arg8[%get3A_980, %get3A_981, %get3A_982] {strides = array<i32>} : memref<2x400x128xf32, #tpu.memory_space<vmem>>, vector<16xf32>,
        %mul3A_984 = arith.mulf %get3A_983, %get3A_276 : vector<16xf32>
        %add3A_985 = arith.addf %add3A_978, %mul3A_984 : vector<16xf32>
        %get3A_986 = arith.constant 1 : i32
        %get3A_987 = arith.index_cast %get3A_986 : i32 to index
        %get3A_988 = arith.index_cast %add3A_965 : i32 to index
        %get3A_989 = arith.constant 48 : index
        %get3A_990 = tpu.vector_load %arg8[%get3A_987, %get3A_988, %get3A_989] {strides = array<i32>} : memref<2x400x128xf32, #tpu.memory_space<vmem>>, vector<16xf32>,
        %mul3A_991 = arith.mulf %get3A_990, %get3A_281 : vector<16xf32>
        %add3A_992 = arith.addf %add3A_985, %mul3A_991 : vector<16xf32>
        %eq3A_993 = arith.constant 1 : i32
        %eq3A_994 = vector.broadcast %eq3A_993 : i32 to vector<16xi32>
        %eq3A_995 = arith.cmpi eq, %iota3A, %eq3A_994 : vector<16xi32>
        %reduce_sum3A_996 = arith.constant true
        %reduce_sum3A_997 = vector.broadcast %reduce_sum3A_996 : i1 to vector<16xi1>
        %reduce_sum3A_998 = tpu.scan <sum>, %add3A_992 masked %reduce_sum3A_997 : vector<16xf32>, vector<16xi1> -> vector<16xf32>
        %reduce_sum3A_999 = vector.extract %reduce_sum3A_998[15] : f32 from vector<16xf32>
        %broadcast_in_dim3A_1000 = vector.broadcast %reduce_sum3A_999 : f32 to vector<16xf32>
        %select_n3A_1001 = arith.select %eq3A_995, %broadcast_in_dim3A_1000, %select_n3A_961 : vector<16xi1>, vector<16xf32>
        %add3A_1002 = arith.constant 16 : i32
        %add3A_1003 = arith.addi %mul3A_260, %add3A_1002 : i32
        %add3A_1004 = arith.constant 2 : i32
        %add3A_1005 = arith.addi %add3A_1003, %add3A_1004 : i32
        %get3A_1006 = arith.constant 1 : i32
        %get3A_1007 = arith.index_cast %get3A_1006 : i32 to index
        %get3A_1008 = arith.index_cast %add3A_1005 : i32 to index
        %get3A_1009 = arith.constant 0 : index
        %get3A_1010 = tpu.vector_load %arg8[%get3A_1007, %get3A_1008, %get3A_1009] {strides = array<i32>} : memref<2x400x128xf32, #tpu.memory_space<vmem>>, vector<16xf32>,
        %mul3A_1011 = arith.mulf %get3A_1010, %get3A_266 : vector<16xf32>
        %get3A_1012 = arith.constant 1 : i32
        %get3A_1013 = arith.index_cast %get3A_1012 : i32 to index
        %get3A_1014 = arith.index_cast %add3A_1005 : i32 to index
        %get3A_1015 = arith.constant 16 : index
        %get3A_1016 = tpu.vector_load %arg8[%get3A_1013, %get3A_1014, %get3A_1015] {strides = array<i32>} : memref<2x400x128xf32, #tpu.memory_space<vmem>>, vector<16xf32>,
        %mul3A_1017 = arith.mulf %get3A_1016, %get3A_271 : vector<16xf32>
        %add3A_1018 = arith.addf %mul3A_1011, %mul3A_1017 : vector<16xf32>
        %get3A_1019 = arith.constant 1 : i32
        %get3A_1020 = arith.index_cast %get3A_1019 : i32 to index
        %get3A_1021 = arith.index_cast %add3A_1005 : i32 to index
        %get3A_1022 = arith.constant 32 : index
        %get3A_1023 = tpu.vector_load %arg8[%get3A_1020, %get3A_1021, %get3A_1022] {strides = array<i32>} : memref<2x400x128xf32, #tpu.memory_space<vmem>>, vector<16xf32>,
        %mul3A_1024 = arith.mulf %get3A_1023, %get3A_276 : vector<16xf32>
        %add3A_1025 = arith.addf %add3A_1018, %mul3A_1024 : vector<16xf32>
        %get3A_1026 = arith.constant 1 : i32
        %get3A_1027 = arith.index_cast %get3A_1026 : i32 to index
        %get3A_1028 = arith.index_cast %add3A_1005 : i32 to index
        %get3A_1029 = arith.constant 48 : index
        %get3A_1030 = tpu.vector_load %arg8[%get3A_1027, %get3A_1028, %get3A_1029] {strides = array<i32>} : memref<2x400x128xf32, #tpu.memory_space<vmem>>, vector<16xf32>,
        %mul3A_1031 = arith.mulf %get3A_1030, %get3A_281 : vector<16xf32>
        %add3A_1032 = arith.addf %add3A_1025, %mul3A_1031 : vector<16xf32>
        %eq3A_1033 = arith.constant 2 : i32
        %eq3A_1034 = vector.broadcast %eq3A_1033 : i32 to vector<16xi32>
        %eq3A_1035 = arith.cmpi eq, %iota3A, %eq3A_1034 : vector<16xi32>
        %reduce_sum3A_1036 = arith.constant true
        %reduce_sum3A_1037 = vector.broadcast %reduce_sum3A_1036 : i1 to vector<16xi1>
        %reduce_sum3A_1038 = tpu.scan <sum>, %add3A_1032 masked %reduce_sum3A_1037 : vector<16xf32>, vector<16xi1> -> vector<16xf32>
        %reduce_sum3A_1039 = vector.extract %reduce_sum3A_1038[15] : f32 from vector<16xf32>
        %broadcast_in_dim3A_1040 = vector.broadcast %reduce_sum3A_1039 : f32 to vector<16xf32>
        %select_n3A_1041 = arith.select %eq3A_1035, %broadcast_in_dim3A_1040, %select_n3A_1001 : vector<16xi1>, vector<16xf32>
        %add3A_1042 = arith.constant 16 : i32
        %add3A_1043 = arith.addi %mul3A_260, %add3A_1042 : i32
        %add3A_1044 = arith.constant 3 : i32
        %add3A_1045 = arith.addi %add3A_1043, %add3A_1044 : i32
        %get3A_1046 = arith.constant 1 : i32
        %get3A_1047 = arith.index_cast %get3A_1046 : i32 to index
        %get3A_1048 = arith.index_cast %add3A_1045 : i32 to index
        %get3A_1049 = arith.constant 0 : index
        %get3A_1050 = tpu.vector_load %arg8[%get3A_1047, %get3A_1048, %get3A_1049] {strides = array<i32>} : memref<2x400x128xf32, #tpu.memory_space<vmem>>, vector<16xf32>,
        %mul3A_1051 = arith.mulf %get3A_1050, %get3A_266 : vector<16xf32>
        %get3A_1052 = arith.constant 1 : i32
        %get3A_1053 = arith.index_cast %get3A_1052 : i32 to index
        %get3A_1054 = arith.index_cast %add3A_1045 : i32 to index
        %get3A_1055 = arith.constant 16 : index
        %get3A_1056 = tpu.vector_load %arg8[%get3A_1053, %get3A_1054, %get3A_1055] {strides = array<i32>} : memref<2x400x128xf32, #tpu.memory_space<vmem>>, vector<16xf32>,
        %mul3A_1057 = arith.mulf %get3A_1056, %get3A_271 : vector<16xf32>
        %add3A_1058 = arith.addf %mul3A_1051, %mul3A_1057 : vector<16xf32>
        %get3A_1059 = arith.constant 1 : i32
        %get3A_1060 = arith.index_cast %get3A_1059 : i32 to index
        %get3A_1061 = arith.index_cast %add3A_1045 : i32 to index
        %get3A_1062 = arith.constant 32 : index
        %get3A_1063 = tpu.vector_load %arg8[%get3A_1060, %get3A_1061, %get3A_1062] {strides = array<i32>} : memref<2x400x128xf32, #tpu.memory_space<vmem>>, vector<16xf32>,
        %mul3A_1064 = arith.mulf %get3A_1063, %get3A_276 : vector<16xf32>
        %add3A_1065 = arith.addf %add3A_1058, %mul3A_1064 : vector<16xf32>
        %get3A_1066 = arith.constant 1 : i32
        %get3A_1067 = arith.index_cast %get3A_1066 : i32 to index
        %get3A_1068 = arith.index_cast %add3A_1045 : i32 to index
        %get3A_1069 = arith.constant 48 : index
        %get3A_1070 = tpu.vector_load %arg8[%get3A_1067, %get3A_1068, %get3A_1069] {strides = array<i32>} : memref<2x400x128xf32, #tpu.memory_space<vmem>>, vector<16xf32>,
        %mul3A_1071 = arith.mulf %get3A_1070, %get3A_281 : vector<16xf32>
        %add3A_1072 = arith.addf %add3A_1065, %mul3A_1071 : vector<16xf32>
        %eq3A_1073 = arith.constant 3 : i32
        %eq3A_1074 = vector.broadcast %eq3A_1073 : i32 to vector<16xi32>
        %eq3A_1075 = arith.cmpi eq, %iota3A, %eq3A_1074 : vector<16xi32>
        %reduce_sum3A_1076 = arith.constant true
        %reduce_sum3A_1077 = vector.broadcast %reduce_sum3A_1076 : i1 to vector<16xi1>
        %reduce_sum3A_1078 = tpu.scan <sum>, %add3A_1072 masked %reduce_sum3A_1077 : vector<16xf32>, vector<16xi1> -> vector<16xf32>
        %reduce_sum3A_1079 = vector.extract %reduce_sum3A_1078[15] : f32 from vector<16xf32>
        %broadcast_in_dim3A_1080 = vector.broadcast %reduce_sum3A_1079 : f32 to vector<16xf32>
        %select_n3A_1081 = arith.select %eq3A_1075, %broadcast_in_dim3A_1080, %select_n3A_1041 : vector<16xi1>, vector<16xf32>
        %add3A_1082 = arith.constant 16 : i32
        %add3A_1083 = arith.addi %mul3A_260, %add3A_1082 : i32
        %add3A_1084 = arith.constant 4 : i32
        %add3A_1085 = arith.addi %add3A_1083, %add3A_1084 : i32
        %get3A_1086 = arith.constant 1 : i32
        %get3A_1087 = arith.index_cast %get3A_1086 : i32 to index
        %get3A_1088 = arith.index_cast %add3A_1085 : i32 to index
        %get3A_1089 = arith.constant 0 : index
        %get3A_1090 = tpu.vector_load %arg8[%get3A_1087, %get3A_1088, %get3A_1089] {strides = array<i32>} : memref<2x400x128xf32, #tpu.memory_space<vmem>>, vector<16xf32>,
        %mul3A_1091 = arith.mulf %get3A_1090, %get3A_266 : vector<16xf32>
        %get3A_1092 = arith.constant 1 : i32
        %get3A_1093 = arith.index_cast %get3A_1092 : i32 to index
        %get3A_1094 = arith.index_cast %add3A_1085 : i32 to index
        %get3A_1095 = arith.constant 16 : index
        %get3A_1096 = tpu.vector_load %arg8[%get3A_1093, %get3A_1094, %get3A_1095] {strides = array<i32>} : memref<2x400x128xf32, #tpu.memory_space<vmem>>, vector<16xf32>,
        %mul3A_1097 = arith.mulf %get3A_1096, %get3A_271 : vector<16xf32>
        %add3A_1098 = arith.addf %mul3A_1091, %mul3A_1097 : vector<16xf32>
        %get3A_1099 = arith.constant 1 : i32
        %get3A_1100 = arith.index_cast %get3A_1099 : i32 to index
        %get3A_1101 = arith.index_cast %add3A_1085 : i32 to index
        %get3A_1102 = arith.constant 32 : index
        %get3A_1103 = tpu.vector_load %arg8[%get3A_1100, %get3A_1101, %get3A_1102] {strides = array<i32>} : memref<2x400x128xf32, #tpu.memory_space<vmem>>, vector<16xf32>,
        %mul3A_1104 = arith.mulf %get3A_1103, %get3A_276 : vector<16xf32>
        %add3A_1105 = arith.addf %add3A_1098, %mul3A_1104 : vector<16xf32>
        %get3A_1106 = arith.constant 1 : i32
        %get3A_1107 = arith.index_cast %get3A_1106 : i32 to index
        %get3A_1108 = arith.index_cast %add3A_1085 : i32 to index
        %get3A_1109 = arith.constant 48 : index
        %get3A_1110 = tpu.vector_load %arg8[%get3A_1107, %get3A_1108, %get3A_1109] {strides = array<i32>} : memref<2x400x128xf32, #tpu.memory_space<vmem>>, vector<16xf32>,
        %mul3A_1111 = arith.mulf %get3A_1110, %get3A_281 : vector<16xf32>
        %add3A_1112 = arith.addf %add3A_1105, %mul3A_1111 : vector<16xf32>
        %eq3A_1113 = arith.constant 4 : i32
        %eq3A_1114 = vector.broadcast %eq3A_1113 : i32 to vector<16xi32>
        %eq3A_1115 = arith.cmpi eq, %iota3A, %eq3A_1114 : vector<16xi32>
        %reduce_sum3A_1116 = arith.constant true
        %reduce_sum3A_1117 = vector.broadcast %reduce_sum3A_1116 : i1 to vector<16xi1>
        %reduce_sum3A_1118 = tpu.scan <sum>, %add3A_1112 masked %reduce_sum3A_1117 : vector<16xf32>, vector<16xi1> -> vector<16xf32>
        %reduce_sum3A_1119 = vector.extract %reduce_sum3A_1118[15] : f32 from vector<16xf32>
        %broadcast_in_dim3A_1120 = vector.broadcast %reduce_sum3A_1119 : f32 to vector<16xf32>
        %select_n3A_1121 = arith.select %eq3A_1115, %broadcast_in_dim3A_1120, %select_n3A_1081 : vector<16xi1>, vector<16xf32>
        %add3A_1122 = arith.constant 16 : i32
        %add3A_1123 = arith.addi %mul3A_260, %add3A_1122 : i32
        %add3A_1124 = arith.constant 5 : i32
        %add3A_1125 = arith.addi %add3A_1123, %add3A_1124 : i32
        %get3A_1126 = arith.constant 1 : i32
        %get3A_1127 = arith.index_cast %get3A_1126 : i32 to index
        %get3A_1128 = arith.index_cast %add3A_1125 : i32 to index
        %get3A_1129 = arith.constant 0 : index
        %get3A_1130 = tpu.vector_load %arg8[%get3A_1127, %get3A_1128, %get3A_1129] {strides = array<i32>} : memref<2x400x128xf32, #tpu.memory_space<vmem>>, vector<16xf32>,
        %mul3A_1131 = arith.mulf %get3A_1130, %get3A_266 : vector<16xf32>
        %get3A_1132 = arith.constant 1 : i32
        %get3A_1133 = arith.index_cast %get3A_1132 : i32 to index
        %get3A_1134 = arith.index_cast %add3A_1125 : i32 to index
        %get3A_1135 = arith.constant 16 : index
        %get3A_1136 = tpu.vector_load %arg8[%get3A_1133, %get3A_1134, %get3A_1135] {strides = array<i32>} : memref<2x400x128xf32, #tpu.memory_space<vmem>>, vector<16xf32>,
        %mul3A_1137 = arith.mulf %get3A_1136, %get3A_271 : vector<16xf32>
        %add3A_1138 = arith.addf %mul3A_1131, %mul3A_1137 : vector<16xf32>
        %get3A_1139 = arith.constant 1 : i32
        %get3A_1140 = arith.index_cast %get3A_1139 : i32 to index
        %get3A_1141 = arith.index_cast %add3A_1125 : i32 to index
        %get3A_1142 = arith.constant 32 : index
        %get3A_1143 = tpu.vector_load %arg8[%get3A_1140, %get3A_1141, %get3A_1142] {strides = array<i32>} : memref<2x400x128xf32, #tpu.memory_space<vmem>>, vector<16xf32>,
        %mul3A_1144 = arith.mulf %get3A_1143, %get3A_276 : vector<16xf32>
        %add3A_1145 = arith.addf %add3A_1138, %mul3A_1144 : vector<16xf32>
        %get3A_1146 = arith.constant 1 : i32
        %get3A_1147 = arith.index_cast %get3A_1146 : i32 to index
        %get3A_1148 = arith.index_cast %add3A_1125 : i32 to index
        %get3A_1149 = arith.constant 48 : index
        %get3A_1150 = tpu.vector_load %arg8[%get3A_1147, %get3A_1148, %get3A_1149] {strides = array<i32>} : memref<2x400x128xf32, #tpu.memory_space<vmem>>, vector<16xf32>,
        %mul3A_1151 = arith.mulf %get3A_1150, %get3A_281 : vector<16xf32>
        %add3A_1152 = arith.addf %add3A_1145, %mul3A_1151 : vector<16xf32>
        %eq3A_1153 = arith.constant 5 : i32
        %eq3A_1154 = vector.broadcast %eq3A_1153 : i32 to vector<16xi32>
        %eq3A_1155 = arith.cmpi eq, %iota3A, %eq3A_1154 : vector<16xi32>
        %reduce_sum3A_1156 = arith.constant true
        %reduce_sum3A_1157 = vector.broadcast %reduce_sum3A_1156 : i1 to vector<16xi1>
        %reduce_sum3A_1158 = tpu.scan <sum>, %add3A_1152 masked %reduce_sum3A_1157 : vector<16xf32>, vector<16xi1> -> vector<16xf32>
        %reduce_sum3A_1159 = vector.extract %reduce_sum3A_1158[15] : f32 from vector<16xf32>
        %broadcast_in_dim3A_1160 = vector.broadcast %reduce_sum3A_1159 : f32 to vector<16xf32>
        %select_n3A_1161 = arith.select %eq3A_1155, %broadcast_in_dim3A_1160, %select_n3A_1121 : vector<16xi1>, vector<16xf32>
        %add3A_1162 = arith.constant 16 : i32
        %add3A_1163 = arith.addi %mul3A_260, %add3A_1162 : i32
        %add3A_1164 = arith.constant 6 : i32
        %add3A_1165 = arith.addi %add3A_1163, %add3A_1164 : i32
        %get3A_1166 = arith.constant 1 : i32
        %get3A_1167 = arith.index_cast %get3A_1166 : i32 to index
        %get3A_1168 = arith.index_cast %add3A_1165 : i32 to index
        %get3A_1169 = arith.constant 0 : index
        %get3A_1170 = tpu.vector_load %arg8[%get3A_1167, %get3A_1168, %get3A_1169] {strides = array<i32>} : memref<2x400x128xf32, #tpu.memory_space<vmem>>, vector<16xf32>,
        %mul3A_1171 = arith.mulf %get3A_1170, %get3A_266 : vector<16xf32>
        %get3A_1172 = arith.constant 1 : i32
        %get3A_1173 = arith.index_cast %get3A_1172 : i32 to index
        %get3A_1174 = arith.index_cast %add3A_1165 : i32 to index
        %get3A_1175 = arith.constant 16 : index
        %get3A_1176 = tpu.vector_load %arg8[%get3A_1173, %get3A_1174, %get3A_1175] {strides = array<i32>} : memref<2x400x128xf32, #tpu.memory_space<vmem>>, vector<16xf32>,
        %mul3A_1177 = arith.mulf %get3A_1176, %get3A_271 : vector<16xf32>
        %add3A_1178 = arith.addf %mul3A_1171, %mul3A_1177 : vector<16xf32>
        %get3A_1179 = arith.constant 1 : i32
        %get3A_1180 = arith.index_cast %get3A_1179 : i32 to index
        %get3A_1181 = arith.index_cast %add3A_1165 : i32 to index
        %get3A_1182 = arith.constant 32 : index
        %get3A_1183 = tpu.vector_load %arg8[%get3A_1180, %get3A_1181, %get3A_1182] {strides = array<i32>} : memref<2x400x128xf32, #tpu.memory_space<vmem>>, vector<16xf32>,
        %mul3A_1184 = arith.mulf %get3A_1183, %get3A_276 : vector<16xf32>
        %add3A_1185 = arith.addf %add3A_1178, %mul3A_1184 : vector<16xf32>
        %get3A_1186 = arith.constant 1 : i32
        %get3A_1187 = arith.index_cast %get3A_1186 : i32 to index
        %get3A_1188 = arith.index_cast %add3A_1165 : i32 to index
        %get3A_1189 = arith.constant 48 : index
        %get3A_1190 = tpu.vector_load %arg8[%get3A_1187, %get3A_1188, %get3A_1189] {strides = array<i32>} : memref<2x400x128xf32, #tpu.memory_space<vmem>>, vector<16xf32>,
        %mul3A_1191 = arith.mulf %get3A_1190, %get3A_281 : vector<16xf32>
        %add3A_1192 = arith.addf %add3A_1185, %mul3A_1191 : vector<16xf32>
        %eq3A_1193 = arith.constant 6 : i32
        %eq3A_1194 = vector.broadcast %eq3A_1193 : i32 to vector<16xi32>
        %eq3A_1195 = arith.cmpi eq, %iota3A, %eq3A_1194 : vector<16xi32>
        %reduce_sum3A_1196 = arith.constant true
        %reduce_sum3A_1197 = vector.broadcast %reduce_sum3A_1196 : i1 to vector<16xi1>
        %reduce_sum3A_1198 = tpu.scan <sum>, %add3A_1192 masked %reduce_sum3A_1197 : vector<16xf32>, vector<16xi1> -> vector<16xf32>
        %reduce_sum3A_1199 = vector.extract %reduce_sum3A_1198[15] : f32 from vector<16xf32>
        %broadcast_in_dim3A_1200 = vector.broadcast %reduce_sum3A_1199 : f32 to vector<16xf32>
        %select_n3A_1201 = arith.select %eq3A_1195, %broadcast_in_dim3A_1200, %select_n3A_1161 : vector<16xi1>, vector<16xf32>
        %add3A_1202 = arith.constant 16 : i32
        %add3A_1203 = arith.addi %mul3A_260, %add3A_1202 : i32
        %add3A_1204 = arith.constant 7 : i32
        %add3A_1205 = arith.addi %add3A_1203, %add3A_1204 : i32
        %get3A_1206 = arith.constant 1 : i32
        %get3A_1207 = arith.index_cast %get3A_1206 : i32 to index
        %get3A_1208 = arith.index_cast %add3A_1205 : i32 to index
        %get3A_1209 = arith.constant 0 : index
        %get3A_1210 = tpu.vector_load %arg8[%get3A_1207, %get3A_1208, %get3A_1209] {strides = array<i32>} : memref<2x400x128xf32, #tpu.memory_space<vmem>>, vector<16xf32>,
        %mul3A_1211 = arith.mulf %get3A_1210, %get3A_266 : vector<16xf32>
        %get3A_1212 = arith.constant 1 : i32
        %get3A_1213 = arith.index_cast %get3A_1212 : i32 to index
        %get3A_1214 = arith.index_cast %add3A_1205 : i32 to index
        %get3A_1215 = arith.constant 16 : index
        %get3A_1216 = tpu.vector_load %arg8[%get3A_1213, %get3A_1214, %get3A_1215] {strides = array<i32>} : memref<2x400x128xf32, #tpu.memory_space<vmem>>, vector<16xf32>,
        %mul3A_1217 = arith.mulf %get3A_1216, %get3A_271 : vector<16xf32>
        %add3A_1218 = arith.addf %mul3A_1211, %mul3A_1217 : vector<16xf32>
        %get3A_1219 = arith.constant 1 : i32
        %get3A_1220 = arith.index_cast %get3A_1219 : i32 to index
        %get3A_1221 = arith.index_cast %add3A_1205 : i32 to index
        %get3A_1222 = arith.constant 32 : index
        %get3A_1223 = tpu.vector_load %arg8[%get3A_1220, %get3A_1221, %get3A_1222] {strides = array<i32>} : memref<2x400x128xf32, #tpu.memory_space<vmem>>, vector<16xf32>,
        %mul3A_1224 = arith.mulf %get3A_1223, %get3A_276 : vector<16xf32>
        %add3A_1225 = arith.addf %add3A_1218, %mul3A_1224 : vector<16xf32>
        %get3A_1226 = arith.constant 1 : i32
        %get3A_1227 = arith.index_cast %get3A_1226 : i32 to index
        %get3A_1228 = arith.index_cast %add3A_1205 : i32 to index
        %get3A_1229 = arith.constant 48 : index
        %get3A_1230 = tpu.vector_load %arg8[%get3A_1227, %get3A_1228, %get3A_1229] {strides = array<i32>} : memref<2x400x128xf32, #tpu.memory_space<vmem>>, vector<16xf32>,
        %mul3A_1231 = arith.mulf %get3A_1230, %get3A_281 : vector<16xf32>
        %add3A_1232 = arith.addf %add3A_1225, %mul3A_1231 : vector<16xf32>
        %eq3A_1233 = arith.constant 7 : i32
        %eq3A_1234 = vector.broadcast %eq3A_1233 : i32 to vector<16xi32>
        %eq3A_1235 = arith.cmpi eq, %iota3A, %eq3A_1234 : vector<16xi32>
        %reduce_sum3A_1236 = arith.constant true
        %reduce_sum3A_1237 = vector.broadcast %reduce_sum3A_1236 : i1 to vector<16xi1>
        %reduce_sum3A_1238 = tpu.scan <sum>, %add3A_1232 masked %reduce_sum3A_1237 : vector<16xf32>, vector<16xi1> -> vector<16xf32>
        %reduce_sum3A_1239 = vector.extract %reduce_sum3A_1238[15] : f32 from vector<16xf32>
        %broadcast_in_dim3A_1240 = vector.broadcast %reduce_sum3A_1239 : f32 to vector<16xf32>
        %select_n3A_1241 = arith.select %eq3A_1235, %broadcast_in_dim3A_1240, %select_n3A_1201 : vector<16xi1>, vector<16xf32>
        %add3A_1242 = arith.constant 16 : i32
        %add3A_1243 = arith.addi %mul3A_260, %add3A_1242 : i32
        %add3A_1244 = arith.constant 8 : i32
        %add3A_1245 = arith.addi %add3A_1243, %add3A_1244 : i32
        %get3A_1246 = arith.constant 1 : i32
        %get3A_1247 = arith.index_cast %get3A_1246 : i32 to index
        %get3A_1248 = arith.index_cast %add3A_1245 : i32 to index
        %get3A_1249 = arith.constant 0 : index
        %get3A_1250 = tpu.vector_load %arg8[%get3A_1247, %get3A_1248, %get3A_1249] {strides = array<i32>} : memref<2x400x128xf32, #tpu.memory_space<vmem>>, vector<16xf32>,
        %mul3A_1251 = arith.mulf %get3A_1250, %get3A_266 : vector<16xf32>
        %get3A_1252 = arith.constant 1 : i32
        %get3A_1253 = arith.index_cast %get3A_1252 : i32 to index
        %get3A_1254 = arith.index_cast %add3A_1245 : i32 to index
        %get3A_1255 = arith.constant 16 : index
        %get3A_1256 = tpu.vector_load %arg8[%get3A_1253, %get3A_1254, %get3A_1255] {strides = array<i32>} : memref<2x400x128xf32, #tpu.memory_space<vmem>>, vector<16xf32>,
        %mul3A_1257 = arith.mulf %get3A_1256, %get3A_271 : vector<16xf32>
        %add3A_1258 = arith.addf %mul3A_1251, %mul3A_1257 : vector<16xf32>
        %get3A_1259 = arith.constant 1 : i32
        %get3A_1260 = arith.index_cast %get3A_1259 : i32 to index
        %get3A_1261 = arith.index_cast %add3A_1245 : i32 to index
        %get3A_1262 = arith.constant 32 : index
        %get3A_1263 = tpu.vector_load %arg8[%get3A_1260, %get3A_1261, %get3A_1262] {strides = array<i32>} : memref<2x400x128xf32, #tpu.memory_space<vmem>>, vector<16xf32>,
        %mul3A_1264 = arith.mulf %get3A_1263, %get3A_276 : vector<16xf32>
        %add3A_1265 = arith.addf %add3A_1258, %mul3A_1264 : vector<16xf32>
        %get3A_1266 = arith.constant 1 : i32
        %get3A_1267 = arith.index_cast %get3A_1266 : i32 to index
        %get3A_1268 = arith.index_cast %add3A_1245 : i32 to index
        %get3A_1269 = arith.constant 48 : index
        %get3A_1270 = tpu.vector_load %arg8[%get3A_1267, %get3A_1268, %get3A_1269] {strides = array<i32>} : memref<2x400x128xf32, #tpu.memory_space<vmem>>, vector<16xf32>,
        %mul3A_1271 = arith.mulf %get3A_1270, %get3A_281 : vector<16xf32>
        %add3A_1272 = arith.addf %add3A_1265, %mul3A_1271 : vector<16xf32>
        %eq3A_1273 = arith.constant 8 : i32
        %eq3A_1274 = vector.broadcast %eq3A_1273 : i32 to vector<16xi32>
        %eq3A_1275 = arith.cmpi eq, %iota3A, %eq3A_1274 : vector<16xi32>
        %reduce_sum3A_1276 = arith.constant true
        %reduce_sum3A_1277 = vector.broadcast %reduce_sum3A_1276 : i1 to vector<16xi1>
        %reduce_sum3A_1278 = tpu.scan <sum>, %add3A_1272 masked %reduce_sum3A_1277 : vector<16xf32>, vector<16xi1> -> vector<16xf32>
        %reduce_sum3A_1279 = vector.extract %reduce_sum3A_1278[15] : f32 from vector<16xf32>
        %broadcast_in_dim3A_1280 = vector.broadcast %reduce_sum3A_1279 : f32 to vector<16xf32>
        %select_n3A_1281 = arith.select %eq3A_1275, %broadcast_in_dim3A_1280, %select_n3A_1241 : vector<16xi1>, vector<16xf32>
        %add3A_1282 = arith.constant 16 : i32
        %add3A_1283 = arith.addi %mul3A_260, %add3A_1282 : i32
        %add3A_1284 = arith.constant 9 : i32
        %add3A_1285 = arith.addi %add3A_1283, %add3A_1284 : i32
        %get3A_1286 = arith.constant 1 : i32
        %get3A_1287 = arith.index_cast %get3A_1286 : i32 to index
        %get3A_1288 = arith.index_cast %add3A_1285 : i32 to index
        %get3A_1289 = arith.constant 0 : index
        %get3A_1290 = tpu.vector_load %arg8[%get3A_1287, %get3A_1288, %get3A_1289] {strides = array<i32>} : memref<2x400x128xf32, #tpu.memory_space<vmem>>, vector<16xf32>,
        %mul3A_1291 = arith.mulf %get3A_1290, %get3A_266 : vector<16xf32>
        %get3A_1292 = arith.constant 1 : i32
        %get3A_1293 = arith.index_cast %get3A_1292 : i32 to index
        %get3A_1294 = arith.index_cast %add3A_1285 : i32 to index
        %get3A_1295 = arith.constant 16 : index
        %get3A_1296 = tpu.vector_load %arg8[%get3A_1293, %get3A_1294, %get3A_1295] {strides = array<i32>} : memref<2x400x128xf32, #tpu.memory_space<vmem>>, vector<16xf32>,
        %mul3A_1297 = arith.mulf %get3A_1296, %get3A_271 : vector<16xf32>
        %add3A_1298 = arith.addf %mul3A_1291, %mul3A_1297 : vector<16xf32>
        %get3A_1299 = arith.constant 1 : i32
        %get3A_1300 = arith.index_cast %get3A_1299 : i32 to index
        %get3A_1301 = arith.index_cast %add3A_1285 : i32 to index
        %get3A_1302 = arith.constant 32 : index
        %get3A_1303 = tpu.vector_load %arg8[%get3A_1300, %get3A_1301, %get3A_1302] {strides = array<i32>} : memref<2x400x128xf32, #tpu.memory_space<vmem>>, vector<16xf32>,
        %mul3A_1304 = arith.mulf %get3A_1303, %get3A_276 : vector<16xf32>
        %add3A_1305 = arith.addf %add3A_1298, %mul3A_1304 : vector<16xf32>
        %get3A_1306 = arith.constant 1 : i32
        %get3A_1307 = arith.index_cast %get3A_1306 : i32 to index
        %get3A_1308 = arith.index_cast %add3A_1285 : i32 to index
        %get3A_1309 = arith.constant 48 : index
        %get3A_1310 = tpu.vector_load %arg8[%get3A_1307, %get3A_1308, %get3A_1309] {strides = array<i32>} : memref<2x400x128xf32, #tpu.memory_space<vmem>>, vector<16xf32>,
        %mul3A_1311 = arith.mulf %get3A_1310, %get3A_281 : vector<16xf32>
        %add3A_1312 = arith.addf %add3A_1305, %mul3A_1311 : vector<16xf32>
        %eq3A_1313 = arith.constant 9 : i32
        %eq3A_1314 = vector.broadcast %eq3A_1313 : i32 to vector<16xi32>
        %eq3A_1315 = arith.cmpi eq, %iota3A, %eq3A_1314 : vector<16xi32>
        %reduce_sum3A_1316 = arith.constant true
        %reduce_sum3A_1317 = vector.broadcast %reduce_sum3A_1316 : i1 to vector<16xi1>
        %reduce_sum3A_1318 = tpu.scan <sum>, %add3A_1312 masked %reduce_sum3A_1317 : vector<16xf32>, vector<16xi1> -> vector<16xf32>
        %reduce_sum3A_1319 = vector.extract %reduce_sum3A_1318[15] : f32 from vector<16xf32>
        %broadcast_in_dim3A_1320 = vector.broadcast %reduce_sum3A_1319 : f32 to vector<16xf32>
        %select_n3A_1321 = arith.select %eq3A_1315, %broadcast_in_dim3A_1320, %select_n3A_1281 : vector<16xi1>, vector<16xf32>
        %add3A_1322 = arith.constant 16 : i32
        %add3A_1323 = arith.addi %mul3A_260, %add3A_1322 : i32
        %add3A_1324 = arith.constant 10 : i32
        %add3A_1325 = arith.addi %add3A_1323, %add3A_1324 : i32
        %get3A_1326 = arith.constant 1 : i32
        %get3A_1327 = arith.index_cast %get3A_1326 : i32 to index
        %get3A_1328 = arith.index_cast %add3A_1325 : i32 to index
        %get3A_1329 = arith.constant 0 : index
        %get3A_1330 = tpu.vector_load %arg8[%get3A_1327, %get3A_1328, %get3A_1329] {strides = array<i32>} : memref<2x400x128xf32, #tpu.memory_space<vmem>>, vector<16xf32>,
        %mul3A_1331 = arith.mulf %get3A_1330, %get3A_266 : vector<16xf32>
        %get3A_1332 = arith.constant 1 : i32
        %get3A_1333 = arith.index_cast %get3A_1332 : i32 to index
        %get3A_1334 = arith.index_cast %add3A_1325 : i32 to index
        %get3A_1335 = arith.constant 16 : index
        %get3A_1336 = tpu.vector_load %arg8[%get3A_1333, %get3A_1334, %get3A_1335] {strides = array<i32>} : memref<2x400x128xf32, #tpu.memory_space<vmem>>, vector<16xf32>,
        %mul3A_1337 = arith.mulf %get3A_1336, %get3A_271 : vector<16xf32>
        %add3A_1338 = arith.addf %mul3A_1331, %mul3A_1337 : vector<16xf32>
        %get3A_1339 = arith.constant 1 : i32
        %get3A_1340 = arith.index_cast %get3A_1339 : i32 to index
        %get3A_1341 = arith.index_cast %add3A_1325 : i32 to index
        %get3A_1342 = arith.constant 32 : index
        %get3A_1343 = tpu.vector_load %arg8[%get3A_1340, %get3A_1341, %get3A_1342] {strides = array<i32>} : memref<2x400x128xf32, #tpu.memory_space<vmem>>, vector<16xf32>,
        %mul3A_1344 = arith.mulf %get3A_1343, %get3A_276 : vector<16xf32>
        %add3A_1345 = arith.addf %add3A_1338, %mul3A_1344 : vector<16xf32>
        %get3A_1346 = arith.constant 1 : i32
        %get3A_1347 = arith.index_cast %get3A_1346 : i32 to index
        %get3A_1348 = arith.index_cast %add3A_1325 : i32 to index
        %get3A_1349 = arith.constant 48 : index
        %get3A_1350 = tpu.vector_load %arg8[%get3A_1347, %get3A_1348, %get3A_1349] {strides = array<i32>} : memref<2x400x128xf32, #tpu.memory_space<vmem>>, vector<16xf32>,
        %mul3A_1351 = arith.mulf %get3A_1350, %get3A_281 : vector<16xf32>
        %add3A_1352 = arith.addf %add3A_1345, %mul3A_1351 : vector<16xf32>
        %eq3A_1353 = arith.constant 10 : i32
        %eq3A_1354 = vector.broadcast %eq3A_1353 : i32 to vector<16xi32>
        %eq3A_1355 = arith.cmpi eq, %iota3A, %eq3A_1354 : vector<16xi32>
        %reduce_sum3A_1356 = arith.constant true
        %reduce_sum3A_1357 = vector.broadcast %reduce_sum3A_1356 : i1 to vector<16xi1>
        %reduce_sum3A_1358 = tpu.scan <sum>, %add3A_1352 masked %reduce_sum3A_1357 : vector<16xf32>, vector<16xi1> -> vector<16xf32>
        %reduce_sum3A_1359 = vector.extract %reduce_sum3A_1358[15] : f32 from vector<16xf32>
        %broadcast_in_dim3A_1360 = vector.broadcast %reduce_sum3A_1359 : f32 to vector<16xf32>
        %select_n3A_1361 = arith.select %eq3A_1355, %broadcast_in_dim3A_1360, %select_n3A_1321 : vector<16xi1>, vector<16xf32>
        %add3A_1362 = arith.constant 16 : i32
        %add3A_1363 = arith.addi %mul3A_260, %add3A_1362 : i32
        %add3A_1364 = arith.constant 11 : i32
        %add3A_1365 = arith.addi %add3A_1363, %add3A_1364 : i32
        %get3A_1366 = arith.constant 1 : i32
        %get3A_1367 = arith.index_cast %get3A_1366 : i32 to index
        %get3A_1368 = arith.index_cast %add3A_1365 : i32 to index
        %get3A_1369 = arith.constant 0 : index
        %get3A_1370 = tpu.vector_load %arg8[%get3A_1367, %get3A_1368, %get3A_1369] {strides = array<i32>} : memref<2x400x128xf32, #tpu.memory_space<vmem>>, vector<16xf32>,
        %mul3A_1371 = arith.mulf %get3A_1370, %get3A_266 : vector<16xf32>
        %get3A_1372 = arith.constant 1 : i32
        %get3A_1373 = arith.index_cast %get3A_1372 : i32 to index
        %get3A_1374 = arith.index_cast %add3A_1365 : i32 to index
        %get3A_1375 = arith.constant 16 : index
        %get3A_1376 = tpu.vector_load %arg8[%get3A_1373, %get3A_1374, %get3A_1375] {strides = array<i32>} : memref<2x400x128xf32, #tpu.memory_space<vmem>>, vector<16xf32>,
        %mul3A_1377 = arith.mulf %get3A_1376, %get3A_271 : vector<16xf32>
        %add3A_1378 = arith.addf %mul3A_1371, %mul3A_1377 : vector<16xf32>
        %get3A_1379 = arith.constant 1 : i32
        %get3A_1380 = arith.index_cast %get3A_1379 : i32 to index
        %get3A_1381 = arith.index_cast %add3A_1365 : i32 to index
        %get3A_1382 = arith.constant 32 : index
        %get3A_1383 = tpu.vector_load %arg8[%get3A_1380, %get3A_1381, %get3A_1382] {strides = array<i32>} : memref<2x400x128xf32, #tpu.memory_space<vmem>>, vector<16xf32>,
        %mul3A_1384 = arith.mulf %get3A_1383, %get3A_276 : vector<16xf32>
        %add3A_1385 = arith.addf %add3A_1378, %mul3A_1384 : vector<16xf32>
        %get3A_1386 = arith.constant 1 : i32
        %get3A_1387 = arith.index_cast %get3A_1386 : i32 to index
        %get3A_1388 = arith.index_cast %add3A_1365 : i32 to index
        %get3A_1389 = arith.constant 48 : index
        %get3A_1390 = tpu.vector_load %arg8[%get3A_1387, %get3A_1388, %get3A_1389] {strides = array<i32>} : memref<2x400x128xf32, #tpu.memory_space<vmem>>, vector<16xf32>,
        %mul3A_1391 = arith.mulf %get3A_1390, %get3A_281 : vector<16xf32>
        %add3A_1392 = arith.addf %add3A_1385, %mul3A_1391 : vector<16xf32>
        %eq3A_1393 = arith.constant 11 : i32
        %eq3A_1394 = vector.broadcast %eq3A_1393 : i32 to vector<16xi32>
        %eq3A_1395 = arith.cmpi eq, %iota3A, %eq3A_1394 : vector<16xi32>
        %reduce_sum3A_1396 = arith.constant true
        %reduce_sum3A_1397 = vector.broadcast %reduce_sum3A_1396 : i1 to vector<16xi1>
        %reduce_sum3A_1398 = tpu.scan <sum>, %add3A_1392 masked %reduce_sum3A_1397 : vector<16xf32>, vector<16xi1> -> vector<16xf32>
        %reduce_sum3A_1399 = vector.extract %reduce_sum3A_1398[15] : f32 from vector<16xf32>
        %broadcast_in_dim3A_1400 = vector.broadcast %reduce_sum3A_1399 : f32 to vector<16xf32>
        %select_n3A_1401 = arith.select %eq3A_1395, %broadcast_in_dim3A_1400, %select_n3A_1361 : vector<16xi1>, vector<16xf32>
        %add3A_1402 = arith.constant 16 : i32
        %add3A_1403 = arith.addi %mul3A_260, %add3A_1402 : i32
        %add3A_1404 = arith.constant 12 : i32
        %add3A_1405 = arith.addi %add3A_1403, %add3A_1404 : i32
        %get3A_1406 = arith.constant 1 : i32
        %get3A_1407 = arith.index_cast %get3A_1406 : i32 to index
        %get3A_1408 = arith.index_cast %add3A_1405 : i32 to index
        %get3A_1409 = arith.constant 0 : index
        %get3A_1410 = tpu.vector_load %arg8[%get3A_1407, %get3A_1408, %get3A_1409] {strides = array<i32>} : memref<2x400x128xf32, #tpu.memory_space<vmem>>, vector<16xf32>,
        %mul3A_1411 = arith.mulf %get3A_1410, %get3A_266 : vector<16xf32>
        %get3A_1412 = arith.constant 1 : i32
        %get3A_1413 = arith.index_cast %get3A_1412 : i32 to index
        %get3A_1414 = arith.index_cast %add3A_1405 : i32 to index
        %get3A_1415 = arith.constant 16 : index
        %get3A_1416 = tpu.vector_load %arg8[%get3A_1413, %get3A_1414, %get3A_1415] {strides = array<i32>} : memref<2x400x128xf32, #tpu.memory_space<vmem>>, vector<16xf32>,
        %mul3A_1417 = arith.mulf %get3A_1416, %get3A_271 : vector<16xf32>
        %add3A_1418 = arith.addf %mul3A_1411, %mul3A_1417 : vector<16xf32>
        %get3A_1419 = arith.constant 1 : i32
        %get3A_1420 = arith.index_cast %get3A_1419 : i32 to index
        %get3A_1421 = arith.index_cast %add3A_1405 : i32 to index
        %get3A_1422 = arith.constant 32 : index
        %get3A_1423 = tpu.vector_load %arg8[%get3A_1420, %get3A_1421, %get3A_1422] {strides = array<i32>} : memref<2x400x128xf32, #tpu.memory_space<vmem>>, vector<16xf32>,
        %mul3A_1424 = arith.mulf %get3A_1423, %get3A_276 : vector<16xf32>
        %add3A_1425 = arith.addf %add3A_1418, %mul3A_1424 : vector<16xf32>
        %get3A_1426 = arith.constant 1 : i32
        %get3A_1427 = arith.index_cast %get3A_1426 : i32 to index
        %get3A_1428 = arith.index_cast %add3A_1405 : i32 to index
        %get3A_1429 = arith.constant 48 : index
        %get3A_1430 = tpu.vector_load %arg8[%get3A_1427, %get3A_1428, %get3A_1429] {strides = array<i32>} : memref<2x400x128xf32, #tpu.memory_space<vmem>>, vector<16xf32>,
        %mul3A_1431 = arith.mulf %get3A_1430, %get3A_281 : vector<16xf32>
        %add3A_1432 = arith.addf %add3A_1425, %mul3A_1431 : vector<16xf32>
        %eq3A_1433 = arith.constant 12 : i32
        %eq3A_1434 = vector.broadcast %eq3A_1433 : i32 to vector<16xi32>
        %eq3A_1435 = arith.cmpi eq, %iota3A, %eq3A_1434 : vector<16xi32>
        %reduce_sum3A_1436 = arith.constant true
        %reduce_sum3A_1437 = vector.broadcast %reduce_sum3A_1436 : i1 to vector<16xi1>
        %reduce_sum3A_1438 = tpu.scan <sum>, %add3A_1432 masked %reduce_sum3A_1437 : vector<16xf32>, vector<16xi1> -> vector<16xf32>
        %reduce_sum3A_1439 = vector.extract %reduce_sum3A_1438[15] : f32 from vector<16xf32>
        %broadcast_in_dim3A_1440 = vector.broadcast %reduce_sum3A_1439 : f32 to vector<16xf32>
        %select_n3A_1441 = arith.select %eq3A_1435, %broadcast_in_dim3A_1440, %select_n3A_1401 : vector<16xi1>, vector<16xf32>
        %add3A_1442 = arith.constant 16 : i32
        %add3A_1443 = arith.addi %mul3A_260, %add3A_1442 : i32
        %add3A_1444 = arith.constant 13 : i32
        %add3A_1445 = arith.addi %add3A_1443, %add3A_1444 : i32
        %get3A_1446 = arith.constant 1 : i32
        %get3A_1447 = arith.index_cast %get3A_1446 : i32 to index
        %get3A_1448 = arith.index_cast %add3A_1445 : i32 to index
        %get3A_1449 = arith.constant 0 : index
        %get3A_1450 = tpu.vector_load %arg8[%get3A_1447, %get3A_1448, %get3A_1449] {strides = array<i32>} : memref<2x400x128xf32, #tpu.memory_space<vmem>>, vector<16xf32>,
        %mul3A_1451 = arith.mulf %get3A_1450, %get3A_266 : vector<16xf32>
        %get3A_1452 = arith.constant 1 : i32
        %get3A_1453 = arith.index_cast %get3A_1452 : i32 to index
        %get3A_1454 = arith.index_cast %add3A_1445 : i32 to index
        %get3A_1455 = arith.constant 16 : index
        %get3A_1456 = tpu.vector_load %arg8[%get3A_1453, %get3A_1454, %get3A_1455] {strides = array<i32>} : memref<2x400x128xf32, #tpu.memory_space<vmem>>, vector<16xf32>,
        %mul3A_1457 = arith.mulf %get3A_1456, %get3A_271 : vector<16xf32>
        %add3A_1458 = arith.addf %mul3A_1451, %mul3A_1457 : vector<16xf32>
        %get3A_1459 = arith.constant 1 : i32
        %get3A_1460 = arith.index_cast %get3A_1459 : i32 to index
        %get3A_1461 = arith.index_cast %add3A_1445 : i32 to index
        %get3A_1462 = arith.constant 32 : index
        %get3A_1463 = tpu.vector_load %arg8[%get3A_1460, %get3A_1461, %get3A_1462] {strides = array<i32>} : memref<2x400x128xf32, #tpu.memory_space<vmem>>, vector<16xf32>,
        %mul3A_1464 = arith.mulf %get3A_1463, %get3A_276 : vector<16xf32>
        %add3A_1465 = arith.addf %add3A_1458, %mul3A_1464 : vector<16xf32>
        %get3A_1466 = arith.constant 1 : i32
        %get3A_1467 = arith.index_cast %get3A_1466 : i32 to index
        %get3A_1468 = arith.index_cast %add3A_1445 : i32 to index
        %get3A_1469 = arith.constant 48 : index
        %get3A_1470 = tpu.vector_load %arg8[%get3A_1467, %get3A_1468, %get3A_1469] {strides = array<i32>} : memref<2x400x128xf32, #tpu.memory_space<vmem>>, vector<16xf32>,
        %mul3A_1471 = arith.mulf %get3A_1470, %get3A_281 : vector<16xf32>
        %add3A_1472 = arith.addf %add3A_1465, %mul3A_1471 : vector<16xf32>
        %eq3A_1473 = arith.constant 13 : i32
        %eq3A_1474 = vector.broadcast %eq3A_1473 : i32 to vector<16xi32>
        %eq3A_1475 = arith.cmpi eq, %iota3A, %eq3A_1474 : vector<16xi32>
        %reduce_sum3A_1476 = arith.constant true
        %reduce_sum3A_1477 = vector.broadcast %reduce_sum3A_1476 : i1 to vector<16xi1>
        %reduce_sum3A_1478 = tpu.scan <sum>, %add3A_1472 masked %reduce_sum3A_1477 : vector<16xf32>, vector<16xi1> -> vector<16xf32>
        %reduce_sum3A_1479 = vector.extract %reduce_sum3A_1478[15] : f32 from vector<16xf32>
        %broadcast_in_dim3A_1480 = vector.broadcast %reduce_sum3A_1479 : f32 to vector<16xf32>
        %select_n3A_1481 = arith.select %eq3A_1475, %broadcast_in_dim3A_1480, %select_n3A_1441 : vector<16xi1>, vector<16xf32>
        %add3A_1482 = arith.constant 16 : i32
        %add3A_1483 = arith.addi %mul3A_260, %add3A_1482 : i32
        %add3A_1484 = arith.constant 14 : i32
        %add3A_1485 = arith.addi %add3A_1483, %add3A_1484 : i32
        %get3A_1486 = arith.constant 1 : i32
        %get3A_1487 = arith.index_cast %get3A_1486 : i32 to index
        %get3A_1488 = arith.index_cast %add3A_1485 : i32 to index
        %get3A_1489 = arith.constant 0 : index
        %get3A_1490 = tpu.vector_load %arg8[%get3A_1487, %get3A_1488, %get3A_1489] {strides = array<i32>} : memref<2x400x128xf32, #tpu.memory_space<vmem>>, vector<16xf32>,
        %mul3A_1491 = arith.mulf %get3A_1490, %get3A_266 : vector<16xf32>
        %get3A_1492 = arith.constant 1 : i32
        %get3A_1493 = arith.index_cast %get3A_1492 : i32 to index
        %get3A_1494 = arith.index_cast %add3A_1485 : i32 to index
        %get3A_1495 = arith.constant 16 : index
        %get3A_1496 = tpu.vector_load %arg8[%get3A_1493, %get3A_1494, %get3A_1495] {strides = array<i32>} : memref<2x400x128xf32, #tpu.memory_space<vmem>>, vector<16xf32>,
        %mul3A_1497 = arith.mulf %get3A_1496, %get3A_271 : vector<16xf32>
        %add3A_1498 = arith.addf %mul3A_1491, %mul3A_1497 : vector<16xf32>
        %get3A_1499 = arith.constant 1 : i32
        %get3A_1500 = arith.index_cast %get3A_1499 : i32 to index
        %get3A_1501 = arith.index_cast %add3A_1485 : i32 to index
        %get3A_1502 = arith.constant 32 : index
        %get3A_1503 = tpu.vector_load %arg8[%get3A_1500, %get3A_1501, %get3A_1502] {strides = array<i32>} : memref<2x400x128xf32, #tpu.memory_space<vmem>>, vector<16xf32>,
        %mul3A_1504 = arith.mulf %get3A_1503, %get3A_276 : vector<16xf32>
        %add3A_1505 = arith.addf %add3A_1498, %mul3A_1504 : vector<16xf32>
        %get3A_1506 = arith.constant 1 : i32
        %get3A_1507 = arith.index_cast %get3A_1506 : i32 to index
        %get3A_1508 = arith.index_cast %add3A_1485 : i32 to index
        %get3A_1509 = arith.constant 48 : index
        %get3A_1510 = tpu.vector_load %arg8[%get3A_1507, %get3A_1508, %get3A_1509] {strides = array<i32>} : memref<2x400x128xf32, #tpu.memory_space<vmem>>, vector<16xf32>,
        %mul3A_1511 = arith.mulf %get3A_1510, %get3A_281 : vector<16xf32>
        %add3A_1512 = arith.addf %add3A_1505, %mul3A_1511 : vector<16xf32>
        %eq3A_1513 = arith.constant 14 : i32
        %eq3A_1514 = vector.broadcast %eq3A_1513 : i32 to vector<16xi32>
        %eq3A_1515 = arith.cmpi eq, %iota3A, %eq3A_1514 : vector<16xi32>
        %reduce_sum3A_1516 = arith.constant true
        %reduce_sum3A_1517 = vector.broadcast %reduce_sum3A_1516 : i1 to vector<16xi1>
        %reduce_sum3A_1518 = tpu.scan <sum>, %add3A_1512 masked %reduce_sum3A_1517 : vector<16xf32>, vector<16xi1> -> vector<16xf32>
        %reduce_sum3A_1519 = vector.extract %reduce_sum3A_1518[15] : f32 from vector<16xf32>
        %broadcast_in_dim3A_1520 = vector.broadcast %reduce_sum3A_1519 : f32 to vector<16xf32>
        %select_n3A_1521 = arith.select %eq3A_1515, %broadcast_in_dim3A_1520, %select_n3A_1481 : vector<16xi1>, vector<16xf32>
        %add3A_1522 = arith.constant 16 : i32
        %add3A_1523 = arith.addi %mul3A_260, %add3A_1522 : i32
        %add3A_1524 = arith.constant 15 : i32
        %add3A_1525 = arith.addi %add3A_1523, %add3A_1524 : i32
        %get3A_1526 = arith.constant 1 : i32
        %get3A_1527 = arith.index_cast %get3A_1526 : i32 to index
        %get3A_1528 = arith.index_cast %add3A_1525 : i32 to index
        %get3A_1529 = arith.constant 0 : index
        %get3A_1530 = tpu.vector_load %arg8[%get3A_1527, %get3A_1528, %get3A_1529] {strides = array<i32>} : memref<2x400x128xf32, #tpu.memory_space<vmem>>, vector<16xf32>,
        %mul3A_1531 = arith.mulf %get3A_1530, %get3A_266 : vector<16xf32>
        %get3A_1532 = arith.constant 1 : i32
        %get3A_1533 = arith.index_cast %get3A_1532 : i32 to index
        %get3A_1534 = arith.index_cast %add3A_1525 : i32 to index
        %get3A_1535 = arith.constant 16 : index
        %get3A_1536 = tpu.vector_load %arg8[%get3A_1533, %get3A_1534, %get3A_1535] {strides = array<i32>} : memref<2x400x128xf32, #tpu.memory_space<vmem>>, vector<16xf32>,
        %mul3A_1537 = arith.mulf %get3A_1536, %get3A_271 : vector<16xf32>
        %add3A_1538 = arith.addf %mul3A_1531, %mul3A_1537 : vector<16xf32>
        %get3A_1539 = arith.constant 1 : i32
        %get3A_1540 = arith.index_cast %get3A_1539 : i32 to index
        %get3A_1541 = arith.index_cast %add3A_1525 : i32 to index
        %get3A_1542 = arith.constant 32 : index
        %get3A_1543 = tpu.vector_load %arg8[%get3A_1540, %get3A_1541, %get3A_1542] {strides = array<i32>} : memref<2x400x128xf32, #tpu.memory_space<vmem>>, vector<16xf32>,
        %mul3A_1544 = arith.mulf %get3A_1543, %get3A_276 : vector<16xf32>
        %add3A_1545 = arith.addf %add3A_1538, %mul3A_1544 : vector<16xf32>
        %get3A_1546 = arith.constant 1 : i32
        %get3A_1547 = arith.index_cast %get3A_1546 : i32 to index
        %get3A_1548 = arith.index_cast %add3A_1525 : i32 to index
        %get3A_1549 = arith.constant 48 : index
        %get3A_1550 = tpu.vector_load %arg8[%get3A_1547, %get3A_1548, %get3A_1549] {strides = array<i32>} : memref<2x400x128xf32, #tpu.memory_space<vmem>>, vector<16xf32>,
        %mul3A_1551 = arith.mulf %get3A_1550, %get3A_281 : vector<16xf32>
        %add3A_1552 = arith.addf %add3A_1545, %mul3A_1551 : vector<16xf32>
        %eq3A_1553 = arith.constant 15 : i32
        %eq3A_1554 = vector.broadcast %eq3A_1553 : i32 to vector<16xi32>
        %eq3A_1555 = arith.cmpi eq, %iota3A, %eq3A_1554 : vector<16xi32>
        %reduce_sum3A_1556 = arith.constant true
        %reduce_sum3A_1557 = vector.broadcast %reduce_sum3A_1556 : i1 to vector<16xi1>
        %reduce_sum3A_1558 = tpu.scan <sum>, %add3A_1552 masked %reduce_sum3A_1557 : vector<16xf32>, vector<16xi1> -> vector<16xf32>
        %reduce_sum3A_1559 = vector.extract %reduce_sum3A_1558[15] : f32 from vector<16xf32>
        %broadcast_in_dim3A_1560 = vector.broadcast %reduce_sum3A_1559 : f32 to vector<16xf32>
        %select_n3A_1561 = arith.select %eq3A_1555, %broadcast_in_dim3A_1560, %select_n3A_1521 : vector<16xi1>, vector<16xf32>
        %broadcast_in_dim3A_1562 = arith.constant 0.000000e+00 : f32
        %broadcast_in_dim3A_1563 = vector.broadcast %broadcast_in_dim3A_1562 : f32 to vector<16xf32>
        %add3A_1564 = arith.constant 32 : i32
        %add3A_1565 = arith.addi %mul3A_260, %add3A_1564 : i32
        %add3A_1566 = arith.constant 0 : i32
        %add3A_1567 = arith.addi %add3A_1565, %add3A_1566 : i32
        %get3A_1568 = arith.constant 1 : i32
        %get3A_1569 = arith.index_cast %get3A_1568 : i32 to index
        %get3A_1570 = arith.index_cast %add3A_1567 : i32 to index
        %get3A_1571 = arith.constant 0 : index
        %get3A_1572 = tpu.vector_load %arg8[%get3A_1569, %get3A_1570, %get3A_1571] {strides = array<i32>} : memref<2x400x128xf32, #tpu.memory_space<vmem>>, vector<16xf32>,
        %mul3A_1573 = arith.mulf %get3A_1572, %get3A_266 : vector<16xf32>
        %get3A_1574 = arith.constant 1 : i32
        %get3A_1575 = arith.index_cast %get3A_1574 : i32 to index
        %get3A_1576 = arith.index_cast %add3A_1567 : i32 to index
        %get3A_1577 = arith.constant 16 : index
        %get3A_1578 = tpu.vector_load %arg8[%get3A_1575, %get3A_1576, %get3A_1577] {strides = array<i32>} : memref<2x400x128xf32, #tpu.memory_space<vmem>>, vector<16xf32>,
        %mul3A_1579 = arith.mulf %get3A_1578, %get3A_271 : vector<16xf32>
        %add3A_1580 = arith.addf %mul3A_1573, %mul3A_1579 : vector<16xf32>
        %get3A_1581 = arith.constant 1 : i32
        %get3A_1582 = arith.index_cast %get3A_1581 : i32 to index
        %get3A_1583 = arith.index_cast %add3A_1567 : i32 to index
        %get3A_1584 = arith.constant 32 : index
        %get3A_1585 = tpu.vector_load %arg8[%get3A_1582, %get3A_1583, %get3A_1584] {strides = array<i32>} : memref<2x400x128xf32, #tpu.memory_space<vmem>>, vector<16xf32>,
        %mul3A_1586 = arith.mulf %get3A_1585, %get3A_276 : vector<16xf32>
        %add3A_1587 = arith.addf %add3A_1580, %mul3A_1586 : vector<16xf32>
        %get3A_1588 = arith.constant 1 : i32
        %get3A_1589 = arith.index_cast %get3A_1588 : i32 to index
        %get3A_1590 = arith.index_cast %add3A_1567 : i32 to index
        %get3A_1591 = arith.constant 48 : index
        %get3A_1592 = tpu.vector_load %arg8[%get3A_1589, %get3A_1590, %get3A_1591] {strides = array<i32>} : memref<2x400x128xf32, #tpu.memory_space<vmem>>, vector<16xf32>,
        %mul3A_1593 = arith.mulf %get3A_1592, %get3A_281 : vector<16xf32>
        %add3A_1594 = arith.addf %add3A_1587, %mul3A_1593 : vector<16xf32>
        %eq3A_1595 = arith.constant 0 : i32
        %eq3A_1596 = vector.broadcast %eq3A_1595 : i32 to vector<16xi32>
        %eq3A_1597 = arith.cmpi eq, %iota3A, %eq3A_1596 : vector<16xi32>
        %reduce_sum3A_1598 = arith.constant true
        %reduce_sum3A_1599 = vector.broadcast %reduce_sum3A_1598 : i1 to vector<16xi1>
        %reduce_sum3A_1600 = tpu.scan <sum>, %add3A_1594 masked %reduce_sum3A_1599 : vector<16xf32>, vector<16xi1> -> vector<16xf32>
        %reduce_sum3A_1601 = vector.extract %reduce_sum3A_1600[15] : f32 from vector<16xf32>
        %broadcast_in_dim3A_1602 = vector.broadcast %reduce_sum3A_1601 : f32 to vector<16xf32>
        %select_n3A_1603 = arith.select %eq3A_1597, %broadcast_in_dim3A_1602, %broadcast_in_dim3A_1563 : vector<16xi1>, vector<16xf32>
        %add3A_1604 = arith.constant 32 : i32
        %add3A_1605 = arith.addi %mul3A_260, %add3A_1604 : i32
        %add3A_1606 = arith.constant 1 : i32
        %add3A_1607 = arith.addi %add3A_1605, %add3A_1606 : i32
        %get3A_1608 = arith.constant 1 : i32
        %get3A_1609 = arith.index_cast %get3A_1608 : i32 to index
        %get3A_1610 = arith.index_cast %add3A_1607 : i32 to index
        %get3A_1611 = arith.constant 0 : index
        %get3A_1612 = tpu.vector_load %arg8[%get3A_1609, %get3A_1610, %get3A_1611] {strides = array<i32>} : memref<2x400x128xf32, #tpu.memory_space<vmem>>, vector<16xf32>,
        %mul3A_1613 = arith.mulf %get3A_1612, %get3A_266 : vector<16xf32>
        %get3A_1614 = arith.constant 1 : i32
        %get3A_1615 = arith.index_cast %get3A_1614 : i32 to index
        %get3A_1616 = arith.index_cast %add3A_1607 : i32 to index
        %get3A_1617 = arith.constant 16 : index
        %get3A_1618 = tpu.vector_load %arg8[%get3A_1615, %get3A_1616, %get3A_1617] {strides = array<i32>} : memref<2x400x128xf32, #tpu.memory_space<vmem>>, vector<16xf32>,
        %mul3A_1619 = arith.mulf %get3A_1618, %get3A_271 : vector<16xf32>
        %add3A_1620 = arith.addf %mul3A_1613, %mul3A_1619 : vector<16xf32>
        %get3A_1621 = arith.constant 1 : i32
        %get3A_1622 = arith.index_cast %get3A_1621 : i32 to index
        %get3A_1623 = arith.index_cast %add3A_1607 : i32 to index
        %get3A_1624 = arith.constant 32 : index
        %get3A_1625 = tpu.vector_load %arg8[%get3A_1622, %get3A_1623, %get3A_1624] {strides = array<i32>} : memref<2x400x128xf32, #tpu.memory_space<vmem>>, vector<16xf32>,
        %mul3A_1626 = arith.mulf %get3A_1625, %get3A_276 : vector<16xf32>
        %add3A_1627 = arith.addf %add3A_1620, %mul3A_1626 : vector<16xf32>
        %get3A_1628 = arith.constant 1 : i32
        %get3A_1629 = arith.index_cast %get3A_1628 : i32 to index
        %get3A_1630 = arith.index_cast %add3A_1607 : i32 to index
        %get3A_1631 = arith.constant 48 : index
        %get3A_1632 = tpu.vector_load %arg8[%get3A_1629, %get3A_1630, %get3A_1631] {strides = array<i32>} : memref<2x400x128xf32, #tpu.memory_space<vmem>>, vector<16xf32>,
        %mul3A_1633 = arith.mulf %get3A_1632, %get3A_281 : vector<16xf32>
        %add3A_1634 = arith.addf %add3A_1627, %mul3A_1633 : vector<16xf32>
        %eq3A_1635 = arith.constant 1 : i32
        %eq3A_1636 = vector.broadcast %eq3A_1635 : i32 to vector<16xi32>
        %eq3A_1637 = arith.cmpi eq, %iota3A, %eq3A_1636 : vector<16xi32>
        %reduce_sum3A_1638 = arith.constant true
        %reduce_sum3A_1639 = vector.broadcast %reduce_sum3A_1638 : i1 to vector<16xi1>
        %reduce_sum3A_1640 = tpu.scan <sum>, %add3A_1634 masked %reduce_sum3A_1639 : vector<16xf32>, vector<16xi1> -> vector<16xf32>
        %reduce_sum3A_1641 = vector.extract %reduce_sum3A_1640[15] : f32 from vector<16xf32>
        %broadcast_in_dim3A_1642 = vector.broadcast %reduce_sum3A_1641 : f32 to vector<16xf32>
        %select_n3A_1643 = arith.select %eq3A_1637, %broadcast_in_dim3A_1642, %select_n3A_1603 : vector<16xi1>, vector<16xf32>
        %add3A_1644 = arith.constant 32 : i32
        %add3A_1645 = arith.addi %mul3A_260, %add3A_1644 : i32
        %add3A_1646 = arith.constant 2 : i32
        %add3A_1647 = arith.addi %add3A_1645, %add3A_1646 : i32
        %get3A_1648 = arith.constant 1 : i32
        %get3A_1649 = arith.index_cast %get3A_1648 : i32 to index
        %get3A_1650 = arith.index_cast %add3A_1647 : i32 to index
        %get3A_1651 = arith.constant 0 : index
        %get3A_1652 = tpu.vector_load %arg8[%get3A_1649, %get3A_1650, %get3A_1651] {strides = array<i32>} : memref<2x400x128xf32, #tpu.memory_space<vmem>>, vector<16xf32>,
        %mul3A_1653 = arith.mulf %get3A_1652, %get3A_266 : vector<16xf32>
        %get3A_1654 = arith.constant 1 : i32
        %get3A_1655 = arith.index_cast %get3A_1654 : i32 to index
        %get3A_1656 = arith.index_cast %add3A_1647 : i32 to index
        %get3A_1657 = arith.constant 16 : index
        %get3A_1658 = tpu.vector_load %arg8[%get3A_1655, %get3A_1656, %get3A_1657] {strides = array<i32>} : memref<2x400x128xf32, #tpu.memory_space<vmem>>, vector<16xf32>,
        %mul3A_1659 = arith.mulf %get3A_1658, %get3A_271 : vector<16xf32>
        %add3A_1660 = arith.addf %mul3A_1653, %mul3A_1659 : vector<16xf32>
        %get3A_1661 = arith.constant 1 : i32
        %get3A_1662 = arith.index_cast %get3A_1661 : i32 to index
        %get3A_1663 = arith.index_cast %add3A_1647 : i32 to index
        %get3A_1664 = arith.constant 32 : index
        %get3A_1665 = tpu.vector_load %arg8[%get3A_1662, %get3A_1663, %get3A_1664] {strides = array<i32>} : memref<2x400x128xf32, #tpu.memory_space<vmem>>, vector<16xf32>,
        %mul3A_1666 = arith.mulf %get3A_1665, %get3A_276 : vector<16xf32>
        %add3A_1667 = arith.addf %add3A_1660, %mul3A_1666 : vector<16xf32>
        %get3A_1668 = arith.constant 1 : i32
        %get3A_1669 = arith.index_cast %get3A_1668 : i32 to index
        %get3A_1670 = arith.index_cast %add3A_1647 : i32 to index
        %get3A_1671 = arith.constant 48 : index
        %get3A_1672 = tpu.vector_load %arg8[%get3A_1669, %get3A_1670, %get3A_1671] {strides = array<i32>} : memref<2x400x128xf32, #tpu.memory_space<vmem>>, vector<16xf32>,
        %mul3A_1673 = arith.mulf %get3A_1672, %get3A_281 : vector<16xf32>
        %add3A_1674 = arith.addf %add3A_1667, %mul3A_1673 : vector<16xf32>
        %eq3A_1675 = arith.constant 2 : i32
        %eq3A_1676 = vector.broadcast %eq3A_1675 : i32 to vector<16xi32>
        %eq3A_1677 = arith.cmpi eq, %iota3A, %eq3A_1676 : vector<16xi32>
        %reduce_sum3A_1678 = arith.constant true
        %reduce_sum3A_1679 = vector.broadcast %reduce_sum3A_1678 : i1 to vector<16xi1>
        %reduce_sum3A_1680 = tpu.scan <sum>, %add3A_1674 masked %reduce_sum3A_1679 : vector<16xf32>, vector<16xi1> -> vector<16xf32>
        %reduce_sum3A_1681 = vector.extract %reduce_sum3A_1680[15] : f32 from vector<16xf32>
        %broadcast_in_dim3A_1682 = vector.broadcast %reduce_sum3A_1681 : f32 to vector<16xf32>
        %select_n3A_1683 = arith.select %eq3A_1677, %broadcast_in_dim3A_1682, %select_n3A_1643 : vector<16xi1>, vector<16xf32>
        %add3A_1684 = arith.constant 32 : i32
        %add3A_1685 = arith.addi %mul3A_260, %add3A_1684 : i32
        %add3A_1686 = arith.constant 3 : i32
        %add3A_1687 = arith.addi %add3A_1685, %add3A_1686 : i32
        %get3A_1688 = arith.constant 1 : i32
        %get3A_1689 = arith.index_cast %get3A_1688 : i32 to index
        %get3A_1690 = arith.index_cast %add3A_1687 : i32 to index
        %get3A_1691 = arith.constant 0 : index
        %get3A_1692 = tpu.vector_load %arg8[%get3A_1689, %get3A_1690, %get3A_1691] {strides = array<i32>} : memref<2x400x128xf32, #tpu.memory_space<vmem>>, vector<16xf32>,
        %mul3A_1693 = arith.mulf %get3A_1692, %get3A_266 : vector<16xf32>
        %get3A_1694 = arith.constant 1 : i32
        %get3A_1695 = arith.index_cast %get3A_1694 : i32 to index
        %get3A_1696 = arith.index_cast %add3A_1687 : i32 to index
        %get3A_1697 = arith.constant 16 : index
        %get3A_1698 = tpu.vector_load %arg8[%get3A_1695, %get3A_1696, %get3A_1697] {strides = array<i32>} : memref<2x400x128xf32, #tpu.memory_space<vmem>>, vector<16xf32>,
        %mul3A_1699 = arith.mulf %get3A_1698, %get3A_271 : vector<16xf32>
        %add3A_1700 = arith.addf %mul3A_1693, %mul3A_1699 : vector<16xf32>
        %get3A_1701 = arith.constant 1 : i32
        %get3A_1702 = arith.index_cast %get3A_1701 : i32 to index
        %get3A_1703 = arith.index_cast %add3A_1687 : i32 to index
        %get3A_1704 = arith.constant 32 : index
        %get3A_1705 = tpu.vector_load %arg8[%get3A_1702, %get3A_1703, %get3A_1704] {strides = array<i32>} : memref<2x400x128xf32, #tpu.memory_space<vmem>>, vector<16xf32>,
        %mul3A_1706 = arith.mulf %get3A_1705, %get3A_276 : vector<16xf32>
        %add3A_1707 = arith.addf %add3A_1700, %mul3A_1706 : vector<16xf32>
        %get3A_1708 = arith.constant 1 : i32
        %get3A_1709 = arith.index_cast %get3A_1708 : i32 to index
        %get3A_1710 = arith.index_cast %add3A_1687 : i32 to index
        %get3A_1711 = arith.constant 48 : index
        %get3A_1712 = tpu.vector_load %arg8[%get3A_1709, %get3A_1710, %get3A_1711] {strides = array<i32>} : memref<2x400x128xf32, #tpu.memory_space<vmem>>, vector<16xf32>,
        %mul3A_1713 = arith.mulf %get3A_1712, %get3A_281 : vector<16xf32>
        %add3A_1714 = arith.addf %add3A_1707, %mul3A_1713 : vector<16xf32>
        %eq3A_1715 = arith.constant 3 : i32
        %eq3A_1716 = vector.broadcast %eq3A_1715 : i32 to vector<16xi32>
        %eq3A_1717 = arith.cmpi eq, %iota3A, %eq3A_1716 : vector<16xi32>
        %reduce_sum3A_1718 = arith.constant true
        %reduce_sum3A_1719 = vector.broadcast %reduce_sum3A_1718 : i1 to vector<16xi1>
        %reduce_sum3A_1720 = tpu.scan <sum>, %add3A_1714 masked %reduce_sum3A_1719 : vector<16xf32>, vector<16xi1> -> vector<16xf32>
        %reduce_sum3A_1721 = vector.extract %reduce_sum3A_1720[15] : f32 from vector<16xf32>
        %broadcast_in_dim3A_1722 = vector.broadcast %reduce_sum3A_1721 : f32 to vector<16xf32>
        %select_n3A_1723 = arith.select %eq3A_1717, %broadcast_in_dim3A_1722, %select_n3A_1683 : vector<16xi1>, vector<16xf32>
        %add3A_1724 = arith.constant 32 : i32
        %add3A_1725 = arith.addi %mul3A_260, %add3A_1724 : i32
        %add3A_1726 = arith.constant 4 : i32
        %add3A_1727 = arith.addi %add3A_1725, %add3A_1726 : i32
        %get3A_1728 = arith.constant 1 : i32
        %get3A_1729 = arith.index_cast %get3A_1728 : i32 to index
        %get3A_1730 = arith.index_cast %add3A_1727 : i32 to index
        %get3A_1731 = arith.constant 0 : index
        %get3A_1732 = tpu.vector_load %arg8[%get3A_1729, %get3A_1730, %get3A_1731] {strides = array<i32>} : memref<2x400x128xf32, #tpu.memory_space<vmem>>, vector<16xf32>,
        %mul3A_1733 = arith.mulf %get3A_1732, %get3A_266 : vector<16xf32>
        %get3A_1734 = arith.constant 1 : i32
        %get3A_1735 = arith.index_cast %get3A_1734 : i32 to index
        %get3A_1736 = arith.index_cast %add3A_1727 : i32 to index
        %get3A_1737 = arith.constant 16 : index
        %get3A_1738 = tpu.vector_load %arg8[%get3A_1735, %get3A_1736, %get3A_1737] {strides = array<i32>} : memref<2x400x128xf32, #tpu.memory_space<vmem>>, vector<16xf32>,
        %mul3A_1739 = arith.mulf %get3A_1738, %get3A_271 : vector<16xf32>
        %add3A_1740 = arith.addf %mul3A_1733, %mul3A_1739 : vector<16xf32>
        %get3A_1741 = arith.constant 1 : i32
        %get3A_1742 = arith.index_cast %get3A_1741 : i32 to index
        %get3A_1743 = arith.index_cast %add3A_1727 : i32 to index
        %get3A_1744 = arith.constant 32 : index
        %get3A_1745 = tpu.vector_load %arg8[%get3A_1742, %get3A_1743, %get3A_1744] {strides = array<i32>} : memref<2x400x128xf32, #tpu.memory_space<vmem>>, vector<16xf32>,
        %mul3A_1746 = arith.mulf %get3A_1745, %get3A_276 : vector<16xf32>
        %add3A_1747 = arith.addf %add3A_1740, %mul3A_1746 : vector<16xf32>
        %get3A_1748 = arith.constant 1 : i32
        %get3A_1749 = arith.index_cast %get3A_1748 : i32 to index
        %get3A_1750 = arith.index_cast %add3A_1727 : i32 to index
        %get3A_1751 = arith.constant 48 : index
        %get3A_1752 = tpu.vector_load %arg8[%get3A_1749, %get3A_1750, %get3A_1751] {strides = array<i32>} : memref<2x400x128xf32, #tpu.memory_space<vmem>>, vector<16xf32>,
        %mul3A_1753 = arith.mulf %get3A_1752, %get3A_281 : vector<16xf32>
        %add3A_1754 = arith.addf %add3A_1747, %mul3A_1753 : vector<16xf32>
        %eq3A_1755 = arith.constant 4 : i32
        %eq3A_1756 = vector.broadcast %eq3A_1755 : i32 to vector<16xi32>
        %eq3A_1757 = arith.cmpi eq, %iota3A, %eq3A_1756 : vector<16xi32>
        %reduce_sum3A_1758 = arith.constant true
        %reduce_sum3A_1759 = vector.broadcast %reduce_sum3A_1758 : i1 to vector<16xi1>
        %reduce_sum3A_1760 = tpu.scan <sum>, %add3A_1754 masked %reduce_sum3A_1759 : vector<16xf32>, vector<16xi1> -> vector<16xf32>
        %reduce_sum3A_1761 = vector.extract %reduce_sum3A_1760[15] : f32 from vector<16xf32>
        %broadcast_in_dim3A_1762 = vector.broadcast %reduce_sum3A_1761 : f32 to vector<16xf32>
        %select_n3A_1763 = arith.select %eq3A_1757, %broadcast_in_dim3A_1762, %select_n3A_1723 : vector<16xi1>, vector<16xf32>
        %add3A_1764 = arith.constant 32 : i32
        %add3A_1765 = arith.addi %mul3A_260, %add3A_1764 : i32
        %add3A_1766 = arith.constant 5 : i32
        %add3A_1767 = arith.addi %add3A_1765, %add3A_1766 : i32
        %get3A_1768 = arith.constant 1 : i32
        %get3A_1769 = arith.index_cast %get3A_1768 : i32 to index
        %get3A_1770 = arith.index_cast %add3A_1767 : i32 to index
        %get3A_1771 = arith.constant 0 : index
        %get3A_1772 = tpu.vector_load %arg8[%get3A_1769, %get3A_1770, %get3A_1771] {strides = array<i32>} : memref<2x400x128xf32, #tpu.memory_space<vmem>>, vector<16xf32>,
        %mul3A_1773 = arith.mulf %get3A_1772, %get3A_266 : vector<16xf32>
        %get3A_1774 = arith.constant 1 : i32
        %get3A_1775 = arith.index_cast %get3A_1774 : i32 to index
        %get3A_1776 = arith.index_cast %add3A_1767 : i32 to index
        %get3A_1777 = arith.constant 16 : index
        %get3A_1778 = tpu.vector_load %arg8[%get3A_1775, %get3A_1776, %get3A_1777] {strides = array<i32>} : memref<2x400x128xf32, #tpu.memory_space<vmem>>, vector<16xf32>,
        %mul3A_1779 = arith.mulf %get3A_1778, %get3A_271 : vector<16xf32>
        %add3A_1780 = arith.addf %mul3A_1773, %mul3A_1779 : vector<16xf32>
        %get3A_1781 = arith.constant 1 : i32
        %get3A_1782 = arith.index_cast %get3A_1781 : i32 to index
        %get3A_1783 = arith.index_cast %add3A_1767 : i32 to index
        %get3A_1784 = arith.constant 32 : index
        %get3A_1785 = tpu.vector_load %arg8[%get3A_1782, %get3A_1783, %get3A_1784] {strides = array<i32>} : memref<2x400x128xf32, #tpu.memory_space<vmem>>, vector<16xf32>,
        %mul3A_1786 = arith.mulf %get3A_1785, %get3A_276 : vector<16xf32>
        %add3A_1787 = arith.addf %add3A_1780, %mul3A_1786 : vector<16xf32>
        %get3A_1788 = arith.constant 1 : i32
        %get3A_1789 = arith.index_cast %get3A_1788 : i32 to index
        %get3A_1790 = arith.index_cast %add3A_1767 : i32 to index
        %get3A_1791 = arith.constant 48 : index
        %get3A_1792 = tpu.vector_load %arg8[%get3A_1789, %get3A_1790, %get3A_1791] {strides = array<i32>} : memref<2x400x128xf32, #tpu.memory_space<vmem>>, vector<16xf32>,
        %mul3A_1793 = arith.mulf %get3A_1792, %get3A_281 : vector<16xf32>
        %add3A_1794 = arith.addf %add3A_1787, %mul3A_1793 : vector<16xf32>
        %eq3A_1795 = arith.constant 5 : i32
        %eq3A_1796 = vector.broadcast %eq3A_1795 : i32 to vector<16xi32>
        %eq3A_1797 = arith.cmpi eq, %iota3A, %eq3A_1796 : vector<16xi32>
        %reduce_sum3A_1798 = arith.constant true
        %reduce_sum3A_1799 = vector.broadcast %reduce_sum3A_1798 : i1 to vector<16xi1>
        %reduce_sum3A_1800 = tpu.scan <sum>, %add3A_1794 masked %reduce_sum3A_1799 : vector<16xf32>, vector<16xi1> -> vector<16xf32>
        %reduce_sum3A_1801 = vector.extract %reduce_sum3A_1800[15] : f32 from vector<16xf32>
        %broadcast_in_dim3A_1802 = vector.broadcast %reduce_sum3A_1801 : f32 to vector<16xf32>
        %select_n3A_1803 = arith.select %eq3A_1797, %broadcast_in_dim3A_1802, %select_n3A_1763 : vector<16xi1>, vector<16xf32>
        %add3A_1804 = arith.constant 32 : i32
        %add3A_1805 = arith.addi %mul3A_260, %add3A_1804 : i32
        %add3A_1806 = arith.constant 6 : i32
        %add3A_1807 = arith.addi %add3A_1805, %add3A_1806 : i32
        %get3A_1808 = arith.constant 1 : i32
        %get3A_1809 = arith.index_cast %get3A_1808 : i32 to index
        %get3A_1810 = arith.index_cast %add3A_1807 : i32 to index
        %get3A_1811 = arith.constant 0 : index
        %get3A_1812 = tpu.vector_load %arg8[%get3A_1809, %get3A_1810, %get3A_1811] {strides = array<i32>} : memref<2x400x128xf32, #tpu.memory_space<vmem>>, vector<16xf32>,
        %mul3A_1813 = arith.mulf %get3A_1812, %get3A_266 : vector<16xf32>
        %get3A_1814 = arith.constant 1 : i32
        %get3A_1815 = arith.index_cast %get3A_1814 : i32 to index
        %get3A_1816 = arith.index_cast %add3A_1807 : i32 to index
        %get3A_1817 = arith.constant 16 : index
        %get3A_1818 = tpu.vector_load %arg8[%get3A_1815, %get3A_1816, %get3A_1817] {strides = array<i32>} : memref<2x400x128xf32, #tpu.memory_space<vmem>>, vector<16xf32>,
        %mul3A_1819 = arith.mulf %get3A_1818, %get3A_271 : vector<16xf32>
        %add3A_1820 = arith.addf %mul3A_1813, %mul3A_1819 : vector<16xf32>
        %get3A_1821 = arith.constant 1 : i32
        %get3A_1822 = arith.index_cast %get3A_1821 : i32 to index
        %get3A_1823 = arith.index_cast %add3A_1807 : i32 to index
        %get3A_1824 = arith.constant 32 : index
        %get3A_1825 = tpu.vector_load %arg8[%get3A_1822, %get3A_1823, %get3A_1824] {strides = array<i32>} : memref<2x400x128xf32, #tpu.memory_space<vmem>>, vector<16xf32>,
        %mul3A_1826 = arith.mulf %get3A_1825, %get3A_276 : vector<16xf32>
        %add3A_1827 = arith.addf %add3A_1820, %mul3A_1826 : vector<16xf32>
        %get3A_1828 = arith.constant 1 : i32
        %get3A_1829 = arith.index_cast %get3A_1828 : i32 to index
        %get3A_1830 = arith.index_cast %add3A_1807 : i32 to index
        %get3A_1831 = arith.constant 48 : index
        %get3A_1832 = tpu.vector_load %arg8[%get3A_1829, %get3A_1830, %get3A_1831] {strides = array<i32>} : memref<2x400x128xf32, #tpu.memory_space<vmem>>, vector<16xf32>,
        %mul3A_1833 = arith.mulf %get3A_1832, %get3A_281 : vector<16xf32>
        %add3A_1834 = arith.addf %add3A_1827, %mul3A_1833 : vector<16xf32>
        %eq3A_1835 = arith.constant 6 : i32
        %eq3A_1836 = vector.broadcast %eq3A_1835 : i32 to vector<16xi32>
        %eq3A_1837 = arith.cmpi eq, %iota3A, %eq3A_1836 : vector<16xi32>
        %reduce_sum3A_1838 = arith.constant true
        %reduce_sum3A_1839 = vector.broadcast %reduce_sum3A_1838 : i1 to vector<16xi1>
        %reduce_sum3A_1840 = tpu.scan <sum>, %add3A_1834 masked %reduce_sum3A_1839 : vector<16xf32>, vector<16xi1> -> vector<16xf32>
        %reduce_sum3A_1841 = vector.extract %reduce_sum3A_1840[15] : f32 from vector<16xf32>
        %broadcast_in_dim3A_1842 = vector.broadcast %reduce_sum3A_1841 : f32 to vector<16xf32>
        %select_n3A_1843 = arith.select %eq3A_1837, %broadcast_in_dim3A_1842, %select_n3A_1803 : vector<16xi1>, vector<16xf32>
        %add3A_1844 = arith.constant 32 : i32
        %add3A_1845 = arith.addi %mul3A_260, %add3A_1844 : i32
        %add3A_1846 = arith.constant 7 : i32
        %add3A_1847 = arith.addi %add3A_1845, %add3A_1846 : i32
        %get3A_1848 = arith.constant 1 : i32
        %get3A_1849 = arith.index_cast %get3A_1848 : i32 to index
        %get3A_1850 = arith.index_cast %add3A_1847 : i32 to index
        %get3A_1851 = arith.constant 0 : index
        %get3A_1852 = tpu.vector_load %arg8[%get3A_1849, %get3A_1850, %get3A_1851] {strides = array<i32>} : memref<2x400x128xf32, #tpu.memory_space<vmem>>, vector<16xf32>,
        %mul3A_1853 = arith.mulf %get3A_1852, %get3A_266 : vector<16xf32>
        %get3A_1854 = arith.constant 1 : i32
        %get3A_1855 = arith.index_cast %get3A_1854 : i32 to index
        %get3A_1856 = arith.index_cast %add3A_1847 : i32 to index
        %get3A_1857 = arith.constant 16 : index
        %get3A_1858 = tpu.vector_load %arg8[%get3A_1855, %get3A_1856, %get3A_1857] {strides = array<i32>} : memref<2x400x128xf32, #tpu.memory_space<vmem>>, vector<16xf32>,
        %mul3A_1859 = arith.mulf %get3A_1858, %get3A_271 : vector<16xf32>
        %add3A_1860 = arith.addf %mul3A_1853, %mul3A_1859 : vector<16xf32>
        %get3A_1861 = arith.constant 1 : i32
        %get3A_1862 = arith.index_cast %get3A_1861 : i32 to index
        %get3A_1863 = arith.index_cast %add3A_1847 : i32 to index
        %get3A_1864 = arith.constant 32 : index
        %get3A_1865 = tpu.vector_load %arg8[%get3A_1862, %get3A_1863, %get3A_1864] {strides = array<i32>} : memref<2x400x128xf32, #tpu.memory_space<vmem>>, vector<16xf32>,
        %mul3A_1866 = arith.mulf %get3A_1865, %get3A_276 : vector<16xf32>
        %add3A_1867 = arith.addf %add3A_1860, %mul3A_1866 : vector<16xf32>
        %get3A_1868 = arith.constant 1 : i32
        %get3A_1869 = arith.index_cast %get3A_1868 : i32 to index
        %get3A_1870 = arith.index_cast %add3A_1847 : i32 to index
        %get3A_1871 = arith.constant 48 : index
        %get3A_1872 = tpu.vector_load %arg8[%get3A_1869, %get3A_1870, %get3A_1871] {strides = array<i32>} : memref<2x400x128xf32, #tpu.memory_space<vmem>>, vector<16xf32>,
        %mul3A_1873 = arith.mulf %get3A_1872, %get3A_281 : vector<16xf32>
        %add3A_1874 = arith.addf %add3A_1867, %mul3A_1873 : vector<16xf32>
        %eq3A_1875 = arith.constant 7 : i32
        %eq3A_1876 = vector.broadcast %eq3A_1875 : i32 to vector<16xi32>
        %eq3A_1877 = arith.cmpi eq, %iota3A, %eq3A_1876 : vector<16xi32>
        %reduce_sum3A_1878 = arith.constant true
        %reduce_sum3A_1879 = vector.broadcast %reduce_sum3A_1878 : i1 to vector<16xi1>
        %reduce_sum3A_1880 = tpu.scan <sum>, %add3A_1874 masked %reduce_sum3A_1879 : vector<16xf32>, vector<16xi1> -> vector<16xf32>
        %reduce_sum3A_1881 = vector.extract %reduce_sum3A_1880[15] : f32 from vector<16xf32>
        %broadcast_in_dim3A_1882 = vector.broadcast %reduce_sum3A_1881 : f32 to vector<16xf32>
        %select_n3A_1883 = arith.select %eq3A_1877, %broadcast_in_dim3A_1882, %select_n3A_1843 : vector<16xi1>, vector<16xf32>
        %add3A_1884 = arith.constant 32 : i32
        %add3A_1885 = arith.addi %mul3A_260, %add3A_1884 : i32
        %add3A_1886 = arith.constant 8 : i32
        %add3A_1887 = arith.addi %add3A_1885, %add3A_1886 : i32
        %get3A_1888 = arith.constant 1 : i32
        %get3A_1889 = arith.index_cast %get3A_1888 : i32 to index
        %get3A_1890 = arith.index_cast %add3A_1887 : i32 to index
        %get3A_1891 = arith.constant 0 : index
        %get3A_1892 = tpu.vector_load %arg8[%get3A_1889, %get3A_1890, %get3A_1891] {strides = array<i32>} : memref<2x400x128xf32, #tpu.memory_space<vmem>>, vector<16xf32>,
        %mul3A_1893 = arith.mulf %get3A_1892, %get3A_266 : vector<16xf32>
        %get3A_1894 = arith.constant 1 : i32
        %get3A_1895 = arith.index_cast %get3A_1894 : i32 to index
        %get3A_1896 = arith.index_cast %add3A_1887 : i32 to index
        %get3A_1897 = arith.constant 16 : index
        %get3A_1898 = tpu.vector_load %arg8[%get3A_1895, %get3A_1896, %get3A_1897] {strides = array<i32>} : memref<2x400x128xf32, #tpu.memory_space<vmem>>, vector<16xf32>,
        %mul3A_1899 = arith.mulf %get3A_1898, %get3A_271 : vector<16xf32>
        %add3A_1900 = arith.addf %mul3A_1893, %mul3A_1899 : vector<16xf32>
        %get3A_1901 = arith.constant 1 : i32
        %get3A_1902 = arith.index_cast %get3A_1901 : i32 to index
        %get3A_1903 = arith.index_cast %add3A_1887 : i32 to index
        %get3A_1904 = arith.constant 32 : index
        %get3A_1905 = tpu.vector_load %arg8[%get3A_1902, %get3A_1903, %get3A_1904] {strides = array<i32>} : memref<2x400x128xf32, #tpu.memory_space<vmem>>, vector<16xf32>,
        %mul3A_1906 = arith.mulf %get3A_1905, %get3A_276 : vector<16xf32>
        %add3A_1907 = arith.addf %add3A_1900, %mul3A_1906 : vector<16xf32>
        %get3A_1908 = arith.constant 1 : i32
        %get3A_1909 = arith.index_cast %get3A_1908 : i32 to index
        %get3A_1910 = arith.index_cast %add3A_1887 : i32 to index
        %get3A_1911 = arith.constant 48 : index
        %get3A_1912 = tpu.vector_load %arg8[%get3A_1909, %get3A_1910, %get3A_1911] {strides = array<i32>} : memref<2x400x128xf32, #tpu.memory_space<vmem>>, vector<16xf32>,
        %mul3A_1913 = arith.mulf %get3A_1912, %get3A_281 : vector<16xf32>
        %add3A_1914 = arith.addf %add3A_1907, %mul3A_1913 : vector<16xf32>
        %eq3A_1915 = arith.constant 8 : i32
        %eq3A_1916 = vector.broadcast %eq3A_1915 : i32 to vector<16xi32>
        %eq3A_1917 = arith.cmpi eq, %iota3A, %eq3A_1916 : vector<16xi32>
        %reduce_sum3A_1918 = arith.constant true
        %reduce_sum3A_1919 = vector.broadcast %reduce_sum3A_1918 : i1 to vector<16xi1>
        %reduce_sum3A_1920 = tpu.scan <sum>, %add3A_1914 masked %reduce_sum3A_1919 : vector<16xf32>, vector<16xi1> -> vector<16xf32>
        %reduce_sum3A_1921 = vector.extract %reduce_sum3A_1920[15] : f32 from vector<16xf32>
        %broadcast_in_dim3A_1922 = vector.broadcast %reduce_sum3A_1921 : f32 to vector<16xf32>
        %select_n3A_1923 = arith.select %eq3A_1917, %broadcast_in_dim3A_1922, %select_n3A_1883 : vector<16xi1>, vector<16xf32>
        %add3A_1924 = arith.constant 32 : i32
        %add3A_1925 = arith.addi %mul3A_260, %add3A_1924 : i32
        %add3A_1926 = arith.constant 9 : i32
        %add3A_1927 = arith.addi %add3A_1925, %add3A_1926 : i32
        %get3A_1928 = arith.constant 1 : i32
        %get3A_1929 = arith.index_cast %get3A_1928 : i32 to index
        %get3A_1930 = arith.index_cast %add3A_1927 : i32 to index
        %get3A_1931 = arith.constant 0 : index
        %get3A_1932 = tpu.vector_load %arg8[%get3A_1929, %get3A_1930, %get3A_1931] {strides = array<i32>} : memref<2x400x128xf32, #tpu.memory_space<vmem>>, vector<16xf32>,
        %mul3A_1933 = arith.mulf %get3A_1932, %get3A_266 : vector<16xf32>
        %get3A_1934 = arith.constant 1 : i32
        %get3A_1935 = arith.index_cast %get3A_1934 : i32 to index
        %get3A_1936 = arith.index_cast %add3A_1927 : i32 to index
        %get3A_1937 = arith.constant 16 : index
        %get3A_1938 = tpu.vector_load %arg8[%get3A_1935, %get3A_1936, %get3A_1937] {strides = array<i32>} : memref<2x400x128xf32, #tpu.memory_space<vmem>>, vector<16xf32>,
        %mul3A_1939 = arith.mulf %get3A_1938, %get3A_271 : vector<16xf32>
        %add3A_1940 = arith.addf %mul3A_1933, %mul3A_1939 : vector<16xf32>
        %get3A_1941 = arith.constant 1 : i32
        %get3A_1942 = arith.index_cast %get3A_1941 : i32 to index
        %get3A_1943 = arith.index_cast %add3A_1927 : i32 to index
        %get3A_1944 = arith.constant 32 : index
        %get3A_1945 = tpu.vector_load %arg8[%get3A_1942, %get3A_1943, %get3A_1944] {strides = array<i32>} : memref<2x400x128xf32, #tpu.memory_space<vmem>>, vector<16xf32>,
        %mul3A_1946 = arith.mulf %get3A_1945, %get3A_276 : vector<16xf32>
        %add3A_1947 = arith.addf %add3A_1940, %mul3A_1946 : vector<16xf32>
        %get3A_1948 = arith.constant 1 : i32
        %get3A_1949 = arith.index_cast %get3A_1948 : i32 to index
        %get3A_1950 = arith.index_cast %add3A_1927 : i32 to index
        %get3A_1951 = arith.constant 48 : index
        %get3A_1952 = tpu.vector_load %arg8[%get3A_1949, %get3A_1950, %get3A_1951] {strides = array<i32>} : memref<2x400x128xf32, #tpu.memory_space<vmem>>, vector<16xf32>,
        %mul3A_1953 = arith.mulf %get3A_1952, %get3A_281 : vector<16xf32>
        %add3A_1954 = arith.addf %add3A_1947, %mul3A_1953 : vector<16xf32>
        %eq3A_1955 = arith.constant 9 : i32
        %eq3A_1956 = vector.broadcast %eq3A_1955 : i32 to vector<16xi32>
        %eq3A_1957 = arith.cmpi eq, %iota3A, %eq3A_1956 : vector<16xi32>
        %reduce_sum3A_1958 = arith.constant true
        %reduce_sum3A_1959 = vector.broadcast %reduce_sum3A_1958 : i1 to vector<16xi1>
        %reduce_sum3A_1960 = tpu.scan <sum>, %add3A_1954 masked %reduce_sum3A_1959 : vector<16xf32>, vector<16xi1> -> vector<16xf32>
        %reduce_sum3A_1961 = vector.extract %reduce_sum3A_1960[15] : f32 from vector<16xf32>
        %broadcast_in_dim3A_1962 = vector.broadcast %reduce_sum3A_1961 : f32 to vector<16xf32>
        %select_n3A_1963 = arith.select %eq3A_1957, %broadcast_in_dim3A_1962, %select_n3A_1923 : vector<16xi1>, vector<16xf32>
        %add3A_1964 = arith.constant 32 : i32
        %add3A_1965 = arith.addi %mul3A_260, %add3A_1964 : i32
        %add3A_1966 = arith.constant 10 : i32
        %add3A_1967 = arith.addi %add3A_1965, %add3A_1966 : i32
        %get3A_1968 = arith.constant 1 : i32
        %get3A_1969 = arith.index_cast %get3A_1968 : i32 to index
        %get3A_1970 = arith.index_cast %add3A_1967 : i32 to index
        %get3A_1971 = arith.constant 0 : index
        %get3A_1972 = tpu.vector_load %arg8[%get3A_1969, %get3A_1970, %get3A_1971] {strides = array<i32>} : memref<2x400x128xf32, #tpu.memory_space<vmem>>, vector<16xf32>,
        %mul3A_1973 = arith.mulf %get3A_1972, %get3A_266 : vector<16xf32>
        %get3A_1974 = arith.constant 1 : i32
        %get3A_1975 = arith.index_cast %get3A_1974 : i32 to index
        %get3A_1976 = arith.index_cast %add3A_1967 : i32 to index
        %get3A_1977 = arith.constant 16 : index
        %get3A_1978 = tpu.vector_load %arg8[%get3A_1975, %get3A_1976, %get3A_1977] {strides = array<i32>} : memref<2x400x128xf32, #tpu.memory_space<vmem>>, vector<16xf32>,
        %mul3A_1979 = arith.mulf %get3A_1978, %get3A_271 : vector<16xf32>
        %add3A_1980 = arith.addf %mul3A_1973, %mul3A_1979 : vector<16xf32>
        %get3A_1981 = arith.constant 1 : i32
        %get3A_1982 = arith.index_cast %get3A_1981 : i32 to index
        %get3A_1983 = arith.index_cast %add3A_1967 : i32 to index
        %get3A_1984 = arith.constant 32 : index
        %get3A_1985 = tpu.vector_load %arg8[%get3A_1982, %get3A_1983, %get3A_1984] {strides = array<i32>} : memref<2x400x128xf32, #tpu.memory_space<vmem>>, vector<16xf32>,
        %mul3A_1986 = arith.mulf %get3A_1985, %get3A_276 : vector<16xf32>
        %add3A_1987 = arith.addf %add3A_1980, %mul3A_1986 : vector<16xf32>
        %get3A_1988 = arith.constant 1 : i32
        %get3A_1989 = arith.index_cast %get3A_1988 : i32 to index
        %get3A_1990 = arith.index_cast %add3A_1967 : i32 to index
        %get3A_1991 = arith.constant 48 : index
        %get3A_1992 = tpu.vector_load %arg8[%get3A_1989, %get3A_1990, %get3A_1991] {strides = array<i32>} : memref<2x400x128xf32, #tpu.memory_space<vmem>>, vector<16xf32>,
        %mul3A_1993 = arith.mulf %get3A_1992, %get3A_281 : vector<16xf32>
        %add3A_1994 = arith.addf %add3A_1987, %mul3A_1993 : vector<16xf32>
        %eq3A_1995 = arith.constant 10 : i32
        %eq3A_1996 = vector.broadcast %eq3A_1995 : i32 to vector<16xi32>
        %eq3A_1997 = arith.cmpi eq, %iota3A, %eq3A_1996 : vector<16xi32>
        %reduce_sum3A_1998 = arith.constant true
        %reduce_sum3A_1999 = vector.broadcast %reduce_sum3A_1998 : i1 to vector<16xi1>
        %reduce_sum3A_2000 = tpu.scan <sum>, %add3A_1994 masked %reduce_sum3A_1999 : vector<16xf32>, vector<16xi1> -> vector<16xf32>
        %reduce_sum3A_2001 = vector.extract %reduce_sum3A_2000[15] : f32 from vector<16xf32>
        %broadcast_in_dim3A_2002 = vector.broadcast %reduce_sum3A_2001 : f32 to vector<16xf32>
        %select_n3A_2003 = arith.select %eq3A_1997, %broadcast_in_dim3A_2002, %select_n3A_1963 : vector<16xi1>, vector<16xf32>
        %add3A_2004 = arith.constant 32 : i32
        %add3A_2005 = arith.addi %mul3A_260, %add3A_2004 : i32
        %add3A_2006 = arith.constant 11 : i32
        %add3A_2007 = arith.addi %add3A_2005, %add3A_2006 : i32
        %get3A_2008 = arith.constant 1 : i32
        %get3A_2009 = arith.index_cast %get3A_2008 : i32 to index
        %get3A_2010 = arith.index_cast %add3A_2007 : i32 to index
        %get3A_2011 = arith.constant 0 : index
        %get3A_2012 = tpu.vector_load %arg8[%get3A_2009, %get3A_2010, %get3A_2011] {strides = array<i32>} : memref<2x400x128xf32, #tpu.memory_space<vmem>>, vector<16xf32>,
        %mul3A_2013 = arith.mulf %get3A_2012, %get3A_266 : vector<16xf32>
        %get3A_2014 = arith.constant 1 : i32
        %get3A_2015 = arith.index_cast %get3A_2014 : i32 to index
        %get3A_2016 = arith.index_cast %add3A_2007 : i32 to index
        %get3A_2017 = arith.constant 16 : index
        %get3A_2018 = tpu.vector_load %arg8[%get3A_2015, %get3A_2016, %get3A_2017] {strides = array<i32>} : memref<2x400x128xf32, #tpu.memory_space<vmem>>, vector<16xf32>,
        %mul3A_2019 = arith.mulf %get3A_2018, %get3A_271 : vector<16xf32>
        %add3A_2020 = arith.addf %mul3A_2013, %mul3A_2019 : vector<16xf32>
        %get3A_2021 = arith.constant 1 : i32
        %get3A_2022 = arith.index_cast %get3A_2021 : i32 to index
        %get3A_2023 = arith.index_cast %add3A_2007 : i32 to index
        %get3A_2024 = arith.constant 32 : index
        %get3A_2025 = tpu.vector_load %arg8[%get3A_2022, %get3A_2023, %get3A_2024] {strides = array<i32>} : memref<2x400x128xf32, #tpu.memory_space<vmem>>, vector<16xf32>,
        %mul3A_2026 = arith.mulf %get3A_2025, %get3A_276 : vector<16xf32>
        %add3A_2027 = arith.addf %add3A_2020, %mul3A_2026 : vector<16xf32>
        %get3A_2028 = arith.constant 1 : i32
        %get3A_2029 = arith.index_cast %get3A_2028 : i32 to index
        %get3A_2030 = arith.index_cast %add3A_2007 : i32 to index
        %get3A_2031 = arith.constant 48 : index
        %get3A_2032 = tpu.vector_load %arg8[%get3A_2029, %get3A_2030, %get3A_2031] {strides = array<i32>} : memref<2x400x128xf32, #tpu.memory_space<vmem>>, vector<16xf32>,
        %mul3A_2033 = arith.mulf %get3A_2032, %get3A_281 : vector<16xf32>
        %add3A_2034 = arith.addf %add3A_2027, %mul3A_2033 : vector<16xf32>
        %eq3A_2035 = arith.constant 11 : i32
        %eq3A_2036 = vector.broadcast %eq3A_2035 : i32 to vector<16xi32>
        %eq3A_2037 = arith.cmpi eq, %iota3A, %eq3A_2036 : vector<16xi32>
        %reduce_sum3A_2038 = arith.constant true
        %reduce_sum3A_2039 = vector.broadcast %reduce_sum3A_2038 : i1 to vector<16xi1>
        %reduce_sum3A_2040 = tpu.scan <sum>, %add3A_2034 masked %reduce_sum3A_2039 : vector<16xf32>, vector<16xi1> -> vector<16xf32>
        %reduce_sum3A_2041 = vector.extract %reduce_sum3A_2040[15] : f32 from vector<16xf32>
        %broadcast_in_dim3A_2042 = vector.broadcast %reduce_sum3A_2041 : f32 to vector<16xf32>
        %select_n3A_2043 = arith.select %eq3A_2037, %broadcast_in_dim3A_2042, %select_n3A_2003 : vector<16xi1>, vector<16xf32>
        %add3A_2044 = arith.constant 32 : i32
        %add3A_2045 = arith.addi %mul3A_260, %add3A_2044 : i32
        %add3A_2046 = arith.constant 12 : i32
        %add3A_2047 = arith.addi %add3A_2045, %add3A_2046 : i32
        %get3A_2048 = arith.constant 1 : i32
        %get3A_2049 = arith.index_cast %get3A_2048 : i32 to index
        %get3A_2050 = arith.index_cast %add3A_2047 : i32 to index
        %get3A_2051 = arith.constant 0 : index
        %get3A_2052 = tpu.vector_load %arg8[%get3A_2049, %get3A_2050, %get3A_2051] {strides = array<i32>} : memref<2x400x128xf32, #tpu.memory_space<vmem>>, vector<16xf32>,
        %mul3A_2053 = arith.mulf %get3A_2052, %get3A_266 : vector<16xf32>
        %get3A_2054 = arith.constant 1 : i32
        %get3A_2055 = arith.index_cast %get3A_2054 : i32 to index
        %get3A_2056 = arith.index_cast %add3A_2047 : i32 to index
        %get3A_2057 = arith.constant 16 : index
        %get3A_2058 = tpu.vector_load %arg8[%get3A_2055, %get3A_2056, %get3A_2057] {strides = array<i32>} : memref<2x400x128xf32, #tpu.memory_space<vmem>>, vector<16xf32>,
        %mul3A_2059 = arith.mulf %get3A_2058, %get3A_271 : vector<16xf32>
        %add3A_2060 = arith.addf %mul3A_2053, %mul3A_2059 : vector<16xf32>
        %get3A_2061 = arith.constant 1 : i32
        %get3A_2062 = arith.index_cast %get3A_2061 : i32 to index
        %get3A_2063 = arith.index_cast %add3A_2047 : i32 to index
        %get3A_2064 = arith.constant 32 : index
        %get3A_2065 = tpu.vector_load %arg8[%get3A_2062, %get3A_2063, %get3A_2064] {strides = array<i32>} : memref<2x400x128xf32, #tpu.memory_space<vmem>>, vector<16xf32>,
        %mul3A_2066 = arith.mulf %get3A_2065, %get3A_276 : vector<16xf32>
        %add3A_2067 = arith.addf %add3A_2060, %mul3A_2066 : vector<16xf32>
        %get3A_2068 = arith.constant 1 : i32
        %get3A_2069 = arith.index_cast %get3A_2068 : i32 to index
        %get3A_2070 = arith.index_cast %add3A_2047 : i32 to index
        %get3A_2071 = arith.constant 48 : index
        %get3A_2072 = tpu.vector_load %arg8[%get3A_2069, %get3A_2070, %get3A_2071] {strides = array<i32>} : memref<2x400x128xf32, #tpu.memory_space<vmem>>, vector<16xf32>,
        %mul3A_2073 = arith.mulf %get3A_2072, %get3A_281 : vector<16xf32>
        %add3A_2074 = arith.addf %add3A_2067, %mul3A_2073 : vector<16xf32>
        %eq3A_2075 = arith.constant 12 : i32
        %eq3A_2076 = vector.broadcast %eq3A_2075 : i32 to vector<16xi32>
        %eq3A_2077 = arith.cmpi eq, %iota3A, %eq3A_2076 : vector<16xi32>
        %reduce_sum3A_2078 = arith.constant true
        %reduce_sum3A_2079 = vector.broadcast %reduce_sum3A_2078 : i1 to vector<16xi1>
        %reduce_sum3A_2080 = tpu.scan <sum>, %add3A_2074 masked %reduce_sum3A_2079 : vector<16xf32>, vector<16xi1> -> vector<16xf32>
        %reduce_sum3A_2081 = vector.extract %reduce_sum3A_2080[15] : f32 from vector<16xf32>
        %broadcast_in_dim3A_2082 = vector.broadcast %reduce_sum3A_2081 : f32 to vector<16xf32>
        %select_n3A_2083 = arith.select %eq3A_2077, %broadcast_in_dim3A_2082, %select_n3A_2043 : vector<16xi1>, vector<16xf32>
        %add3A_2084 = arith.constant 32 : i32
        %add3A_2085 = arith.addi %mul3A_260, %add3A_2084 : i32
        %add3A_2086 = arith.constant 13 : i32
        %add3A_2087 = arith.addi %add3A_2085, %add3A_2086 : i32
        %get3A_2088 = arith.constant 1 : i32
        %get3A_2089 = arith.index_cast %get3A_2088 : i32 to index
        %get3A_2090 = arith.index_cast %add3A_2087 : i32 to index
        %get3A_2091 = arith.constant 0 : index
        %get3A_2092 = tpu.vector_load %arg8[%get3A_2089, %get3A_2090, %get3A_2091] {strides = array<i32>} : memref<2x400x128xf32, #tpu.memory_space<vmem>>, vector<16xf32>,
        %mul3A_2093 = arith.mulf %get3A_2092, %get3A_266 : vector<16xf32>
        %get3A_2094 = arith.constant 1 : i32
        %get3A_2095 = arith.index_cast %get3A_2094 : i32 to index
        %get3A_2096 = arith.index_cast %add3A_2087 : i32 to index
        %get3A_2097 = arith.constant 16 : index
        %get3A_2098 = tpu.vector_load %arg8[%get3A_2095, %get3A_2096, %get3A_2097] {strides = array<i32>} : memref<2x400x128xf32, #tpu.memory_space<vmem>>, vector<16xf32>,
        %mul3A_2099 = arith.mulf %get3A_2098, %get3A_271 : vector<16xf32>
        %add3A_2100 = arith.addf %mul3A_2093, %mul3A_2099 : vector<16xf32>
        %get3A_2101 = arith.constant 1 : i32
        %get3A_2102 = arith.index_cast %get3A_2101 : i32 to index
        %get3A_2103 = arith.index_cast %add3A_2087 : i32 to index
        %get3A_2104 = arith.constant 32 : index
        %get3A_2105 = tpu.vector_load %arg8[%get3A_2102, %get3A_2103, %get3A_2104] {strides = array<i32>} : memref<2x400x128xf32, #tpu.memory_space<vmem>>, vector<16xf32>,
        %mul3A_2106 = arith.mulf %get3A_2105, %get3A_276 : vector<16xf32>
        %add3A_2107 = arith.addf %add3A_2100, %mul3A_2106 : vector<16xf32>
        %get3A_2108 = arith.constant 1 : i32
        %get3A_2109 = arith.index_cast %get3A_2108 : i32 to index
        %get3A_2110 = arith.index_cast %add3A_2087 : i32 to index
        %get3A_2111 = arith.constant 48 : index
        %get3A_2112 = tpu.vector_load %arg8[%get3A_2109, %get3A_2110, %get3A_2111] {strides = array<i32>} : memref<2x400x128xf32, #tpu.memory_space<vmem>>, vector<16xf32>,
        %mul3A_2113 = arith.mulf %get3A_2112, %get3A_281 : vector<16xf32>
        %add3A_2114 = arith.addf %add3A_2107, %mul3A_2113 : vector<16xf32>
        %eq3A_2115 = arith.constant 13 : i32
        %eq3A_2116 = vector.broadcast %eq3A_2115 : i32 to vector<16xi32>
        %eq3A_2117 = arith.cmpi eq, %iota3A, %eq3A_2116 : vector<16xi32>
        %reduce_sum3A_2118 = arith.constant true
        %reduce_sum3A_2119 = vector.broadcast %reduce_sum3A_2118 : i1 to vector<16xi1>
        %reduce_sum3A_2120 = tpu.scan <sum>, %add3A_2114 masked %reduce_sum3A_2119 : vector<16xf32>, vector<16xi1> -> vector<16xf32>
        %reduce_sum3A_2121 = vector.extract %reduce_sum3A_2120[15] : f32 from vector<16xf32>
        %broadcast_in_dim3A_2122 = vector.broadcast %reduce_sum3A_2121 : f32 to vector<16xf32>
        %select_n3A_2123 = arith.select %eq3A_2117, %broadcast_in_dim3A_2122, %select_n3A_2083 : vector<16xi1>, vector<16xf32>
        %add3A_2124 = arith.constant 32 : i32
        %add3A_2125 = arith.addi %mul3A_260, %add3A_2124 : i32
        %add3A_2126 = arith.constant 14 : i32
        %add3A_2127 = arith.addi %add3A_2125, %add3A_2126 : i32
        %get3A_2128 = arith.constant 1 : i32
        %get3A_2129 = arith.index_cast %get3A_2128 : i32 to index
        %get3A_2130 = arith.index_cast %add3A_2127 : i32 to index
        %get3A_2131 = arith.constant 0 : index
        %get3A_2132 = tpu.vector_load %arg8[%get3A_2129, %get3A_2130, %get3A_2131] {strides = array<i32>} : memref<2x400x128xf32, #tpu.memory_space<vmem>>, vector<16xf32>,
        %mul3A_2133 = arith.mulf %get3A_2132, %get3A_266 : vector<16xf32>
        %get3A_2134 = arith.constant 1 : i32
        %get3A_2135 = arith.index_cast %get3A_2134 : i32 to index
        %get3A_2136 = arith.index_cast %add3A_2127 : i32 to index
        %get3A_2137 = arith.constant 16 : index
        %get3A_2138 = tpu.vector_load %arg8[%get3A_2135, %get3A_2136, %get3A_2137] {strides = array<i32>} : memref<2x400x128xf32, #tpu.memory_space<vmem>>, vector<16xf32>,
        %mul3A_2139 = arith.mulf %get3A_2138, %get3A_271 : vector<16xf32>
        %add3A_2140 = arith.addf %mul3A_2133, %mul3A_2139 : vector<16xf32>
        %get3A_2141 = arith.constant 1 : i32
        %get3A_2142 = arith.index_cast %get3A_2141 : i32 to index
        %get3A_2143 = arith.index_cast %add3A_2127 : i32 to index
        %get3A_2144 = arith.constant 32 : index
        %get3A_2145 = tpu.vector_load %arg8[%get3A_2142, %get3A_2143, %get3A_2144] {strides = array<i32>} : memref<2x400x128xf32, #tpu.memory_space<vmem>>, vector<16xf32>,
        %mul3A_2146 = arith.mulf %get3A_2145, %get3A_276 : vector<16xf32>
        %add3A_2147 = arith.addf %add3A_2140, %mul3A_2146 : vector<16xf32>
        %get3A_2148 = arith.constant 1 : i32
        %get3A_2149 = arith.index_cast %get3A_2148 : i32 to index
        %get3A_2150 = arith.index_cast %add3A_2127 : i32 to index
        %get3A_2151 = arith.constant 48 : index
        %get3A_2152 = tpu.vector_load %arg8[%get3A_2149, %get3A_2150, %get3A_2151] {strides = array<i32>} : memref<2x400x128xf32, #tpu.memory_space<vmem>>, vector<16xf32>,
        %mul3A_2153 = arith.mulf %get3A_2152, %get3A_281 : vector<16xf32>
        %add3A_2154 = arith.addf %add3A_2147, %mul3A_2153 : vector<16xf32>
        %eq3A_2155 = arith.constant 14 : i32
        %eq3A_2156 = vector.broadcast %eq3A_2155 : i32 to vector<16xi32>
        %eq3A_2157 = arith.cmpi eq, %iota3A, %eq3A_2156 : vector<16xi32>
        %reduce_sum3A_2158 = arith.constant true
        %reduce_sum3A_2159 = vector.broadcast %reduce_sum3A_2158 : i1 to vector<16xi1>
        %reduce_sum3A_2160 = tpu.scan <sum>, %add3A_2154 masked %reduce_sum3A_2159 : vector<16xf32>, vector<16xi1> -> vector<16xf32>
        %reduce_sum3A_2161 = vector.extract %reduce_sum3A_2160[15] : f32 from vector<16xf32>
        %broadcast_in_dim3A_2162 = vector.broadcast %reduce_sum3A_2161 : f32 to vector<16xf32>
        %select_n3A_2163 = arith.select %eq3A_2157, %broadcast_in_dim3A_2162, %select_n3A_2123 : vector<16xi1>, vector<16xf32>
        %add3A_2164 = arith.constant 32 : i32
        %add3A_2165 = arith.addi %mul3A_260, %add3A_2164 : i32
        %add3A_2166 = arith.constant 15 : i32
        %add3A_2167 = arith.addi %add3A_2165, %add3A_2166 : i32
        %get3A_2168 = arith.constant 1 : i32
        %get3A_2169 = arith.index_cast %get3A_2168 : i32 to index
        %get3A_2170 = arith.index_cast %add3A_2167 : i32 to index
        %get3A_2171 = arith.constant 0 : index
        %get3A_2172 = tpu.vector_load %arg8[%get3A_2169, %get3A_2170, %get3A_2171] {strides = array<i32>} : memref<2x400x128xf32, #tpu.memory_space<vmem>>, vector<16xf32>,
        %mul3A_2173 = arith.mulf %get3A_2172, %get3A_266 : vector<16xf32>
        %get3A_2174 = arith.constant 1 : i32
        %get3A_2175 = arith.index_cast %get3A_2174 : i32 to index
        %get3A_2176 = arith.index_cast %add3A_2167 : i32 to index
        %get3A_2177 = arith.constant 16 : index
        %get3A_2178 = tpu.vector_load %arg8[%get3A_2175, %get3A_2176, %get3A_2177] {strides = array<i32>} : memref<2x400x128xf32, #tpu.memory_space<vmem>>, vector<16xf32>,
        %mul3A_2179 = arith.mulf %get3A_2178, %get3A_271 : vector<16xf32>
        %add3A_2180 = arith.addf %mul3A_2173, %mul3A_2179 : vector<16xf32>
        %get3A_2181 = arith.constant 1 : i32
        %get3A_2182 = arith.index_cast %get3A_2181 : i32 to index
        %get3A_2183 = arith.index_cast %add3A_2167 : i32 to index
        %get3A_2184 = arith.constant 32 : index
        %get3A_2185 = tpu.vector_load %arg8[%get3A_2182, %get3A_2183, %get3A_2184] {strides = array<i32>} : memref<2x400x128xf32, #tpu.memory_space<vmem>>, vector<16xf32>,
        %mul3A_2186 = arith.mulf %get3A_2185, %get3A_276 : vector<16xf32>
        %add3A_2187 = arith.addf %add3A_2180, %mul3A_2186 : vector<16xf32>
        %get3A_2188 = arith.constant 1 : i32
        %get3A_2189 = arith.index_cast %get3A_2188 : i32 to index
        %get3A_2190 = arith.index_cast %add3A_2167 : i32 to index
        %get3A_2191 = arith.constant 48 : index
        %get3A_2192 = tpu.vector_load %arg8[%get3A_2189, %get3A_2190, %get3A_2191] {strides = array<i32>} : memref<2x400x128xf32, #tpu.memory_space<vmem>>, vector<16xf32>,
        %mul3A_2193 = arith.mulf %get3A_2192, %get3A_281 : vector<16xf32>
        %add3A_2194 = arith.addf %add3A_2187, %mul3A_2193 : vector<16xf32>
        %eq3A_2195 = arith.constant 15 : i32
        %eq3A_2196 = vector.broadcast %eq3A_2195 : i32 to vector<16xi32>
        %eq3A_2197 = arith.cmpi eq, %iota3A, %eq3A_2196 : vector<16xi32>
        %reduce_sum3A_2198 = arith.constant true
        %reduce_sum3A_2199 = vector.broadcast %reduce_sum3A_2198 : i1 to vector<16xi1>
        %reduce_sum3A_2200 = tpu.scan <sum>, %add3A_2194 masked %reduce_sum3A_2199 : vector<16xf32>, vector<16xi1> -> vector<16xf32>
        %reduce_sum3A_2201 = vector.extract %reduce_sum3A_2200[15] : f32 from vector<16xf32>
        %broadcast_in_dim3A_2202 = vector.broadcast %reduce_sum3A_2201 : f32 to vector<16xf32>
        %select_n3A_2203 = arith.select %eq3A_2197, %broadcast_in_dim3A_2202, %select_n3A_2163 : vector<16xi1>, vector<16xf32>
        %broadcast_in_dim3A_2204 = arith.constant 0.000000e+00 : f32
        %broadcast_in_dim3A_2205 = vector.broadcast %broadcast_in_dim3A_2204 : f32 to vector<16xf32>
        %add3A_2206 = arith.constant 48 : i32
        %add3A_2207 = arith.addi %mul3A_260, %add3A_2206 : i32
        %add3A_2208 = arith.constant 0 : i32
        %add3A_2209 = arith.addi %add3A_2207, %add3A_2208 : i32
        %get3A_2210 = arith.constant 1 : i32
        %get3A_2211 = arith.index_cast %get3A_2210 : i32 to index
        %get3A_2212 = arith.index_cast %add3A_2209 : i32 to index
        %get3A_2213 = arith.constant 0 : index
        %get3A_2214 = tpu.vector_load %arg8[%get3A_2211, %get3A_2212, %get3A_2213] {strides = array<i32>} : memref<2x400x128xf32, #tpu.memory_space<vmem>>, vector<16xf32>,
        %mul3A_2215 = arith.mulf %get3A_2214, %get3A_266 : vector<16xf32>
        %get3A_2216 = arith.constant 1 : i32
        %get3A_2217 = arith.index_cast %get3A_2216 : i32 to index
        %get3A_2218 = arith.index_cast %add3A_2209 : i32 to index
        %get3A_2219 = arith.constant 16 : index
        %get3A_2220 = tpu.vector_load %arg8[%get3A_2217, %get3A_2218, %get3A_2219] {strides = array<i32>} : memref<2x400x128xf32, #tpu.memory_space<vmem>>, vector<16xf32>,
        %mul3A_2221 = arith.mulf %get3A_2220, %get3A_271 : vector<16xf32>
        %add3A_2222 = arith.addf %mul3A_2215, %mul3A_2221 : vector<16xf32>
        %get3A_2223 = arith.constant 1 : i32
        %get3A_2224 = arith.index_cast %get3A_2223 : i32 to index
        %get3A_2225 = arith.index_cast %add3A_2209 : i32 to index
        %get3A_2226 = arith.constant 32 : index
        %get3A_2227 = tpu.vector_load %arg8[%get3A_2224, %get3A_2225, %get3A_2226] {strides = array<i32>} : memref<2x400x128xf32, #tpu.memory_space<vmem>>, vector<16xf32>,
        %mul3A_2228 = arith.mulf %get3A_2227, %get3A_276 : vector<16xf32>
        %add3A_2229 = arith.addf %add3A_2222, %mul3A_2228 : vector<16xf32>
        %get3A_2230 = arith.constant 1 : i32
        %get3A_2231 = arith.index_cast %get3A_2230 : i32 to index
        %get3A_2232 = arith.index_cast %add3A_2209 : i32 to index
        %get3A_2233 = arith.constant 48 : index
        %get3A_2234 = tpu.vector_load %arg8[%get3A_2231, %get3A_2232, %get3A_2233] {strides = array<i32>} : memref<2x400x128xf32, #tpu.memory_space<vmem>>, vector<16xf32>,
        %mul3A_2235 = arith.mulf %get3A_2234, %get3A_281 : vector<16xf32>
        %add3A_2236 = arith.addf %add3A_2229, %mul3A_2235 : vector<16xf32>
        %eq3A_2237 = arith.constant 0 : i32
        %eq3A_2238 = vector.broadcast %eq3A_2237 : i32 to vector<16xi32>
        %eq3A_2239 = arith.cmpi eq, %iota3A, %eq3A_2238 : vector<16xi32>
        %reduce_sum3A_2240 = arith.constant true
        %reduce_sum3A_2241 = vector.broadcast %reduce_sum3A_2240 : i1 to vector<16xi1>
        %reduce_sum3A_2242 = tpu.scan <sum>, %add3A_2236 masked %reduce_sum3A_2241 : vector<16xf32>, vector<16xi1> -> vector<16xf32>
        %reduce_sum3A_2243 = vector.extract %reduce_sum3A_2242[15] : f32 from vector<16xf32>
        %broadcast_in_dim3A_2244 = vector.broadcast %reduce_sum3A_2243 : f32 to vector<16xf32>
        %select_n3A_2245 = arith.select %eq3A_2239, %broadcast_in_dim3A_2244, %broadcast_in_dim3A_2205 : vector<16xi1>, vector<16xf32>
        %add3A_2246 = arith.constant 48 : i32
        %add3A_2247 = arith.addi %mul3A_260, %add3A_2246 : i32
        %add3A_2248 = arith.constant 1 : i32
        %add3A_2249 = arith.addi %add3A_2247, %add3A_2248 : i32
        %get3A_2250 = arith.constant 1 : i32
        %get3A_2251 = arith.index_cast %get3A_2250 : i32 to index
        %get3A_2252 = arith.index_cast %add3A_2249 : i32 to index
        %get3A_2253 = arith.constant 0 : index
        %get3A_2254 = tpu.vector_load %arg8[%get3A_2251, %get3A_2252, %get3A_2253] {strides = array<i32>} : memref<2x400x128xf32, #tpu.memory_space<vmem>>, vector<16xf32>,
        %mul3A_2255 = arith.mulf %get3A_2254, %get3A_266 : vector<16xf32>
        %get3A_2256 = arith.constant 1 : i32
        %get3A_2257 = arith.index_cast %get3A_2256 : i32 to index
        %get3A_2258 = arith.index_cast %add3A_2249 : i32 to index
        %get3A_2259 = arith.constant 16 : index
        %get3A_2260 = tpu.vector_load %arg8[%get3A_2257, %get3A_2258, %get3A_2259] {strides = array<i32>} : memref<2x400x128xf32, #tpu.memory_space<vmem>>, vector<16xf32>,
        %mul3A_2261 = arith.mulf %get3A_2260, %get3A_271 : vector<16xf32>
        %add3A_2262 = arith.addf %mul3A_2255, %mul3A_2261 : vector<16xf32>
        %get3A_2263 = arith.constant 1 : i32
        %get3A_2264 = arith.index_cast %get3A_2263 : i32 to index
        %get3A_2265 = arith.index_cast %add3A_2249 : i32 to index
        %get3A_2266 = arith.constant 32 : index
        %get3A_2267 = tpu.vector_load %arg8[%get3A_2264, %get3A_2265, %get3A_2266] {strides = array<i32>} : memref<2x400x128xf32, #tpu.memory_space<vmem>>, vector<16xf32>,
        %mul3A_2268 = arith.mulf %get3A_2267, %get3A_276 : vector<16xf32>
        %add3A_2269 = arith.addf %add3A_2262, %mul3A_2268 : vector<16xf32>
        %get3A_2270 = arith.constant 1 : i32
        %get3A_2271 = arith.index_cast %get3A_2270 : i32 to index
        %get3A_2272 = arith.index_cast %add3A_2249 : i32 to index
        %get3A_2273 = arith.constant 48 : index
        %get3A_2274 = tpu.vector_load %arg8[%get3A_2271, %get3A_2272, %get3A_2273] {strides = array<i32>} : memref<2x400x128xf32, #tpu.memory_space<vmem>>, vector<16xf32>,
        %mul3A_2275 = arith.mulf %get3A_2274, %get3A_281 : vector<16xf32>
        %add3A_2276 = arith.addf %add3A_2269, %mul3A_2275 : vector<16xf32>
        %eq3A_2277 = arith.constant 1 : i32
        %eq3A_2278 = vector.broadcast %eq3A_2277 : i32 to vector<16xi32>
        %eq3A_2279 = arith.cmpi eq, %iota3A, %eq3A_2278 : vector<16xi32>
        %reduce_sum3A_2280 = arith.constant true
        %reduce_sum3A_2281 = vector.broadcast %reduce_sum3A_2280 : i1 to vector<16xi1>
        %reduce_sum3A_2282 = tpu.scan <sum>, %add3A_2276 masked %reduce_sum3A_2281 : vector<16xf32>, vector<16xi1> -> vector<16xf32>
        %reduce_sum3A_2283 = vector.extract %reduce_sum3A_2282[15] : f32 from vector<16xf32>
        %broadcast_in_dim3A_2284 = vector.broadcast %reduce_sum3A_2283 : f32 to vector<16xf32>
        %select_n3A_2285 = arith.select %eq3A_2279, %broadcast_in_dim3A_2284, %select_n3A_2245 : vector<16xi1>, vector<16xf32>
        %lt3A_2286 = arith.constant 2 : i32
        %lt3A_2287 = vector.broadcast %lt3A_2286 : i32 to vector<16xi32>
        %lt3A_2288 = arith.cmpi slt, %iota3A, %lt3A_2287 : vector<16xi32>
        %broadcast_in_dim3A_2289 = vector.broadcast %scan3A : f32 to vector<16xf32>
        %select_n3A_2290 = arith.select %lt3A_2288, %select_n3A_2285, %broadcast_in_dim3A_2289 : vector<16xi1>, vector<16xf32>
        %max3A = arith.maximumf %select_n3A_2290, %select_n3A_919 : vector<16xf32>
        %max3A_2291 = arith.maximumf %max3A, %select_n3A_1561 : vector<16xf32>
        %max3A_2292 = arith.maximumf %max3A_2291, %select_n3A_2203 : vector<16xf32>
        %reduce_max3A = arith.constant true
        %reduce_max3A_2293 = vector.broadcast %reduce_max3A : i1 to vector<16xi1>
        %reduce_max3A_2294 = tpu.scan <max>, %max3A_2292 masked %reduce_max3A_2293 : vector<16xf32>, vector<16xi1> -> vector<16xf32>
        %reduce_max3A_2295 = vector.extract %reduce_max3A_2294[15] : f32 from vector<16xf32>
        %sub3A = vector.broadcast %reduce_max3A_2295 : f32 to vector<16xf32>
        %sub3A_2296 = arith.subf %select_n3A_919, %sub3A : vector<16xf32>
        %exp3A = math.exp %sub3A_2296 : vector<16xf32>
        %sub3A_2297 = vector.broadcast %reduce_max3A_2295 : f32 to vector<16xf32>
        %sub3A_2298 = arith.subf %select_n3A_1561, %sub3A_2297 : vector<16xf32>
        %exp3A_2299 = math.exp %sub3A_2298 : vector<16xf32>
        %sub3A_2300 = vector.broadcast %reduce_max3A_2295 : f32 to vector<16xf32>
        %sub3A_2301 = arith.subf %select_n3A_2203, %sub3A_2300 : vector<16xf32>
        %exp3A_2302 = math.exp %sub3A_2301 : vector<16xf32>
        %sub3A_2303 = vector.broadcast %reduce_max3A_2295 : f32 to vector<16xf32>
        %sub3A_2304 = arith.subf %select_n3A_2285, %sub3A_2303 : vector<16xf32>
        %exp3A_2305 = math.exp %sub3A_2304 : vector<16xf32>
        %lt3A_2306 = arith.constant 2 : i32
        %lt3A_2307 = vector.broadcast %lt3A_2306 : i32 to vector<16xi32>
        %lt3A_2308 = arith.cmpi slt, %iota3A, %lt3A_2307 : vector<16xi32>
        %jit3A = arith.constant 0.000000e+00 : f32
        %broadcast_in_dim3A_2309 = vector.broadcast %jit3A : f32 to vector<16xf32>
        %select_n3A_2310 = arith.select %lt3A_2308, %exp3A_2305, %broadcast_in_dim3A_2309 : vector<16xi1>, vector<16xf32>
        %add3A_2311 = arith.addf %exp3A, %exp3A_2299 : vector<16xf32>
        %add3A_2312 = arith.addf %add3A_2311, %exp3A_2302 : vector<16xf32>
        %add3A_2313 = arith.addf %add3A_2312, %select_n3A_2310 : vector<16xf32>
        %broadcast_in_dim3A_2314 = arith.constant 0.000000e+00 : f32
        %broadcast_in_dim3A_2315 = vector.broadcast %broadcast_in_dim3A_2314 : f32 to vector<16xf32>
        %reduce_sum3A_2316 = arith.constant true
        %reduce_sum3A_2317 = vector.broadcast %reduce_sum3A_2316 : i1 to vector<16xi1>
        %reduce_sum3A_2318 = tpu.scan <sum>, %add3A_2313 masked %reduce_sum3A_2317 : vector<16xf32>, vector<16xi1> -> vector<16xf32>
        %reduce_sum3A_2319 = vector.extract %reduce_sum3A_2318[15] : f32 from vector<16xf32>
        %add3A_2320 = vector.broadcast %reduce_sum3A_2319 : f32 to vector<16xf32>
        %add3A_2321 = arith.addf %broadcast_in_dim3A_2315, %add3A_2320 : vector<16xf32>
        %broadcast_in_dim3A_2322 = arith.constant 1.000000e+00 : f32
        %broadcast_in_dim3A_2323 = vector.broadcast %broadcast_in_dim3A_2322 : f32 to vector<16xf32>
        %div3A = arith.divf %broadcast_in_dim3A_2323, %add3A_2321 : vector<16xf32>
        %add3A_2324 = arith.constant 0 : i32
        %add3A_2325 = arith.addi %mul3A_262, %add3A_2324 : i32
        %swap3A = arith.index_cast %add3A_2325 : i32 to index
        %swap3A_2326 = tpu.vector_load %arg10[%swap3A] {strides = array<i32>} : memref<400xf32, #tpu.memory_space<vmem>>, vector<16xf32>,
        tpu.vector_store %arg10[%swap3A], %select_n3A_919 {strides = array<i32>} : memref<400xf32, #tpu.memory_space<vmem>>, vector<16xf32>,
        %mul3A_2327 = arith.mulf %exp3A, %div3A : vector<16xf32>
        %add3A_2328 = arith.constant 0 : i32
        %add3A_2329 = arith.addi %mul3A_262, %add3A_2328 : i32
        %swap3A_2330 = arith.index_cast %add3A_2329 : i32 to index
        %swap3A_2331 = tpu.vector_load %arg11[%swap3A_2330] {strides = array<i32>} : memref<400xf32, #tpu.memory_space<vmem>>, vector<16xf32>,
        tpu.vector_store %arg11[%swap3A_2330], %mul3A_2327 {strides = array<i32>} : memref<400xf32, #tpu.memory_space<vmem>>, vector<16xf32>,
        %add3A_2332 = arith.constant 16 : i32
        %add3A_2333 = arith.addi %mul3A_262, %add3A_2332 : i32
        %swap3A_2334 = arith.index_cast %add3A_2333 : i32 to index
        %swap3A_2335 = tpu.vector_load %arg10[%swap3A_2334] {strides = array<i32>} : memref<400xf32, #tpu.memory_space<vmem>>, vector<16xf32>,
        tpu.vector_store %arg10[%swap3A_2334], %select_n3A_1561 {strides = array<i32>} : memref<400xf32, #tpu.memory_space<vmem>>, vector<16xf32>,
        %mul3A_2336 = arith.mulf %exp3A_2299, %div3A : vector<16xf32>
        %add3A_2337 = arith.constant 16 : i32
        %add3A_2338 = arith.addi %mul3A_262, %add3A_2337 : i32
        %swap3A_2339 = arith.index_cast %add3A_2338 : i32 to index
        %swap3A_2340 = tpu.vector_load %arg11[%swap3A_2339] {strides = array<i32>} : memref<400xf32, #tpu.memory_space<vmem>>, vector<16xf32>,
        tpu.vector_store %arg11[%swap3A_2339], %mul3A_2336 {strides = array<i32>} : memref<400xf32, #tpu.memory_space<vmem>>, vector<16xf32>,
        %add3A_2341 = arith.constant 32 : i32
        %add3A_2342 = arith.addi %mul3A_262, %add3A_2341 : i32
        %swap3A_2343 = arith.index_cast %add3A_2342 : i32 to index
        %swap3A_2344 = tpu.vector_load %arg10[%swap3A_2343] {strides = array<i32>} : memref<400xf32, #tpu.memory_space<vmem>>, vector<16xf32>,
        tpu.vector_store %arg10[%swap3A_2343], %select_n3A_2203 {strides = array<i32>} : memref<400xf32, #tpu.memory_space<vmem>>, vector<16xf32>,
        %mul3A_2345 = arith.mulf %exp3A_2302, %div3A : vector<16xf32>
        %add3A_2346 = arith.constant 32 : i32
        %add3A_2347 = arith.addi %mul3A_262, %add3A_2346 : i32
        %swap3A_2348 = arith.index_cast %add3A_2347 : i32 to index
        %swap3A_2349 = tpu.vector_load %arg11[%swap3A_2348] {strides = array<i32>} : memref<400xf32, #tpu.memory_space<vmem>>, vector<16xf32>,
        tpu.vector_store %arg11[%swap3A_2348], %mul3A_2345 {strides = array<i32>} : memref<400xf32, #tpu.memory_space<vmem>>, vector<16xf32>,
        %lt3A_2350 = arith.constant 2 : i32
        %lt3A_2351 = vector.broadcast %lt3A_2350 : i32 to vector<16xi32>
        %lt3A_2352 = arith.cmpi slt, %iota3A, %lt3A_2351 : vector<16xi32>
        %add3A_2353 = arith.constant 48 : i32
        %add3A_2354 = arith.addi %mul3A_262, %add3A_2353 : i32
        %add3A_2355 = vector.broadcast %add3A_2354 : i32 to vector<16xi32>
        %add3A_2356 = arith.addi %add3A_2355, %iota3A : vector<16xi32>
        tpu.vector_store_idx %arg10[%add3A_2356], %select_n3A_2285 masked %lt3A_2352 : memref<400xf32, #tpu.memory_space<vmem>>[vector<16xi32>], vector<16xf32>, vector<16xi1>
        %mul3A_2357 = arith.mulf %select_n3A_2310, %div3A : vector<16xf32>
        tpu.vector_store_idx %arg11[%add3A_2356], %mul3A_2357 masked %lt3A_2352 : memref<400xf32, #tpu.memory_space<vmem>>[vector<16xi32>], vector<16xf32>, vector<16xi1>
        %scan3A_2358 = arith.constant 0 : i32
        scf.yield %scan3A_2358 : i32
      }
      %scan3A_255 = arith.constant 8 : i32
      "tpu.region"() ({
        %run_scoped3A_257 = tpu.sem_alloc : memref<!tpu.dma_semaphore, #tpu.memory_space<semaphore_mem>>
        %dma_start3A_258 = tpu.memref_slice %arg5[%mul3A_248] : memref<204800xf32, #tpu.memory_space<hbm>> -> memref<400xf32, #tpu.memory_space<hbm>>
        %dma_start3A_259 = tpu.memref_slice %arg5[%mul3A_248] : memref<204800xf32, #tpu.memory_space<hbm>> -> memref<400xf32, #tpu.memory_space<hbm>>
        tpu.enqueue_dma source(%arg10 : memref<400xf32, #tpu.memory_space<vmem>>) target(%dma_start3A_259 : memref<400xf32, #tpu.memory_space<hbm>>) target_semaphore(%run_scoped3A_257 : memref<!tpu.dma_semaphore, #tpu.memory_space<semaphore_mem>>)
        %dma_wait3A_260 = tpu.memref_slice %arg5[%mul3A_248] : memref<204800xf32, #tpu.memory_space<hbm>> -> memref<400xf32, #tpu.memory_space<hbm>>
        %dma_wait3A_261 = tpu.memref_slice %arg5[%mul3A_248] : memref<204800xf32, #tpu.memory_space<hbm>> -> memref<400xf32, #tpu.memory_space<hbm>>
        tpu.wait_dma2 semaphore(%run_scoped3A_257 : memref<!tpu.dma_semaphore, #tpu.memory_space<semaphore_mem>>) src(%arg10 : memref<400xf32, #tpu.memory_space<vmem>>) dst(%dma_wait3A_261 : memref<400xf32, #tpu.memory_space<hbm>>)
        tpu.yield
      }) : () -> ()
      "tpu.region"() ({
        %run_scoped3A_257 = tpu.sem_alloc : memref<!tpu.dma_semaphore, #tpu.memory_space<semaphore_mem>>
        %dma_start3A_258 = tpu.memref_slice %arg6[%mul3A_248] : memref<204800xf32, #tpu.memory_space<hbm>> -> memref<400xf32, #tpu.memory_space<hbm>>
        %dma_start3A_259 = tpu.memref_slice %arg6[%mul3A_248] : memref<204800xf32, #tpu.memory_space<hbm>> -> memref<400xf32, #tpu.memory_space<hbm>>
        tpu.enqueue_dma source(%arg11 : memref<400xf32, #tpu.memory_space<vmem>>) target(%dma_start3A_259 : memref<400xf32, #tpu.memory_space<hbm>>) target_semaphore(%run_scoped3A_257 : memref<!tpu.dma_semaphore, #tpu.memory_space<semaphore_mem>>)
        %dma_wait3A_260 = tpu.memref_slice %arg6[%mul3A_248] : memref<204800xf32, #tpu.memory_space<hbm>> -> memref<400xf32, #tpu.memory_space<hbm>>
        %dma_wait3A_261 = tpu.memref_slice %arg6[%mul3A_248] : memref<204800xf32, #tpu.memory_space<hbm>> -> memref<400xf32, #tpu.memory_space<hbm>>
        tpu.wait_dma2 semaphore(%run_scoped3A_257 : memref<!tpu.dma_semaphore, #tpu.memory_space<semaphore_mem>>) src(%arg11 : memref<400xf32, #tpu.memory_space<vmem>>) dst(%dma_wait3A_261 : memref<400xf32, #tpu.memory_space<hbm>>)
        tpu.yield
      }) : () -> ()
      %scan3A_256 = arith.constant 0 : i32
      scf.yield %scan3A_256 : i32
    }
    %scan3A_65 = arith.constant 8 : i32
    return
  }
}

</mosaic_0001>

<sc_bundles>
// kernel: kernel.3.cloned.1.call-start
scs
__scs_entry_jumppad:
0x0: {  	(pc) =	sbr.rel $0x88, $3  }
0x1: {  	(tag) =	ssettag $0x0;
	lr =	simm.s32 $0x1  }
0x2: {  	[smem:$0x3F9E] =	sst lr;
	_ =	strace $0xD0000000  }
0x3: {  	_ = 	snop  }
0x4: {  	_ = 	snop  }
0x5: {  	_ = 	snop  }
0x6: {  	_ = 	snop  }
0x7: {  	_ = 	snop  }
__scs_overlays_trampoline_lowered:
0x8: {  	[smem:$0x3FAD] =	sst s0  }
0x9: {  	[smem:$0x3FAE] =	sst s1  }
0xa: {  	[smem:$0x3FAF] =	sst s2  }
0xb: {  	[smem:$0x3FB0] =	sst s3  }
0xc: {  	[smem:$0x3FB1] =	sst s4  }
0xd: {  	[smem:$0x3FB2] =	sst s5  }
0xe: {  	[smem:$0x3FB3] =	sst s6  }
0xf: {  	[smem:$0x3FB4] =	sst s7  }
0x10: {  	[smem:$0x3FB5] =	sst s8  }
0x11: {  	[smem:$0x3FB6] =	sst s9;
	s0 =	simm.s32 @!p0 $0x0  }
0x12: {  	s1 =	sld [smem:$0x3F9C];
	s0 =	simm.s32 @p0 $0x1  }
0x13: {  	[smem:$0x3FB7] =	sst s0;
	s0 =	simm.s32 @!p1 $0x0  }
0x14: {  	s2 =	sld [smem:$0x3F9B];
	s0 =	simm.s32 @p1 $0x1  }
0x15: {  	[smem:$0x3FB8] =	sst s0;
	s0 =	simm.s32 @!p2 $0x0  }
0x16: {  	s3 =	sld [smem:$0x3FDB];
	s0 =	simm.s32 @p2 $0x1  }
0x17: {  	s4 =	simm.s32 $0x1BF5;
	[smem:$0x3FBA] =	sst s0  }
0x18: {  	s0 =	sld [smem:$0x3F9D];
	_ =	swait.ge [sflag:s4], $0x0  }
0x19: {  	s7 =	sld [smem:$0x3F9E]  }
0x1a: {  	s8 =	sadd.s32 $0xFFFFE003, lr  }
0x1b: {  	s9 =	sadd.s32 $0xFFFFFEF7, lr;
	s5 =	simm.s32 $0xFFFFFFFF;
	p2 =	slt.u32 s8, $0xFFFFF086  }
0x1c: {  	p1 =	slt.u32 s9, $0xF7A;
	s5 =	simm.s32 @!p2 $0x0  }
0x1d: {  	s5 =	simm.s32 @p1 $0x1;
	p0 =	seq.s32 s7, s2  }
0x1e: {  	s7 =	smul.u32 @!p0 $0xF7A, s2;
	p2 =	seq.s32 @!p0 s5, $0x0  }
0x1f: {  	s9 =	smul.u32 $0xF7A, s1;
	s8 =	simm.s32 @!p0 $0x1BF5;
	p2 =	por !p2, p0  }
0x20: {  	[sflag:s8] =	ssyncset.s32 @!p0 $0xFFFFF086;
	s6 =	sadd.s32 @!p0 s3, s7;
	s7 =	simm.s32 @!p0 $0x108  }
0x21: {  	s3 =	sadd.s32 s3, s9;
	s6 =	sadd.s32 @!p0 $0x88, s6;
	s7 =	simm.s32 @p2 $0x1082  }
0x22: {  	[simem:s7], [sflag:s8] =	dma.local @!p0 [hbm:s6], $0xF7A  }
0x23: {  	s9 =	sor.u32 $0xD0000000, s2;
	s6 =	simm.s32 $0x108;
	_ =	swait.ge @!p0 [sflag:s8], $0x0  }
0x24: {  	s3 =	sadd.s32 $0x88, s3;
	s6 =	simm.s32 @!p1 $0x1082;
	[sflag:s4] =	ssyncset.s32 $0xFFFFF086  }
0x25: {  	[simem:s6], [sflag:s4] =	dma.local [hbm:s3], $0xF7A  }
0x26: {  	[smem:$0x3F9E] =	sst s1;
	(tag) =	ssettag s2;
	_ =	strace s9  }
0x27: {  	s1 =	sld [smem:$0x3FAE]  }
0x28: {  	s2 =	sld [smem:$0x3FAF]  }
0x29: {  	s4 =	sld [smem:$0x3FB1]  }
0x2a: {  	p0 =	seq.s32 s5, $0x0;
	s5 =	sld [smem:$0x3FB2]  }
0x2b: {  	s6 =	sld [smem:$0x3FB3]  }
0x2c: {  	s7 =	sld [smem:$0x3FB4]  }
0x2d: {  	s3 =	simm.s32 $0x108;
	s8 =	sld [smem:$0x3FB5]  }
0x2e: {  	s3 =	simm.s32 @!p0 $0x1082;
	s9 =	sld [smem:$0x3FB6]  }
0x2f: {  	lr =	sadd.s32 s0, s3;
	s0 =	sld [smem:$0x3FAD]  }
0x30: {  	s3 =	sld [smem:$0x3FB0]  }
0x31: {  	[smem:$0x3FB9] =	sst s10  }
0x32: {  	s10 =	sld [smem:$0x3FB7];
	_ =	sdelay $0x3  }
0x33: {  	p0 =	seq.s32 s10, $0x1;
	s10 =	sld [smem:$0x3FB9];
	_ =	sdelay $0x3  }
0x34: {  	[smem:$0x3FB9] =	sst s10  }
0x35: {  	s10 =	sld [smem:$0x3FB8];
	_ =	sdelay $0x3  }
0x36: {  	p1 =	seq.s32 s10, $0x1;
	s10 =	sld [smem:$0x3FB9];
	_ =	sdelay $0x3  }
0x37: {  	[smem:$0x3FB9] =	sst s10  }
0x38: {  	s10 =	sld [smem:$0x3FBA]  }
0x39: {  	_ = 	snop;
	(pc) =	sbr.ind lr, $3  }
0x3a: {  	_ = 	snop  }
0x3b: {  	_ = 	snop  }
0x3c: {  	p2 =	seq.s32 s10, $0x1;
	s10 =	sld [smem:$0x3FB9]  }
0x3d: {  	_ =	shalt  }
0x3e: {  	_ =	shalt  }
0x3f: {  	_ =	shalt  }
0x40: {  	_ =	shalt  }
0x41: {  	_ =	shalt  }
0x42: {  	_ =	shalt  }
0x43: {  	_ =	shalt  }
0x44: {  	_ =	shalt  }
0x45: {  	_ =	shalt  }
0x46: {  	_ =	shalt  }
0x47: {  	_ =	shalt  }
0x48: {  	_ =	shalt  }
0x49: {  	_ =	shalt  }
0x4a: {  	_ =	shalt  }
0x4b: {  	_ =	shalt  }
0x4c: {  	_ =	shalt  }
0x4d: {  	_ =	shalt  }
0x4e: {  	_ =	shalt  }
0x4f: {  	_ =	shalt  }
0x50: {  	_ =	shalt  }
0x51: {  	_ =	shalt  }
0x52: {  	_ =	shalt  }
0x53: {  	_ =	shalt  }
0x54: {  	_ =	shalt  }
0x55: {  	_ =	shalt  }
0x56: {  	_ =	shalt  }
0x57: {  	_ =	shalt  }
0x58: {  	_ =	shalt  }
0x59: {  	_ =	shalt  }
0x5a: {  	_ =	shalt  }
0x5b: {  	_ =	shalt  }
0x5c: {  	_ =	shalt  }
0x5d: {  	_ =	shalt  }
0x5e: {  	_ =	shalt  }
0x5f: {  	_ =	shalt  }
0x60: {  	_ =	shalt  }
0x61: {  	_ =	shalt  }
0x62: {  	_ =	shalt  }
0x63: {  	_ =	shalt  }
0x64: {  	_ =	shalt  }
0x65: {  	_ =	shalt  }
0x66: {  	_ =	shalt  }
0x67: {  	_ =	shalt  }
0x68: {  	_ =	shalt  }
0x69: {  	_ =	shalt  }
0x6a: {  	_ =	shalt  }
0x6b: {  	_ =	shalt  }
0x6c: {  	_ =	shalt  }
0x6d: {  	_ =	shalt  }
0x6e: {  	_ =	shalt  }
0x6f: {  	_ =	shalt  }
0x70: {  	_ =	shalt  }
0x71: {  	_ =	shalt  }
0x72: {  	_ =	shalt  }
0x73: {  	_ =	shalt  }
0x74: {  	_ =	shalt  }
0x75: {  	_ =	shalt  }
0x76: {  	_ =	shalt  }
0x77: {  	_ =	shalt  }
0x78: {  	_ =	shalt  }
0x79: {  	_ =	shalt  }
0x7a: {  	_ =	shalt  }
0x7b: {  	_ =	shalt  }
0x7c: {  	_ =	shalt  }
0x7d: {  	_ =	shalt  }
0x7e: {  	_ =	shalt  }
0x7f: {  	_ =	shalt  }
0x80: {  	_ =	shalt  }
0x81: {  	_ =	shalt  }
0x82: {  	_ =	shalt  }
0x83: {  	_ =	shalt  }
0x84: {  	_ =	shalt  }
0x85: {  	_ =	shalt  }
0x86: {  	_ =	shalt  }
0x87: {  	_ =	shalt  }
.Lfunc_end0:
.L_simem_size_0:
called_computation_lowered:
.L_overlay_start_0:
0x88: {  	s2 =	sld [smem:$0x3FD9]  }
0x89: {  	s3 =	sld [smem:$0x3FFE];
	_ =	sdelay $0x1  }
0x8a: {  	s1 =	srdreg.scid  }
0x8b: {  	s0 =	sand.u32 $0x1, s1  }
0x8c: {  	s14 =	sshll.u32 s0, $0xA;
	s2 =	sadd.s32 s3, s2  }
0x8d: {  	s2 =	sadd.s32 s2, s14  }
0x8e: {  	[smem:$0x3FC5] =	sst s2  }
0x8f: {  	_ = 	snop  }
0x90: {  	s2 =	sld [smem:$0x3FD0];
	_ =	sdelay $0x2  }
0x91: {  	s15 =	simm.s32 $0xA;
	s4 =	simm.s32 $0x10  }
0x92: {  	[smem:s4], [sflag:s15] =	dma.local [hbm:s2], $0x1  }
0x93: {  	_ =	swait.eq [sflag:s15], $0x1  }
0x94: {  	[sflag:s15] =	ssyncset.done $0x0  }
0x95: {  	s16 =	sld [smem:$0x10];
	[sflag:s15] =	ssyncadd.s32 $0xFFFFFFFF  }
0x96: {  	s17 =	sld [smem:$0x11];
	(tm) =	ssettm $0x1  }
0x97: {  	s18 =	sld [smem:$0x3FFB];
	_ =	sdelay $0x3  }
0x98: {  	_ =	strace s18  }
0x99: {  	s4 =	sld [smem:$0x3FFC];
	_ =	sdelay $0x3  }
0x9a: {  	_ =	strace s4  }
0x9b: {  	s4 =	sld [smem:$0x3FFD];
	_ =	sdelay $0x3  }
0x9c: {  	_ =	strace s4  }
0x9d: {  	_ =	strace $0x8FFFFFFF  }
0x9e: {  	s19 =	sld [smem:$0x3FDB];
	_ =	sdelay $0x1  }
0x9f: {  	s5 =	simm.s32 $_scs_section_size  }
0xa0: {  	s6 =	simm.s32 $_size__tile_overlayer_lowered;
	s7 =	simm.s32 $_tile_overlayer_lowered  }
0xa1: {  	s22 =	simm.s32 $0x1BFF;
	s21 =	sshll.u32 s7, $0x1;
	s4 =	sadd.s32 s5, s19  }
0xa2: {  	s8 =	simm.s32 $0x0;
	s20 =	sshll.u32 s6, $0x1;
	s6 =	sadd.s32 s21, s4  }
0xa3: {  	[timem:s8], [sflag:s22] =	dma.local [hbm:s6], s20  }
0xa4: {  	_ =	swait.ge [sflag:s22], s20  }
0xa5: {  	s5 =	ssub.s32 $0x0, s20;
	[sflag:s22] =	ssyncset.done $0x0  }
0xa6: {  	[sflag:s22] =	ssyncadd.s32 s5;
	_ =	sdelay $0x1  }
0xa7: {  	s23 =	simm.s32 $0x1B8B  }
0xa8: {  	_ =	swait.ge [sflag:s23], $0x1  }
0xa9: {  	[sflag:s23] =	ssyncset.done $0x0  }
0xaa: {  	s25 =	simm.s32 $0x1B8E;
	s24 =	sld [smem:$0x3FFE];
	[sflag:s23] =	ssyncadd.s32 $0xFFFFFFFF  }
0xab: {  	s26 =	simm.s32 $execute0_lowered;
	[smem:$0x3FD2] =	sst s25  }
0xac: {  	s6 =	sshll.u32 s26, $0x1;
	_ =	strace $0x80000046;
	[dreg:$0x1] =	wrdreg $0xFFFFFFFF  }
0xad: {  	s28 =	simm.s32 $_size_execute0_lowered;
	s4 =	sadd.s32 s4, s6;
	[dreg:$0x0] =	wrdreg $0x0  }
0xae: {  	s6 =	sshll.u32 s28, $0x1;
	[dreg:$0x2] =	wrdreg s4  }
0xaf: {  	[dreg:$0x3] =	wrdreg s6  }
0xb0: {  	[dreg:$0x4] =	wrdreg $0xC0  }
0xb1: {  	_ =	task [dreg:s8], $0x5FFFF  }
0xb2: {  	[dreg:$0x1] =	wrdreg $0xFFFFFFFF  }
0xb3: {  	[dreg:$0x0] =	wrdreg $0x60  }
0xb4: {  	[dreg:$0x2] =	wrdreg s17  }
0xb5: {  	[dreg:$0x3] =	wrdreg s24  }
0xb6: {  	[dreg:$0x4] =	wrdreg s16  }
0xb7: {  	[dreg:$0x5] =	wrdreg $0x9  }
0xb8: {  	_ =	task.clear_ibuf [dreg:s8], $0x6FFFF;
	_ =	strace $0x90000046  }
0xb9: {  	s29 =	simm.s32 $0x9;
	_ =	strace $0x80000048  }
0xba: {  	_ =	swait.ge [sflag:s29], $0x1  }
0xbb: {  	[sflag:s29] =	ssyncadd.s32 $0xFFFFFFFF  }
0xbc: {  	_ =	strace $0x90000048  }
0xbd: {  	_ =	sfence  }
0xbe: {  	s30 =	sld [smem:$0x0];
	_ =	sdelay $0x2  }
0xbf: {  	s31 =	sshll.u32 s1, $0xD;
	s1 =	sshrl.u32 s1, $0x2  }
0xc0: {  	s3 =	sand.u32 $0x4000, s31;
	s1 =	sadd.s32 s1, s30  }
0xc1: {  	s0 =	sor.u32 s3, s0;
	s1 =	sshll.u32 s1, $0x11  }
0xc2: {  	s0 =	sor.u32 s1, s0  }
0xc3: {  	s0 =	sadd.s32 $0x8F2B, s0  }
0xc4: {  	[sflag:s0] =	ssyncadd.remote.s32 $0x1  }
0xc5: {  	_ =	sfence.sel $0xFFFF  }
0xc6: {  	[dreg:$0x0] =	wrdreg $0xFFFFFFFF;
	(pc) =	sbr.abs _section_cstart, $3  }
0xc7: {  	[dreg:$0x1] =	wrdreg $0xFFFFFFFF  }
0xc8: {  	_ =	task.clear_ibuf [dreg:s8], $0x2FFFF;
	_ =	strace $0x9FFFFFFF  }
0xc9: {  	(tm) =	ssettm $0x7FFFFFFF  }
tec
execute0_lowered:
.L_overlay_start_1:
0x0: {  	(tag) =	ssettag $0x1  }
0x1: {  	s1 =	rddreg [dreg:$0x0]  }
0x2: {  	s0 =	rddreg [dreg:$0x1]  }
0x3: {  	s2 =	rddreg [dreg:$0x2];
	s4 =	simm.s32 $0x0;
	s3 =	srdreg.scid  }
0x4: {  	s6 =	stileid.u32;
	s12 =	simm.s32 $0x3;
	s13 =	simm.s32 $0x64  }
0x5: {  	s22 =	simm.s32 $0x1A0;
	s24 =	simm.s32 $0x208;
	s25 =	simm.s32 $0xFD40  }
0x6: {  	s28 =	simm.s32 $0x12F40;
	s29 =	simm.s32 $0x2D8;
	s30 =	simm.s32 $0x16140  }
0x7: {  	s31 =	simm.s32 $0x19540;
	s14 =	simm.s32 $0x198D0;
	s15 =	simm.s32 $0x2  }
0x8: {  	s10 =	simm.s32 $0x0;
	s3 =	sand.u32 $0x1, s3;
	s7 =	sshll.u32 s6, $0x1  }
0x9: {  	[smem:$0x7FF] =	sst s4;
	s8 =	ssub.s32 $0x2, s3;
	s3 =	sor.u32 s3, s7  }
0xa: {  	vm0 =	vmmov $0x1;
	s5 =	sadd.s32 $0xF43200, s0;
	s26 =	sshrl.u32 s8, $0x1;
	s9 =	smul.u32 $0x340, s3  }
0xb: {  	vm1 =	vmmov $0x3;
	vm2 =	vmmov $0x7;
	vm3 =	vmmov $0xf;
	s6 =	sadd.s32 $0xF4B200, s0;
	s7 =	sadd.s32 $0xE00, s0;
	s0 =	ssub.s32 s8, s26  }
0xc: {  	vm4 =	vmmov $0x1f;
	vm5 =	vmmov $0x3f;
	vm6 =	vmmov $0x7f;
	s8 =	sshll.u32 s3, $0x4;
	s3 =	sshll.u32 s3, $0xA;
	s9 =	sadd.s32 s1, s9  }
0xd: {  	vm7 =	vmmov $0xff;
	vm8 =	vmmov $0x1ff;
	vm9 =	vmmov $0x3ff;
	_ =	strace $0x80000047;
	s3 =	sadd.s32 s5, s3;
	[dreg:$0x4] =	wrdreg s9  }
0xe: {  	vm10 =	vmmov $0x7ff;
	vm11 =	vmmov $0xfff;
	vm12 =	vmmov $0x1fff;
	s26 =	simm.s32 $0x270;
	s0 =	smax.u32 s0, $0x1;
	[dreg:$0x5] =	wrdreg s3  }
0xf: {  	vm13 =	vmmov $0x3fff;
	vm14 =	vmmov $0x7fff;
	vm15 =	vcmask $0x308;
	[dreg:$0x6] =	wrdreg s0;
	s0 =	simm.s32 $0x1;
	s3 =	simm.s32 $0x19740  }
.LBB2_1:
0x10: {  	[dreg:$0x7] =	wrdreg s10  }
0x11: {  	s9 =	rddreg [dreg:$0x4]  }
0x12: {  	[tilespmem:s4], [sflag:$0x3] =	stream.linear.gather [hbm4b:s9+s4], $0x1A0, $0x38;
	[tilespmem:$0x19A60] =	vst v63  }
0x13: {  	_ =	swait.ge [sflag:s12], $0x1A0  }
0x14: {  	[sflag:s12] =	ssyncset.done $0x0  }
0x15: {  	s10 =	simm.s32 $0x340;
	[sflag:s12] =	ssyncadd.s32 $0xFFFFFE60  }
0x16: {  	[tilespmem:s10], [sflag:$0x1] =	stream.indirect.gather [hbm4b:s6+s13], $0x80, s4, s13, $0xb8;
	[tilespmem:$0x19A60] =	vst v63  }
0x17: {  	s11 =	simm.s32 $0x68;
	s16 =	simm.s32 $0x3540  }
0x18: {  	[tilespmem:s16], [sflag:$0x1] =	stream.indirect.gather [hbm4b:s6+s13], $0x80, s11, s13, $0xb8;
	[tilespmem:$0x19A60] =	vst v63  }
0x19: {  	s17 =	simm.s32 $0xD0;
	s18 =	simm.s32 $0x6740  }
0x1a: {  	[tilespmem:s18], [sflag:$0x1] =	stream.indirect.gather [hbm4b:s6+s13], $0x80, s17, s13, $0xb8;
	[tilespmem:$0x19A60] =	vst v63  }
0x1b: {  	s19 =	simm.s32 $0x138;
	s20 =	simm.s32 $0x9940  }
0x1c: {  	[tilespmem:s20], [sflag:$0x1] =	stream.indirect.gather [hbm4b:s6+s13], $0x80, s19, s13, $0xb8;
	[tilespmem:$0x19A60] =	vst v63  }
0x1d: {  	s23 =	simm.s32 $0x19340;
	s21 =	rddreg [dreg:$0x5]  }
0x1e: {  	[tilespmem:s23], [sflag:$0x3] =	stream.linear.gather [hbm4b:s21+s4], $0x200, $0x38;
	[tilespmem:$0x19A60] =	vst v63  }
0x1f: {  	_ =	swait.ge [sflag:s12], $0x200  }
0x20: {  	[sflag:s12] =	ssyncset.done $0x0  }
0x21: {  	s17 =	simm.s32 $0x0;
	[sflag:s12] =	ssyncadd.s32 $0xFFFFFE00  }
.LBB2_2:
0x22: {  	s9 =	sshll.u32 s17, $0x1  }
0x23: {  	s19 =	sadd.s32 s8, s9  }
0x24: {  	s18 =	sor.u32 $0x1, s19  }
0x25: {  	s20 =	smul.u32 $0x34, s18;
	_ =	sdelay $0x1  }
0x26: {  	s9 =	sadd.s32 s1, s20;
	s20 =	simm.s32 $0x0  }
0x27: {  	[tilespmem:s22], [sflag:$0x3] =	stream.linear.gather [hbm4b:s9+s20], $0x1A0, $0x38;
	[tilespmem:$0x19A60] =	vst v63  }
0x28: {  	_ =	swait.ge [sflag:s12], $0x1A0  }
0x29: {  	[sflag:s12] =	ssyncset.done $0x0  }
0x2a: {  	s21 =	simm.s32 $0xCB40;
	[sflag:s12] =	ssyncadd.s32 $0xFFFFFE60  }
0x2b: {  	[tilespmem:s21], [sflag:$0x2] =	stream.indirect.gather [hbm4b:s6+s13], $0x80, s22, s13, $0xb8;
	[tilespmem:$0x19A60] =	vst v63  }
0x2c: {  	_ = 	snop  }
0x2d: {  	[tilespmem:s25], [sflag:$0x2] =	stream.indirect.gather [hbm4b:s6+s13], $0x80, s24, s13, $0xb8;
	[tilespmem:$0x19A60] =	vst v63  }
0x2e: {  	s23 =	sshll.u32 s18, $0x6  }
0x2f: {  	[tilespmem:s28], [sflag:$0x2] =	stream.indirect.gather [hbm4b:s6+s13], $0x80, s26, s13, $0xb8;
	[tilespmem:$0x19A60] =	vst v63  }
0x30: {  	s9 =	sand.u32 $0x1FFFFFC0, s23  }
0x31: {  	[tilespmem:s30], [sflag:$0x2] =	stream.indirect.gather [hbm4b:s6+s13], $0x80, s29, s13, $0xb8;
	[tilespmem:$0x19A60] =	vst v63  }
0x32: {  	s9 =	sadd.s32 s5, s9  }
0x33: {  	[tilespmem:s31], [sflag:$0x3] =	stream.linear.gather [hbm4b:s9+s20], $0x200, $0x38;
	[tilespmem:$0x19A60] =	vst v63  }
0x34: {  	_ =	swait.ge [sflag:s12], $0x200  }
0x35: {  	[sflag:s12] =	ssyncset.done $0x0  }
0x36: {  	[sflag:s12] =	ssyncadd.s32 $0xFFFFFE00  }
0x37: {  	_ =	swait.ge [sflag:s0], $0x3200  }
0x38: {  	[sflag:s0] =	ssyncset.done $0x0  }
0x39: {  	[sflag:s0] =	ssyncadd.s32 $0xFFFFCE00  }
0x3a: {  	_ =	swait.ge [sflag:s0], $0x3200  }
0x3b: {  	[sflag:s0] =	ssyncset.done $0x0  }
0x3c: {  	[sflag:s0] =	ssyncadd.s32 $0xFFFFCE00  }
0x3d: {  	_ =	swait.ge [sflag:s0], $0x3200  }
0x3e: {  	[sflag:s0] =	ssyncset.done $0x0  }
0x3f: {  	[sflag:s0] =	ssyncadd.s32 $0xFFFFCE00  }
0x40: {  	_ =	swait.ge [sflag:s0], $0x3200  }
0x41: {  	[sflag:s0] =	ssyncset.done $0x0  }
0x42: {  	[sflag:s0] =	ssyncadd.s32 $0xFFFFCE00  }
.LBB2_3:
0x43: {  	s9 =	sshll.u32 s20, $0x6  }
0x44: {  	s9 =	sand.u32 $0x3FFFFFC0, s9  }
0x45: {  	v3 =	vld [tilespmem:s9+$0x19340]  }
0x46: {  	s10 =	smul.u32 $0x6400, s20;
	v4 =	vld [tilespmem:s9+$0x19350]  }
0x47: {  	v2 =	vld [tilespmem:s9+$0x19360]  }
0x48: {  	v1 =	vld [tilespmem:s9+$0x19370];
	s10 =	sshra.s32 s10, $0x2  }
0x49: {  	v5 =	vld [tilespmem:s10+$0x340]  }
0x4a: {  	v6 =	vld [tilespmem:s10+$0x350]  }
0x4b: {  	v8 =	vld [tilespmem:s10+$0x360]  }
0x4c: {  	v9 =	vld [tilespmem:s10+$0x370]  }
0x4d: {  	v10 =	vld [tilespmem:s10+$0x3C0]  }
0x4e: {  	v11 =	vld [tilespmem:s10+$0x3D0]  }
0x4f: {  	v12 =	vld [tilespmem:s10+$0x3E0]  }
0x50: {  	v13 =	vld [tilespmem:s10+$0x3F0]  }
0x51: {  	v34 =	vld [tilespmem:s10+$0x440]  }
0x52: {  	v35 =	vld [tilespmem:s10+$0x450]  }
0x53: {  	v37 =	vld [tilespmem:s10+$0x460]  }
0x54: {  	v38 =	vld [tilespmem:s10+$0x470]  }
0x55: {  	v40 =	vld [tilespmem:s10+$0x4C0]  }
0x56: {  	v41 =	vld [tilespmem:s10+$0x4D0]  }
0x57: {  	v46 =	vld [tilespmem:s10+$0x4E0]  }
0x58: {  	v15 =	vld [tilespmem:s10+$0x4F0]  }
0x59: {  	v49 =	vld [tilespmem:s10+$0x540]  }
0x5a: {  	v52 =	vld [tilespmem:s10+$0x550]  }
0x5b: {  	v14 =	vld [tilespmem:s10+$0x560]  }
0x5c: {  	v16 =	vld [tilespmem:s10+$0x570]  }
0x5d: {  	v19 =	vld [tilespmem:s10+$0x5C0]  }
0x5e: {  	v20 =	vld [tilespmem:s10+$0x5D0]  }
0x5f: {  	v23 =	vld [tilespmem:s10+$0x5E0]  }
0x60: {  	v24 =	vld [tilespmem:s10+$0x5F0]  }
0x61: {  	v17 =	vld [tilespmem:s10+$0x640]  }
0x62: {  	v18 =	vld [tilespmem:s10+$0x650]  }
0x63: {  	v21 =	vld [tilespmem:s10+$0x660]  }
0x64: {  	v22 =	vld [tilespmem:s10+$0x670]  }
0x65: {  	v27 =	vld [tilespmem:s10+$0x6C0]  }
0x66: {  	v28 =	vld [tilespmem:s10+$0x6D0]  }
0x67: {  	v30 =	vld [tilespmem:s10+$0x6E0]  }
0x68: {  	v39 =	vld [tilespmem:s10+$0x6F0]  }
0x69: {  	v25 =	vld [tilespmem:s10+$0x740]  }
0x6a: {  	v26 =	vld [tilespmem:s10+$0x750]  }
0x6b: {  	v29 =	vld [tilespmem:s10+$0x760]  }
0x6c: {  	v42 =	vld [tilespmem:s10+$0x770]  }
0x6d: {  	v33 =	vld [tilespmem:s10+$0x7C0]  }
0x6e: {  	v32 =	vld [tilespmem:s10+$0x7D0]  }
0x6f: {  	v36 =	vld [tilespmem:s10+$0x7E0]  }
0x70: {  	v43 =	vld [tilespmem:s10+$0x7F0]  }
0x71: {  	v63 =	vld [tilespmem:s10+$0x840]  }
0x72: {  	v31 =	vld [tilespmem:s10+$0x850]  }
0x73: {  	v62 =	vld [tilespmem:s10+$0x860]  }
0x74: {  	v61 =	vld [tilespmem:s10+$0x870]  }
0x75: {  	v44 =	vld [tilespmem:s10+$0x8C0]  }
0x76: {  	v60 =	vld [tilespmem:s10+$0x8D0]  }
0x77: {  	v47 =	vld [tilespmem:s10+$0x8E0]  }
0x78: {  	v48 =	vld [tilespmem:s10+$0x8F0]  }
0x79: {  	v45 =	vld [tilespmem:s10+$0x940]  }
0x7a: {  	v59 =	vld [tilespmem:s10+$0x950]  }
0x7b: {  	v55 =	vld [tilespmem:s10+$0x960]  }
0x7c: {  	v56 =	vld [tilespmem:s10+$0x970]  }
0x7d: {  	v0 =	vld [tilespmem:s10+$0x9C0]  }
0x7e: {  	v7 =	vld [tilespmem:s10+$0x9E0]  }
0x7f: {  	v51 =	vld [tilespmem:s10+$0x9F0]  }
0x80: {  	v53 =	vld [tilespmem:s10+$0xA40]  }
0x81: {  	v54 =	vld [tilespmem:s10+$0xA60]  }
0x82: {  	v50 =	vld [tilespmem:s10+$0x9D0];
	[tilespmem:$0x1FED0] =	vst v0  }
0x83: {  	v57 =	vld [tilespmem:s10+$0xA70];
	[tilespmem:$0x1FEF0] =	vst v7;
	v5 =	vmul.f32 v5, v3  }
0x84: {  	s21 =	smul.u32 $0x32, s20;
	v58 =	vld [tilespmem:s10+$0xAC0];
	[tilespmem:$0x1FF10] =	vst v51;
	v6 =	vmul.f32 v6, v4;
	v8 =	vmul.f32 v8, v2  }
0x85: {  	[tilespmem:$0x1FEE0] =	vst v53;
	v53 =	vld [tilespmem:s10+$0xA50];
	v51 =	vmul.f32 v10, v3;
	v11 =	vmul.f32 v11, v4  }
0x86: {  	s9 =	sadd.s32 $0x10, s21;
	[tilespmem:$0x1FF00] =	vst v54;
	v7 =	vld [tilespmem:s10+$0xAD0];
	v54 =	vmul.f32 v34, v3;
	v0 =	vmul.f32 v35, v4;
	v6 =	vadd.f32 v6, v5  }
0x87: {  	s11 =	sshll.u32 s9, $0x7;
	v9 =	vmul.f32 v9, v1;
	v10 =	vld [tilespmem:s10+$0xAE0];
	v12 =	vmul.f32 v12, v2;
	v11 =	vadd.f32 v11, v51  }
0x88: {  	s11 =	sand.u32 $0x3FFFFF00, s11;
	v35 =	vld [tilespmem:s10+$0xAF0];
	v37 =	vmul.f32 v37, v2;
	v6 =	vadd.f32 v8, v6;
	v8 =	vadd.f32 v0, v54  }
0x89: {  	[tilespmem:$0x1FF20] =	vst v57;
	v57 =	vld [tilespmem:s11+$0x340];
	v51 =	vmul.f32 v13, v1;
	v11 =	vadd.f32 v12, v11  }
0x8a: {  	[tilespmem:$0x1FF30] =	vst v58;
	v58 =	vld [tilespmem:s11+$0x350];
	v0 =	vmul.f32 v38, v1;
	v6 =	vadd.f32 v9, v6;
	v34 =	vadd.f32 v37, v8  }
0x8b: {  	v13 =	vld [tilespmem:s10+$0xCC0];
	v5 =	vadd.f32 v51, v11  }
0x8c: {  	v54 =	vld [tilespmem:s11+$0x360];
	(xrf2) =	vadd.scan.msk.f32 $0xffff, v6;
	v8 =	vadd.f32 v0, v34  }
0x8d: {  	v6 =	vld [tilespmem:s10+$0xC70];
	(xrf2) =	vadd.scan.msk.f32 $0xffff, v5  }
0x8e: {  	v38 =	vld [tilespmem:s11+$0x370];
	(xrf2) =	vadd.scan.msk.f32 $0xffff, v8  }
0x8f: {  	v12 =	vld [tilespmem:s10+$0xCD0]  }
0x90: {  	v40 =	vmul.f32 v40, v3;
	v41 =	vmul.f32 v41, v4;
	[tilespmem:$0x1FF50] =	vst v10;
	v10 =	vld [tilespmem:s10+$0xC50]  }
0x91: {  	v5 =	vld [tilespmem:s10+$0xCE0]  }
0x92: {  	v46 =	vmul.f32 v46, v2;
	v40 =	vadd.f32 v41, v40;
	[tilespmem:$0x1FF70] =	vst v6;
	v6 =	vld [tilespmem:s10+$0xCF0]  }
0x93: {  	v51 =	vld [tilespmem:s10+$0xBC0]  }
0x94: {  	v15 =	vmul.f32 v15, v1;
	v46 =	vadd.f32 v46, v40;
	v37 =	vld [tilespmem:s10+$0xBD0]  }
0x95: {  	[tilespmem:$0x1FF40] =	vst v7;
	v9 =	vld [tilespmem:s10+$0xBE0]  }
0x96: {  	v11 =	vld [tilespmem:s10+$0xC60];
	v46 =	vadd.f32 v15, v46;
	v15 =	vmul.f32 v18, v4;
	v18 =	vmul.f32 v21, v2;
	[tilespmem:$0x1FF60] =	vst v5;
	v7, _, _ =	vpop (xrf2)  }
0x97: {  	v21 =	vld [tilespmem:s10+$0xF40];
	v5 =	vmul.f32 v52, v4;
	[tilespmem:$0x1FF80] =	vst v6;
	v6 =	vmul.f32 v49, v3;
	v0, _, _ =	vpop (xrf2)  }
0x98: {  	v34 =	vld [tilespmem:s10+$0xBF0];
	v7 =	vbroadcast v7, $0xF;
	v41 =	vbroadcast v0, $0xF;
	v0, _, _ =	vpop (xrf2)  }
0x99: {  	v14 =	vmul.f32 v14, v2;
	v8 =	vld [tilespmem:s10+$0xC40];
	v6 =	vadd.f32 v5, v6;
	v0 =	vbroadcast v0, $0xF  }
0x9a: {  	v52 =	vld [tilespmem:s10+$0xD50];
	v7 =	vsel vm0, v7, v41  }
0x9b: {  	v40 =	vsel vm1, v7, v0;
	v0 =	vadd.f32 v14, v6;
	v6 =	vmul.f32 v16, v1;
	v16 =	vld [tilespmem:s10+$0xDC0]  }
0x9c: {  	v7 =	vmul.f32 v19, v3;
	v19 =	vld [tilespmem:s10+$0xDD0]  }
0x9d: {  	v14 =	vmul.f32 v20, v4;
	v20 =	vld [tilespmem:s10+$0xDE0]  }
0x9e: {  	v49 =	vld [tilespmem:s10+$0xD40];
	v6 =	vadd.f32 v6, v0;
	v0 =	vmul.f32 v17, v3  }
0x9f: {  	v5 =	vld [tilespmem:s10+$0xD60]  }
0xa0: {  	v41 =	vld [tilespmem:s10+$0xD70];
	v15 =	vadd.f32 v15, v0;
	[tilespmem:$0x1FF90] =	vst v16  }
0xa1: {  	v14 =	vadd.f32 v14, v7;
	v7 =	vld [tilespmem:s10+$0xE50];
	[tilespmem:$0x1FFA0] =	vst v19;
	v16 =	vmul.f32 v23, v2  }
0xa2: {  	v26 =	vmul.f32 v26, v4;
	[tilespmem:$0x1FFB0] =	vst v20;
	v20 =	vld [tilespmem:s10+$0xDF0];
	v19 =	vmul.f32 v22, v1;
	v15 =	vadd.f32 v18, v15  }
0xa3: {  	v18 =	vmul.f32 v25, v3;
	v14 =	vadd.f32 v16, v14;
	v16 =	vmul.f32 v27, v3;
	v27 =	vld [tilespmem:s10+$0xE60]  }
0xa4: {  	v17 =	vmul.f32 v24, v1;
	v24 =	vmul.f32 v28, v4;
	v23 =	vld [tilespmem:s10+$0xE40]  }
0xa5: {  	v25 =	vld [tilespmem:s10+$0xE70];
	v19 =	vadd.f32 v19, v15;
	v18 =	vadd.f32 v26, v18;
	v26 =	vmul.f32 v29, v2  }
0xa6: {  	v15 =	vld [tilespmem:s10+$0xEC0];
	v29 =	vmul.f32 v63, v3;
	v28 =	vadd.f32 v24, v16;
	v24 =	vmul.f32 v30, v2  }
0xa7: {  	v63 =	vmul.f32 v62, v2;
	v62 =	vmul.f32 v55, v2;
	v55 =	vld [tilespmem:$0x1FEF0];
	v0 =	vadd.f32 v17, v14  }
0xa8: {  	v17 =	vld [tilespmem:s10+$0xED0];
	v22 =	vadd.f32 v24, v28;
	v28 =	vmul.f32 v32, v4;
	[tilespmem:$0x1FFE0] =	vst v27;
	v27 =	vmul.f32 v33, v3  }
0xa9: {  	v14 =	vld [tilespmem:s10+$0xEE0];
	v32 =	vmul.f32 v39, v1  }
0xaa: {  	v30 =	vmul.f32 v31, v4;
	v16 =	vld [tilespmem:s10+$0xEF0];
	v33 =	vmul.f32 v36, v2;
	v31 =	vadd.f32 v28, v27  }
0xab: {  	v42 =	vmul.f32 v42, v1;
	[tilespmem:$0x1FFC0] =	vst v23;
	v18 =	vadd.f32 v26, v18;
	v23 =	vld [tilespmem:s10+$0xFC0];
	v39 =	vadd.f32 v32, v22  }
0xac: {  	[tilespmem:$0x1FFF0] =	vst v25;
	v25 =	vld [tilespmem:s10+$0xFD0];
	v32 =	vmul.f32 v44, v3;
	v24 =	vadd.f32 v33, v31;
	v33 =	vmul.f32 v60, v4  }
0xad: {  	[tilespmem:$0x1FFD0] =	vst v20;
	v20 =	vadd.f32 v30, v29;
	v29 =	vld [tilespmem:s10+$0x1050];
	v42 =	vadd.f32 v42, v18;
	v36 =	vmul.f32 v45, v3  }
0xae: {  	(xrf2) =	vadd.scan.msk.f32 $0xffff, v46;
	v18 =	vld [tilespmem:s10+$0xF70];
	v45 =	vmul.f32 v59, v4;
	v59 =	vmul.f32 v47, v2;
	v46 =	vadd.f32 v33, v32  }
0xaf: {  	v47 =	vld [tilespmem:$0x1FEE0]  }
0xb0: {  	(xrf2) =	vadd.scan.msk.f32 $0xffff, v6;
	v22 =	vld [tilespmem:s10+$0xF50];
	v60 =	vmul.f32 v48, v1;
	v6 =	vadd.f32 v59, v46  }
0xb1: {  	v20 =	vadd.f32 v63, v20;
	v63 =	vmul.f32 v56, v1;
	v56 =	vmul.f32 v55, v2;
	v55 =	vld [tilespmem:$0x1FF30]  }
0xb2: {  	v6 =	vadd.f32 v60, v6;
	v60 =	vld [tilespmem:$0x1FF00]  }
0xb3: {  	v26 =	vadd.f32 v45, v36;
	v36 =	vld [tilespmem:$0x1FED0]  }
0xb4: {  	v27 =	vld [tilespmem:s10+$0x1040];
	v48 =	vmul.f32 v47, v3  }
0xb5: {  	v28 =	vld [tilespmem:s10+$0x1070];
	v46 =	vmul.f32 v50, v4;
	v50 =	vmul.f32 v53, v4  }
0xb6: {  	v30 =	vmul.f32 v43, v1;
	v31 =	vmul.f32 v61, v1;
	v61 =	vld [tilespmem:s10+$0xF60]  }
0xb7: {  	v26 =	vadd.f32 v62, v26;
	v47 =	vld [tilespmem:$0x1FF10];
	v59 =	vadd.f32 v50, v48;
	v62 =	vmul.f32 v60, v2  }
0xb8: {  	v43 =	vadd.f32 v30, v24;
	v24 =	vld [tilespmem:s10+$0xFE0]  }
0xb9: {  	v30 =	vadd.f32 v62, v59;
	v59 =	vld [tilespmem:$0x1FF40]  }
0xba: {  	v44 =	vadd.f32 v31, v20;
	v20 =	vld [tilespmem:s10+$0xFF0];
	v45 =	vmul.f32 v36, v3  }
0xbb: {  	v31 =	vld [tilespmem:s10+$0x10C0]  }
0xbc: {  	v53 =	vadd.f32 v46, v45;
	v50 =	vld [tilespmem:$0x1FF20]  }
0xbd: {  	v33 =	vld [tilespmem:s10+$0x10D0];
	v45 =	vadd.f32 v63, v26;
	v48 =	vmul.f32 v47, v1  }
0xbe: {  	v32 =	vld [tilespmem:s10+$0x10E0];
	v63 =	vadd.f32 v56, v53;
	v56 =	vmul.f32 v55, v3;
	v60 =	vmul.f32 v59, v4  }
0xbf: {  	v36 =	vld [tilespmem:s10+$0x1140]  }
0xc0: {  	v48 =	vadd.f32 v48, v63;
	v63 =	vmul.f32 v58, v4;
	v58, _, _ =	vpop (xrf2);
	v47 =	vadd.f32 v60, v56;
	v56 =	vld [tilespmem:$0x1FF50]  }
0xc1: {  	v26 =	vld [tilespmem:s10+$0x1060];
	v53 =	vmul.f32 v50, v1;
	v50 =	vbroadcast v58, $0xF  }
0xc2: {  	v58 =	vld [tilespmem:$0x1FF60];
	v62 =	vmul.f32 v57, v3  }
0xc3: {  	v35 =	vmul.f32 v35, v1;
	v54 =	vmul.f32 v54, v2;
	(xrf2) =	vadd.scan.msk.f32 $0xffff, v0;
	v50 =	vsel vm2, v40, v50;
	v40 =	vld [tilespmem:s10+$0x12F0]  }
0xc4: {  	v10 =	vmul.f32 v10, v4;
	v46 =	vadd.f32 v53, v30;
	v30 =	vld [tilespmem:s10+$0x10F0];
	v59 =	vadd.f32 v63, v62;
	v60, _, _ =	vpop (xrf2);
	(xrf2) =	vadd.scan.msk.f32 $0xffff, v19  }
0xc5: {  	v63 =	vmul.f32 v38, v1;
	v38 =	vld [tilespmem:s10+$0x1150];
	(xrf2) =	vadd.scan.msk.f32 $0xffff, v39;
	v57 =	vmul.f32 v56, v2  }
0xc6: {  	v51 =	vmul.f32 v51, v3;
	v9 =	vmul.f32 v9, v2;
	v0 =	vadd.f32 v54, v59;
	v54 =	vld [tilespmem:s10+$0x1170];
	(xrf2) =	vadd.scan.msk.f32 $0xffff, v42  }
0xc7: {  	v11 =	vmul.f32 v11, v2;
	v34 =	vmul.f32 v34, v1;
	v59 =	vld [tilespmem:$0x1FF70];
	(xrf2) =	vadd.scan.msk.f32 $0xffff, v43;
	v62 =	vadd.f32 v57, v47  }
0xc8: {  	v8 =	vmul.f32 v8, v3;
	v39 =	vld [tilespmem:s10+$0x11F0];
	v42 =	vmul.f32 v37, v4;
	(xrf2) =	vadd.scan.msk.f32 $0xffff, v44  }
0xc9: {  	v55 =	vmul.f32 v12, v4;
	v53 =	vmul.f32 v13, v3;
	(xrf2) =	vadd.scan.msk.f32 $0xffff, v6;
	v19 =	vadd.f32 v35, v62;
	v62 =	vld [tilespmem:$0x1FF80]  }
0xca: {  	v0 =	vadd.f32 v63, v0;
	v37 =	vld [tilespmem:s10+$0x1160];
	v56 =	vmul.f32 v49, v3;
	(xrf2) =	vadd.scan.msk.f32 $0xffff, v45;
	v35 =	vadd.f32 v42, v51  }
0xcb: {  	v43 =	vld [tilespmem:s10+$0x11E0];
	v49 =	vmul.f32 v41, v1;
	v47 =	vbroadcast v60, $0xF;
	v51 =	vadd.f32 v10, v8;
	(xrf2) =	vadd.scan.msk.f32 $0xffff, v48  }
0xcc: {  	v41 =	vld [tilespmem:s10+$0x1260];
	v8 =	vadd.f32 v55, v53;
	v10 =	vmul.f32 v58, v2;
	(xrf2) =	vadd.scan.msk.f32 $0xffff, v46;
	v9 =	vadd.f32 v9, v35  }
0xcd: {  	v44 =	vld [tilespmem:s10+$0x11D0];
	v57 =	vmul.f32 v52, v4;
	v60, _, _ =	vpop (xrf2);
	v6 =	vadd.f32 v11, v51;
	v11 =	vmul.f32 v59, v1  }
0xce: {  	s11 =	sadd.s32 $0x20, s21;
	v45 =	vld [tilespmem:s10+$0x1240];
	(xrf2) =	vadd.scan.msk.f32 $0xffff, v19;
	v8 =	vadd.f32 v10, v8;
	v63, _, _ =	vpop (xrf2);
	v9 =	vadd.f32 v34, v9;
	v10 =	vmul.f32 v62, v1  }
0xcf: {  	s16 =	sshll.u32 s11, $0x7;
	v5 =	vmul.f32 v5, v2;
	v42 =	vld [tilespmem:s10+$0x11C0];
	v12 =	vadd.f32 v57, v56;
	(xrf2) =	vadd.scan.msk.f32 $0xffff, v0;
	v48 =	vadd.f32 v11, v6;
	v52, _, _ =	vpop (xrf2)  }
0xd0: {  	s16 =	sand.u32 $0x3FFFFF00, s16;
	v53 =	vsel vm3, v50, v47;
	v47 =	vld [tilespmem:s10+$0x12C0];
	v51 =	vbroadcast v60, $0xF;
	v56, _, _ =	vpop (xrf2);
	(xrf2) =	vadd.scan.msk.f32 $0xffff, v9;
	v8 =	vadd.f32 v10, v8  }
0xd1: {  	v50 =	vld [tilespmem:s16+$0x360];
	v60, _, _ =	vpop (xrf2);
	(xrf2) =	vadd.scan.msk.f32 $0xffff, v48  }
0xd2: {  	v46 =	vld [tilespmem:s10+$0x1250];
	v5 =	vadd.f32 v5, v12;
	v55 =	vbroadcast v63, $0xF;
	v58 =	vsel vm4, v53, v51;
	v63, _, _ =	vpop (xrf2);
	(xrf2) =	vadd.scan.msk.f32 $0xffff, v8  }
0xd3: {  	v35 =	vld [tilespmem:s10+$0x1270];
	v59 =	vbroadcast v52, $0xF;
	v19, _, _ =	vpop (xrf2)  }
0xd4: {  	v57 =	vadd.f32 v49, v5;
	v49 =	vld [tilespmem:s10+$0x12D0];
	v5 =	vsel vm5, v58, v55;
	v62 =	vbroadcast v56, $0xF;
	v56, _, _ =	vpop (xrf2)  }
0xd5: {  	v51 =	vld [tilespmem:s16+$0x340];
	v12 =	vsel vm6, v5, v59;
	v13 =	vbroadcast v60, $0xF;
	v34 =	vbroadcast v63, $0xF;
	v58, _, _ =	vpop (xrf2)  }
0xd6: {  	v53 =	vld [tilespmem:s16+$0x350];
	v0 =	vsel vm7, v12, v62;
	v60, _, _ =	vpop (xrf2)  }
0xd7: {  	v0 =	vsel vm8, v0, v13;
	(xrf2) =	vadd.scan.msk.f32 $0xffff, v57;
	v57 =	vbroadcast v19, $0xF;
	v19 =	vbroadcast v60, $0xF;
	v60 =	vld [tilespmem:$0x1FF90]  }
0xd8: {  	v52 =	vld [tilespmem:s16+$0x370];
	v0 =	vsel vm9, v0, v34;
	v59 =	vbroadcast v56, $0xF;
	v63, _, _ =	vpop (xrf2)  }
0xd9: {  	v48 =	vld [tilespmem:s10+$0x12E0];
	v62 =	vbroadcast v58, $0xF;
	v0 =	vsel vm10, v0, v57;
	v34, _, _ =	vpop (xrf2)  }
0xda: {  	v12 =	vld [tilespmem:s10+$0x13C0];
	v0 =	vsel vm11, v0, v59;
	v55, _, _ =	vpop (xrf2)  }
0xdb: {  	v0 =	vsel vm12, v0, v62;
	v62 =	vld [tilespmem:$0x1FFA0];
	v58, _, _ =	vpop (xrf2)  }
0xdc: {  	v0 =	vsel vm13, v0, v19;
	v6 =	vmul.f32 v60, v3;
	v60 =	vld [tilespmem:$0x1FFD0];
	v59, _, _ =	vpop (xrf2)  }
0xdd: {  	v5 =	vsel vm14, v0, v63;
	v0 =	vbroadcast v59, $0xF;
	v59 =	vld [tilespmem:$0x1FFC0]  }
0xde: {  	v63 =	vbroadcast v58, $0xF;
	v58 =	vld [tilespmem:$0x1FFB0]  }
0xdf: {  	v13 =	vld [tilespmem:s10+$0x13D0];
	v56 =	vbroadcast v34, $0xF;
	v57 =	vbroadcast v55, $0xF  }
0xe0: {  	v34 =	vld [tilespmem:s10+$0x13F0]  }
0xe1: {  	v19 =	vld [tilespmem:s10+$0x13E0];
	v11 =	vmul.f32 v62, v4;
	v8 =	vsel vm0, v56, v57  }
0xe2: {  	v7 =	vmul.f32 v7, v4;
	v8 =	vsel vm1, v8, v63;
	v9 =	vmul.f32 v59, v3;
	v59 =	vld [tilespmem:$0x1FFE0]  }
0xe3: {  	v55 =	vld [tilespmem:s10+$0x1440];
	v6 =	vadd.f32 v11, v6;
	v62 =	vmul.f32 v60, v1;
	v11 =	vmul.f32 v58, v2  }
0xe4: {  	v56 =	vld [tilespmem:s10+$0x1450];
	v57, _, _ =	vpop (xrf2);
	v60 =	vmul.f32 v17, v4;
	v63 =	vadd.f32 v7, v9;
	v9 =	vmul.f32 v15, v3  }
0xe5: {  	v10 =	vbroadcast v57, $0xF;
	v57 =	vld [tilespmem:s10+$0x1460];
	v0 =	vsel vm2, v8, v0;
	v8 =	vadd.f32 v11, v6  }
0xe6: {  	v17 =	vld [tilespmem:s10+$0x14E0];
	v9 =	vadd.f32 v60, v9;
	v60 =	vmul.f32 v14, v2  }
0xe7: {  	v8 =	vadd.f32 v62, v8;
	v62 =	vmul.f32 v22, v4;
	v22 =	vld [tilespmem:s10+$0x1540];
	v7 =	vmul.f32 v59, v2  }
0xe8: {  	v16 =	vmul.f32 v16, v1;
	v23 =	vmul.f32 v23, v3;
	v9 =	vadd.f32 v60, v9;
	v60 =	vld [tilespmem:s10+$0x1550]  }
0xe9: {  	v25 =	vmul.f32 v25, v4;
	v6 =	vsel vm3, v0, v10;
	v0 =	vadd.f32 v7, v63;
	v63 =	vld [tilespmem:$0x1FFF0]  }
0xea: {  	v28 =	vmul.f32 v28, v1;
	v20 =	vmul.f32 v20, v1;
	v58 =	vld [tilespmem:s10+$0x1470]  }
0xeb: {  	v11 =	vmul.f32 v61, v2;
	v61 =	vmul.f32 v18, v1;
	v18 =	vld [tilespmem:s10+$0x1560]  }
0xec: {  	v40 =	vmul.f32 v40, v1;
	v15 =	vld [tilespmem:s10+$0x14D0];
	v7 =	vmul.f32 v21, v3  }
0xed: {  	v14 =	vld [tilespmem:s10+$0x14F0];
	v22 =	vmul.f32 v22, v3;
	v60 =	vmul.f32 v60, v4  }
0xee: {  	v39 =	vmul.f32 v39, v1;
	v59 =	vld [tilespmem:s10+$0x14C0];
	v7 =	vadd.f32 v62, v7;
	v21 =	vmul.f32 v63, v1  }
0xef: {  	v62 =	vadd.f32 v25, v23;
	v63 =	vmul.f32 v24, v2;
	v24 =	vld [tilespmem:s10+$0x15C0];
	v22 =	vadd.f32 v60, v22  }
0xf0: {  	v18 =	vmul.f32 v18, v2;
	v10 =	vadd.f32 v21, v0;
	v0 =	vadd.f32 v11, v7;
	v21 =	vld [tilespmem:s10+$0x1570]  }
0xf1: {  	v11 =	vadd.f32 v63, v62;
	v63 =	vmul.f32 v33, v4;
	v33 =	vmul.f32 v26, v2;
	v26 =	vld [tilespmem:s10+$0x15E0]  }
0xf2: {  	v44 =	vmul.f32 v44, v4;
	v62 =	vmul.f32 v31, v3;
	v31 =	vld [tilespmem:s10+$0x1660]  }
0xf3: {  	v45 =	vmul.f32 v45, v3;
	v42 =	vmul.f32 v42, v3;
	v18 =	vadd.f32 v18, v22;
	v22 =	vld [tilespmem:s10+$0x18E0]  }
0xf4: {  	v12 =	vmul.f32 v12, v3;
	v7 =	vadd.f32 v61, v0;
	v0 =	vmul.f32 v27, v3;
	v27 =	vld [tilespmem:s10+$0x15D0]  }
0xf5: {  	v13 =	vmul.f32 v13, v4;
	v9 =	vadd.f32 v16, v9;
	v61 =	vmul.f32 v29, v4;
	v29 =	vld [tilespmem:s10+$0x15F0]  }
0xf6: {  	v16 =	vadd.f32 v63, v62;
	v62 =	vmul.f32 v36, v3;
	v36 =	vmul.f32 v30, v1;
	v30 =	vld [tilespmem:s10+$0x1650]  }
0xf7: {  	v63 =	vmul.f32 v38, v4;
	v38 =	vmul.f32 v37, v2;
	v37 =	vld [tilespmem:s10+$0x16C0]  }
0xf8: {  	v15 =	vmul.f32 v15, v4;
	v0 =	vadd.f32 v61, v0;
	v61 =	vmul.f32 v32, v2;
	v32 =	vld [tilespmem:s10+$0x1640]  }
0xf9: {  	v59 =	vmul.f32 v59, v3;
	v23 =	vadd.f32 v63, v62;
	v62 =	vmul.f32 v47, v3;
	v47 =	vld [tilespmem:s10+$0x1840]  }
0xfa: {  	v63 =	vmul.f32 v49, v4;
	v49 =	vmul.f32 v48, v2;
	v48 =	vld [tilespmem:s10+$0x1850]  }
0xfb: {  	v12 =	vadd.f32 v13, v12;
	v13 =	vadd.f32 v15, v59;
	v59 =	vmul.f32 v31, v2;
	v31 =	vld [tilespmem:s10+$0x1960]  }
0xfc: {  	v46 =	vmul.f32 v46, v4;
	v35 =	vmul.f32 v35, v1;
	v0 =	vadd.f32 v33, v0;
	v33 =	vld [tilespmem:s10+$0x1670]  }
0xfd: {  	v57 =	vmul.f32 v57, v2;
	v16 =	vadd.f32 v61, v16;
	v61 =	vmul.f32 v41, v2;
	v41 =	vld [tilespmem:s10+$0x16E0]  }
0xfe: {  	v25 =	vadd.f32 v63, v62;
	v63 =	vmul.f32 v52, v1;
	v52 =	vmul.f32 v19, v2;
	v19 =	vld [tilespmem:s10+$0x17D0]  }
0xff: {  	v20 =	vadd.f32 v20, v11;
	v23 =	vadd.f32 v38, v23;
	v62 =	vmul.f32 v50, v2;
	v50 =	vld [tilespmem:s10+$0x1860]  }
0x100: {  	v38 =	vmul.f32 v54, v1;
	v54 =	vmul.f32 v43, v2;
	v43 =	vld [tilespmem:s10+$0x18C0];
	v11 =	vadd.f32 v28, v0  }
0x101: {  	v14 =	vmul.f32 v14, v1;
	v0 =	vadd.f32 v36, v16;
	v16 =	vadd.f32 v44, v42;
	v42 =	vld [tilespmem:s10+$0x16D0]  }
0x102: {  	v21 =	vmul.f32 v21, v1;
	v29 =	vmul.f32 v29, v1;
	v28 =	vadd.f32 v46, v45;
	v44 =	vld [tilespmem:s10+$0x16F0]  }
0x103: {  	v36 =	vld [tilespmem:s10+$0x1740];
	v12 =	vadd.f32 v52, v12;
	v52 =	vmul.f32 v27, v4;
	v16 =	vadd.f32 v54, v16  }
0x104: {  	v45 =	vld [tilespmem:s10+$0x1760];
	v28 =	vadd.f32 v61, v28;
	v54 =	vmul.f32 v51, v3;
	v61 =	vmul.f32 v53, v4  }
0x105: {  	v23 =	vadd.f32 v38, v23;
	v38 =	vld [tilespmem:s10+$0x1770];
	v53 =	vmul.f32 v55, v3;
	v55 =	vmul.f32 v34, v1  }
0x106: {  	v18 =	vadd.f32 v21, v18;
	v46 =	vld [tilespmem:s10+$0x17C0];
	v51 =	vmul.f32 v47, v3;
	v47 =	vmul.f32 v31, v2  }
0x107: {  	v25 =	vadd.f32 v49, v25;
	v49 =	vld [tilespmem:s10+$0x17E0];
	v33 =	vmul.f32 v33, v1;
	v60 =	vmul.f32 v41, v2  }
0x108: {  	v27 =	vld [tilespmem:s10+$0x18D0];
	v28 =	vadd.f32 v35, v28;
	v35 =	vadd.f32 v61, v54;
	v54 =	vmul.f32 v56, v4  }
0x109: {  	v34 =	vld [tilespmem:s10+$0x17F0];
	v16 =	vadd.f32 v39, v16;
	v12 =	vadd.f32 v55, v12;
	v61 =	vmul.f32 v58, v1  }
0x10a: {  	v39 =	vld [tilespmem:s10+$0x1750];
	v55 =	vmul.f32 v32, v3;
	v35 =	vadd.f32 v62, v35;
	v56 =	vadd.f32 v54, v53  }
0x10b: {  	v25 =	vadd.f32 v40, v25;
	v41 =	vld [tilespmem:s10+$0x1970];
	v58 =	vmul.f32 v42, v4;
	v62 =	vmul.f32 v17, v2  }
0x10c: {  	v17 =	vld [tilespmem:s10+$0x1870];
	v54 =	vmul.f32 v26, v2;
	v35 =	vadd.f32 v63, v35;
	v40 =	vadd.f32 v57, v56  }
0x10d: {  	v26 =	vld [tilespmem:s10+$0x19E0];
	v13 =	vadd.f32 v62, v13;
	v63 =	vmul.f32 v24, v3;
	v56 =	vmul.f32 v30, v4  }
0x10e: {  	v24 =	vld [tilespmem:s10+$0x18F0];
	v57 =	vmul.f32 v37, v3;
	v62 =	vmul.f32 v36, v3;
	v40 =	vadd.f32 v61, v40  }
0x10f: {  	v30 =	vld [tilespmem:s10+$0x1940];
	v53 =	vadd.f32 v52, v63;
	v63 =	vmul.f32 v39, v4;
	v39 =	vmul.f32 v44, v1  }
0x110: {  	(xrf2) =	vadd.scan.msk.f32 $0xffff, v8;
	v37 =	vld [tilespmem:s10+$0x1950];
	v13 =	vadd.f32 v14, v13;
	v44 =	vmul.f32 v45, v2;
	v45 =	vmul.f32 v46, v3  }
0x111: {  	(xrf2) =	vadd.scan.msk.f32 $0xffff, v10;
	v36 =	vld [tilespmem:s10+$0x19C0];
	v21 =	vadd.f32 v56, v55;
	v46 =	vmul.f32 v19, v4;
	v52 =	vmul.f32 v48, v4  }
0x112: {  	s16 =	sadd.s32 $0x30, s21;
	(xrf2) =	vadd.scan.msk.f32 $0xffff, v9;
	v15 =	vadd.f32 v58, v57;
	v19 =	vld [tilespmem:s10+$0x19F0];
	v55 =	vmul.f32 v49, v2;
	v57 =	vmul.f32 v34, v1  }
0x113: {  	s23 =	sshll.u32 s16, $0x7;
	(xrf2) =	vadd.scan.msk.f32 $0xffff, v7;
	v56 =	vld [tilespmem:s10+$0x1A50];
	v58 =	vmul.f32 v50, v2;
	v49 =	vmul.f32 v41, v1;
	v14 =	vadd.f32 v54, v53  }
0x114: {  	s23 =	sand.u32 $0x3FFFFF00, s23;
	(xrf2) =	vadd.scan.msk.f32 $0xffff, v20;
	v34 =	vld [tilespmem:s10+$0x1A60];
	v26 =	vmul.f32 v26, v2;
	v61 =	vadd.f32 v59, v21;
	v32 =	vadd.f32 v60, v15  }
0x115: {  	(xrf2) =	vadd.scan.msk.f32 $0xffff, v11;
	v48 =	vld [tilespmem:s23+$0x340];
	v42 =	vadd.f32 v63, v62;
	v54 =	vmul.f32 v38, v1;
	v20 =	vadd.f32 v52, v51  }
0x116: {  	(xrf2) =	vadd.scan.msk.f32 $0xffff, v0;
	v53 =	vld [tilespmem:s10+$0x1A40];
	v59 =	vmul.f32 v43, v3;
	v60 =	vmul.f32 v27, v4;
	v10 =	vadd.f32 v29, v14  }
0x117: {  	(xrf2) =	vadd.scan.msk.f32 $0xffff, v23;
	v62 =	vmul.f32 v17, v1;
	v63 =	vld [tilespmem:s10+$0x1AC0];
	v8 =	vadd.f32 v33, v61;
	v7 =	vadd.f32 v39, v32  }
0x118: {  	(xrf2) =	vadd.scan.msk.f32 $0xffff, v16;
	v38 =	vmul.f32 v22, v2;
	v29 =	vld [tilespmem:s10+$0x19D0];
	v9 =	vadd.f32 v44, v42;
	v14 =	vadd.f32 v46, v45  }
0x119: {  	(xrf2) =	vadd.scan.msk.f32 $0xffff, v28;
	v43 =	vld [tilespmem:s10+$0x1AE0];
	v61 =	vadd.f32 v58, v20;
	v39 =	vmul.f32 v30, v3;
	v42 =	vmul.f32 v37, v4  }
0x11a: {  	v50 =	vld [tilespmem:s23+$0x350];
	v28 =	vadd.f32 v60, v59;
	v21, _, _ =	vpop (xrf2);
	(xrf2) =	vadd.scan.msk.f32 $0xffff, v25;
	v44 =	vmul.f32 v36, v3;
	v46 =	vmul.f32 v24, v1  }
0x11b: {  	v27 =	vld [tilespmem:s10+$0x1A70];
	v25, _, _ =	vpop (xrf2);
	(xrf2) =	vadd.scan.msk.f32 $0xffff, v35;
	v60 =	vmul.f32 v34, v2;
	v16 =	vadd.f32 v42, v39;
	v42 =	vmul.f32 v48, v3  }
0x11c: {  	v20 =	vld [tilespmem:s10+$0x1AD0];
	v14 =	vadd.f32 v55, v14;
	v30, _, _ =	vpop (xrf2);
	(xrf2) =	vadd.scan.msk.f32 $0xffff, v12;
	v52 =	vmul.f32 v53, v3;
	v53 =	vmul.f32 v56, v4  }
0x11d: {  	v35 =	vld [tilespmem:s10+$0x1BE0];
	v9 =	vadd.f32 v54, v9;
	v31, _, _ =	vpop (xrf2);
	(xrf2) =	vadd.scan.msk.f32 $0xffff, v40;
	v56 =	vmul.f32 v19, v1;
	v45 =	vmul.f32 v29, v4  }
0x11e: {  	v11 =	vadd.f32 v62, v61;
	v54 =	vld [tilespmem:s10+$0x1BC0];
	v63 =	vmul.f32 v63, v3;
	v39 =	vmul.f32 v43, v2;
	v36, _, _ =	vpop (xrf2);
	(xrf2) =	vadd.scan.msk.f32 $0xffff, v13  }
0x11f: {  	v43 =	vmul.f32 v50, v4;
	v0 =	vadd.f32 v57, v14;
	v57 =	vld [tilespmem:s10+$0x1BD0];
	v33, _, _ =	vpop (xrf2);
	(xrf2) =	vadd.scan.msk.f32 $0xffff, v18;
	v15 =	vadd.f32 v45, v44  }
0x120: {  	v61 =	vld [tilespmem:s23+$0x360];
	v14 =	vadd.f32 v38, v28;
	v51 =	vadd.f32 v47, v16;
	v38 =	vmul.f32 v27, v1;
	v19, _, _ =	vpop (xrf2);
	(xrf2) =	vadd.scan.msk.f32 $0xffff, v10  }
0x121: {  	v29 =	vld [tilespmem:s10+$0x1AF0];
	v59 =	vadd.f32 v53, v52;
	v34 =	vmul.f32 v20, v4;
	v55 =	vadd.f32 v26, v15;
	v26, _, _ =	vpop (xrf2);
	(xrf2) =	vadd.scan.msk.f32 $0xffff, v8  }
0x122: {  	v40 =	vld [tilespmem:s23+$0x370];
	v47 =	vadd.f32 v43, v42;
	v52 =	vbroadcast v21, $0xF;
	v12 =	vadd.f32 v46, v14;
	v20, _, _ =	vpop (xrf2);
	(xrf2) =	vadd.scan.msk.f32 $0xffff, v7  }
0x123: {  	v13 =	vbroadcast v36, $0xF;
	v58 =	vadd.f32 v49, v51;
	v37 =	vadd.f32 v60, v59;
	v44 =	vld [tilespmem:s10+$0x1BF0];
	v27, _, _ =	vpop (xrf2);
	(xrf2) =	vadd.scan.msk.f32 $0xffff, v9  }
0x124: {  	v41 =	vadd.f32 v34, v63;
	v3 =	vmul.f32 v54, v3;
	v4 =	vmul.f32 v57, v4;
	v28, _, _ =	vpop (xrf2);
	(xrf2) =	vadd.scan.msk.f32 $0xffff, v0  }
0x125: {  	v48 =	vmul.f32 v61, v2;
	v2 =	vmul.f32 v35, v2;
	v62 =	vadd.f32 v56, v55;
	v46, _, _ =	vpop (xrf2);
	(xrf2) =	vadd.scan.msk.f32 $0xffff, v11  }
0x126: {  	v50 =	vmul.f32 v29, v1;
	v9 =	vadd.f32 v39, v41;
	v3 =	vadd.f32 v4, v3;
	v49, _, _ =	vpop (xrf2);
	(xrf2) =	vadd.scan.msk.f32 $0xffff, v12  }
0x127: {  	v53 =	vmul.f32 v40, v1;
	v45 =	vadd.f32 v38, v37;
	v11 =	vadd.f32 v48, v47;
	v51, _, _ =	vpop (xrf2);
	(xrf2) =	vadd.scan.msk.f32 $0xffff, v58  }
0x128: {  	v1 =	vmul.f32 v44, v1;
	v4 =	vadd.f32 v50, v9;
	v2 =	vadd.f32 v2, v3;
	v54, _, _ =	vpop (xrf2);
	(xrf2) =	vadd.scan.msk.f32 $0xffff, v62  }
0x129: {  	v60 =	vbroadcast v30, $0xF;
	v61 =	vbroadcast v31, $0xF;
	v58 =	vadd.f32 v53, v11;
	v56, _, _ =	vpop (xrf2);
	(xrf2) =	vadd.scan.msk.f32 $0xffff, v45  }
0x12a: {  	v32 =	vbroadcast v19, $0xF;
	v57 =	vbroadcast v25, $0xF;
	v1 =	vadd.f32 v1, v2;
	v59, _, _ =	vpop (xrf2);
	(xrf2) =	vadd.scan.msk.f32 $0xffff, v4  }
0x12b: {  	v29 =	vbroadcast v33, $0xF;
	v37 =	vbroadcast v26, $0xF;
	v62, _, _ =	vpop (xrf2);
	(xrf2) =	vadd.scan.msk.f32 $0xffff, v58  }
0x12c: {  	v55 =	vsel vm4, v6, v52;
	v7 =	vbroadcast v46, $0xF;
	v63 =	vbroadcast v49, $0xF;
	v16, _, _ =	vpop (xrf2);
	(xrf2) =	vadd.scan.msk.f32 $0xffff, v1  }
0x12d: {  	v40 =	vbroadcast v20, $0xF;
	v0 =	vsel vm5, v55, v57;
	v14 =	vbroadcast v51, $0xF;
	v17, _, _ =	vpop (xrf2)  }
0x12e: {  	v0 =	vsel vm6, v0, v60;
	v18 =	vsel vm0, v7, v63;
	v21 =	vbroadcast v54, $0xF;
	v22, _, _ =	vpop (xrf2)  }
0x12f: {  	v0 =	vsel vm7, v0, v61;
	v23 =	vsel vm1, v18, v14;
	v24 =	vbroadcast v56, $0xF;
	v25, _, _ =	vpop (xrf2)  }
0x130: {  	v46 =	vbroadcast v27, $0xF;
	v2 =	vsel vm2, v23, v21;
	v30 =	vbroadcast v59, $0xF;
	v31, _, _ =	vpop (xrf2)  }
0x131: {  	v0 =	vsel vm8, v0, v13;
	v2 =	vsel vm3, v2, v24;
	v3 =	vbroadcast v62, $0xF;
	v33, _, _ =	vpop (xrf2)  }
0x132: {  	v0 =	vsel vm9, v0, v29;
	v2 =	vsel vm4, v2, v30;
	v34 =	vbroadcast v16, $0xF;
	v35, _, _ =	vpop (xrf2)  }
0x133: {  	v0 =	vsel vm10, v0, v32;
	v2 =	vsel vm5, v2, v3;
	v1 =	vbroadcast v17, $0xF;
	v36, _, _ =	vpop (xrf2)  }
0x134: {  	v0 =	vsel vm11, v0, v37;
	v2 =	vsel vm6, v2, v34;
	v38 =	vbroadcast v22, $0xF;
	v39, _, _ =	vpop (xrf2)  }
0x135: {  	v0 =	vsel vm12, v0, v40;
	v1 =	vsel vm7, v2, v1;
	v41 =	vbroadcast v25, $0xF;
	v42, _, _ =	vpop (xrf2)  }
0x136: {  	v1 =	vsel vm8, v1, v38;
	v43 =	vbroadcast v31, $0xF;
	v44 =	vbroadcast v42, $0xF;
	v45, _, _ =	vpop (xrf2)  }
0x137: {  	v1 =	vsel vm9, v1, v41;
	v4 =	vbroadcast v33, $0xF;
	v6 =	vbroadcast v45, $0xF  }
0x138: {  	v1 =	vsel vm10, v1, v43;
	v47 =	vbroadcast v35, $0xF;
	v2 =	vnsel vm0, $0x0, v44  }
0x139: {  	v1 =	vsel vm11, v1, v4;
	v3 =	vbroadcast v36, $0xF;
	v2 =	vsel vm15, v2, v6  }
0x13a: {  	v0 =	vsel vm13, v0, v46;
	v1 =	vsel vm12, v1, v47;
	v48 =	vnsel vm1, $0xFF800000, v2  }
0x13b: {  	v0 =	vsel vm14, v0, v28;
	v1 =	vsel vm13, v1, v3;
	v49 =	vmax.f32 v48, v5  }
0x13c: {  	v1 =	vsel vm14, v1, v39;
	v3 =	vmax.f32 v49, v0  }
0x13d: {  	v3 =	vmax.f32 v3, v1  }
0x13e: {  	(xrf0) =	vmax.scan.msk.f32 $0xffff, v3;
	_ =	sdelay $0x5  }
0x13f: {  	v3, _, _ =	vpop (xrf0)  }
0x140: {  	v3 =	vbroadcast v3, $0xF;
	_ =	sdelay $0x1  }
0x141: {  	v50 =	vsub.f32 v5, v3  }
0x142: {  	v51 =	vsub.f32 v0, v3  }
0x143: {  	v4 =	vmul.f32 $1.442695020e+00, v50  }
0x144: {  	v52 =	vsub.f32 v1, v3;
	v6 =	vmul.f32 $1.442695020e+00, v51  }
0x145: {  	v3 =	vsub.f32 v2, v3;
	(erf) = vpow2.f32 v4  }
0x146: {  	v53 =	vmul.f32 $1.442695020e+00, v52;
	(erf) = vpow2.f32 v6  }
0x147: {  	v3 =	vmul.f32 $1.442695020e+00, v3  }
0x148: {  	(erf) = vpow2.f32 v53  }
0x149: {  	(erf) = vpow2.f32 v3;
	_ =	sdelay $0x4  }
0x14a: {  	v54 =	vpop (erf)  }
0x14b: {  	v55 =	vpop (erf)  }
0x14c: {  	v56 =	vadd.f32 v55, v54  }
0x14d: {  	v57 =	vpop (erf)  }
0x14e: {  	v58 =	vpop (erf);
	v6 =	vadd.f32 v56, v57  }
0x14f: {  	v8 =	vnsel vm1, $0x0, v58  }
0x150: {  	v6 =	vadd.f32 v6, v8;
	_ =	sdelay $0x1  }
0x151: {  	(xrf2) =	vadd.scan.msk.f32 $0xffff, v6;
	_ =	sdelay $0x9  }
0x152: {  	v6, _, _ =	vpop (xrf2)  }
0x153: {  	v6 =	vadd.f32 $0.0e+00, v6;
	_ =	sdelay $0x1  }
0x154: {  	v6 =	vbroadcast v6, $0xF;
	_ =	sdelay $0x1  }
0x155: {  	(erf) = vrcp.f32 v6;
	_ =	sdelay $0x8  }
0x156: {  	v6 =	vpop (erf)  }
0x157: {  	v3 =	vmul.f32 v6, v54  }
0x158: {  	s9 =	sand.u32 $0x3F8, s9;
	s23 =	sand.u32 $0x6, s21;
	[tilespmem:s21+$0x19740] =	vst v5;
	v59 =	vlaneseq.u32  }
0x159: {  	s9 =	sor.u32 s23, s9;
	v61 =	vadd.s32 s16, v59;
	v60 =	vmul.f32 v6, v55;
	[tilespmem:s21+$0x198D0] =	vst v3  }
0x15a: {  	p0 =	sne.s32 s20, $0x7;
	s11 =	sand.u32 $0x3F8, s11;
	[tilespmem:s9+$0x19740] =	vst v0  }
.Ltmp0:
0x15b: {  	s23 =	sor.u32 s23, s11;
	v62 =	vmul.f32 v6, v57;
	[tilespmem:s9+$0x198D0] =	vst v60;
	(pc) =	sbr.rel @p0 .LBB2_3-.Ltmp0, $4  }
0x15c: {  	[tilespmem:s23+$0x19740] =	vst v1  }
0x15d: {  	v63 =	vmul.f32 v6, v8;
	[tilespmem:s23+$0x198D0] =	vst v62  }
0x15e: {  	[tilespmem:v61+s3+$0x0] =	vst.idx.msk $0x3, v2  }
0x15f: {  	s20 =	sadd.s32 $0x1, s20;
	[tilespmem:v61+s14+$0x0] =	vst.idx.msk $0x3, v63  }
0x160: {  	s9 =	smul.u32 $0x32, s19;
	_ =	sdelay $0x1  }
0x161: {  	s10 =	sadd.s32 s2, s9  }
0x162: {  	[hbm4b:s10+s4] =	stream.linear.scatter [tilespmem:s3], [sflag:$0x3], $0x190, $0x38;
	[tilespmem:$0x19A60] =	vst v63  }
0x163: {  	_ =	swait.ge [sflag:s12], $0x190  }
0x164: {  	[sflag:s12] =	ssyncset.done $0x0  }
0x165: {  	p0 =	seq.s32 s17, $0x7;
	s9 =	sadd.s32 s7, s9;
	[sflag:s12] =	ssyncadd.s32 $0xFFFFFE70  }
0x166: {  	[hbm4b:s9+s4] =	stream.linear.scatter [tilespmem:s14], [sflag:$0x3], $0x190, $0x38;
	[tilespmem:$0x19A60] =	vst v63  }
0x167: {  	s9 =	sadd.s32 @!p0 $0x2, s19  }
0x168: {  	_ =	swait.ge [sflag:s12], $0x190;
	s10 =	smul.u32 @!p0 $0x34, s9  }
0x169: {  	[sflag:s12] =	ssyncset.done $0x0  }
0x16a: {  	s11 =	simm.s32 @!p0 $0x0;
	[sflag:s12] =	ssyncadd.s32 $0xFFFFFE70;
	s10 =	sadd.s32 @!p0 s1, s10  }
0x16b: {  	[tilespmem:s11], [sflag:$0x3] =	stream.linear.gather @!p0 [hbm4b:s10+s11], $0x1A0, $0x38;
	[tilespmem:$0x19A60] =	vst v63  }
0x16c: {  	s10 =	simm.s32 @!p0 $0x3  }
0x16d: {  	_ =	swait.ge @!p0 [sflag:s10], $0x1A0  }
0x16e: {  	[sflag:s10] =	ssyncset.done @!p0 $0x0  }
0x16f: {  	s16 =	simm.s32 @!p0 $0x64;
	s19 =	simm.s32 @!p0 $0x340;
	[sflag:s10] =	ssyncadd.s32 @!p0 $0xFFFFFE60  }
0x170: {  	[tilespmem:s19], [sflag:$0x1] =	stream.indirect.gather @!p0 [hbm4b:s6+s16], $0x80, s11, s16, $0xb8;
	[tilespmem:$0x19A60] =	vst v63  }
0x171: {  	s20 =	simm.s32 @!p0 $0x3540;
	s19 =	simm.s32 @!p0 $0x68  }
0x172: {  	[tilespmem:s20], [sflag:$0x1] =	stream.indirect.gather @!p0 [hbm4b:s6+s16], $0x80, s19, s16, $0xb8;
	[tilespmem:$0x19A60] =	vst v63  }
0x173: {  	s9 =	sshll.u32 @!p0 s9, $0x6;
	s19 =	simm.s32 @!p0 $0xD0;
	s20 =	simm.s32 @!p0 $0x6740  }
0x174: {  	[tilespmem:s20], [sflag:$0x1] =	stream.indirect.gather @!p0 [hbm4b:s6+s16], $0x80, s19, s16, $0xb8;
	[tilespmem:$0x19A60] =	vst v63  }
0x175: {  	s9 =	sand.u32 @!p0 $0x1FFFFF80, s9;
	s19 =	simm.s32 @!p0 $0x138;
	s20 =	simm.s32 @!p0 $0x9940  }
0x176: {  	[tilespmem:s20], [sflag:$0x1] =	stream.indirect.gather @!p0 [hbm4b:s6+s16], $0x80, s19, s16, $0xb8;
	[tilespmem:$0x19A60] =	vst v63  }
0x177: {  	s9 =	sadd.s32 @!p0 s5, s9;
	s16 =	simm.s32 @!p0 $0x19340  }
0x178: {  	[tilespmem:s16], [sflag:$0x3] =	stream.linear.gather @!p0 [hbm4b:s9+s11], $0x200, $0x38;
	[tilespmem:$0x19A60] =	vst v63  }
0x179: {  	_ =	swait.ge @!p0 [sflag:s10], $0x200  }
0x17a: {  	[sflag:s10] =	ssyncset.done @!p0 $0x0  }
0x17b: {  	[sflag:s10] =	ssyncadd.s32 @!p0 $0xFFFFFE00  }
0x17c: {  	_ =	swait.ge [sflag:s15], $0x3200  }
0x17d: {  	[sflag:s15] =	ssyncset.done $0x0  }
0x17e: {  	[sflag:s15] =	ssyncadd.s32 $0xFFFFCE00  }
0x17f: {  	_ =	swait.ge [sflag:s15], $0x3200  }
0x180: {  	[sflag:s15] =	ssyncset.done $0x0  }
0x181: {  	[sflag:s15] =	ssyncadd.s32 $0xFFFFCE00  }
0x182: {  	_ =	swait.ge [sflag:s15], $0x3200  }
0x183: {  	[sflag:s15] =	ssyncset.done $0x0  }
0x184: {  	[sflag:s15] =	ssyncadd.s32 $0xFFFFCE00  }
0x185: {  	_ =	swait.ge [sflag:s15], $0x3200  }
0x186: {  	[sflag:s15] =	ssyncset.done $0x0  }
0x187: {  	s19 =	simm.s32 $0x0;
	[sflag:s15] =	ssyncadd.s32 $0xFFFFCE00  }
.LBB2_5:
0x188: {  	s9 =	sshll.u32 s19, $0x6  }
0x189: {  	s9 =	sand.u32 $0x3FFFFFC0, s9  }
0x18a: {  	v3 =	vld [tilespmem:s9+$0x19540]  }
0x18b: {  	s10 =	smul.u32 $0x6400, s19;
	v4 =	vld [tilespmem:s9+$0x19550]  }
0x18c: {  	v2 =	vld [tilespmem:s9+$0x19560]  }
0x18d: {  	v1 =	vld [tilespmem:s9+$0x19570];
	s10 =	sshra.s32 s10, $0x2  }
0x18e: {  	v5 =	vld [tilespmem:s10+$0xCB40]  }
0x18f: {  	v6 =	vld [tilespmem:s10+$0xCB50]  }
0x190: {  	v8 =	vld [tilespmem:s10+$0xCB60]  }
0x191: {  	v9 =	vld [tilespmem:s10+$0xCB70]  }
0x192: {  	v10 =	vld [tilespmem:s10+$0xCBC0]  }
0x193: {  	v11 =	vld [tilespmem:s10+$0xCBD0]  }
0x194: {  	v12 =	vld [tilespmem:s10+$0xCBE0]  }
0x195: {  	v13 =	vld [tilespmem:s10+$0xCBF0]  }
0x196: {  	v34 =	vld [tilespmem:s10+$0xCC40]  }
0x197: {  	v35 =	vld [tilespmem:s10+$0xCC50]  }
0x198: {  	v37 =	vld [tilespmem:s10+$0xCC60]  }
0x199: {  	v38 =	vld [tilespmem:s10+$0xCC70]  }
0x19a: {  	v40 =	vld [tilespmem:s10+$0xCCC0]  }
0x19b: {  	v41 =	vld [tilespmem:s10+$0xCCD0]  }
0x19c: {  	v46 =	vld [tilespmem:s10+$0xCCE0]  }
0x19d: {  	v15 =	vld [tilespmem:s10+$0xCCF0]  }
0x19e: {  	v49 =	vld [tilespmem:s10+$0xCD40]  }
0x19f: {  	v52 =	vld [tilespmem:s10+$0xCD50]  }
0x1a0: {  	v14 =	vld [tilespmem:s10+$0xCD60]  }
0x1a1: {  	v16 =	vld [tilespmem:s10+$0xCD70]  }
0x1a2: {  	v19 =	vld [tilespmem:s10+$0xCDC0]  }
0x1a3: {  	v20 =	vld [tilespmem:s10+$0xCDD0]  }
0x1a4: {  	v23 =	vld [tilespmem:s10+$0xCDE0]  }
0x1a5: {  	v24 =	vld [tilespmem:s10+$0xCDF0]  }
0x1a6: {  	v17 =	vld [tilespmem:s10+$0xCE40]  }
0x1a7: {  	v18 =	vld [tilespmem:s10+$0xCE50]  }
0x1a8: {  	v21 =	vld [tilespmem:s10+$0xCE60]  }
0x1a9: {  	v22 =	vld [tilespmem:s10+$0xCE70]  }
0x1aa: {  	v27 =	vld [tilespmem:s10+$0xCEC0]  }
0x1ab: {  	v28 =	vld [tilespmem:s10+$0xCED0]  }
0x1ac: {  	v30 =	vld [tilespmem:s10+$0xCEE0]  }
0x1ad: {  	v39 =	vld [tilespmem:s10+$0xCEF0]  }
0x1ae: {  	v25 =	vld [tilespmem:s10+$0xCF40]  }
0x1af: {  	v26 =	vld [tilespmem:s10+$0xCF50]  }
0x1b0: {  	v29 =	vld [tilespmem:s10+$0xCF60]  }
0x1b1: {  	v42 =	vld [tilespmem:s10+$0xCF70]  }
0x1b2: {  	v31 =	vld [tilespmem:s10+$0xCFC0]  }
0x1b3: {  	v33 =	vld [tilespmem:s10+$0xCFD0]  }
0x1b4: {  	v36 =	vld [tilespmem:s10+$0xCFE0]  }
0x1b5: {  	v43 =	vld [tilespmem:s10+$0xCFF0]  }
0x1b6: {  	v63 =	vld [tilespmem:s10+$0xD040]  }
0x1b7: {  	v32 =	vld [tilespmem:s10+$0xD050]  }
0x1b8: {  	v62 =	vld [tilespmem:s10+$0xD060]  }
0x1b9: {  	v61 =	vld [tilespmem:s10+$0xD070]  }
0x1ba: {  	v44 =	vld [tilespmem:s10+$0xD0C0]  }
0x1bb: {  	v60 =	vld [tilespmem:s10+$0xD0D0]  }
0x1bc: {  	v47 =	vld [tilespmem:s10+$0xD0E0]  }
0x1bd: {  	v48 =	vld [tilespmem:s10+$0xD0F0]  }
0x1be: {  	v45 =	vld [tilespmem:s10+$0xD140]  }
0x1bf: {  	v59 =	vld [tilespmem:s10+$0xD150]  }
0x1c0: {  	v55 =	vld [tilespmem:s10+$0xD160]  }
0x1c1: {  	v56 =	vld [tilespmem:s10+$0xD170]  }
0x1c2: {  	v0 =	vld [tilespmem:s10+$0xD1C0]  }
0x1c3: {  	v50 =	vld [tilespmem:s10+$0xD1D0]  }
0x1c4: {  	v7 =	vld [tilespmem:s10+$0xD1E0]  }
0x1c5: {  	v53 =	vld [tilespmem:s10+$0xD240]  }
0x1c6: {  	v51 =	vld [tilespmem:s10+$0xD1F0]  }
0x1c7: {  	v54 =	vld [tilespmem:s10+$0xD260]  }
0x1c8: {  	v57 =	vld [tilespmem:s10+$0xD270]  }
0x1c9: {  	s20 =	smul.u32 $0x32, s19;
	v58 =	vld [tilespmem:s10+$0xD2C0];
	[tilespmem:$0x1FDC0] =	vst v7;
	v5 =	vmul.f32 v5, v3  }
0x1ca: {  	[tilespmem:$0x1FDB0] =	vst v53;
	v53 =	vld [tilespmem:s10+$0xD250];
	v6 =	vmul.f32 v6, v4;
	v8 =	vmul.f32 v8, v2  }
0x1cb: {  	s9 =	sadd.s32 $0x10, s20;
	[tilespmem:$0x1FDE0] =	vst v51;
	v9 =	vmul.f32 v9, v1;
	v7 =	vld [tilespmem:s10+$0xD2D0];
	v51 =	vmul.f32 v10, v3  }
0x1cc: {  	s11 =	sshll.u32 s9, $0x7;
	[tilespmem:$0x1FDD0] =	vst v54;
	v11 =	vmul.f32 v11, v4;
	v10 =	vld [tilespmem:s10+$0xD2E0];
	v54 =	vmul.f32 v34, v3  }
0x1cd: {  	s11 =	sand.u32 $0x3FFFFF00, s11;
	[tilespmem:$0x1FDA0] =	vst v0;
	v0 =	vmul.f32 v35, v4;
	v35 =	vld [tilespmem:s10+$0xD2F0];
	v12 =	vmul.f32 v12, v2  }
0x1ce: {  	[tilespmem:$0x1FDF0] =	vst v57;
	v57 =	vld [tilespmem:s11+$0xCB40];
	v25 =	vmul.f32 v25, v3;
	v26 =	vmul.f32 v26, v4  }
0x1cf: {  	[tilespmem:$0x1FE00] =	vst v58;
	v37 =	vmul.f32 v37, v2;
	v58 =	vld [tilespmem:s11+$0xCB50];
	v6 =	vadd.f32 v6, v5;
	v11 =	vadd.f32 v11, v51  }
0x1d0: {  	v51 =	vmul.f32 v13, v1;
	v13 =	vld [tilespmem:s10+$0xD3F0];
	v25 =	vadd.f32 v26, v25;
	v26 =	vmul.f32 v29, v2  }
0x1d1: {  	v29 =	vmul.f32 v63, v3;
	v63 =	vld [tilespmem:s10+$0xD6E0];
	v6 =	vadd.f32 v8, v6;
	v8 =	vadd.f32 v0, v54  }
0x1d2: {  	v11 =	vadd.f32 v12, v11;
	v54 =	vld [tilespmem:s11+$0xCB60]  }
0x1d3: {  	v0 =	vmul.f32 v38, v1;
	v38 =	vld [tilespmem:s11+$0xCB70];
	v6 =	vadd.f32 v9, v6;
	v34 =	vadd.f32 v37, v8  }
0x1d4: {  	v12 =	vld [tilespmem:s10+$0xD4D0];
	v5 =	vadd.f32 v51, v11  }
0x1d5: {  	[tilespmem:$0x1FE20] =	vst v10;
	v10 =	vld [tilespmem:s10+$0xD450];
	(xrf2) =	vadd.scan.msk.f32 $0xffff, v6;
	v8 =	vadd.f32 v0, v34  }
0x1d6: {  	v6 =	vld [tilespmem:s10+$0xD470];
	(xrf2) =	vadd.scan.msk.f32 $0xffff, v5  }
0x1d7: {  	v40 =	vmul.f32 v40, v3;
	v41 =	vmul.f32 v41, v4;
	v51 =	vld [tilespmem:s10+$0xD3C0];
	(xrf2) =	vadd.scan.msk.f32 $0xffff, v8  }
0x1d8: {  	v37 =	vld [tilespmem:s10+$0xD3D0]  }
0x1d9: {  	v46 =	vmul.f32 v46, v2;
	v40 =	vadd.f32 v41, v40;
	v9 =	vld [tilespmem:s10+$0xD3E0]  }
0x1da: {  	v5 =	vld [tilespmem:s10+$0xD4E0]  }
0x1db: {  	v15 =	vmul.f32 v15, v1;
	v46 =	vadd.f32 v46, v40;
	[tilespmem:$0x1FE40] =	vst v6;
	v6 =	vld [tilespmem:s10+$0xD4F0]  }
0x1dc: {  	v11 =	vld [tilespmem:s10+$0xD460]  }
0x1dd: {  	v46 =	vadd.f32 v15, v46;
	v15 =	vmul.f32 v18, v4;
	v18 =	vmul.f32 v22, v1;
	v22 =	vld [tilespmem:s10+$0xD750]  }
0x1de: {  	[tilespmem:$0x1FE10] =	vst v7;
	v34 =	vld [tilespmem:s10+$0xD4C0]  }
0x1df: {  	v8 =	vld [tilespmem:s10+$0xD440];
	[tilespmem:$0x1FE30] =	vst v5;
	v7, _, _ =	vpop (xrf2)  }
0x1e0: {  	v5 =	vmul.f32 v52, v4;
	v52 =	vld [tilespmem:s10+$0xD550];
	[tilespmem:$0x1FE50] =	vst v6;
	v6 =	vmul.f32 v49, v3;
	v0, _, _ =	vpop (xrf2)  }
0x1e1: {  	v49 =	vld [tilespmem:s10+$0xD540];
	v7 =	vbroadcast v7, $0xF;
	v41 =	vbroadcast v0, $0xF;
	v0, _, _ =	vpop (xrf2)  }
0x1e2: {  	v14 =	vmul.f32 v14, v2;
	v6 =	vadd.f32 v5, v6;
	v5 =	vld [tilespmem:s10+$0xD560];
	v0 =	vbroadcast v0, $0xF  }
0x1e3: {  	v7 =	vsel vm0, v7, v41;
	v41 =	vld [tilespmem:s10+$0xD570]  }
0x1e4: {  	v40 =	vsel vm1, v7, v0;
	v0 =	vadd.f32 v14, v6;
	v6 =	vmul.f32 v16, v1;
	v16 =	vld [tilespmem:s10+$0xD5C0]  }
0x1e5: {  	v7 =	vmul.f32 v19, v3;
	v14 =	vmul.f32 v20, v4;
	v19 =	vld [tilespmem:s10+$0xD5D0]  }
0x1e6: {  	v20 =	vld [tilespmem:s10+$0xD5E0]  }
0x1e7: {  	v7 =	vadd.f32 v14, v7;
	v14 =	vmul.f32 v23, v2;
	v23 =	vld [tilespmem:s10+$0xD640]  }
0x1e8: {  	v6 =	vadd.f32 v6, v0;
	v0 =	vmul.f32 v17, v3;
	v17 =	vld [tilespmem:s10+$0xD650]  }
0x1e9: {  	v14 =	vadd.f32 v14, v7;
	v7 =	vld [tilespmem:s10+$0xD6D0]  }
0x1ea: {  	v0 =	vadd.f32 v15, v0;
	v15 =	vmul.f32 v21, v2;
	v21 =	vld [tilespmem:s10+$0xD740];
	[tilespmem:$0x1FE60] =	vst v16  }
0x1eb: {  	[tilespmem:$0x1FE80] =	vst v20;
	v16 =	vmul.f32 v24, v1;
	v20 =	vld [tilespmem:s10+$0xD5F0]  }
0x1ec: {  	[tilespmem:$0x1FE70] =	vst v19;
	v19 =	vmul.f32 v27, v3;
	v24 =	vmul.f32 v28, v4;
	v27 =	vld [tilespmem:s10+$0xD660]  }
0x1ed: {  	v0 =	vadd.f32 v15, v0;
	v15 =	vld [tilespmem:s10+$0xD6C0]  }
0x1ee: {  	v28 =	vadd.f32 v24, v19;
	v24 =	vld [tilespmem:s10+$0xD670]  }
0x1ef: {  	v30 =	vmul.f32 v30, v2;
	v42 =	vmul.f32 v42, v1;
	v14 =	vadd.f32 v16, v14;
	v16 =	vld [tilespmem:s10+$0xD6F0]  }
0x1f0: {  	v59 =	vmul.f32 v59, v4;
	v0 =	vadd.f32 v18, v0;
	v18 =	vadd.f32 v26, v25;
	v25 =	vld [tilespmem:s10+$0xD7D0]  }
0x1f1: {  	v26 =	vld [tilespmem:s10+$0xD860];
	v19 =	vadd.f32 v30, v28;
	v30 =	vmul.f32 v32, v4;
	v32 =	vmul.f32 v39, v1  }
0x1f2: {  	v28 =	vmul.f32 v33, v4;
	[tilespmem:$0x1FEB0] =	vst v27;
	v27 =	vmul.f32 v31, v3;
	v42 =	vadd.f32 v42, v18;
	v18 =	vld [tilespmem:s10+$0xD770]  }
0x1f3: {  	(xrf2) =	vadd.scan.msk.f32 $0xffff, v46;
	v46 =	vmul.f32 v45, v3;
	v33 =	vmul.f32 v36, v2;
	v39 =	vadd.f32 v32, v19;
	v19 =	vld [tilespmem:s10+$0xD760]  }
0x1f4: {  	v32 =	vmul.f32 v61, v1;
	v61 =	vmul.f32 v47, v2;
	v47 =	vld [tilespmem:$0x1FDA0];
	v31 =	vadd.f32 v28, v27  }
0x1f5: {  	v36 =	vmul.f32 v60, v4;
	[tilespmem:$0x1FEA0] =	vst v20;
	v20 =	vadd.f32 v30, v29;
	v30 =	vmul.f32 v62, v2;
	v29 =	vld [tilespmem:s10+$0xD850]  }
0x1f6: {  	[tilespmem:$0x1FE90] =	vst v23;
	v27 =	vadd.f32 v59, v46;
	v59 =	vld [tilespmem:$0x1FDB0];
	v23 =	vadd.f32 v33, v31;
	v33 =	vmul.f32 v44, v3  }
0x1f7: {  	v45 =	vmul.f32 v55, v2;
	[tilespmem:$0x1FEC0] =	vst v24;
	v24 =	vld [tilespmem:s10+$0xD7E0]  }
0x1f8: {  	v55 =	vmul.f32 v50, v4;
	v28 =	vld [tilespmem:s10+$0xD870];
	v20 =	vadd.f32 v30, v20;
	v60 =	vadd.f32 v36, v33  }
0x1f9: {  	v62 =	vmul.f32 v48, v1;
	v46 =	vmul.f32 v56, v1;
	v56 =	vadd.f32 v45, v27;
	v27 =	vld [tilespmem:s10+$0xD840]  }
0x1fa: {  	(xrf2) =	vadd.scan.msk.f32 $0xffff, v6;
	v44 =	vadd.f32 v32, v20;
	v20 =	vld [tilespmem:s10+$0xD7F0];
	v48 =	vmul.f32 v47, v3;
	v6 =	vadd.f32 v61, v60  }
0x1fb: {  	v32 =	vld [tilespmem:s10+$0xD8E0];
	v60 =	vmul.f32 v59, v3  }
0x1fc: {  	v61 =	vmul.f32 v53, v4;
	v6 =	vadd.f32 v62, v6;
	v62 =	vadd.f32 v55, v48;
	v48 =	vld [tilespmem:$0x1FDC0]  }
0x1fd: {  	v55 =	vld [tilespmem:$0x1FDD0]  }
0x1fe: {  	v31 =	vmul.f32 v43, v1;
	v53 =	vadd.f32 v61, v60;
	v61 =	vld [tilespmem:$0x1FDF0]  }
0x1ff: {  	v59 =	vld [tilespmem:$0x1FDE0]  }
0x200: {  	v43 =	vadd.f32 v31, v23;
	v23 =	vld [tilespmem:s10+$0xD7C0]  }
0x201: {  	v31 =	vld [tilespmem:s10+$0xD8C0];
	v50 =	vmul.f32 v48, v2  }
0x202: {  	v45 =	vadd.f32 v46, v56;
	v33 =	vld [tilespmem:s10+$0xD8D0]  }
0x203: {  	v56 =	vmul.f32 v55, v2;
	v48 =	vadd.f32 v50, v62;
	v62 =	vmul.f32 v61, v1;
	v61 =	vld [tilespmem:$0x1FE20]  }
0x204: {  	v60 =	vmul.f32 v59, v1;
	v50 =	vld [tilespmem:$0x1FE00]  }
0x205: {  	v36 =	vld [tilespmem:s10+$0xD940];
	v59 =	vmul.f32 v57, v3;
	v30 =	vadd.f32 v56, v53  }
0x206: {  	v55 =	vld [tilespmem:$0x1FE10];
	v48 =	vadd.f32 v60, v48;
	v60 =	vmul.f32 v58, v4  }
0x207: {  	v54 =	vmul.f32 v54, v2;
	v46 =	vadd.f32 v62, v30;
	v30 =	vld [tilespmem:s10+$0xD8F0]  }
0x208: {  	v57, _, _ =	vpop (xrf2);
	(xrf2) =	vadd.scan.msk.f32 $0xffff, v14;
	v58 =	vadd.f32 v60, v59;
	v62 =	vmul.f32 v61, v2;
	v61 =	vmul.f32 v38, v1;
	v38 =	vld [tilespmem:s10+$0xD950]  }
0x209: {  	v59, _, _ =	vpop (xrf2);
	(xrf2) =	vadd.scan.msk.f32 $0xffff, v0;
	v53 =	vmul.f32 v50, v3;
	v50 =	vbroadcast v57, $0xF;
	v57 =	vld [tilespmem:$0x1FE30]  }
0x20a: {  	v35 =	vmul.f32 v35, v1;
	(xrf2) =	vadd.scan.msk.f32 $0xffff, v39;
	v14 =	vadd.f32 v54, v58;
	v54 =	vld [tilespmem:s10+$0xD970]  }
0x20b: {  	v13 =	vmul.f32 v13, v1;
	v10 =	vmul.f32 v10, v4;
	(xrf2) =	vadd.scan.msk.f32 $0xffff, v42;
	v42 =	vld [tilespmem:s10+$0xD9C0]  }
0x20c: {  	v51 =	vmul.f32 v51, v3;
	v56 =	vmul.f32 v55, v4;
	v58 =	vld [tilespmem:$0x1FE40]  }
0x20d: {  	v9 =	vmul.f32 v9, v2;
	v8 =	vmul.f32 v8, v3;
	(xrf2) =	vadd.scan.msk.f32 $0xffff, v43;
	v43 =	vld [tilespmem:s10+$0xD9E0]  }
0x20e: {  	v55 =	vmul.f32 v49, v3;
	v47 =	vadd.f32 v56, v53;
	v49 =	vsel vm2, v40, v50;
	v40 =	vld [tilespmem:s10+$0xDAF0]  }
0x20f: {  	v11 =	vmul.f32 v11, v2;
	v5 =	vmul.f32 v5, v2;
	v39 =	vadd.f32 v10, v8;
	(xrf2) =	vadd.scan.msk.f32 $0xffff, v44;
	v44 =	vld [tilespmem:s10+$0xD9D0]  }
0x210: {  	v14 =	vadd.f32 v61, v14;
	v61 =	vld [tilespmem:$0x1FE50];
	v60 =	vadd.f32 v62, v47;
	v62 =	vmul.f32 v37, v4  }
0x211: {  	v53 =	vmul.f32 v12, v4;
	v56 =	vmul.f32 v52, v4;
	v37 =	vld [tilespmem:s10+$0xD960];
	(xrf2) =	vadd.scan.msk.f32 $0xffff, v6;
	v6 =	vadd.f32 v11, v39  }
0x212: {  	v47 =	vbroadcast v59, $0xF;
	v39 =	vld [tilespmem:s10+$0xD9F0];
	(xrf2) =	vadd.scan.msk.f32 $0xffff, v45;
	v0 =	vadd.f32 v35, v60;
	v35 =	vadd.f32 v62, v51  }
0x213: {  	v12 =	vadd.f32 v56, v55;
	v10 =	vmul.f32 v57, v2;
	v45 =	vld [tilespmem:s10+$0xDA40];
	v51 =	vmul.f32 v34, v3;
	(xrf2) =	vadd.scan.msk.f32 $0xffff, v48  }
0x214: {  	v59, _, _ =	vpop (xrf2);
	v11 =	vmul.f32 v58, v1;
	v48 =	vmul.f32 v41, v1;
	v41 =	vld [tilespmem:s10+$0xDA60];
	v9 =	vadd.f32 v9, v35  }
0x215: {  	v50 =	vbroadcast v59, $0xF;
	v5 =	vadd.f32 v5, v12;
	(xrf2) =	vadd.scan.msk.f32 $0xffff, v46;
	v46 =	vld [tilespmem:s10+$0xDA50];
	v8 =	vadd.f32 v53, v51  }
0x216: {  	(xrf2) =	vadd.scan.msk.f32 $0xffff, v0;
	v6 =	vadd.f32 v11, v6;
	v35 =	vld [tilespmem:s10+$0xDA70];
	v53 =	vsel vm3, v49, v47;
	v62, _, _ =	vpop (xrf2);
	v60 =	vadd.f32 v13, v9  }
0x217: {  	s11 =	sadd.s32 $0x20, s20;
	v47 =	vld [tilespmem:s10+$0xDAC0];
	(xrf2) =	vadd.scan.msk.f32 $0xffff, v14;
	v8 =	vadd.f32 v10, v8;
	v9 =	vmul.f32 v61, v1;
	v51, _, _ =	vpop (xrf2);
	v55 =	vbroadcast v62, $0xF  }
0x218: {  	s16 =	sshll.u32 s11, $0x7;
	v5 =	vadd.f32 v48, v5;
	v49 =	vld [tilespmem:s10+$0xDAD0];
	v57 =	vsel vm4, v53, v50;
	v56, _, _ =	vpop (xrf2);
	v58 =	vbroadcast v51, $0xF  }
0x219: {  	s16 =	sand.u32 $0x3FFFFF00, s16;
	v48 =	vld [tilespmem:s10+$0xDAE0];
	(xrf2) =	vadd.scan.msk.f32 $0xffff, v60;
	v52 =	vadd.f32 v9, v8;
	v59, _, _ =	vpop (xrf2);
	v60 =	vsel vm5, v57, v55;
	v61 =	vbroadcast v56, $0xF  }
0x21a: {  	v53 =	vld [tilespmem:s16+$0xCB50];
	(xrf2) =	vadd.scan.msk.f32 $0xffff, v6;
	v62, _, _ =	vpop (xrf2);
	v0 =	vsel vm6, v60, v58;
	v12 =	vbroadcast v59, $0xF  }
0x21b: {  	v50 =	vld [tilespmem:s16+$0xCB60];
	(xrf2) =	vadd.scan.msk.f32 $0xffff, v52;
	v13, _, _ =	vpop (xrf2);
	v0 =	vsel vm7, v0, v61;
	v14 =	vbroadcast v62, $0xF  }
0x21c: {  	v51 =	vld [tilespmem:s16+$0xCB40];
	v34, _, _ =	vpop (xrf2);
	v0 =	vsel vm8, v0, v12;
	v56 =	vbroadcast v13, $0xF  }
0x21d: {  	v52 =	vld [tilespmem:s16+$0xCB70];
	v57, _, _ =	vpop (xrf2);
	v0 =	vsel vm9, v0, v14;
	v58 =	vbroadcast v34, $0xF  }
0x21e: {  	v12 =	vld [tilespmem:s10+$0xDBC0];
	v0 =	vsel vm10, v0, v56;
	v60 =	vbroadcast v57, $0xF  }
0x21f: {  	v13 =	vld [tilespmem:s10+$0xDBD0];
	v59, _, _ =	vpop (xrf2);
	v0 =	vsel vm11, v0, v58  }
0x220: {  	(xrf2) =	vadd.scan.msk.f32 $0xffff, v5;
	v61, _, _ =	vpop (xrf2);
	v62 =	vbroadcast v59, $0xF;
	v0 =	vsel vm12, v0, v60;
	v60 =	vld [tilespmem:$0x1FE60]  }
0x221: {  	v14 =	vld [tilespmem:s10+$0xDBE0];
	v34, _, _ =	vpop (xrf2)  }
0x222: {  	v0 =	vsel vm13, v0, v62;
	v56 =	vbroadcast v34, $0xF;
	v34 =	vld [tilespmem:s10+$0xDBF0]  }
0x223: {  	v5 =	vsel vm14, v0, v61;
	v61 =	vld [tilespmem:$0x1FE70];
	v55, _, _ =	vpop (xrf2)  }
0x224: {  	v17 =	vmul.f32 v17, v4;
	v57 =	vbroadcast v55, $0xF;
	v58, _, _ =	vpop (xrf2);
	v55 =	vld [tilespmem:s10+$0xDC40]  }
0x225: {  	v7 =	vmul.f32 v7, v4;
	v59, _, _ =	vpop (xrf2);
	v8 =	vmul.f32 v60, v3;
	v60 =	vld [tilespmem:$0x1FE90]  }
0x226: {  	v16 =	vmul.f32 v16, v1;
	v0 =	vbroadcast v59, $0xF;
	v59 =	vld [tilespmem:$0x1FE80]  }
0x227: {  	v25 =	vmul.f32 v25, v4;
	v28 =	vmul.f32 v28, v1;
	v6 =	vsel vm0, v56, v57;
	v56 =	vld [tilespmem:s10+$0xDC50]  }
0x228: {  	v20 =	vmul.f32 v20, v1;
	v11 =	vmul.f32 v61, v4;
	v61 =	vld [tilespmem:$0x1FEA0]  }
0x229: {  	v23 =	vmul.f32 v23, v3;
	v36 =	vmul.f32 v36, v3;
	v57 =	vld [tilespmem:s10+$0xDC60]  }
0x22a: {  	v62 =	vbroadcast v58, $0xF;
	v58, _, _ =	vpop (xrf2);
	v9 =	vmul.f32 v60, v3;
	v60 =	vld [tilespmem:$0x1FEB0]  }
0x22b: {  	v42 =	vmul.f32 v42, v3;
	v10 =	vbroadcast v58, $0xF;
	v58 =	vld [tilespmem:s10+$0xDC70]  }
0x22c: {  	v8 =	vadd.f32 v11, v8;
	v11 =	vmul.f32 v59, v2;
	v59 =	vadd.f32 v17, v9;
	v17 =	vld [tilespmem:s10+$0xDCC0]  }
0x22d: {  	v6 =	vsel vm1, v6, v62;
	v62 =	vmul.f32 v61, v1;
	v61 =	vmul.f32 v15, v3;
	v15 =	vld [tilespmem:s10+$0xDCD0]  }
0x22e: {  	v0 =	vsel vm2, v6, v0;
	v8 =	vadd.f32 v11, v8;
	v11 =	vmul.f32 v19, v2;
	v19 =	vld [tilespmem:s10+$0xDD40]  }
0x22f: {  	v7 =	vadd.f32 v7, v61;
	v61 =	vmul.f32 v63, v2;
	v9 =	vmul.f32 v60, v2;
	v60 =	vld [tilespmem:$0x1FEC0]  }
0x230: {  	v40 =	vmul.f32 v40, v1;
	v6 =	vsel vm3, v0, v10;
	v63 =	vadd.f32 v25, v23;
	v23 =	vld [tilespmem:s10+$0xDD70]  }
0x231: {  	v25 =	vld [tilespmem:s10+$0xDE50];
	v8 =	vadd.f32 v62, v8;
	v62 =	vmul.f32 v22, v4;
	v7 =	vadd.f32 v61, v7  }
0x232: {  	v61 =	vmul.f32 v24, v2;
	v24 =	vld [tilespmem:s10+$0xDDC0];
	v0 =	vadd.f32 v9, v59;
	v9 =	vmul.f32 v21, v3  }
0x233: {  	v44 =	vmul.f32 v44, v4;
	v39 =	vmul.f32 v39, v1;
	v21 =	vld [tilespmem:s10+$0xDCE0]  }
0x234: {  	v45 =	vmul.f32 v45, v3;
	v59 =	vld [tilespmem:s10+$0xDCF0];
	v9 =	vadd.f32 v62, v9;
	v22 =	vmul.f32 v60, v1  }
0x235: {  	v46 =	vmul.f32 v46, v4;
	v62 =	vmul.f32 v18, v1;
	v18 =	vld [tilespmem:s10+$0xDD60]  }
0x236: {  	v35 =	vmul.f32 v35, v1;
	v60 =	vld [tilespmem:s10+$0xDD50];
	v10 =	vadd.f32 v22, v0;
	v0 =	vadd.f32 v11, v9  }
0x237: {  	v9 =	vadd.f32 v16, v7;
	v16 =	vadd.f32 v61, v63;
	v61 =	vmul.f32 v33, v4;
	v33 =	vld [tilespmem:s10+$0xDE40]  }
0x238: {  	v51 =	vmul.f32 v51, v3;
	v63 =	vmul.f32 v31, v3;
	v31 =	vld [tilespmem:s10+$0xDE60]  }
0x239: {  	v12 =	vmul.f32 v12, v3;
	v7 =	vadd.f32 v62, v0;
	v0 =	vmul.f32 v27, v3;
	v27 =	vld [tilespmem:s10+$0xDDD0]  }
0x23a: {  	v13 =	vmul.f32 v13, v4;
	v62 =	vmul.f32 v29, v4;
	v29 =	vld [tilespmem:s10+$0xDDF0]  }
0x23b: {  	v15 =	vmul.f32 v15, v4;
	v22 =	vadd.f32 v61, v63;
	v63 =	vmul.f32 v32, v2;
	v32 =	vld [tilespmem:s10+$0xDE70]  }
0x23c: {  	v12 =	vadd.f32 v13, v12;
	v61 =	vmul.f32 v38, v4;
	v38 =	vmul.f32 v37, v2;
	v37 =	vld [tilespmem:s10+$0xDEC0]  }
0x23d: {  	v19 =	vmul.f32 v19, v3;
	v16 =	vadd.f32 v20, v16;
	v20 =	vadd.f32 v44, v42;
	v42 =	vld [tilespmem:s10+$0xDED0]  }
0x23e: {  	v44 =	vld [tilespmem:s10+$0xDEF0];
	v60 =	vmul.f32 v60, v4;
	v0 =	vadd.f32 v62, v0;
	v62 =	vmul.f32 v26, v2  }
0x23f: {  	v25 =	vmul.f32 v25, v4;
	v18 =	vmul.f32 v18, v2;
	v26 =	vld [tilespmem:s10+$0xDDE0];
	v36 =	vadd.f32 v61, v36  }
0x240: {  	v61 =	vmul.f32 v41, v2;
	v41 =	vld [tilespmem:s10+$0xDEE0];
	v19 =	vadd.f32 v60, v19;
	v0 =	vadd.f32 v62, v0  }
0x241: {  	v62 =	vadd.f32 v63, v22;
	v63 =	vmul.f32 v30, v1;
	v30 =	vadd.f32 v46, v45;
	v45 =	vld [tilespmem:s10+$0xDF60]  }
0x242: {  	v46 =	vld [tilespmem:s10+$0xDFC0];
	v29 =	vmul.f32 v29, v1;
	v32 =	vmul.f32 v32, v1;
	v11 =	vadd.f32 v28, v0  }
0x243: {  	v28 =	vadd.f32 v38, v36;
	v38 =	vmul.f32 v54, v1;
	v54 =	vmul.f32 v43, v2;
	v36 =	vld [tilespmem:s10+$0xDF40]  }
0x244: {  	v0 =	vadd.f32 v63, v62;
	v62 =	vmul.f32 v47, v3;
	v63 =	vmul.f32 v49, v4;
	v47 =	vld [tilespmem:s10+$0xE040]  }
0x245: {  	v30 =	vadd.f32 v61, v30;
	v49 =	vmul.f32 v48, v2;
	v61 =	vmul.f32 v50, v2;
	v48 =	vld [tilespmem:s10+$0xE060]  }
0x246: {  	v43 =	vld [tilespmem:s10+$0xE0C0];
	v60 =	vmul.f32 v41, v2;
	v20 =	vadd.f32 v54, v20;
	v54 =	vmul.f32 v53, v4  }
0x247: {  	v41 =	vld [tilespmem:s10+$0xE170];
	v22 =	vadd.f32 v63, v62;
	v62 =	vmul.f32 v52, v1;
	v63 =	vmul.f32 v14, v2  }
0x248: {  	v28 =	vadd.f32 v38, v28;
	v38 =	vld [tilespmem:s10+$0xDF70];
	v52 =	vmul.f32 v55, v3;
	v53 =	vmul.f32 v56, v4  }
0x249: {  	v30 =	vadd.f32 v35, v30;
	v14 =	vld [tilespmem:s10+$0xDFD0];
	v56 =	vmul.f32 v57, v2;
	v57 =	vmul.f32 v17, v3  }
0x24a: {  	(xrf2) =	vadd.scan.msk.f32 $0xffff, v8;
	v17 =	vld [tilespmem:s10+$0xE050];
	v50 =	vmul.f32 v45, v2;
	v20 =	vadd.f32 v39, v20;
	v22 =	vadd.f32 v49, v22  }
0x24b: {  	(xrf2) =	vadd.scan.msk.f32 $0xffff, v10;
	v39 =	vld [tilespmem:s10+$0xDF50];
	v35 =	vadd.f32 v54, v51;
	v12 =	vadd.f32 v63, v12;
	v54 =	vmul.f32 v34, v1  }
0x24c: {  	(xrf2) =	vadd.scan.msk.f32 $0xffff, v9;
	v49 =	vld [tilespmem:s10+$0xDFE0];
	v55 =	vadd.f32 v53, v52;
	v63 =	vmul.f32 v59, v1;
	v52 =	vmul.f32 v24, v3  }
0x24d: {  	(xrf2) =	vadd.scan.msk.f32 $0xffff, v7;
	v34 =	vld [tilespmem:s10+$0xDFF0];
	v13 =	vadd.f32 v15, v57;
	v53 =	vmul.f32 v27, v4;
	v57 =	vmul.f32 v37, v3  }
0x24e: {  	(xrf2) =	vadd.scan.msk.f32 $0xffff, v16;
	v27 =	vld [tilespmem:s10+$0xE0D0];
	v59 =	vmul.f32 v31, v2;
	v35 =	vadd.f32 v61, v35;
	v22 =	vadd.f32 v40, v22  }
0x24f: {  	(xrf2) =	vadd.scan.msk.f32 $0xffff, v11;
	v31 =	vld [tilespmem:s10+$0xE160];
	v12 =	vadd.f32 v54, v12;
	v61 =	vmul.f32 v58, v1;
	v54 =	vmul.f32 v23, v1  }
0x250: {  	(xrf2) =	vadd.scan.msk.f32 $0xffff, v0;
	v51 =	vld [tilespmem:s10+$0xE1E0];
	v40 =	vadd.f32 v56, v55;
	v55 =	vmul.f32 v26, v2;
	v56 =	vmul.f32 v33, v3  }
0x251: {  	(xrf2) =	vadd.scan.msk.f32 $0xffff, v28;
	v28 =	vld [tilespmem:s10+$0xE270];
	v15 =	vadd.f32 v53, v52;
	v58 =	vmul.f32 v42, v4;
	v52 =	vmul.f32 v46, v3  }
0x252: {  	v18 =	vadd.f32 v18, v19;
	v23 =	vld [tilespmem:s10+$0xE0E0];
	v53 =	vmul.f32 v47, v3;
	v14 =	vmul.f32 v14, v4  }
0x253: {  	v26 =	vld [tilespmem:s10+$0xE0F0];
	v17 =	vmul.f32 v17, v4;
	v35 =	vadd.f32 v62, v35;
	v40 =	vadd.f32 v61, v40  }
0x254: {  	v33 =	vld [tilespmem:s10+$0xE140];
	v62 =	vmul.f32 v21, v2;
	v18 =	vadd.f32 v54, v18;
	v15 =	vadd.f32 v55, v15  }
0x255: {  	v42 =	vld [tilespmem:s10+$0xE150];
	v19 =	vadd.f32 v25, v56;
	v24 =	vadd.f32 v58, v57;
	v55 =	vmul.f32 v38, v1  }
0x256: {  	(xrf2) =	vadd.scan.msk.f32 $0xffff, v20;
	v20 =	vld [tilespmem:s10+$0xE2D0];
	v14 =	vadd.f32 v14, v52;
	v56 =	vmul.f32 v49, v2;
	v58 =	vmul.f32 v34, v1  }
0x257: {  	v21 =	vld [tilespmem:s10+$0xE070];
	v16 =	vadd.f32 v17, v53;
	v27 =	vmul.f32 v27, v4;
	v47 =	vmul.f32 v31, v2  }
0x258: {  	v54 =	vld [tilespmem:s10+$0xE240];
	v49 =	vmul.f32 v41, v1;
	v25 =	vmul.f32 v51, v2;
	v13 =	vadd.f32 v62, v13  }
0x259: {  	v57 =	vld [tilespmem:s10+$0xE250];
	v61 =	vadd.f32 v59, v19;
	v62 =	vmul.f32 v36, v3;
	v10 =	vadd.f32 v29, v15  }
0x25a: {  	v34 =	vld [tilespmem:s10+$0xE260];
	v37 =	vadd.f32 v60, v24;
	v59 =	vmul.f32 v48, v2;
	v60 =	vmul.f32 v43, v3  }
0x25b: {  	s23 =	sadd.s32 $0x30, s20;
	v36 =	vld [tilespmem:s10+$0xE1C0];
	v14 =	vadd.f32 v56, v14;
	v38 =	vmul.f32 v23, v2;
	v43 =	vmul.f32 v42, v4  }
0x25c: {  	s21 =	sshll.u32 s23, $0x7;
	v29 =	vld [tilespmem:s10+$0xE1D0];
	v46 =	vmul.f32 v26, v1;
	v13 =	vadd.f32 v63, v13;
	v63 =	vmul.f32 v39, v4  }
0x25d: {  	s21 =	sand.u32 $0x3FFFFF00, s21;
	v24 =	vld [tilespmem:s10+$0xE1F0];
	v39 =	vmul.f32 v44, v1;
	v8 =	vadd.f32 v32, v61;
	v61 =	vadd.f32 v59, v16  }
0x25e: {  	(xrf2) =	vadd.scan.msk.f32 $0xffff, v30;
	v48 =	vld [tilespmem:s21+$0xCB40];
	v52 =	vmul.f32 v54, v3;
	v53 =	vmul.f32 v57, v4;
	v44 =	vadd.f32 v63, v62  }
0x25f: {  	v30 =	vld [tilespmem:s10+$0xE2F0];
	v7 =	vadd.f32 v39, v37;
	v62 =	vmul.f32 v21, v1;
	v21, _, _ =	vpop (xrf2);
	(xrf2) =	vadd.scan.msk.f32 $0xffff, v22;
	v39 =	vmul.f32 v33, v3  }
0x260: {  	v54 =	vld [tilespmem:s10+$0xE3C0];
	v37 =	vadd.f32 v27, v60;
	v60 =	vmul.f32 v34, v2;
	v34 =	vmul.f32 v20, v4;
	v27, _, _ =	vpop (xrf2);
	(xrf2) =	vadd.scan.msk.f32 $0xffff, v35  }
0x261: {  	v0 =	vadd.f32 v58, v14;
	v63 =	vld [tilespmem:s10+$0xE2C0];
	v45 =	vmul.f32 v36, v3;
	v29 =	vmul.f32 v29, v4;
	v33, _, _ =	vpop (xrf2);
	(xrf2) =	vadd.scan.msk.f32 $0xffff, v12  }
0x262: {  	v56 =	vmul.f32 v24, v1;
	v59 =	vadd.f32 v53, v52;
	v9 =	vadd.f32 v50, v44;
	v44 =	vld [tilespmem:s10+$0xE2E0];
	v31, _, _ =	vpop (xrf2);
	(xrf2) =	vadd.scan.msk.f32 $0xffff, v40  }
0x263: {  	v42 =	vmul.f32 v48, v3;
	v11 =	vadd.f32 v62, v61;
	v14 =	vadd.f32 v38, v37;
	v50 =	vld [tilespmem:s21+$0xCB50];
	v36, _, _ =	vpop (xrf2);
	(xrf2) =	vadd.scan.msk.f32 $0xffff, v13  }
0x264: {  	v57 =	vld [tilespmem:s10+$0xE3D0];
	v52 =	vbroadcast v21, $0xF;
	v16 =	vadd.f32 v43, v39;
	v15 =	vadd.f32 v29, v45;
	v32, _, _ =	vpop (xrf2);
	(xrf2) =	vadd.scan.msk.f32 $0xffff, v18  }
0x265: {  	v61 =	vld [tilespmem:s21+$0xCB60];
	v38 =	vmul.f32 v28, v1;
	v37 =	vadd.f32 v60, v59;
	v9 =	vadd.f32 v55, v9;
	v24, _, _ =	vpop (xrf2);
	(xrf2) =	vadd.scan.msk.f32 $0xffff, v10  }
0x266: {  	v35 =	vld [tilespmem:s10+$0xE3E0];
	v60 =	vbroadcast v33, $0xF;
	v51 =	vadd.f32 v47, v16;
	v55 =	vadd.f32 v25, v15;
	v25, _, _ =	vpop (xrf2);
	(xrf2) =	vadd.scan.msk.f32 $0xffff, v8  }
0x267: {  	v40 =	vld [tilespmem:s21+$0xCB70];
	v12 =	vadd.f32 v46, v14;
	v63 =	vmul.f32 v63, v3;
	v3 =	vmul.f32 v54, v3;
	v20, _, _ =	vpop (xrf2);
	(xrf2) =	vadd.scan.msk.f32 $0xffff, v7  }
0x268: {  	v58 =	vadd.f32 v49, v51;
	v39 =	vmul.f32 v44, v2;
	v43 =	vmul.f32 v50, v4;
	v44 =	vld [tilespmem:s10+$0xE3F0];
	v28, _, _ =	vpop (xrf2);
	(xrf2) =	vadd.scan.msk.f32 $0xffff, v9  }
0x269: {  	v62 =	vadd.f32 v56, v55;
	v41 =	vadd.f32 v34, v63;
	v4 =	vmul.f32 v57, v4;
	v29, _, _ =	vpop (xrf2);
	(xrf2) =	vadd.scan.msk.f32 $0xffff, v0  }
0x26a: {  	v48 =	vmul.f32 v61, v2;
	v50 =	vmul.f32 v30, v1;
	v47 =	vadd.f32 v43, v42;
	v46, _, _ =	vpop (xrf2);
	(xrf2) =	vadd.scan.msk.f32 $0xffff, v11  }
0x26b: {  	v2 =	vmul.f32 v35, v2;
	v9 =	vadd.f32 v39, v41;
	v3 =	vadd.f32 v4, v3;
	v49, _, _ =	vpop (xrf2);
	(xrf2) =	vadd.scan.msk.f32 $0xffff, v12  }
0x26c: {  	v45 =	vadd.f32 v38, v37;
	v53 =	vmul.f32 v40, v1;
	v11 =	vadd.f32 v48, v47;
	v51, _, _ =	vpop (xrf2);
	(xrf2) =	vadd.scan.msk.f32 $0xffff, v58  }
0x26d: {  	v4 =	vadd.f32 v50, v9;
	v2 =	vadd.f32 v2, v3;
	v1 =	vmul.f32 v44, v1;
	v54, _, _ =	vpop (xrf2);
	(xrf2) =	vadd.scan.msk.f32 $0xffff, v62  }
0x26e: {  	v13 =	vbroadcast v36, $0xF;
	v57 =	vbroadcast v27, $0xF;
	v58 =	vadd.f32 v53, v11;
	v56, _, _ =	vpop (xrf2);
	(xrf2) =	vadd.scan.msk.f32 $0xffff, v45  }
0x26f: {  	v61 =	vbroadcast v31, $0xF;
	v27 =	vbroadcast v32, $0xF;
	v1 =	vadd.f32 v1, v2;
	v59, _, _ =	vpop (xrf2);
	(xrf2) =	vadd.scan.msk.f32 $0xffff, v4  }
0x270: {  	v32 =	vbroadcast v24, $0xF;
	v37 =	vbroadcast v25, $0xF;
	v62, _, _ =	vpop (xrf2);
	(xrf2) =	vadd.scan.msk.f32 $0xffff, v58  }
0x271: {  	v55 =	vsel vm4, v6, v52;
	v7 =	vbroadcast v46, $0xF;
	v63 =	vbroadcast v49, $0xF;
	v16, _, _ =	vpop (xrf2);
	(xrf2) =	vadd.scan.msk.f32 $0xffff, v1  }
0x272: {  	v40 =	vbroadcast v20, $0xF;
	v0 =	vsel vm5, v55, v57;
	v14 =	vbroadcast v51, $0xF;
	v17, _, _ =	vpop (xrf2)  }
0x273: {  	v0 =	vsel vm6, v0, v60;
	v18 =	vsel vm0, v7, v63;
	v19 =	vbroadcast v54, $0xF;
	v21, _, _ =	vpop (xrf2)  }
0x274: {  	v0 =	vsel vm7, v0, v61;
	v22 =	vsel vm1, v18, v14;
	v23 =	vbroadcast v56, $0xF;
	v26, _, _ =	vpop (xrf2)  }
0x275: {  	v46 =	vbroadcast v28, $0xF;
	v2 =	vsel vm2, v22, v19;
	v30 =	vbroadcast v59, $0xF;
	v31, _, _ =	vpop (xrf2)  }
0x276: {  	v0 =	vsel vm8, v0, v13;
	v2 =	vsel vm3, v2, v23;
	v3 =	vbroadcast v62, $0xF;
	v33, _, _ =	vpop (xrf2)  }
0x277: {  	v0 =	vsel vm9, v0, v27;
	v2 =	vsel vm4, v2, v30;
	v34 =	vbroadcast v16, $0xF;
	v35, _, _ =	vpop (xrf2)  }
0x278: {  	v0 =	vsel vm10, v0, v32;
	v2 =	vsel vm5, v2, v3;
	v1 =	vbroadcast v17, $0xF;
	v36, _, _ =	vpop (xrf2)  }
0x279: {  	v0 =	vsel vm11, v0, v37;
	v2 =	vsel vm6, v2, v34;
	v38 =	vbroadcast v21, $0xF;
	v39, _, _ =	vpop (xrf2)  }
0x27a: {  	v0 =	vsel vm12, v0, v40;
	v1 =	vsel vm7, v2, v1;
	v41 =	vbroadcast v26, $0xF;
	v42, _, _ =	vpop (xrf2)  }
0x27b: {  	v1 =	vsel vm8, v1, v38;
	v43 =	vbroadcast v31, $0xF;
	v44 =	vbroadcast v42, $0xF;
	v45, _, _ =	vpop (xrf2)  }
0x27c: {  	v1 =	vsel vm9, v1, v41;
	v4 =	vbroadcast v33, $0xF;
	v6 =	vbroadcast v45, $0xF  }
0x27d: {  	v1 =	vsel vm10, v1, v43;
	v47 =	vbroadcast v35, $0xF;
	v2 =	vnsel vm0, $0x0, v44  }
0x27e: {  	v1 =	vsel vm11, v1, v4;
	v3 =	vbroadcast v36, $0xF;
	v2 =	vsel vm15, v2, v6  }
0x27f: {  	v0 =	vsel vm13, v0, v46;
	v1 =	vsel vm12, v1, v47;
	v48 =	vnsel vm1, $0xFF800000, v2  }
0x280: {  	v0 =	vsel vm14, v0, v29;
	v1 =	vsel vm13, v1, v3;
	v49 =	vmax.f32 v48, v5  }
0x281: {  	v1 =	vsel vm14, v1, v39;
	v3 =	vmax.f32 v49, v0  }
0x282: {  	v3 =	vmax.f32 v3, v1  }
0x283: {  	(xrf0) =	vmax.scan.msk.f32 $0xffff, v3;
	_ =	sdelay $0x5  }
0x284: {  	v3, _, _ =	vpop (xrf0)  }
0x285: {  	v3 =	vbroadcast v3, $0xF;
	_ =	sdelay $0x1  }
0x286: {  	v50 =	vsub.f32 v5, v3  }
0x287: {  	v51 =	vsub.f32 v0, v3  }
0x288: {  	v4 =	vmul.f32 $1.442695020e+00, v50  }
0x289: {  	v52 =	vsub.f32 v1, v3;
	v6 =	vmul.f32 $1.442695020e+00, v51  }
0x28a: {  	v3 =	vsub.f32 v2, v3;
	(erf) = vpow2.f32 v4  }
0x28b: {  	v53 =	vmul.f32 $1.442695020e+00, v52;
	(erf) = vpow2.f32 v6  }
0x28c: {  	v3 =	vmul.f32 $1.442695020e+00, v3  }
0x28d: {  	(erf) = vpow2.f32 v53  }
0x28e: {  	(erf) = vpow2.f32 v3;
	_ =	sdelay $0x4  }
0x28f: {  	v54 =	vpop (erf)  }
0x290: {  	v55 =	vpop (erf)  }
0x291: {  	v56 =	vadd.f32 v55, v54  }
0x292: {  	v57 =	vpop (erf)  }
0x293: {  	v58 =	vpop (erf);
	v6 =	vadd.f32 v56, v57  }
0x294: {  	v8 =	vnsel vm1, $0x0, v58  }
0x295: {  	v6 =	vadd.f32 v6, v8;
	_ =	sdelay $0x1  }
0x296: {  	(xrf2) =	vadd.scan.msk.f32 $0xffff, v6;
	_ =	sdelay $0x9  }
0x297: {  	v6, _, _ =	vpop (xrf2)  }
0x298: {  	v6 =	vadd.f32 $0.0e+00, v6;
	_ =	sdelay $0x1  }
0x299: {  	v6 =	vbroadcast v6, $0xF;
	_ =	sdelay $0x1  }
0x29a: {  	(erf) = vrcp.f32 v6;
	_ =	sdelay $0x8  }
0x29b: {  	v6 =	vpop (erf)  }
0x29c: {  	v3 =	vmul.f32 v6, v54  }
0x29d: {  	s9 =	sand.u32 $0x3F8, s9;
	s21 =	sand.u32 $0x6, s20;
	[tilespmem:s20+$0x19740] =	vst v5;
	v59 =	vlaneseq.u32  }
0x29e: {  	s9 =	sor.u32 s21, s9;
	v61 =	vadd.s32 s23, v59;
	v60 =	vmul.f32 v6, v55;
	[tilespmem:s20+$0x198D0] =	vst v3  }
0x29f: {  	p0 =	sne.s32 s19, $0x7;
	s11 =	sand.u32 $0x3F8, s11;
	[tilespmem:s9+$0x19740] =	vst v0  }
.Ltmp1:
0x2a0: {  	s23 =	sor.u32 s21, s11;
	v62 =	vmul.f32 v6, v57;
	[tilespmem:s9+$0x198D0] =	vst v60;
	(pc) =	sbr.rel @p0 .LBB2_5-.Ltmp1, $4  }
0x2a1: {  	[tilespmem:s23+$0x19740] =	vst v1  }
0x2a2: {  	v63 =	vmul.f32 v6, v8;
	[tilespmem:s23+$0x198D0] =	vst v62  }
0x2a3: {  	[tilespmem:v61+s3+$0x0] =	vst.idx.msk $0x3, v2  }
0x2a4: {  	s19 =	sadd.s32 $0x1, s19;
	[tilespmem:v61+s14+$0x0] =	vst.idx.msk $0x3, v63  }
0x2a5: {  	s9 =	smul.u32 $0x32, s18;
	_ =	sdelay $0x1  }
0x2a6: {  	s10 =	sadd.s32 s2, s9  }
0x2a7: {  	[hbm4b:s10+s4] =	stream.linear.scatter [tilespmem:s3], [sflag:$0x3], $0x190, $0x38;
	[tilespmem:$0x19A60] =	vst v63  }
0x2a8: {  	s17 =	sadd.s32 $0x1, s17;
	_ =	swait.ge [sflag:s12], $0x190  }
0x2a9: {  	p0 =	sne.s32 s17, $0x8;
	[sflag:s12] =	ssyncset.done $0x0  }
.Ltmp2:
0x2aa: {  	s9 =	sadd.s32 s7, s9;
	[sflag:s12] =	ssyncadd.s32 $0xFFFFFE70;
	(pc) =	sbr.rel @p0 .LBB2_2-.Ltmp2, $4  }
0x2ab: {  	[hbm4b:s9+s4] =	stream.linear.scatter [tilespmem:s14], [sflag:$0x3], $0x190, $0x38;
	[tilespmem:$0x19A60] =	vst v63  }
0x2ac: {  	_ =	swait.ge [sflag:s12], $0x190  }
0x2ad: {  	[sflag:s12] =	ssyncset.done $0x0  }
0x2ae: {  	[sflag:s12] =	ssyncadd.s32 $0xFFFFFE70  }
0x2af: {  	s10 =	rddreg [dreg:$0x7]  }
0x2b0: {  	s9 =	rddreg [dreg:$0x6];
	s10 =	sadd.s32 $0x1, s10  }
0x2b1: {  	p0 =	sne.s32 s10, s9  }
.Ltmp3:
0x2b2: {  	_ = 	snop;
	(pc) =	sbr.rel @p0 .LBB2_1-.Ltmp3, $1  }
0x2b3: {  	_ =	sdelay $0x3  }
0x2b4: {  	_ =	sfence.sel $0x180000  }
0x2b5: {  	[bflag:$0x0] =	sbarrier.arrive $0xFFFF  }
0x2b6: {  	_ =	strace $0x90000047  }
0x2b7: {  	s0 =	stileid.u32;
	[bflag:$0x2] =	sbarrier.arrive $0xFFFF  }
0x2b8: {  	p0 =	sne.s32 s0, $0x0;
	s0 =	rddreg [dreg:$0x3]  }
0x2b9: {  	s0 =	sadd.s32 @!p0 $0x100000, s0  }
0x2ba: {  	[sflag:s0] =	ssyncadd.tile.s32 @!p0 $0x1;
	_ =	shalt  }
.Lfunc_end2:
_tile_overlayer_lowered:
.L_overlay_start_2:
0x2bb: {  	(tag) =	ssettag $0x2  }
0x2bc: {  	s0 =	rddreg [dreg:$0x0];
	s2 =	stileid.u32  }
0x2bd: {  	s1 =	rddreg [dreg:$0x1];
	p0 =	sne.s32 s2, $0x0  }
0x2be: {  	s3 =	rddreg [dreg:$0x2];
	[bflag:$0x3] =	sbarrier.arrive $0xFFFF;
	s2 =	simm.s32 @!p0 $0x1C03  }
0x2bf: {  	[timem:s3], [sflag:s2] =	dma.local @!p0 [hbm:s0], s1  }
0x2c0: {  	s0 =	simm.s32 @!p0 $0x3  }
0x2c1: {  	_ =	swait.ge @!p0 [sflag:s0], s1  }
0x2c2: {  	s1 =	ssub.s32 @!p0 $0x0, s1;
	[sflag:s0] =	ssyncset.done @!p0 $0x0  }
0x2c3: {  	[sflag:s0] =	ssyncadd.s32 @!p0 s1  }
0x2c4: {  	[bflag:$0x3] =	sbarrier.arrive $0xFFFF  }
0x2c5: {  	_ =	shalt  }

</sc_bundles>
